<compile_context>
chip_gen: v7x
topology: tpu7x:2x2x1
jax: 0.10.2.dev20260603
libtpu: 0.0.44.dev20260713+nightly
codegen_flags: <defaults>
</compile_context>

<pallas_src>
import functools

import jax
import jax.numpy as jnp
from jax import lax
from jax.experimental import pallas as pl
from jax.experimental.pallas import tpu as pltpu
from jax.experimental.pallas import tpu_sc as plsc

NN = 10000
EE = 640000
NC = 2
NS = 16
NW = NC * NS
EPW = EE // NW
CHUNK = 2000
NCH = EPW // CHUNK
U = 5
GRP = CHUNK // 16



def _make_edge_kernel(H, C):
    K = H * C
    R = K + H
    mesh = plsc.VectorSubcoreMesh(core_axis_name="c", subcore_axis_name="s")

    @functools.partial(
        pl.kernel,
        mesh=mesh,
        out_type=jax.ShapeDtypeStruct((NW, R * NN), jnp.float32),
        scratch_types=[
            pltpu.VMEM((K * NN,), jnp.float32),
            pltpu.VMEM((H * NN,), jnp.float32),
            pltpu.VMEM((K * 16,), jnp.float32),
            pltpu.VMEM((H * 16,), jnp.float32),
            pltpu.VMEM((R * NN,), jnp.float32),
            pltpu.VMEM((2 * CHUNK,), jnp.int32),
            pltpu.VMEM((2 * CHUNK,), jnp.int32),
            pltpu.SemaphoreType.DMA,
            pltpu.SemaphoreType.DMA,
        ],
        compiler_params=pltpu.CompilerParams(needs_layout_passes=False),
    )
    def edge_kernel(htab_h, edtab_h, asrc_h, mx_h, src_h, dst_h, out_h,
                    htab, edtab, asv, mxv, acc, sbuf, dbuf, sem0, sem1):
        wid = lax.axis_index("s") * NC + lax.axis_index("c")
        base = wid * EPW
        sems = (sem0, sem1)

        pltpu.sync_copy(htab_h, htab)
        pltpu.sync_copy(edtab_h, edtab)
        pltpu.sync_copy(asrc_h, asv)
        pltpu.sync_copy(mx_h, mxv)

        zero16 = jnp.zeros((16,), jnp.float32)

        def zbody(i, carry):
            for u in range(5):
                acc[pl.ds(i * 80 + u * 16, 16)] = zero16
            return carry

        lax.fori_loop(0, R * NN // 80, zbody, 0)

        asplat = [asv[pl.ds(r * 16, 16)] for r in range(K)]
        msplat = [mxv[pl.ds(h * 16, 16)] for h in range(H)]

        def start_edges(slot, ci):
            off = base + ci * CHUNK
            pltpu.make_async_copy(
                src_h.at[pl.ds(off, CHUNK)],
                sbuf.at[pl.ds(slot * CHUNK, CHUNK)], sems[slot]).start()
            pltpu.make_async_copy(
                dst_h.at[pl.ds(off, CHUNK)],
                dbuf.at[pl.ds(slot * CHUNK, CHUNK)], sems[slot]).start()

        def wait_edges(slot):
            pltpu.make_async_copy(
                src_h.at[pl.ds(0, CHUNK)],
                sbuf.at[pl.ds(slot * CHUNK, CHUNK)], sems[slot]).wait()
            pltpu.make_async_copy(
                dst_h.at[pl.ds(0, CHUNK)],
                dbuf.at[pl.ds(slot * CHUNK, CHUNK)], sems[slot]).wait()

        def process(slot):
            sboff = slot * CHUNK

            def gbody(g, carry):
                for u in range(U):
                    o = sboff + (g * U + u) * 16
                    sv = sbuf[pl.ds(o, 16)]
                    dv = dbuf[pl.ds(o, 16)]
                    hv = [
                        plsc.load_gather(htab, [sv + jnp.int32(r * NN)])
                        for r in range(K)
                    ]
                    edv = [
                        plsc.load_gather(edtab, [dv + jnp.int32(h * NN)])
                        for h in range(H)
                    ]
                    for h in range(H):
                        es = hv[h * C] * asplat[h * C]
                        for c in range(1, C):
                            es = es + hv[h * C + c] * asplat[h * C + c]
                        al = es + edv[h]
                        al = jnp.maximum(al, al * jnp.float32(0.2))
                        m = edv[h] + msplat[h]
                        m = jnp.maximum(m, m * jnp.float32(0.2))
                        ex = jnp.exp(al - m)
                        plsc.addupdate_scatter(
                            acc, [dv + jnp.int32((K + h) * NN)], ex)
                        for c in range(C):
                            plsc.addupdate_scatter(
                                acc, [dv + jnp.int32((h * C + c) * NN)],
                                ex * hv[h * C + c])
                return carry

            lax.fori_loop(0, GRP // U, gbody, 0)

        start_edges(0, 0)

        def pairbody(p, carry):
            c0 = p * 2
            wait_edges(0)
            start_edges(1, c0 + 1)
            process(0)
            wait_edges(1)

            @pl.when(c0 + 2 < NCH)
            def _():
                start_edges(0, c0 + 2)

            process(1)
            return carry

        lax.fori_loop(0, NCH // 2, pairbody, 0)

        pltpu.sync_copy(acc, out_h.at[wid])

    return edge_kernel


_edge_l1 = _make_edge_kernel(2, 2)
_edge_l2 = _make_edge_kernel(2, 1)
_edge_l3 = _make_edge_kernel(1, 1)





def _expand_rows(den, H, C):
    if C == 1:
        return den
    rows = []
    for h in range(H):
        for _ in range(C):
            rows.append(den[h:h + 1, :])
    return jnp.concatenate(rows, axis=0)


def _prep_body(xt_ref, wT_ref, aS_ref, aD_ref, ht_ref, ed_ref, mx_ref, H):
    x = xt_ref[...]
    h = jnp.dot(wT_ref[...], x, preferred_element_type=jnp.float32)
    es = jnp.dot(aS_ref[...], h, preferred_element_type=jnp.float32)
    ed = jnp.dot(aD_ref[...], h, preferred_element_type=jnp.float32)
    ht_ref[...] = h
    ed_ref[...] = ed
    mx = jnp.max(es, axis=1)
    mx_ref[...] = jnp.broadcast_to(mx[:, None], (H, 16))


def _prep(xt, wT, aS, aD, H, K):
    body = functools.partial(_prep_body, H=H)
    return pl.pallas_call(
        body,
        out_shape=[
            jax.ShapeDtypeStruct((K, NN), jnp.float32),
            jax.ShapeDtypeStruct((H, NN), jnp.float32),
            jax.ShapeDtypeStruct((H, 16), jnp.float32),
        ],
    )(xt, wT, aS, aD)


def _combine_prep_body(parts_ref, b_ref, wT_ref, aS_ref, aD_ref,
                       ht_ref, ed_ref, mx_ref, Hp, Cp, H):
    Kp = Hp * Cp
    p = jnp.sum(parts_ref[...], axis=0)
    num = p[:Kp, :]
    den = _expand_rows(p[Kp:, :], Hp, Cp)
    x = jnp.where(den > 0, num / den, jnp.float32(0.0)) + b_ref[...]
    x = jnp.maximum(x, jnp.float32(0.0))
    h = jnp.dot(wT_ref[...], x, preferred_element_type=jnp.float32)
    es = jnp.dot(aS_ref[...], h, preferred_element_type=jnp.float32)
    ed = jnp.dot(aD_ref[...], h, preferred_element_type=jnp.float32)
    ht_ref[...] = h
    ed_ref[...] = ed
    mx = jnp.max(es, axis=1)
    mx_ref[...] = jnp.broadcast_to(mx[:, None], (H, 16))


def _combine_prep(parts, b, wT, aS, aD, Hp, Cp, H, K):
    body = functools.partial(_combine_prep_body, Hp=Hp, Cp=Cp, H=H)
    return pl.pallas_call(
        body,
        out_shape=[
            jax.ShapeDtypeStruct((K, NN), jnp.float32),
            jax.ShapeDtypeStruct((H, NN), jnp.float32),
            jax.ShapeDtypeStruct((H, 16), jnp.float32),
        ],
    )(parts, b, wT, aS, aD)


def _final_combine_body(parts_ref, b_ref, x_ref):
    p = jnp.sum(parts_ref[...], axis=0)
    num = p[0:1, :]
    den = p[1:2, :]
    x_ref[...] = jnp.where(den > 0, num / den, jnp.float32(0.0)) + b_ref[...]


def _final_combine(parts, b):
    return pl.pallas_call(
        _final_combine_body,
        out_shape=jax.ShapeDtypeStruct((1, NN), jnp.float32),
    )(parts, b)


def _gemv_body(x_ref, w_ref, b_ref, o_ref, BK):
    k = pl.program_id(0)

    @pl.when(k == 0)
    def _():
        o_ref[...] = b_ref[...]

    xk = x_ref[...].reshape(1, BK)
    o_ref[...] += jnp.dot(xk, w_ref[...],
                          preferred_element_type=jnp.float32)


def _gemv(x, W, b):
    Kd, Md = W.shape
    BK = 200 if Md >= 20000 else 400
    nk = Kd // BK
    return pl.pallas_call(
        functools.partial(_gemv_body, BK=BK),
        grid=(nk,),
        in_specs=[
            pl.BlockSpec((1, 1, BK), lambda k: (k, 0, 0)),
            pl.BlockSpec((BK, Md), lambda k: (k, 0)),
            pl.BlockSpec((1, Md), lambda k: (0, 0)),
        ],
        out_specs=pl.BlockSpec((1, Md), lambda k: (0, 0)),
        out_shape=jax.ShapeDtypeStruct((1, Md), jnp.float32),
        compiler_params=pltpu.CompilerParams(
            dimension_semantics=("arbitrary",)),
    )(x.reshape(nk, 1, BK), W, b)


def _head_body(l1_ref, v1_ref, wc2_ref, bc2_ref, mask_ref,
               probs_ref, value_ref, act_ref):
    l1 = l1_ref[...]
    maskf = mask_ref[...]
    p_ = jnp.where(maskf > 0, jnp.tanh(l1), jnp.float32(-999999.0))
    pmax = jnp.max(p_)
    e = jnp.exp(p_ - pmax)
    s = jnp.sum(e)
    probs = e / s
    probs_ref[...] = probs
    value_ref[...] = (jnp.sum(v1_ref[...] * wc2_ref[...], axis=1,
                              keepdims=True) + bc2_ref[...])
    pm = jnp.max(probs)
    iota = lax.broadcasted_iota(jnp.int32, (1, NN), 1)
    cand = jnp.where(probs == pm, iota, jnp.int32(NN))
    act_ref[...] = jnp.min(cand, axis=1, keepdims=True)


def _head(l1, v1, wc2t, bc2, maskf):
    return pl.pallas_call(
        _head_body,
        out_shape=[
            jax.ShapeDtypeStruct((1, NN), jnp.float32),
            jax.ShapeDtypeStruct((1, 1), jnp.float32),
            jax.ShapeDtypeStruct((1, 1), jnp.int32),
        ],
    )(l1, v1, wc2t, bc2, maskf)



def _attn_mat(a):
    H, C = a.shape
    return (jnp.eye(H, dtype=a.dtype)[:, :, None] * a[None, :, :]).reshape(
        H, H * C)


def kernel(data, edge_index, edge_attr, W1, asrc1, adst1, b1,
           W2, asrc2, adst2, b2, W3, asrc3, adst3, b3,
           Wl1a, bl1a, Wl1b, bl1b, Wc1, bc1, Wc2, bc2, action_mask):
    del edge_attr
    src = edge_index[0]
    dst = edge_index[1]

    ht1, ed1, mx1 = _prep(data.T, W1.T, _attn_mat(asrc1), _attn_mat(adst1),
                          H=2, K=4)
    as1 = jnp.broadcast_to(asrc1.reshape(4, 1), (4, 16))
    parts1 = _edge_l1(ht1.reshape(-1), ed1.reshape(-1), as1.reshape(-1),
                      mx1.reshape(-1), src, dst)

    ht2, ed2, mx2 = _combine_prep(
        parts1.reshape(NW, 6, NN), b1.reshape(4, 1), W2.T,
        _attn_mat(asrc2), _attn_mat(adst2), Hp=2, Cp=2, H=2, K=2)
    as2 = jnp.broadcast_to(asrc2.reshape(2, 1), (2, 16))
    parts2 = _edge_l2(ht2.reshape(-1), ed2.reshape(-1), as2.reshape(-1),
                      mx2.reshape(-1), src, dst)

    ht3, ed3, mx3 = _combine_prep(
        parts2.reshape(NW, 4, NN), b2.reshape(2, 1), W3.T,
        _attn_mat(asrc3), _attn_mat(adst3), Hp=2, Cp=1, H=1, K=1)
    as3 = jnp.broadcast_to(asrc3.reshape(1, 1), (1, 16))
    parts3 = _edge_l3(ht3.reshape(-1), ed3.reshape(-1), as3.reshape(-1),
                      mx3.reshape(-1), src, dst)

    x3 = _final_combine(parts3.reshape(NW, 2, NN), b3.reshape(1, 1))

    t1 = _gemv(x3, Wl1a, bl1a.reshape(1, -1))
    l1 = _gemv(t1, Wl1b, bl1b.reshape(1, -1))
    v1 = _gemv(x3, Wc1, bc1.reshape(1, -1))

    maskf = action_mask.astype(jnp.float32)
    probs, value, act = _head(l1, v1, Wc2.reshape(1, NN), bc2.reshape(1, 1),
                              maskf)
    return probs, value, act.reshape(1)

# --- scband reference (transcript-rebuilt; emitter-appended) ---
"""Pipeline reference for scband-gcn-26697516712417 (READ-ONLY COPY).

The authoritative reference and input builder live on the scoring server;
editing this copy changes nothing except your own understanding.
"""

import jax, jax.numpy as jnp
import numpy as np

N = 10000
E = 640000


def _gat(x, edge_index, W, asrc, adst, b, heads, out_ch):
    n = x.shape[0]
    h = (x @ W).reshape(n, heads, out_ch)
    es = (h * asrc[None, :, :]).sum(-1)
    ed = (h * adst[None, :, :]).sum(-1)
    src = edge_index[0]
    dst = edge_index[1]
    alpha = es[src] + ed[dst]
    alpha = jax.nn.leaky_relu(alpha, negative_slope=0.2)
    amax = jax.ops.segment_max(alpha, dst, num_segments=n)
    amax = jnp.where(jnp.isfinite(amax), amax, 0.0)
    ex = jnp.exp(alpha - amax[dst])
    den = jax.ops.segment_sum(ex, dst, num_segments=n)
    coef = ex / (den[dst] + 1e-16)
    out = jax.ops.segment_sum(h[src] * coef[:, :, None], dst, num_segments=n)
    return out.reshape(n, heads * out_ch) + b


def setup_inputs(seed: int = 0):
    key = jax.random.key(seed)
    ks = jax.random.split(key, 26)
    inp = {}
    inp['data'] = jax.random.normal(ks[0], (N, 3), dtype=jnp.float32)
    inp['edge_index'] = jax.random.randint(ks[1], (2, E), 0, N, dtype=jnp.int32)
    inp['edge_attr'] = jax.random.normal(ks[2], (E, 4), dtype=jnp.float32)
    # conv1: GATConv(3 -> 2, heads=2)
    inp['W1'] = jax.random.normal(ks[3], (3, 4), dtype=jnp.float32) * 0.5
    inp['asrc1'] = jax.random.normal(ks[4], (2, 2), dtype=jnp.float32) * 0.5
    inp['adst1'] = jax.random.normal(ks[5], (2, 2), dtype=jnp.float32) * 0.5
    inp['b1'] = jnp.zeros((4,), dtype=jnp.float32)
    # conv2: GATConv(4 -> 1, heads=2)
    inp['W2'] = jax.random.normal(ks[6], (4, 2), dtype=jnp.float32) * 0.5
    inp['asrc2'] = jax.random.normal(ks[7], (2, 1), dtype=jnp.float32) * 0.5
    inp['adst2'] = jax.random.normal(ks[8], (2, 1), dtype=jnp.float32) * 0.5
    inp['b2'] = jnp.zeros((2,), dtype=jnp.float32)
    # conv3: GATConv(2 -> 1, heads=1)
    inp['W3'] = jax.random.normal(ks[9], (2, 1), dtype=jnp.float32) * 0.5
    inp['asrc3'] = jax.random.normal(ks[10], (1, 1), dtype=jnp.float32) * 0.5
    inp['adst3'] = jax.random.normal(ks[11], (1, 1), dtype=jnp.float32) * 0.5
    inp['b3'] = jnp.zeros((1,), dtype=jnp.float32)
    # L1: Linear(N, 2N) -> Linear(2N, N)
    inp['Wl1a'] = jax.random.normal(ks[12], (N, 2 * N), dtype=jnp.float32) * 0.01
    inp['bl1a'] = jnp.zeros((2 * N,), dtype=jnp.float32)
    inp['Wl1b'] = jax.random.normal(ks[13], (2 * N, N), dtype=jnp.float32) * 0.007
    inp['bl1b'] = jnp.zeros((N,), dtype=jnp.float32)
    # critic: Linear(N, N) -> Linear(N, 1)
    inp['Wc1'] = jax.random.normal(ks[14], (N, N), dtype=jnp.float32) * 0.01
    inp['bc1'] = jnp.zeros((N,), dtype=jnp.float32)
    inp['Wc2'] = jax.random.normal(ks[15], (N, 1), dtype=jnp.float32) * 0.01
    inp['bc2'] = jnp.zeros((1,), dtype=jnp.float32)
    inp['action_mask'] = jax.random.bernoulli(ks[16], 0.5, (1, N))
    return inp


def reference(data, edge_index, edge_attr, W1, asrc1, adst1, b1, W2, asrc2, adst2, b2, W3, asrc3, adst3, b3, Wl1a, bl1a, Wl1b, bl1b, Wc1, bc1, Wc2, bc2, action_mask):
    # edge_attr is accepted but ignored: GATConv without edge_dim ignores edge_attr.
    # dropout omitted for determinism.
    x = jax.nn.relu(_gat(data, edge_index, W1, asrc1, adst1, b1, 2, 2))
    x = jax.nn.relu(_gat(x, edge_index, W2, asrc2, adst2, b2, 2, 1))
    x = _gat(x, edge_index, W3, asrc3, adst3, b3, 1, 1)
    x = x.reshape(1, -1)
    value = (x @ Wc1 + bc1) @ Wc2 + bc2
    l1 = (x @ Wl1a + bl1a) @ Wl1b + bl1b
    p_ = jnp.where(action_mask, jnp.tanh(l1), jnp.float32(-999999.0))
    probs = jax.nn.softmax(p_, axis=-1)
    action = jnp.argmax(probs, axis=-1)  # deterministic stand-in for multinomial sampling
    return (probs, value, action)

if __name__ == "__main__":
    import jax
    _d = setup_inputs()
    print(jax.jit(kernel)(*tuple(_d.values())))

</pallas_src>

<mosaic_0001>
#map = affine_map<(d0, d1) -> (0)>
#map1 = affine_map<(d0, d1) -> (0, 0)>
module attributes {stable_mosaic.version = 14 : i64} {
  func.func @edge_kernel(%arg0: i32, %arg1: i32, %arg2: memref<40000xf32, #tpu.memory_space<hbm>>, %arg3: memref<20000xf32, #tpu.memory_space<hbm>>, %arg4: memref<64xf32, #tpu.memory_space<hbm>>, %arg5: memref<32xf32, #tpu.memory_space<hbm>>, %arg6: memref<640000xi32, #tpu.memory_space<hbm>>, %arg7: memref<640000xi32, #tpu.memory_space<hbm>>, %arg8: memref<32x60000xf32, #tpu.memory_space<hbm>>, %arg9: memref<40000xf32, #tpu.memory_space<vmem>>, %arg10: memref<20000xf32, #tpu.memory_space<vmem>>, %arg11: memref<64xf32, #tpu.memory_space<vmem>>, %arg12: memref<32xf32, #tpu.memory_space<vmem>>, %arg13: memref<60000xf32, #tpu.memory_space<vmem>>, %arg14: memref<4000xi32, #tpu.memory_space<vmem>>, %arg15: memref<4000xi32, #tpu.memory_space<vmem>>, %arg16: memref<!tpu.dma_semaphore, #tpu.memory_space<semaphore_mem>>, %arg17: memref<!tpu.dma_semaphore, #tpu.memory_space<semaphore_mem>>) attributes {dimension_semantics = [#tpu.dimension_semantics<core_parallel>, #tpu.dimension_semantics<subcore_parallel>], iteration_bounds = array<i64: 2, 16>, scalar_prefetch = 0 : i64, scratch_operands = 9 : i64, tpu.core_type = #tpu.core_type<sc_vector_subcore>, window_params = [{transform_indices = #map}, {transform_indices = #map}, {transform_indices = #map}, {transform_indices = #map}, {transform_indices = #map}, {transform_indices = #map}, {transform_indices = #map1}]} {
    %mul3A = arith.constant 2 : i32
    %mul3A_0 = arith.muli %arg1, %mul3A : i32
    %add3A = arith.addi %mul3A_0, %arg0 : i32
    %mul3A_1 = arith.constant 20000 : i32
    %mul3A_2 = arith.muli %add3A, %mul3A_1 : i32
    "tpu.region"() ({
      %run_scoped3A = tpu.sem_alloc : memref<!tpu.dma_semaphore, #tpu.memory_space<semaphore_mem>>
      tpu.enqueue_dma source(%arg2 : memref<40000xf32, #tpu.memory_space<hbm>>) target(%arg9 : memref<40000xf32, #tpu.memory_space<vmem>>) target_semaphore(%run_scoped3A : memref<!tpu.dma_semaphore, #tpu.memory_space<semaphore_mem>>)
      tpu.wait_dma2 semaphore(%run_scoped3A : memref<!tpu.dma_semaphore, #tpu.memory_space<semaphore_mem>>) src(%arg2 : memref<40000xf32, #tpu.memory_space<hbm>>) dst(%arg9 : memref<40000xf32, #tpu.memory_space<vmem>>)
      tpu.yield
    }) : () -> ()
    "tpu.region"() ({
      %run_scoped3A = tpu.sem_alloc : memref<!tpu.dma_semaphore, #tpu.memory_space<semaphore_mem>>
      tpu.enqueue_dma source(%arg3 : memref<20000xf32, #tpu.memory_space<hbm>>) target(%arg10 : memref<20000xf32, #tpu.memory_space<vmem>>) target_semaphore(%run_scoped3A : memref<!tpu.dma_semaphore, #tpu.memory_space<semaphore_mem>>)
      tpu.wait_dma2 semaphore(%run_scoped3A : memref<!tpu.dma_semaphore, #tpu.memory_space<semaphore_mem>>) src(%arg3 : memref<20000xf32, #tpu.memory_space<hbm>>) dst(%arg10 : memref<20000xf32, #tpu.memory_space<vmem>>)
      tpu.yield
    }) : () -> ()
    "tpu.region"() ({
      %run_scoped3A = tpu.sem_alloc : memref<!tpu.dma_semaphore, #tpu.memory_space<semaphore_mem>>
      tpu.enqueue_dma source(%arg4 : memref<64xf32, #tpu.memory_space<hbm>>) target(%arg11 : memref<64xf32, #tpu.memory_space<vmem>>) target_semaphore(%run_scoped3A : memref<!tpu.dma_semaphore, #tpu.memory_space<semaphore_mem>>)
      tpu.wait_dma2 semaphore(%run_scoped3A : memref<!tpu.dma_semaphore, #tpu.memory_space<semaphore_mem>>) src(%arg4 : memref<64xf32, #tpu.memory_space<hbm>>) dst(%arg11 : memref<64xf32, #tpu.memory_space<vmem>>)
      tpu.yield
    }) : () -> ()
    "tpu.region"() ({
      %run_scoped3A = tpu.sem_alloc : memref<!tpu.dma_semaphore, #tpu.memory_space<semaphore_mem>>
      tpu.enqueue_dma source(%arg5 : memref<32xf32, #tpu.memory_space<hbm>>) target(%arg12 : memref<32xf32, #tpu.memory_space<vmem>>) target_semaphore(%run_scoped3A : memref<!tpu.dma_semaphore, #tpu.memory_space<semaphore_mem>>)
      tpu.wait_dma2 semaphore(%run_scoped3A : memref<!tpu.dma_semaphore, #tpu.memory_space<semaphore_mem>>) src(%arg5 : memref<32xf32, #tpu.memory_space<hbm>>) dst(%arg12 : memref<32xf32, #tpu.memory_space<vmem>>)
      tpu.yield
    }) : () -> ()
    %broadcast_in_dim3A = arith.constant 0.000000e+00 : f32
    %broadcast_in_dim3A_3 = vector.broadcast %broadcast_in_dim3A : f32 to vector<16xf32>
    %scan3A = arith.constant 0 : i32
    %scan3A_4 = arith.constant 0 : i32
    %scan3A_5 = arith.constant 750 : i32
    %scan3A_6 = arith.addi %scan3A_4, %scan3A_5 : i32
    %scan3A_7 = arith.constant 1 : i32
    scf.for %scan3A_39 = %scan3A_4 to %scan3A_6 step %scan3A_7  : i32 {
      %mul3A_40 = arith.constant 80 : i32
      %mul3A_41 = arith.muli %scan3A_39, %mul3A_40 : i32
      %add3A_42 = arith.constant 0 : i32
      %add3A_43 = arith.addi %mul3A_41, %add3A_42 : i32
      %swap3A = arith.index_cast %add3A_43 : i32 to index
      %swap3A_44 = tpu.vector_load %arg13[%swap3A] {strides = array<i32>} : memref<60000xf32, #tpu.memory_space<vmem>>, vector<16xf32>,
      tpu.vector_store %arg13[%swap3A], %broadcast_in_dim3A_3 {strides = array<i32>} : memref<60000xf32, #tpu.memory_space<vmem>>, vector<16xf32>,
      %mul3A_45 = arith.constant 80 : i32
      %mul3A_46 = arith.muli %scan3A_39, %mul3A_45 : i32
      %add3A_47 = arith.constant 16 : i32
      %add3A_48 = arith.addi %mul3A_46, %add3A_47 : i32
      %swap3A_49 = arith.index_cast %add3A_48 : i32 to index
      %swap3A_50 = tpu.vector_load %arg13[%swap3A_49] {strides = array<i32>} : memref<60000xf32, #tpu.memory_space<vmem>>, vector<16xf32>,
      tpu.vector_store %arg13[%swap3A_49], %broadcast_in_dim3A_3 {strides = array<i32>} : memref<60000xf32, #tpu.memory_space<vmem>>, vector<16xf32>,
      %mul3A_51 = arith.constant 80 : i32
      %mul3A_52 = arith.muli %scan3A_39, %mul3A_51 : i32
      %add3A_53 = arith.constant 32 : i32
      %add3A_54 = arith.addi %mul3A_52, %add3A_53 : i32
      %swap3A_55 = arith.index_cast %add3A_54 : i32 to index
      %swap3A_56 = tpu.vector_load %arg13[%swap3A_55] {strides = array<i32>} : memref<60000xf32, #tpu.memory_space<vmem>>, vector<16xf32>,
      tpu.vector_store %arg13[%swap3A_55], %broadcast_in_dim3A_3 {strides = array<i32>} : memref<60000xf32, #tpu.memory_space<vmem>>, vector<16xf32>,
      %mul3A_57 = arith.constant 80 : i32
      %mul3A_58 = arith.muli %scan3A_39, %mul3A_57 : i32
      %add3A_59 = arith.constant 48 : i32
      %add3A_60 = arith.addi %mul3A_58, %add3A_59 : i32
      %swap3A_61 = arith.index_cast %add3A_60 : i32 to index
      %swap3A_62 = tpu.vector_load %arg13[%swap3A_61] {strides = array<i32>} : memref<60000xf32, #tpu.memory_space<vmem>>, vector<16xf32>,
      tpu.vector_store %arg13[%swap3A_61], %broadcast_in_dim3A_3 {strides = array<i32>} : memref<60000xf32, #tpu.memory_space<vmem>>, vector<16xf32>,
      %mul3A_63 = arith.constant 80 : i32
      %mul3A_64 = arith.muli %scan3A_39, %mul3A_63 : i32
      %add3A_65 = arith.constant 64 : i32
      %add3A_66 = arith.addi %mul3A_64, %add3A_65 : i32
      %swap3A_67 = arith.index_cast %add3A_66 : i32 to index
      %swap3A_68 = tpu.vector_load %arg13[%swap3A_67] {strides = array<i32>} : memref<60000xf32, #tpu.memory_space<vmem>>, vector<16xf32>,
      tpu.vector_store %arg13[%swap3A_67], %broadcast_in_dim3A_3 {strides = array<i32>} : memref<60000xf32, #tpu.memory_space<vmem>>, vector<16xf32>,
    }
    %scan3A_8 = arith.constant 750 : i32
    %get3A = arith.constant 0 : index
    %get3A_9 = tpu.vector_load %arg11[%get3A] {strides = array<i32>} : memref<64xf32, #tpu.memory_space<vmem>>, vector<16xf32>,
    %get3A_10 = arith.constant 16 : index
    %get3A_11 = tpu.vector_load %arg11[%get3A_10] {strides = array<i32>} : memref<64xf32, #tpu.memory_space<vmem>>, vector<16xf32>,
    %get3A_12 = arith.constant 32 : index
    %get3A_13 = tpu.vector_load %arg11[%get3A_12] {strides = array<i32>} : memref<64xf32, #tpu.memory_space<vmem>>, vector<16xf32>,
    %get3A_14 = arith.constant 48 : index
    %get3A_15 = tpu.vector_load %arg11[%get3A_14] {strides = array<i32>} : memref<64xf32, #tpu.memory_space<vmem>>, vector<16xf32>,
    %get3A_16 = arith.constant 0 : index
    %get3A_17 = tpu.vector_load %arg12[%get3A_16] {strides = array<i32>} : memref<32xf32, #tpu.memory_space<vmem>>, vector<16xf32>,
    %get3A_18 = arith.constant 16 : index
    %get3A_19 = tpu.vector_load %arg12[%get3A_18] {strides = array<i32>} : memref<32xf32, #tpu.memory_space<vmem>>, vector<16xf32>,
    %add3A_20 = arith.constant 0 : i32
    %add3A_21 = arith.addi %mul3A_2, %add3A_20 : i32
    %dma_start3A = arith.constant 0 : i32
    %dma_start3A_22 = tpu.memref_slice %arg14[%dma_start3A] : memref<4000xi32, #tpu.memory_space<vmem>> -> memref<2000xi32, #tpu.memory_space<vmem>>
    %dma_start3A_23 = tpu.memref_slice %arg6[%add3A_21] : memref<640000xi32, #tpu.memory_space<hbm>> -> memref<2000xi32, #tpu.memory_space<hbm>>
    %dma_start3A_24 = arith.constant 0 : i32
    %dma_start3A_25 = tpu.memref_slice %arg14[%dma_start3A_24] : memref<4000xi32, #tpu.memory_space<vmem>> -> memref<2000xi32, #tpu.memory_space<vmem>>
    %dma_start3A_26 = tpu.memref_slice %arg6[%add3A_21] : memref<640000xi32, #tpu.memory_space<hbm>> -> memref<2000xi32, #tpu.memory_space<hbm>>
    tpu.enqueue_dma source(%dma_start3A_26 : memref<2000xi32, #tpu.memory_space<hbm>>) target(%dma_start3A_25 : memref<2000xi32, #tpu.memory_space<vmem>>) target_semaphore(%arg16 : memref<!tpu.dma_semaphore, #tpu.memory_space<semaphore_mem>>)
    %dma_start3A_27 = arith.constant 0 : i32
    %dma_start3A_28 = tpu.memref_slice %arg15[%dma_start3A_27] : memref<4000xi32, #tpu.memory_space<vmem>> -> memref<2000xi32, #tpu.memory_space<vmem>>
    %dma_start3A_29 = tpu.memref_slice %arg7[%add3A_21] : memref<640000xi32, #tpu.memory_space<hbm>> -> memref<2000xi32, #tpu.memory_space<hbm>>
    %dma_start3A_30 = arith.constant 0 : i32
    %dma_start3A_31 = tpu.memref_slice %arg15[%dma_start3A_30] : memref<4000xi32, #tpu.memory_space<vmem>> -> memref<2000xi32, #tpu.memory_space<vmem>>
    %dma_start3A_32 = tpu.memref_slice %arg7[%add3A_21] : memref<640000xi32, #tpu.memory_space<hbm>> -> memref<2000xi32, #tpu.memory_space<hbm>>
    tpu.enqueue_dma source(%dma_start3A_32 : memref<2000xi32, #tpu.memory_space<hbm>>) target(%dma_start3A_31 : memref<2000xi32, #tpu.memory_space<vmem>>) target_semaphore(%arg16 : memref<!tpu.dma_semaphore, #tpu.memory_space<semaphore_mem>>)
    %scan3A_33 = arith.constant 0 : i32
    %scan3A_34 = arith.constant 0 : i32
    %scan3A_35 = arith.constant 5 : i32
    %scan3A_36 = arith.addi %scan3A_34, %scan3A_35 : i32
    %scan3A_37 = arith.constant 1 : i32
    scf.for %scan3A_39 = %scan3A_34 to %scan3A_36 step %scan3A_37  : i32 {
      %mul3A_40 = arith.constant 2 : i32
      %mul3A_41 = arith.muli %scan3A_39, %mul3A_40 : i32
      %dma_wait3A = arith.constant 0 : i32
      %dma_wait3A_42 = tpu.memref_slice %arg14[%dma_wait3A] : memref<4000xi32, #tpu.memory_space<vmem>> -> memref<2000xi32, #tpu.memory_space<vmem>>
      %dma_wait3A_43 = arith.constant 0 : i32
      %dma_wait3A_44 = tpu.memref_slice %arg6[%dma_wait3A_43] : memref<640000xi32, #tpu.memory_space<hbm>> -> memref<2000xi32, #tpu.memory_space<hbm>>
      %dma_wait3A_45 = arith.constant 0 : i32
      %dma_wait3A_46 = tpu.memref_slice %arg14[%dma_wait3A_45] : memref<4000xi32, #tpu.memory_space<vmem>> -> memref<2000xi32, #tpu.memory_space<vmem>>
      %dma_wait3A_47 = arith.constant 0 : i32
      %dma_wait3A_48 = tpu.memref_slice %arg6[%dma_wait3A_47] : memref<640000xi32, #tpu.memory_space<hbm>> -> memref<2000xi32, #tpu.memory_space<hbm>>
      tpu.wait_dma2 semaphore(%arg16 : memref<!tpu.dma_semaphore, #tpu.memory_space<semaphore_mem>>) src(%dma_wait3A_48 : memref<2000xi32, #tpu.memory_space<hbm>>) dst(%dma_wait3A_46 : memref<2000xi32, #tpu.memory_space<vmem>>)
      %dma_wait3A_49 = arith.constant 0 : i32
      %dma_wait3A_50 = tpu.memref_slice %arg15[%dma_wait3A_49] : memref<4000xi32, #tpu.memory_space<vmem>> -> memref<2000xi32, #tpu.memory_space<vmem>>
      %dma_wait3A_51 = arith.constant 0 : i32
      %dma_wait3A_52 = tpu.memref_slice %arg7[%dma_wait3A_51] : memref<640000xi32, #tpu.memory_space<hbm>> -> memref<2000xi32, #tpu.memory_space<hbm>>
      %dma_wait3A_53 = arith.constant 0 : i32
      %dma_wait3A_54 = tpu.memref_slice %arg15[%dma_wait3A_53] : memref<4000xi32, #tpu.memory_space<vmem>> -> memref<2000xi32, #tpu.memory_space<vmem>>
      %dma_wait3A_55 = arith.constant 0 : i32
      %dma_wait3A_56 = tpu.memref_slice %arg7[%dma_wait3A_55] : memref<640000xi32, #tpu.memory_space<hbm>> -> memref<2000xi32, #tpu.memory_space<hbm>>
      tpu.wait_dma2 semaphore(%arg16 : memref<!tpu.dma_semaphore, #tpu.memory_space<semaphore_mem>>) src(%dma_wait3A_56 : memref<2000xi32, #tpu.memory_space<hbm>>) dst(%dma_wait3A_54 : memref<2000xi32, #tpu.memory_space<vmem>>)
      %add3A_57 = arith.constant 1 : i32
      %add3A_58 = arith.addi %mul3A_41, %add3A_57 : i32
      %mul3A_59 = arith.constant 2000 : i32
      %mul3A_60 = arith.muli %add3A_58, %mul3A_59 : i32
      %add3A_61 = arith.addi %mul3A_2, %mul3A_60 : i32
      %dma_start3A_62 = arith.constant 2000 : i32
      %dma_start3A_63 = tpu.memref_slice %arg14[%dma_start3A_62] : memref<4000xi32, #tpu.memory_space<vmem>> -> memref<2000xi32, #tpu.memory_space<vmem>>
      %dma_start3A_64 = tpu.memref_slice %arg6[%add3A_61] : memref<640000xi32, #tpu.memory_space<hbm>> -> memref<2000xi32, #tpu.memory_space<hbm>>
      %dma_start3A_65 = arith.constant 2000 : i32
      %dma_start3A_66 = tpu.memref_slice %arg14[%dma_start3A_65] : memref<4000xi32, #tpu.memory_space<vmem>> -> memref<2000xi32, #tpu.memory_space<vmem>>
      %dma_start3A_67 = tpu.memref_slice %arg6[%add3A_61] : memref<640000xi32, #tpu.memory_space<hbm>> -> memref<2000xi32, #tpu.memory_space<hbm>>
      tpu.enqueue_dma source(%dma_start3A_67 : memref<2000xi32, #tpu.memory_space<hbm>>) target(%dma_start3A_66 : memref<2000xi32, #tpu.memory_space<vmem>>) target_semaphore(%arg17 : memref<!tpu.dma_semaphore, #tpu.memory_space<semaphore_mem>>)
      %dma_start3A_68 = arith.constant 2000 : i32
      %dma_start3A_69 = tpu.memref_slice %arg15[%dma_start3A_68] : memref<4000xi32, #tpu.memory_space<vmem>> -> memref<2000xi32, #tpu.memory_space<vmem>>
      %dma_start3A_70 = tpu.memref_slice %arg7[%add3A_61] : memref<640000xi32, #tpu.memory_space<hbm>> -> memref<2000xi32, #tpu.memory_space<hbm>>
      %dma_start3A_71 = arith.constant 2000 : i32
      %dma_start3A_72 = tpu.memref_slice %arg15[%dma_start3A_71] : memref<4000xi32, #tpu.memory_space<vmem>> -> memref<2000xi32, #tpu.memory_space<vmem>>
      %dma_start3A_73 = tpu.memref_slice %arg7[%add3A_61] : memref<640000xi32, #tpu.memory_space<hbm>> -> memref<2000xi32, #tpu.memory_space<hbm>>
      tpu.enqueue_dma source(%dma_start3A_73 : memref<2000xi32, #tpu.memory_space<hbm>>) target(%dma_start3A_72 : memref<2000xi32, #tpu.memory_space<vmem>>) target_semaphore(%arg17 : memref<!tpu.dma_semaphore, #tpu.memory_space<semaphore_mem>>)
      %scan3A_74 = arith.constant 0 : i32
      %scan3A_75 = arith.constant 0 : i32
      %scan3A_76 = arith.constant 25 : i32
      %scan3A_77 = arith.addi %scan3A_75, %scan3A_76 : i32
      %scan3A_78 = arith.constant 1 : i32
      scf.for %scan3A_106 = %scan3A_75 to %scan3A_77 step %scan3A_78  : i32 {
        %mul3A_107 = arith.constant 5 : i32
        %mul3A_108 = arith.muli %scan3A_106, %mul3A_107 : i32
        %add3A_109 = arith.constant 0 : i32
        %add3A_110 = arith.addi %mul3A_108, %add3A_109 : i32
        %mul3A_111 = arith.constant 16 : i32
        %mul3A_112 = arith.muli %add3A_110, %mul3A_111 : i32
        %add3A_113 = arith.constant 0 : i32
        %add3A_114 = arith.addi %add3A_113, %mul3A_112 : i32
        %get3A_115 = arith.index_cast %add3A_114 : i32 to index
        %get3A_116 = tpu.vector_load %arg14[%get3A_115] {strides = array<i32>} : memref<4000xi32, #tpu.memory_space<vmem>>, vector<16xi32>,
        %get3A_117 = arith.index_cast %add3A_114 : i32 to index
        %get3A_118 = tpu.vector_load %arg15[%get3A_117] {strides = array<i32>} : memref<4000xi32, #tpu.memory_space<vmem>>, vector<16xi32>,
        %add3A_119 = arith.constant 0 : i32
        %add3A_120 = vector.broadcast %add3A_119 : i32 to vector<16xi32>
        %add3A_121 = arith.addi %get3A_116, %add3A_120 : vector<16xi32>
        %gather3A = tpu.vector_load_idx %arg9[%add3A_121] : memref<40000xf32, #tpu.memory_space<vmem>>[vector<16xi32>], vector<16xf32>,
        %add3A_122 = arith.constant 10000 : i32
        %add3A_123 = vector.broadcast %add3A_122 : i32 to vector<16xi32>
        %add3A_124 = arith.addi %get3A_116, %add3A_123 : vector<16xi32>
        %gather3A_125 = tpu.vector_load_idx %arg9[%add3A_124] : memref<40000xf32, #tpu.memory_space<vmem>>[vector<16xi32>], vector<16xf32>,
        %add3A_126 = arith.constant 20000 : i32
        %add3A_127 = vector.broadcast %add3A_126 : i32 to vector<16xi32>
        %add3A_128 = arith.addi %get3A_116, %add3A_127 : vector<16xi32>
        %gather3A_129 = tpu.vector_load_idx %arg9[%add3A_128] : memref<40000xf32, #tpu.memory_space<vmem>>[vector<16xi32>], vector<16xf32>,
        %add3A_130 = arith.constant 30000 : i32
        %add3A_131 = vector.broadcast %add3A_130 : i32 to vector<16xi32>
        %add3A_132 = arith.addi %get3A_116, %add3A_131 : vector<16xi32>
        %gather3A_133 = tpu.vector_load_idx %arg9[%add3A_132] : memref<40000xf32, #tpu.memory_space<vmem>>[vector<16xi32>], vector<16xf32>,
        %add3A_134 = arith.constant 0 : i32
        %add3A_135 = vector.broadcast %add3A_134 : i32 to vector<16xi32>
        %add3A_136 = arith.addi %get3A_118, %add3A_135 : vector<16xi32>
        %gather3A_137 = tpu.vector_load_idx %arg10[%add3A_136] : memref<20000xf32, #tpu.memory_space<vmem>>[vector<16xi32>], vector<16xf32>,
        %add3A_138 = arith.constant 10000 : i32
        %add3A_139 = vector.broadcast %add3A_138 : i32 to vector<16xi32>
        %add3A_140 = arith.addi %get3A_118, %add3A_139 : vector<16xi32>
        %gather3A_141 = tpu.vector_load_idx %arg10[%add3A_140] : memref<20000xf32, #tpu.memory_space<vmem>>[vector<16xi32>], vector<16xf32>,
        %mul3A_142 = arith.mulf %gather3A, %get3A_9 : vector<16xf32>
        %mul3A_143 = arith.mulf %gather3A_125, %get3A_11 : vector<16xf32>
        %add3A_144 = arith.addf %mul3A_142, %mul3A_143 : vector<16xf32>
        %add3A_145 = arith.addf %add3A_144, %gather3A_137 : vector<16xf32>
        %mul3A_146 = arith.constant 2.000000e-01 : f32
        %mul3A_147 = vector.broadcast %mul3A_146 : f32 to vector<16xf32>
        %mul3A_148 = arith.mulf %add3A_145, %mul3A_147 : vector<16xf32>
        %max3A = arith.maximumf %add3A_145, %mul3A_148 : vector<16xf32>
        %add3A_149 = arith.addf %gather3A_137, %get3A_17 : vector<16xf32>
        %mul3A_150 = arith.constant 2.000000e-01 : f32
        %mul3A_151 = vector.broadcast %mul3A_150 : f32 to vector<16xf32>
        %mul3A_152 = arith.mulf %add3A_149, %mul3A_151 : vector<16xf32>
        %max3A_153 = arith.maximumf %add3A_149, %mul3A_152 : vector<16xf32>
        %sub3A = arith.subf %max3A, %max3A_153 : vector<16xf32>
        %exp3A = math.exp %sub3A : vector<16xf32>
        %add3A_154 = arith.constant 40000 : i32
        %add3A_155 = vector.broadcast %add3A_154 : i32 to vector<16xi32>
        %add3A_156 = arith.addi %get3A_118, %add3A_155 : vector<16xi32>
        tpu.vector_store_idx %arg13[%add3A_156], %exp3A {add = true} : memref<60000xf32, #tpu.memory_space<vmem>>[vector<16xi32>], vector<16xf32>,
        %add3A_157 = arith.constant 0 : i32
        %add3A_158 = vector.broadcast %add3A_157 : i32 to vector<16xi32>
        %add3A_159 = arith.addi %get3A_118, %add3A_158 : vector<16xi32>
        %mul3A_160 = arith.mulf %exp3A, %gather3A : vector<16xf32>
        tpu.vector_store_idx %arg13[%add3A_159], %mul3A_160 {add = true} : memref<60000xf32, #tpu.memory_space<vmem>>[vector<16xi32>], vector<16xf32>,
        %add3A_161 = arith.constant 10000 : i32
        %add3A_162 = vector.broadcast %add3A_161 : i32 to vector<16xi32>
        %add3A_163 = arith.addi %get3A_118, %add3A_162 : vector<16xi32>
        %mul3A_164 = arith.mulf %exp3A, %gather3A_125 : vector<16xf32>
        tpu.vector_store_idx %arg13[%add3A_163], %mul3A_164 {add = true} : memref<60000xf32, #tpu.memory_space<vmem>>[vector<16xi32>], vector<16xf32>,
        %mul3A_165 = arith.mulf %gather3A_129, %get3A_13 : vector<16xf32>
        %mul3A_166 = arith.mulf %gather3A_133, %get3A_15 : vector<16xf32>
        %add3A_167 = arith.addf %mul3A_165, %mul3A_166 : vector<16xf32>
        %add3A_168 = arith.addf %add3A_167, %gather3A_141 : vector<16xf32>
        %mul3A_169 = arith.constant 2.000000e-01 : f32
        %mul3A_170 = vector.broadcast %mul3A_169 : f32 to vector<16xf32>
        %mul3A_171 = arith.mulf %add3A_168, %mul3A_170 : vector<16xf32>
        %max3A_172 = arith.maximumf %add3A_168, %mul3A_171 : vector<16xf32>
        %add3A_173 = arith.addf %gather3A_141, %get3A_19 : vector<16xf32>
        %mul3A_174 = arith.constant 2.000000e-01 : f32
        %mul3A_175 = vector.broadcast %mul3A_174 : f32 to vector<16xf32>
        %mul3A_176 = arith.mulf %add3A_173, %mul3A_175 : vector<16xf32>
        %max3A_177 = arith.maximumf %add3A_173, %mul3A_176 : vector<16xf32>
        %sub3A_178 = arith.subf %max3A_172, %max3A_177 : vector<16xf32>
        %exp3A_179 = math.exp %sub3A_178 : vector<16xf32>
        %add3A_180 = arith.constant 50000 : i32
        %add3A_181 = vector.broadcast %add3A_180 : i32 to vector<16xi32>
        %add3A_182 = arith.addi %get3A_118, %add3A_181 : vector<16xi32>
        tpu.vector_store_idx %arg13[%add3A_182], %exp3A_179 {add = true} : memref<60000xf32, #tpu.memory_space<vmem>>[vector<16xi32>], vector<16xf32>,
        %add3A_183 = arith.constant 20000 : i32
        %add3A_184 = vector.broadcast %add3A_183 : i32 to vector<16xi32>
        %add3A_185 = arith.addi %get3A_118, %add3A_184 : vector<16xi32>
        %mul3A_186 = arith.mulf %exp3A_179, %gather3A_129 : vector<16xf32>
        tpu.vector_store_idx %arg13[%add3A_185], %mul3A_186 {add = true} : memref<60000xf32, #tpu.memory_space<vmem>>[vector<16xi32>], vector<16xf32>,
        %add3A_187 = arith.constant 30000 : i32
        %add3A_188 = vector.broadcast %add3A_187 : i32 to vector<16xi32>
        %add3A_189 = arith.addi %get3A_118, %add3A_188 : vector<16xi32>
        %mul3A_190 = arith.mulf %exp3A_179, %gather3A_133 : vector<16xf32>
        tpu.vector_store_idx %arg13[%add3A_189], %mul3A_190 {add = true} : memref<60000xf32, #tpu.memory_space<vmem>>[vector<16xi32>], vector<16xf32>,
        %mul3A_191 = arith.constant 5 : i32
        %mul3A_192 = arith.muli %scan3A_106, %mul3A_191 : i32
        %add3A_193 = arith.constant 1 : i32
        %add3A_194 = arith.addi %mul3A_192, %add3A_193 : i32
        %mul3A_195 = arith.constant 16 : i32
        %mul3A_196 = arith.muli %add3A_194, %mul3A_195 : i32
        %add3A_197 = arith.constant 0 : i32
        %add3A_198 = arith.addi %add3A_197, %mul3A_196 : i32
        %get3A_199 = arith.index_cast %add3A_198 : i32 to index
        %get3A_200 = tpu.vector_load %arg14[%get3A_199] {strides = array<i32>} : memref<4000xi32, #tpu.memory_space<vmem>>, vector<16xi32>,
        %get3A_201 = arith.index_cast %add3A_198 : i32 to index
        %get3A_202 = tpu.vector_load %arg15[%get3A_201] {strides = array<i32>} : memref<4000xi32, #tpu.memory_space<vmem>>, vector<16xi32>,
        %add3A_203 = arith.constant 0 : i32
        %add3A_204 = vector.broadcast %add3A_203 : i32 to vector<16xi32>
        %add3A_205 = arith.addi %get3A_200, %add3A_204 : vector<16xi32>
        %gather3A_206 = tpu.vector_load_idx %arg9[%add3A_205] : memref<40000xf32, #tpu.memory_space<vmem>>[vector<16xi32>], vector<16xf32>,
        %add3A_207 = arith.constant 10000 : i32
        %add3A_208 = vector.broadcast %add3A_207 : i32 to vector<16xi32>
        %add3A_209 = arith.addi %get3A_200, %add3A_208 : vector<16xi32>
        %gather3A_210 = tpu.vector_load_idx %arg9[%add3A_209] : memref<40000xf32, #tpu.memory_space<vmem>>[vector<16xi32>], vector<16xf32>,
        %add3A_211 = arith.constant 20000 : i32
        %add3A_212 = vector.broadcast %add3A_211 : i32 to vector<16xi32>
        %add3A_213 = arith.addi %get3A_200, %add3A_212 : vector<16xi32>
        %gather3A_214 = tpu.vector_load_idx %arg9[%add3A_213] : memref<40000xf32, #tpu.memory_space<vmem>>[vector<16xi32>], vector<16xf32>,
        %add3A_215 = arith.constant 30000 : i32
        %add3A_216 = vector.broadcast %add3A_215 : i32 to vector<16xi32>
        %add3A_217 = arith.addi %get3A_200, %add3A_216 : vector<16xi32>
        %gather3A_218 = tpu.vector_load_idx %arg9[%add3A_217] : memref<40000xf32, #tpu.memory_space<vmem>>[vector<16xi32>], vector<16xf32>,
        %add3A_219 = arith.constant 0 : i32
        %add3A_220 = vector.broadcast %add3A_219 : i32 to vector<16xi32>
        %add3A_221 = arith.addi %get3A_202, %add3A_220 : vector<16xi32>
        %gather3A_222 = tpu.vector_load_idx %arg10[%add3A_221] : memref<20000xf32, #tpu.memory_space<vmem>>[vector<16xi32>], vector<16xf32>,
        %add3A_223 = arith.constant 10000 : i32
        %add3A_224 = vector.broadcast %add3A_223 : i32 to vector<16xi32>
        %add3A_225 = arith.addi %get3A_202, %add3A_224 : vector<16xi32>
        %gather3A_226 = tpu.vector_load_idx %arg10[%add3A_225] : memref<20000xf32, #tpu.memory_space<vmem>>[vector<16xi32>], vector<16xf32>,
        %mul3A_227 = arith.mulf %gather3A_206, %get3A_9 : vector<16xf32>
        %mul3A_228 = arith.mulf %gather3A_210, %get3A_11 : vector<16xf32>
        %add3A_229 = arith.addf %mul3A_227, %mul3A_228 : vector<16xf32>
        %add3A_230 = arith.addf %add3A_229, %gather3A_222 : vector<16xf32>
        %mul3A_231 = arith.constant 2.000000e-01 : f32
        %mul3A_232 = vector.broadcast %mul3A_231 : f32 to vector<16xf32>
        %mul3A_233 = arith.mulf %add3A_230, %mul3A_232 : vector<16xf32>
        %max3A_234 = arith.maximumf %add3A_230, %mul3A_233 : vector<16xf32>
        %add3A_235 = arith.addf %gather3A_222, %get3A_17 : vector<16xf32>
        %mul3A_236 = arith.constant 2.000000e-01 : f32
        %mul3A_237 = vector.broadcast %mul3A_236 : f32 to vector<16xf32>
        %mul3A_238 = arith.mulf %add3A_235, %mul3A_237 : vector<16xf32>
        %max3A_239 = arith.maximumf %add3A_235, %mul3A_238 : vector<16xf32>
        %sub3A_240 = arith.subf %max3A_234, %max3A_239 : vector<16xf32>
        %exp3A_241 = math.exp %sub3A_240 : vector<16xf32>
        %add3A_242 = arith.constant 40000 : i32
        %add3A_243 = vector.broadcast %add3A_242 : i32 to vector<16xi32>
        %add3A_244 = arith.addi %get3A_202, %add3A_243 : vector<16xi32>
        tpu.vector_store_idx %arg13[%add3A_244], %exp3A_241 {add = true} : memref<60000xf32, #tpu.memory_space<vmem>>[vector<16xi32>], vector<16xf32>,
        %add3A_245 = arith.constant 0 : i32
        %add3A_246 = vector.broadcast %add3A_245 : i32 to vector<16xi32>
        %add3A_247 = arith.addi %get3A_202, %add3A_246 : vector<16xi32>
        %mul3A_248 = arith.mulf %exp3A_241, %gather3A_206 : vector<16xf32>
        tpu.vector_store_idx %arg13[%add3A_247], %mul3A_248 {add = true} : memref<60000xf32, #tpu.memory_space<vmem>>[vector<16xi32>], vector<16xf32>,
        %add3A_249 = arith.constant 10000 : i32
        %add3A_250 = vector.broadcast %add3A_249 : i32 to vector<16xi32>
        %add3A_251 = arith.addi %get3A_202, %add3A_250 : vector<16xi32>
        %mul3A_252 = arith.mulf %exp3A_241, %gather3A_210 : vector<16xf32>
        tpu.vector_store_idx %arg13[%add3A_251], %mul3A_252 {add = true} : memref<60000xf32, #tpu.memory_space<vmem>>[vector<16xi32>], vector<16xf32>,
        %mul3A_253 = arith.mulf %gather3A_214, %get3A_13 : vector<16xf32>
        %mul3A_254 = arith.mulf %gather3A_218, %get3A_15 : vector<16xf32>
        %add3A_255 = arith.addf %mul3A_253, %mul3A_254 : vector<16xf32>
        %add3A_256 = arith.addf %add3A_255, %gather3A_226 : vector<16xf32>
        %mul3A_257 = arith.constant 2.000000e-01 : f32
        %mul3A_258 = vector.broadcast %mul3A_257 : f32 to vector<16xf32>
        %mul3A_259 = arith.mulf %add3A_256, %mul3A_258 : vector<16xf32>
        %max3A_260 = arith.maximumf %add3A_256, %mul3A_259 : vector<16xf32>
        %add3A_261 = arith.addf %gather3A_226, %get3A_19 : vector<16xf32>
        %mul3A_262 = arith.constant 2.000000e-01 : f32
        %mul3A_263 = vector.broadcast %mul3A_262 : f32 to vector<16xf32>
        %mul3A_264 = arith.mulf %add3A_261, %mul3A_263 : vector<16xf32>
        %max3A_265 = arith.maximumf %add3A_261, %mul3A_264 : vector<16xf32>
        %sub3A_266 = arith.subf %max3A_260, %max3A_265 : vector<16xf32>
        %exp3A_267 = math.exp %sub3A_266 : vector<16xf32>
        %add3A_268 = arith.constant 50000 : i32
        %add3A_269 = vector.broadcast %add3A_268 : i32 to vector<16xi32>
        %add3A_270 = arith.addi %get3A_202, %add3A_269 : vector<16xi32>
        tpu.vector_store_idx %arg13[%add3A_270], %exp3A_267 {add = true} : memref<60000xf32, #tpu.memory_space<vmem>>[vector<16xi32>], vector<16xf32>,
        %add3A_271 = arith.constant 20000 : i32
        %add3A_272 = vector.broadcast %add3A_271 : i32 to vector<16xi32>
        %add3A_273 = arith.addi %get3A_202, %add3A_272 : vector<16xi32>
        %mul3A_274 = arith.mulf %exp3A_267, %gather3A_214 : vector<16xf32>
        tpu.vector_store_idx %arg13[%add3A_273], %mul3A_274 {add = true} : memref<60000xf32, #tpu.memory_space<vmem>>[vector<16xi32>], vector<16xf32>,
        %add3A_275 = arith.constant 30000 : i32
        %add3A_276 = vector.broadcast %add3A_275 : i32 to vector<16xi32>
        %add3A_277 = arith.addi %get3A_202, %add3A_276 : vector<16xi32>
        %mul3A_278 = arith.mulf %exp3A_267, %gather3A_218 : vector<16xf32>
        tpu.vector_store_idx %arg13[%add3A_277], %mul3A_278 {add = true} : memref<60000xf32, #tpu.memory_space<vmem>>[vector<16xi32>], vector<16xf32>,
        %mul3A_279 = arith.constant 5 : i32
        %mul3A_280 = arith.muli %scan3A_106, %mul3A_279 : i32
        %add3A_281 = arith.constant 2 : i32
        %add3A_282 = arith.addi %mul3A_280, %add3A_281 : i32
        %mul3A_283 = arith.constant 16 : i32
        %mul3A_284 = arith.muli %add3A_282, %mul3A_283 : i32
        %add3A_285 = arith.constant 0 : i32
        %add3A_286 = arith.addi %add3A_285, %mul3A_284 : i32
        %get3A_287 = arith.index_cast %add3A_286 : i32 to index
        %get3A_288 = tpu.vector_load %arg14[%get3A_287] {strides = array<i32>} : memref<4000xi32, #tpu.memory_space<vmem>>, vector<16xi32>,
        %get3A_289 = arith.index_cast %add3A_286 : i32 to index
        %get3A_290 = tpu.vector_load %arg15[%get3A_289] {strides = array<i32>} : memref<4000xi32, #tpu.memory_space<vmem>>, vector<16xi32>,
        %add3A_291 = arith.constant 0 : i32
        %add3A_292 = vector.broadcast %add3A_291 : i32 to vector<16xi32>
        %add3A_293 = arith.addi %get3A_288, %add3A_292 : vector<16xi32>
        %gather3A_294 = tpu.vector_load_idx %arg9[%add3A_293] : memref<40000xf32, #tpu.memory_space<vmem>>[vector<16xi32>], vector<16xf32>,
        %add3A_295 = arith.constant 10000 : i32
        %add3A_296 = vector.broadcast %add3A_295 : i32 to vector<16xi32>
        %add3A_297 = arith.addi %get3A_288, %add3A_296 : vector<16xi32>
        %gather3A_298 = tpu.vector_load_idx %arg9[%add3A_297] : memref<40000xf32, #tpu.memory_space<vmem>>[vector<16xi32>], vector<16xf32>,
        %add3A_299 = arith.constant 20000 : i32
        %add3A_300 = vector.broadcast %add3A_299 : i32 to vector<16xi32>
        %add3A_301 = arith.addi %get3A_288, %add3A_300 : vector<16xi32>
        %gather3A_302 = tpu.vector_load_idx %arg9[%add3A_301] : memref<40000xf32, #tpu.memory_space<vmem>>[vector<16xi32>], vector<16xf32>,
        %add3A_303 = arith.constant 30000 : i32
        %add3A_304 = vector.broadcast %add3A_303 : i32 to vector<16xi32>
        %add3A_305 = arith.addi %get3A_288, %add3A_304 : vector<16xi32>
        %gather3A_306 = tpu.vector_load_idx %arg9[%add3A_305] : memref<40000xf32, #tpu.memory_space<vmem>>[vector<16xi32>], vector<16xf32>,
        %add3A_307 = arith.constant 0 : i32
        %add3A_308 = vector.broadcast %add3A_307 : i32 to vector<16xi32>
        %add3A_309 = arith.addi %get3A_290, %add3A_308 : vector<16xi32>
        %gather3A_310 = tpu.vector_load_idx %arg10[%add3A_309] : memref<20000xf32, #tpu.memory_space<vmem>>[vector<16xi32>], vector<16xf32>,
        %add3A_311 = arith.constant 10000 : i32
        %add3A_312 = vector.broadcast %add3A_311 : i32 to vector<16xi32>
        %add3A_313 = arith.addi %get3A_290, %add3A_312 : vector<16xi32>
        %gather3A_314 = tpu.vector_load_idx %arg10[%add3A_313] : memref<20000xf32, #tpu.memory_space<vmem>>[vector<16xi32>], vector<16xf32>,
        %mul3A_315 = arith.mulf %gather3A_294, %get3A_9 : vector<16xf32>
        %mul3A_316 = arith.mulf %gather3A_298, %get3A_11 : vector<16xf32>
        %add3A_317 = arith.addf %mul3A_315, %mul3A_316 : vector<16xf32>
        %add3A_318 = arith.addf %add3A_317, %gather3A_310 : vector<16xf32>
        %mul3A_319 = arith.constant 2.000000e-01 : f32
        %mul3A_320 = vector.broadcast %mul3A_319 : f32 to vector<16xf32>
        %mul3A_321 = arith.mulf %add3A_318, %mul3A_320 : vector<16xf32>
        %max3A_322 = arith.maximumf %add3A_318, %mul3A_321 : vector<16xf32>
        %add3A_323 = arith.addf %gather3A_310, %get3A_17 : vector<16xf32>
        %mul3A_324 = arith.constant 2.000000e-01 : f32
        %mul3A_325 = vector.broadcast %mul3A_324 : f32 to vector<16xf32>
        %mul3A_326 = arith.mulf %add3A_323, %mul3A_325 : vector<16xf32>
        %max3A_327 = arith.maximumf %add3A_323, %mul3A_326 : vector<16xf32>
        %sub3A_328 = arith.subf %max3A_322, %max3A_327 : vector<16xf32>
        %exp3A_329 = math.exp %sub3A_328 : vector<16xf32>
        %add3A_330 = arith.constant 40000 : i32
        %add3A_331 = vector.broadcast %add3A_330 : i32 to vector<16xi32>
        %add3A_332 = arith.addi %get3A_290, %add3A_331 : vector<16xi32>
        tpu.vector_store_idx %arg13[%add3A_332], %exp3A_329 {add = true} : memref<60000xf32, #tpu.memory_space<vmem>>[vector<16xi32>], vector<16xf32>,
        %add3A_333 = arith.constant 0 : i32
        %add3A_334 = vector.broadcast %add3A_333 : i32 to vector<16xi32>
        %add3A_335 = arith.addi %get3A_290, %add3A_334 : vector<16xi32>
        %mul3A_336 = arith.mulf %exp3A_329, %gather3A_294 : vector<16xf32>
        tpu.vector_store_idx %arg13[%add3A_335], %mul3A_336 {add = true} : memref<60000xf32, #tpu.memory_space<vmem>>[vector<16xi32>], vector<16xf32>,
        %add3A_337 = arith.constant 10000 : i32
        %add3A_338 = vector.broadcast %add3A_337 : i32 to vector<16xi32>
        %add3A_339 = arith.addi %get3A_290, %add3A_338 : vector<16xi32>
        %mul3A_340 = arith.mulf %exp3A_329, %gather3A_298 : vector<16xf32>
        tpu.vector_store_idx %arg13[%add3A_339], %mul3A_340 {add = true} : memref<60000xf32, #tpu.memory_space<vmem>>[vector<16xi32>], vector<16xf32>,
        %mul3A_341 = arith.mulf %gather3A_302, %get3A_13 : vector<16xf32>
        %mul3A_342 = arith.mulf %gather3A_306, %get3A_15 : vector<16xf32>
        %add3A_343 = arith.addf %mul3A_341, %mul3A_342 : vector<16xf32>
        %add3A_344 = arith.addf %add3A_343, %gather3A_314 : vector<16xf32>
        %mul3A_345 = arith.constant 2.000000e-01 : f32
        %mul3A_346 = vector.broadcast %mul3A_345 : f32 to vector<16xf32>
        %mul3A_347 = arith.mulf %add3A_344, %mul3A_346 : vector<16xf32>
        %max3A_348 = arith.maximumf %add3A_344, %mul3A_347 : vector<16xf32>
        %add3A_349 = arith.addf %gather3A_314, %get3A_19 : vector<16xf32>
        %mul3A_350 = arith.constant 2.000000e-01 : f32
        %mul3A_351 = vector.broadcast %mul3A_350 : f32 to vector<16xf32>
        %mul3A_352 = arith.mulf %add3A_349, %mul3A_351 : vector<16xf32>
        %max3A_353 = arith.maximumf %add3A_349, %mul3A_352 : vector<16xf32>
        %sub3A_354 = arith.subf %max3A_348, %max3A_353 : vector<16xf32>
        %exp3A_355 = math.exp %sub3A_354 : vector<16xf32>
        %add3A_356 = arith.constant 50000 : i32
        %add3A_357 = vector.broadcast %add3A_356 : i32 to vector<16xi32>
        %add3A_358 = arith.addi %get3A_290, %add3A_357 : vector<16xi32>
        tpu.vector_store_idx %arg13[%add3A_358], %exp3A_355 {add = true} : memref<60000xf32, #tpu.memory_space<vmem>>[vector<16xi32>], vector<16xf32>,
        %add3A_359 = arith.constant 20000 : i32
        %add3A_360 = vector.broadcast %add3A_359 : i32 to vector<16xi32>
        %add3A_361 = arith.addi %get3A_290, %add3A_360 : vector<16xi32>
        %mul3A_362 = arith.mulf %exp3A_355, %gather3A_302 : vector<16xf32>
        tpu.vector_store_idx %arg13[%add3A_361], %mul3A_362 {add = true} : memref<60000xf32, #tpu.memory_space<vmem>>[vector<16xi32>], vector<16xf32>,
        %add3A_363 = arith.constant 30000 : i32
        %add3A_364 = vector.broadcast %add3A_363 : i32 to vector<16xi32>
        %add3A_365 = arith.addi %get3A_290, %add3A_364 : vector<16xi32>
        %mul3A_366 = arith.mulf %exp3A_355, %gather3A_306 : vector<16xf32>
        tpu.vector_store_idx %arg13[%add3A_365], %mul3A_366 {add = true} : memref<60000xf32, #tpu.memory_space<vmem>>[vector<16xi32>], vector<16xf32>,
        %mul3A_367 = arith.constant 5 : i32
        %mul3A_368 = arith.muli %scan3A_106, %mul3A_367 : i32
        %add3A_369 = arith.constant 3 : i32
        %add3A_370 = arith.addi %mul3A_368, %add3A_369 : i32
        %mul3A_371 = arith.constant 16 : i32
        %mul3A_372 = arith.muli %add3A_370, %mul3A_371 : i32
        %add3A_373 = arith.constant 0 : i32
        %add3A_374 = arith.addi %add3A_373, %mul3A_372 : i32
        %get3A_375 = arith.index_cast %add3A_374 : i32 to index
        %get3A_376 = tpu.vector_load %arg14[%get3A_375] {strides = array<i32>} : memref<4000xi32, #tpu.memory_space<vmem>>, vector<16xi32>,
        %get3A_377 = arith.index_cast %add3A_374 : i32 to index
        %get3A_378 = tpu.vector_load %arg15[%get3A_377] {strides = array<i32>} : memref<4000xi32, #tpu.memory_space<vmem>>, vector<16xi32>,
        %add3A_379 = arith.constant 0 : i32
        %add3A_380 = vector.broadcast %add3A_379 : i32 to vector<16xi32>
        %add3A_381 = arith.addi %get3A_376, %add3A_380 : vector<16xi32>
        %gather3A_382 = tpu.vector_load_idx %arg9[%add3A_381] : memref<40000xf32, #tpu.memory_space<vmem>>[vector<16xi32>], vector<16xf32>,
        %add3A_383 = arith.constant 10000 : i32
        %add3A_384 = vector.broadcast %add3A_383 : i32 to vector<16xi32>
        %add3A_385 = arith.addi %get3A_376, %add3A_384 : vector<16xi32>
        %gather3A_386 = tpu.vector_load_idx %arg9[%add3A_385] : memref<40000xf32, #tpu.memory_space<vmem>>[vector<16xi32>], vector<16xf32>,
        %add3A_387 = arith.constant 20000 : i32
        %add3A_388 = vector.broadcast %add3A_387 : i32 to vector<16xi32>
        %add3A_389 = arith.addi %get3A_376, %add3A_388 : vector<16xi32>
        %gather3A_390 = tpu.vector_load_idx %arg9[%add3A_389] : memref<40000xf32, #tpu.memory_space<vmem>>[vector<16xi32>], vector<16xf32>,
        %add3A_391 = arith.constant 30000 : i32
        %add3A_392 = vector.broadcast %add3A_391 : i32 to vector<16xi32>
        %add3A_393 = arith.addi %get3A_376, %add3A_392 : vector<16xi32>
        %gather3A_394 = tpu.vector_load_idx %arg9[%add3A_393] : memref<40000xf32, #tpu.memory_space<vmem>>[vector<16xi32>], vector<16xf32>,
        %add3A_395 = arith.constant 0 : i32
        %add3A_396 = vector.broadcast %add3A_395 : i32 to vector<16xi32>
        %add3A_397 = arith.addi %get3A_378, %add3A_396 : vector<16xi32>
        %gather3A_398 = tpu.vector_load_idx %arg10[%add3A_397] : memref<20000xf32, #tpu.memory_space<vmem>>[vector<16xi32>], vector<16xf32>,
        %add3A_399 = arith.constant 10000 : i32
        %add3A_400 = vector.broadcast %add3A_399 : i32 to vector<16xi32>
        %add3A_401 = arith.addi %get3A_378, %add3A_400 : vector<16xi32>
        %gather3A_402 = tpu.vector_load_idx %arg10[%add3A_401] : memref<20000xf32, #tpu.memory_space<vmem>>[vector<16xi32>], vector<16xf32>,
        %mul3A_403 = arith.mulf %gather3A_382, %get3A_9 : vector<16xf32>
        %mul3A_404 = arith.mulf %gather3A_386, %get3A_11 : vector<16xf32>
        %add3A_405 = arith.addf %mul3A_403, %mul3A_404 : vector<16xf32>
        %add3A_406 = arith.addf %add3A_405, %gather3A_398 : vector<16xf32>
        %mul3A_407 = arith.constant 2.000000e-01 : f32
        %mul3A_408 = vector.broadcast %mul3A_407 : f32 to vector<16xf32>
        %mul3A_409 = arith.mulf %add3A_406, %mul3A_408 : vector<16xf32>
        %max3A_410 = arith.maximumf %add3A_406, %mul3A_409 : vector<16xf32>
        %add3A_411 = arith.addf %gather3A_398, %get3A_17 : vector<16xf32>
        %mul3A_412 = arith.constant 2.000000e-01 : f32
        %mul3A_413 = vector.broadcast %mul3A_412 : f32 to vector<16xf32>
        %mul3A_414 = arith.mulf %add3A_411, %mul3A_413 : vector<16xf32>
        %max3A_415 = arith.maximumf %add3A_411, %mul3A_414 : vector<16xf32>
        %sub3A_416 = arith.subf %max3A_410, %max3A_415 : vector<16xf32>
        %exp3A_417 = math.exp %sub3A_416 : vector<16xf32>
        %add3A_418 = arith.constant 40000 : i32
        %add3A_419 = vector.broadcast %add3A_418 : i32 to vector<16xi32>
        %add3A_420 = arith.addi %get3A_378, %add3A_419 : vector<16xi32>
        tpu.vector_store_idx %arg13[%add3A_420], %exp3A_417 {add = true} : memref<60000xf32, #tpu.memory_space<vmem>>[vector<16xi32>], vector<16xf32>,
        %add3A_421 = arith.constant 0 : i32
        %add3A_422 = vector.broadcast %add3A_421 : i32 to vector<16xi32>
        %add3A_423 = arith.addi %get3A_378, %add3A_422 : vector<16xi32>
        %mul3A_424 = arith.mulf %exp3A_417, %gather3A_382 : vector<16xf32>
        tpu.vector_store_idx %arg13[%add3A_423], %mul3A_424 {add = true} : memref<60000xf32, #tpu.memory_space<vmem>>[vector<16xi32>], vector<16xf32>,
        %add3A_425 = arith.constant 10000 : i32
        %add3A_426 = vector.broadcast %add3A_425 : i32 to vector<16xi32>
        %add3A_427 = arith.addi %get3A_378, %add3A_426 : vector<16xi32>
        %mul3A_428 = arith.mulf %exp3A_417, %gather3A_386 : vector<16xf32>
        tpu.vector_store_idx %arg13[%add3A_427], %mul3A_428 {add = true} : memref<60000xf32, #tpu.memory_space<vmem>>[vector<16xi32>], vector<16xf32>,
        %mul3A_429 = arith.mulf %gather3A_390, %get3A_13 : vector<16xf32>
        %mul3A_430 = arith.mulf %gather3A_394, %get3A_15 : vector<16xf32>
        %add3A_431 = arith.addf %mul3A_429, %mul3A_430 : vector<16xf32>
        %add3A_432 = arith.addf %add3A_431, %gather3A_402 : vector<16xf32>
        %mul3A_433 = arith.constant 2.000000e-01 : f32
        %mul3A_434 = vector.broadcast %mul3A_433 : f32 to vector<16xf32>
        %mul3A_435 = arith.mulf %add3A_432, %mul3A_434 : vector<16xf32>
        %max3A_436 = arith.maximumf %add3A_432, %mul3A_435 : vector<16xf32>
        %add3A_437 = arith.addf %gather3A_402, %get3A_19 : vector<16xf32>
        %mul3A_438 = arith.constant 2.000000e-01 : f32
        %mul3A_439 = vector.broadcast %mul3A_438 : f32 to vector<16xf32>
        %mul3A_440 = arith.mulf %add3A_437, %mul3A_439 : vector<16xf32>
        %max3A_441 = arith.maximumf %add3A_437, %mul3A_440 : vector<16xf32>
        %sub3A_442 = arith.subf %max3A_436, %max3A_441 : vector<16xf32>
        %exp3A_443 = math.exp %sub3A_442 : vector<16xf32>
        %add3A_444 = arith.constant 50000 : i32
        %add3A_445 = vector.broadcast %add3A_444 : i32 to vector<16xi32>
        %add3A_446 = arith.addi %get3A_378, %add3A_445 : vector<16xi32>
        tpu.vector_store_idx %arg13[%add3A_446], %exp3A_443 {add = true} : memref<60000xf32, #tpu.memory_space<vmem>>[vector<16xi32>], vector<16xf32>,
        %add3A_447 = arith.constant 20000 : i32
        %add3A_448 = vector.broadcast %add3A_447 : i32 to vector<16xi32>
        %add3A_449 = arith.addi %get3A_378, %add3A_448 : vector<16xi32>
        %mul3A_450 = arith.mulf %exp3A_443, %gather3A_390 : vector<16xf32>
        tpu.vector_store_idx %arg13[%add3A_449], %mul3A_450 {add = true} : memref<60000xf32, #tpu.memory_space<vmem>>[vector<16xi32>], vector<16xf32>,
        %add3A_451 = arith.constant 30000 : i32
        %add3A_452 = vector.broadcast %add3A_451 : i32 to vector<16xi32>
        %add3A_453 = arith.addi %get3A_378, %add3A_452 : vector<16xi32>
        %mul3A_454 = arith.mulf %exp3A_443, %gather3A_394 : vector<16xf32>
        tpu.vector_store_idx %arg13[%add3A_453], %mul3A_454 {add = true} : memref<60000xf32, #tpu.memory_space<vmem>>[vector<16xi32>], vector<16xf32>,
        %mul3A_455 = arith.constant 5 : i32
        %mul3A_456 = arith.muli %scan3A_106, %mul3A_455 : i32
        %add3A_457 = arith.constant 4 : i32
        %add3A_458 = arith.addi %mul3A_456, %add3A_457 : i32
        %mul3A_459 = arith.constant 16 : i32
        %mul3A_460 = arith.muli %add3A_458, %mul3A_459 : i32
        %add3A_461 = arith.constant 0 : i32
        %add3A_462 = arith.addi %add3A_461, %mul3A_460 : i32
        %get3A_463 = arith.index_cast %add3A_462 : i32 to index
        %get3A_464 = tpu.vector_load %arg14[%get3A_463] {strides = array<i32>} : memref<4000xi32, #tpu.memory_space<vmem>>, vector<16xi32>,
        %get3A_465 = arith.index_cast %add3A_462 : i32 to index
        %get3A_466 = tpu.vector_load %arg15[%get3A_465] {strides = array<i32>} : memref<4000xi32, #tpu.memory_space<vmem>>, vector<16xi32>,
        %add3A_467 = arith.constant 0 : i32
        %add3A_468 = vector.broadcast %add3A_467 : i32 to vector<16xi32>
        %add3A_469 = arith.addi %get3A_464, %add3A_468 : vector<16xi32>
        %gather3A_470 = tpu.vector_load_idx %arg9[%add3A_469] : memref<40000xf32, #tpu.memory_space<vmem>>[vector<16xi32>], vector<16xf32>,
        %add3A_471 = arith.constant 10000 : i32
        %add3A_472 = vector.broadcast %add3A_471 : i32 to vector<16xi32>
        %add3A_473 = arith.addi %get3A_464, %add3A_472 : vector<16xi32>
        %gather3A_474 = tpu.vector_load_idx %arg9[%add3A_473] : memref<40000xf32, #tpu.memory_space<vmem>>[vector<16xi32>], vector<16xf32>,
        %add3A_475 = arith.constant 20000 : i32
        %add3A_476 = vector.broadcast %add3A_475 : i32 to vector<16xi32>
        %add3A_477 = arith.addi %get3A_464, %add3A_476 : vector<16xi32>
        %gather3A_478 = tpu.vector_load_idx %arg9[%add3A_477] : memref<40000xf32, #tpu.memory_space<vmem>>[vector<16xi32>], vector<16xf32>,
        %add3A_479 = arith.constant 30000 : i32
        %add3A_480 = vector.broadcast %add3A_479 : i32 to vector<16xi32>
        %add3A_481 = arith.addi %get3A_464, %add3A_480 : vector<16xi32>
        %gather3A_482 = tpu.vector_load_idx %arg9[%add3A_481] : memref<40000xf32, #tpu.memory_space<vmem>>[vector<16xi32>], vector<16xf32>,
        %add3A_483 = arith.constant 0 : i32
        %add3A_484 = vector.broadcast %add3A_483 : i32 to vector<16xi32>
        %add3A_485 = arith.addi %get3A_466, %add3A_484 : vector<16xi32>
        %gather3A_486 = tpu.vector_load_idx %arg10[%add3A_485] : memref<20000xf32, #tpu.memory_space<vmem>>[vector<16xi32>], vector<16xf32>,
        %add3A_487 = arith.constant 10000 : i32
        %add3A_488 = vector.broadcast %add3A_487 : i32 to vector<16xi32>
        %add3A_489 = arith.addi %get3A_466, %add3A_488 : vector<16xi32>
        %gather3A_490 = tpu.vector_load_idx %arg10[%add3A_489] : memref<20000xf32, #tpu.memory_space<vmem>>[vector<16xi32>], vector<16xf32>,
        %mul3A_491 = arith.mulf %gather3A_470, %get3A_9 : vector<16xf32>
        %mul3A_492 = arith.mulf %gather3A_474, %get3A_11 : vector<16xf32>
        %add3A_493 = arith.addf %mul3A_491, %mul3A_492 : vector<16xf32>
        %add3A_494 = arith.addf %add3A_493, %gather3A_486 : vector<16xf32>
        %mul3A_495 = arith.constant 2.000000e-01 : f32
        %mul3A_496 = vector.broadcast %mul3A_495 : f32 to vector<16xf32>
        %mul3A_497 = arith.mulf %add3A_494, %mul3A_496 : vector<16xf32>
        %max3A_498 = arith.maximumf %add3A_494, %mul3A_497 : vector<16xf32>
        %add3A_499 = arith.addf %gather3A_486, %get3A_17 : vector<16xf32>
        %mul3A_500 = arith.constant 2.000000e-01 : f32
        %mul3A_501 = vector.broadcast %mul3A_500 : f32 to vector<16xf32>
        %mul3A_502 = arith.mulf %add3A_499, %mul3A_501 : vector<16xf32>
        %max3A_503 = arith.maximumf %add3A_499, %mul3A_502 : vector<16xf32>
        %sub3A_504 = arith.subf %max3A_498, %max3A_503 : vector<16xf32>
        %exp3A_505 = math.exp %sub3A_504 : vector<16xf32>
        %add3A_506 = arith.constant 40000 : i32
        %add3A_507 = vector.broadcast %add3A_506 : i32 to vector<16xi32>
        %add3A_508 = arith.addi %get3A_466, %add3A_507 : vector<16xi32>
        tpu.vector_store_idx %arg13[%add3A_508], %exp3A_505 {add = true} : memref<60000xf32, #tpu.memory_space<vmem>>[vector<16xi32>], vector<16xf32>,
        %add3A_509 = arith.constant 0 : i32
        %add3A_510 = vector.broadcast %add3A_509 : i32 to vector<16xi32>
        %add3A_511 = arith.addi %get3A_466, %add3A_510 : vector<16xi32>
        %mul3A_512 = arith.mulf %exp3A_505, %gather3A_470 : vector<16xf32>
        tpu.vector_store_idx %arg13[%add3A_511], %mul3A_512 {add = true} : memref<60000xf32, #tpu.memory_space<vmem>>[vector<16xi32>], vector<16xf32>,
        %add3A_513 = arith.constant 10000 : i32
        %add3A_514 = vector.broadcast %add3A_513 : i32 to vector<16xi32>
        %add3A_515 = arith.addi %get3A_466, %add3A_514 : vector<16xi32>
        %mul3A_516 = arith.mulf %exp3A_505, %gather3A_474 : vector<16xf32>
        tpu.vector_store_idx %arg13[%add3A_515], %mul3A_516 {add = true} : memref<60000xf32, #tpu.memory_space<vmem>>[vector<16xi32>], vector<16xf32>,
        %mul3A_517 = arith.mulf %gather3A_478, %get3A_13 : vector<16xf32>
        %mul3A_518 = arith.mulf %gather3A_482, %get3A_15 : vector<16xf32>
        %add3A_519 = arith.addf %mul3A_517, %mul3A_518 : vector<16xf32>
        %add3A_520 = arith.addf %add3A_519, %gather3A_490 : vector<16xf32>
        %mul3A_521 = arith.constant 2.000000e-01 : f32
        %mul3A_522 = vector.broadcast %mul3A_521 : f32 to vector<16xf32>
        %mul3A_523 = arith.mulf %add3A_520, %mul3A_522 : vector<16xf32>
        %max3A_524 = arith.maximumf %add3A_520, %mul3A_523 : vector<16xf32>
        %add3A_525 = arith.addf %gather3A_490, %get3A_19 : vector<16xf32>
        %mul3A_526 = arith.constant 2.000000e-01 : f32
        %mul3A_527 = vector.broadcast %mul3A_526 : f32 to vector<16xf32>
        %mul3A_528 = arith.mulf %add3A_525, %mul3A_527 : vector<16xf32>
        %max3A_529 = arith.maximumf %add3A_525, %mul3A_528 : vector<16xf32>
        %sub3A_530 = arith.subf %max3A_524, %max3A_529 : vector<16xf32>
        %exp3A_531 = math.exp %sub3A_530 : vector<16xf32>
        %add3A_532 = arith.constant 50000 : i32
        %add3A_533 = vector.broadcast %add3A_532 : i32 to vector<16xi32>
        %add3A_534 = arith.addi %get3A_466, %add3A_533 : vector<16xi32>
        tpu.vector_store_idx %arg13[%add3A_534], %exp3A_531 {add = true} : memref<60000xf32, #tpu.memory_space<vmem>>[vector<16xi32>], vector<16xf32>,
        %add3A_535 = arith.constant 20000 : i32
        %add3A_536 = vector.broadcast %add3A_535 : i32 to vector<16xi32>
        %add3A_537 = arith.addi %get3A_466, %add3A_536 : vector<16xi32>
        %mul3A_538 = arith.mulf %exp3A_531, %gather3A_478 : vector<16xf32>
        tpu.vector_store_idx %arg13[%add3A_537], %mul3A_538 {add = true} : memref<60000xf32, #tpu.memory_space<vmem>>[vector<16xi32>], vector<16xf32>,
        %add3A_539 = arith.constant 30000 : i32
        %add3A_540 = vector.broadcast %add3A_539 : i32 to vector<16xi32>
        %add3A_541 = arith.addi %get3A_466, %add3A_540 : vector<16xi32>
        %mul3A_542 = arith.mulf %exp3A_531, %gather3A_482 : vector<16xf32>
        tpu.vector_store_idx %arg13[%add3A_541], %mul3A_542 {add = true} : memref<60000xf32, #tpu.memory_space<vmem>>[vector<16xi32>], vector<16xf32>,
      }
      %scan3A_79 = arith.constant 25 : i32
      %dma_wait3A_80 = arith.constant 2000 : i32
      %dma_wait3A_81 = tpu.memref_slice %arg14[%dma_wait3A_80] : memref<4000xi32, #tpu.memory_space<vmem>> -> memref<2000xi32, #tpu.memory_space<vmem>>
      %dma_wait3A_82 = arith.constant 0 : i32
      %dma_wait3A_83 = tpu.memref_slice %arg6[%dma_wait3A_82] : memref<640000xi32, #tpu.memory_space<hbm>> -> memref<2000xi32, #tpu.memory_space<hbm>>
      %dma_wait3A_84 = arith.constant 2000 : i32
      %dma_wait3A_85 = tpu.memref_slice %arg14[%dma_wait3A_84] : memref<4000xi32, #tpu.memory_space<vmem>> -> memref<2000xi32, #tpu.memory_space<vmem>>
      %dma_wait3A_86 = arith.constant 0 : i32
      %dma_wait3A_87 = tpu.memref_slice %arg6[%dma_wait3A_86] : memref<640000xi32, #tpu.memory_space<hbm>> -> memref<2000xi32, #tpu.memory_space<hbm>>
      tpu.wait_dma2 semaphore(%arg17 : memref<!tpu.dma_semaphore, #tpu.memory_space<semaphore_mem>>) src(%dma_wait3A_87 : memref<2000xi32, #tpu.memory_space<hbm>>) dst(%dma_wait3A_85 : memref<2000xi32, #tpu.memory_space<vmem>>)
      %dma_wait3A_88 = arith.constant 2000 : i32
      %dma_wait3A_89 = tpu.memref_slice %arg15[%dma_wait3A_88] : memref<4000xi32, #tpu.memory_space<vmem>> -> memref<2000xi32, #tpu.memory_space<vmem>>
      %dma_wait3A_90 = arith.constant 0 : i32
      %dma_wait3A_91 = tpu.memref_slice %arg7[%dma_wait3A_90] : memref<640000xi32, #tpu.memory_space<hbm>> -> memref<2000xi32, #tpu.memory_space<hbm>>
      %dma_wait3A_92 = arith.constant 2000 : i32
      %dma_wait3A_93 = tpu.memref_slice %arg15[%dma_wait3A_92] : memref<4000xi32, #tpu.memory_space<vmem>> -> memref<2000xi32, #tpu.memory_space<vmem>>
      %dma_wait3A_94 = arith.constant 0 : i32
      %dma_wait3A_95 = tpu.memref_slice %arg7[%dma_wait3A_94] : memref<640000xi32, #tpu.memory_space<hbm>> -> memref<2000xi32, #tpu.memory_space<hbm>>
      tpu.wait_dma2 semaphore(%arg17 : memref<!tpu.dma_semaphore, #tpu.memory_space<semaphore_mem>>) src(%dma_wait3A_95 : memref<2000xi32, #tpu.memory_space<hbm>>) dst(%dma_wait3A_93 : memref<2000xi32, #tpu.memory_space<vmem>>)
      %add3A_96 = arith.constant 2 : i32
      %add3A_97 = arith.addi %mul3A_41, %add3A_96 : i32
      %lt3A = arith.constant 10 : i32
      %lt3A_98 = arith.cmpi slt, %add3A_97, %lt3A : i32
      %convert_element_type3A = arith.extui %lt3A_98 : i1 to i32
      %cond3A = arith.constant 0 : i32
      %cond3A_99 = arith.cmpi ne, %convert_element_type3A, %cond3A : i32
      scf.if %cond3A_99 {
        %add3A_106 = arith.constant 2 : i32
        %add3A_107 = arith.addi %mul3A_41, %add3A_106 : i32
        %mul3A_108 = arith.constant 2000 : i32
        %mul3A_109 = arith.muli %add3A_107, %mul3A_108 : i32
        %add3A_110 = arith.addi %mul3A_2, %mul3A_109 : i32
        %dma_start3A_111 = arith.constant 0 : i32
        %dma_start3A_112 = tpu.memref_slice %arg14[%dma_start3A_111] : memref<4000xi32, #tpu.memory_space<vmem>> -> memref<2000xi32, #tpu.memory_space<vmem>>
        %dma_start3A_113 = tpu.memref_slice %arg6[%add3A_110] : memref<640000xi32, #tpu.memory_space<hbm>> -> memref<2000xi32, #tpu.memory_space<hbm>>
        %dma_start3A_114 = arith.constant 0 : i32
        %dma_start3A_115 = tpu.memref_slice %arg14[%dma_start3A_114] : memref<4000xi32, #tpu.memory_space<vmem>> -> memref<2000xi32, #tpu.memory_space<vmem>>
        %dma_start3A_116 = tpu.memref_slice %arg6[%add3A_110] : memref<640000xi32, #tpu.memory_space<hbm>> -> memref<2000xi32, #tpu.memory_space<hbm>>
        tpu.enqueue_dma source(%dma_start3A_116 : memref<2000xi32, #tpu.memory_space<hbm>>) target(%dma_start3A_115 : memref<2000xi32, #tpu.memory_space<vmem>>) target_semaphore(%arg16 : memref<!tpu.dma_semaphore, #tpu.memory_space<semaphore_mem>>)
        %dma_start3A_117 = arith.constant 0 : i32
        %dma_start3A_118 = tpu.memref_slice %arg15[%dma_start3A_117] : memref<4000xi32, #tpu.memory_space<vmem>> -> memref<2000xi32, #tpu.memory_space<vmem>>
        %dma_start3A_119 = tpu.memref_slice %arg7[%add3A_110] : memref<640000xi32, #tpu.memory_space<hbm>> -> memref<2000xi32, #tpu.memory_space<hbm>>
        %dma_start3A_120 = arith.constant 0 : i32
        %dma_start3A_121 = tpu.memref_slice %arg15[%dma_start3A_120] : memref<4000xi32, #tpu.memory_space<vmem>> -> memref<2000xi32, #tpu.memory_space<vmem>>
        %dma_start3A_122 = tpu.memref_slice %arg7[%add3A_110] : memref<640000xi32, #tpu.memory_space<hbm>> -> memref<2000xi32, #tpu.memory_space<hbm>>
        tpu.enqueue_dma source(%dma_start3A_122 : memref<2000xi32, #tpu.memory_space<hbm>>) target(%dma_start3A_121 : memref<2000xi32, #tpu.memory_space<vmem>>) target_semaphore(%arg16 : memref<!tpu.dma_semaphore, #tpu.memory_space<semaphore_mem>>)
      } else {
      }
      %scan3A_100 = arith.constant 0 : i32
      %scan3A_101 = arith.constant 0 : i32
      %scan3A_102 = arith.constant 25 : i32
      %scan3A_103 = arith.addi %scan3A_101, %scan3A_102 : i32
      %scan3A_104 = arith.constant 1 : i32
      scf.for %scan3A_106 = %scan3A_101 to %scan3A_103 step %scan3A_104  : i32 {
        %mul3A_107 = arith.constant 5 : i32
        %mul3A_108 = arith.muli %scan3A_106, %mul3A_107 : i32
        %add3A_109 = arith.constant 0 : i32
        %add3A_110 = arith.addi %mul3A_108, %add3A_109 : i32
        %mul3A_111 = arith.constant 16 : i32
        %mul3A_112 = arith.muli %add3A_110, %mul3A_111 : i32
        %add3A_113 = arith.constant 2000 : i32
        %add3A_114 = arith.addi %add3A_113, %mul3A_112 : i32
        %get3A_115 = arith.index_cast %add3A_114 : i32 to index
        %get3A_116 = tpu.vector_load %arg14[%get3A_115] {strides = array<i32>} : memref<4000xi32, #tpu.memory_space<vmem>>, vector<16xi32>,
        %get3A_117 = arith.index_cast %add3A_114 : i32 to index
        %get3A_118 = tpu.vector_load %arg15[%get3A_117] {strides = array<i32>} : memref<4000xi32, #tpu.memory_space<vmem>>, vector<16xi32>,
        %add3A_119 = arith.constant 0 : i32
        %add3A_120 = vector.broadcast %add3A_119 : i32 to vector<16xi32>
        %add3A_121 = arith.addi %get3A_116, %add3A_120 : vector<16xi32>
        %gather3A = tpu.vector_load_idx %arg9[%add3A_121] : memref<40000xf32, #tpu.memory_space<vmem>>[vector<16xi32>], vector<16xf32>,
        %add3A_122 = arith.constant 10000 : i32
        %add3A_123 = vector.broadcast %add3A_122 : i32 to vector<16xi32>
        %add3A_124 = arith.addi %get3A_116, %add3A_123 : vector<16xi32>
        %gather3A_125 = tpu.vector_load_idx %arg9[%add3A_124] : memref<40000xf32, #tpu.memory_space<vmem>>[vector<16xi32>], vector<16xf32>,
        %add3A_126 = arith.constant 20000 : i32
        %add3A_127 = vector.broadcast %add3A_126 : i32 to vector<16xi32>
        %add3A_128 = arith.addi %get3A_116, %add3A_127 : vector<16xi32>
        %gather3A_129 = tpu.vector_load_idx %arg9[%add3A_128] : memref<40000xf32, #tpu.memory_space<vmem>>[vector<16xi32>], vector<16xf32>,
        %add3A_130 = arith.constant 30000 : i32
        %add3A_131 = vector.broadcast %add3A_130 : i32 to vector<16xi32>
        %add3A_132 = arith.addi %get3A_116, %add3A_131 : vector<16xi32>
        %gather3A_133 = tpu.vector_load_idx %arg9[%add3A_132] : memref<40000xf32, #tpu.memory_space<vmem>>[vector<16xi32>], vector<16xf32>,
        %add3A_134 = arith.constant 0 : i32
        %add3A_135 = vector.broadcast %add3A_134 : i32 to vector<16xi32>
        %add3A_136 = arith.addi %get3A_118, %add3A_135 : vector<16xi32>
        %gather3A_137 = tpu.vector_load_idx %arg10[%add3A_136] : memref<20000xf32, #tpu.memory_space<vmem>>[vector<16xi32>], vector<16xf32>,
        %add3A_138 = arith.constant 10000 : i32
        %add3A_139 = vector.broadcast %add3A_138 : i32 to vector<16xi32>
        %add3A_140 = arith.addi %get3A_118, %add3A_139 : vector<16xi32>
        %gather3A_141 = tpu.vector_load_idx %arg10[%add3A_140] : memref<20000xf32, #tpu.memory_space<vmem>>[vector<16xi32>], vector<16xf32>,
        %mul3A_142 = arith.mulf %gather3A, %get3A_9 : vector<16xf32>
        %mul3A_143 = arith.mulf %gather3A_125, %get3A_11 : vector<16xf32>
        %add3A_144 = arith.addf %mul3A_142, %mul3A_143 : vector<16xf32>
        %add3A_145 = arith.addf %add3A_144, %gather3A_137 : vector<16xf32>
        %mul3A_146 = arith.constant 2.000000e-01 : f32
        %mul3A_147 = vector.broadcast %mul3A_146 : f32 to vector<16xf32>
        %mul3A_148 = arith.mulf %add3A_145, %mul3A_147 : vector<16xf32>
        %max3A = arith.maximumf %add3A_145, %mul3A_148 : vector<16xf32>
        %add3A_149 = arith.addf %gather3A_137, %get3A_17 : vector<16xf32>
        %mul3A_150 = arith.constant 2.000000e-01 : f32
        %mul3A_151 = vector.broadcast %mul3A_150 : f32 to vector<16xf32>
        %mul3A_152 = arith.mulf %add3A_149, %mul3A_151 : vector<16xf32>
        %max3A_153 = arith.maximumf %add3A_149, %mul3A_152 : vector<16xf32>
        %sub3A = arith.subf %max3A, %max3A_153 : vector<16xf32>
        %exp3A = math.exp %sub3A : vector<16xf32>
        %add3A_154 = arith.constant 40000 : i32
        %add3A_155 = vector.broadcast %add3A_154 : i32 to vector<16xi32>
        %add3A_156 = arith.addi %get3A_118, %add3A_155 : vector<16xi32>
        tpu.vector_store_idx %arg13[%add3A_156], %exp3A {add = true} : memref<60000xf32, #tpu.memory_space<vmem>>[vector<16xi32>], vector<16xf32>,
        %add3A_157 = arith.constant 0 : i32
        %add3A_158 = vector.broadcast %add3A_157 : i32 to vector<16xi32>
        %add3A_159 = arith.addi %get3A_118, %add3A_158 : vector<16xi32>
        %mul3A_160 = arith.mulf %exp3A, %gather3A : vector<16xf32>
        tpu.vector_store_idx %arg13[%add3A_159], %mul3A_160 {add = true} : memref<60000xf32, #tpu.memory_space<vmem>>[vector<16xi32>], vector<16xf32>,
        %add3A_161 = arith.constant 10000 : i32
        %add3A_162 = vector.broadcast %add3A_161 : i32 to vector<16xi32>
        %add3A_163 = arith.addi %get3A_118, %add3A_162 : vector<16xi32>
        %mul3A_164 = arith.mulf %exp3A, %gather3A_125 : vector<16xf32>
        tpu.vector_store_idx %arg13[%add3A_163], %mul3A_164 {add = true} : memref<60000xf32, #tpu.memory_space<vmem>>[vector<16xi32>], vector<16xf32>,
        %mul3A_165 = arith.mulf %gather3A_129, %get3A_13 : vector<16xf32>
        %mul3A_166 = arith.mulf %gather3A_133, %get3A_15 : vector<16xf32>
        %add3A_167 = arith.addf %mul3A_165, %mul3A_166 : vector<16xf32>
        %add3A_168 = arith.addf %add3A_167, %gather3A_141 : vector<16xf32>
        %mul3A_169 = arith.constant 2.000000e-01 : f32
        %mul3A_170 = vector.broadcast %mul3A_169 : f32 to vector<16xf32>
        %mul3A_171 = arith.mulf %add3A_168, %mul3A_170 : vector<16xf32>
        %max3A_172 = arith.maximumf %add3A_168, %mul3A_171 : vector<16xf32>
        %add3A_173 = arith.addf %gather3A_141, %get3A_19 : vector<16xf32>
        %mul3A_174 = arith.constant 2.000000e-01 : f32
        %mul3A_175 = vector.broadcast %mul3A_174 : f32 to vector<16xf32>
        %mul3A_176 = arith.mulf %add3A_173, %mul3A_175 : vector<16xf32>
        %max3A_177 = arith.maximumf %add3A_173, %mul3A_176 : vector<16xf32>
        %sub3A_178 = arith.subf %max3A_172, %max3A_177 : vector<16xf32>
        %exp3A_179 = math.exp %sub3A_178 : vector<16xf32>
        %add3A_180 = arith.constant 50000 : i32
        %add3A_181 = vector.broadcast %add3A_180 : i32 to vector<16xi32>
        %add3A_182 = arith.addi %get3A_118, %add3A_181 : vector<16xi32>
        tpu.vector_store_idx %arg13[%add3A_182], %exp3A_179 {add = true} : memref<60000xf32, #tpu.memory_space<vmem>>[vector<16xi32>], vector<16xf32>,
        %add3A_183 = arith.constant 20000 : i32
        %add3A_184 = vector.broadcast %add3A_183 : i32 to vector<16xi32>
        %add3A_185 = arith.addi %get3A_118, %add3A_184 : vector<16xi32>
        %mul3A_186 = arith.mulf %exp3A_179, %gather3A_129 : vector<16xf32>
        tpu.vector_store_idx %arg13[%add3A_185], %mul3A_186 {add = true} : memref<60000xf32, #tpu.memory_space<vmem>>[vector<16xi32>], vector<16xf32>,
        %add3A_187 = arith.constant 30000 : i32
        %add3A_188 = vector.broadcast %add3A_187 : i32 to vector<16xi32>
        %add3A_189 = arith.addi %get3A_118, %add3A_188 : vector<16xi32>
        %mul3A_190 = arith.mulf %exp3A_179, %gather3A_133 : vector<16xf32>
        tpu.vector_store_idx %arg13[%add3A_189], %mul3A_190 {add = true} : memref<60000xf32, #tpu.memory_space<vmem>>[vector<16xi32>], vector<16xf32>,
        %mul3A_191 = arith.constant 5 : i32
        %mul3A_192 = arith.muli %scan3A_106, %mul3A_191 : i32
        %add3A_193 = arith.constant 1 : i32
        %add3A_194 = arith.addi %mul3A_192, %add3A_193 : i32
        %mul3A_195 = arith.constant 16 : i32
        %mul3A_196 = arith.muli %add3A_194, %mul3A_195 : i32
        %add3A_197 = arith.constant 2000 : i32
        %add3A_198 = arith.addi %add3A_197, %mul3A_196 : i32
        %get3A_199 = arith.index_cast %add3A_198 : i32 to index
        %get3A_200 = tpu.vector_load %arg14[%get3A_199] {strides = array<i32>} : memref<4000xi32, #tpu.memory_space<vmem>>, vector<16xi32>,
        %get3A_201 = arith.index_cast %add3A_198 : i32 to index
        %get3A_202 = tpu.vector_load %arg15[%get3A_201] {strides = array<i32>} : memref<4000xi32, #tpu.memory_space<vmem>>, vector<16xi32>,
        %add3A_203 = arith.constant 0 : i32
        %add3A_204 = vector.broadcast %add3A_203 : i32 to vector<16xi32>
        %add3A_205 = arith.addi %get3A_200, %add3A_204 : vector<16xi32>
        %gather3A_206 = tpu.vector_load_idx %arg9[%add3A_205] : memref<40000xf32, #tpu.memory_space<vmem>>[vector<16xi32>], vector<16xf32>,
        %add3A_207 = arith.constant 10000 : i32
        %add3A_208 = vector.broadcast %add3A_207 : i32 to vector<16xi32>
        %add3A_209 = arith.addi %get3A_200, %add3A_208 : vector<16xi32>
        %gather3A_210 = tpu.vector_load_idx %arg9[%add3A_209] : memref<40000xf32, #tpu.memory_space<vmem>>[vector<16xi32>], vector<16xf32>,
        %add3A_211 = arith.constant 20000 : i32
        %add3A_212 = vector.broadcast %add3A_211 : i32 to vector<16xi32>
        %add3A_213 = arith.addi %get3A_200, %add3A_212 : vector<16xi32>
        %gather3A_214 = tpu.vector_load_idx %arg9[%add3A_213] : memref<40000xf32, #tpu.memory_space<vmem>>[vector<16xi32>], vector<16xf32>,
        %add3A_215 = arith.constant 30000 : i32
        %add3A_216 = vector.broadcast %add3A_215 : i32 to vector<16xi32>
        %add3A_217 = arith.addi %get3A_200, %add3A_216 : vector<16xi32>
        %gather3A_218 = tpu.vector_load_idx %arg9[%add3A_217] : memref<40000xf32, #tpu.memory_space<vmem>>[vector<16xi32>], vector<16xf32>,
        %add3A_219 = arith.constant 0 : i32
        %add3A_220 = vector.broadcast %add3A_219 : i32 to vector<16xi32>
        %add3A_221 = arith.addi %get3A_202, %add3A_220 : vector<16xi32>
        %gather3A_222 = tpu.vector_load_idx %arg10[%add3A_221] : memref<20000xf32, #tpu.memory_space<vmem>>[vector<16xi32>], vector<16xf32>,
        %add3A_223 = arith.constant 10000 : i32
        %add3A_224 = vector.broadcast %add3A_223 : i32 to vector<16xi32>
        %add3A_225 = arith.addi %get3A_202, %add3A_224 : vector<16xi32>
        %gather3A_226 = tpu.vector_load_idx %arg10[%add3A_225] : memref<20000xf32, #tpu.memory_space<vmem>>[vector<16xi32>], vector<16xf32>,
        %mul3A_227 = arith.mulf %gather3A_206, %get3A_9 : vector<16xf32>
        %mul3A_228 = arith.mulf %gather3A_210, %get3A_11 : vector<16xf32>
        %add3A_229 = arith.addf %mul3A_227, %mul3A_228 : vector<16xf32>
        %add3A_230 = arith.addf %add3A_229, %gather3A_222 : vector<16xf32>
        %mul3A_231 = arith.constant 2.000000e-01 : f32
        %mul3A_232 = vector.broadcast %mul3A_231 : f32 to vector<16xf32>
        %mul3A_233 = arith.mulf %add3A_230, %mul3A_232 : vector<16xf32>
        %max3A_234 = arith.maximumf %add3A_230, %mul3A_233 : vector<16xf32>
        %add3A_235 = arith.addf %gather3A_222, %get3A_17 : vector<16xf32>
        %mul3A_236 = arith.constant 2.000000e-01 : f32
        %mul3A_237 = vector.broadcast %mul3A_236 : f32 to vector<16xf32>
        %mul3A_238 = arith.mulf %add3A_235, %mul3A_237 : vector<16xf32>
        %max3A_239 = arith.maximumf %add3A_235, %mul3A_238 : vector<16xf32>
        %sub3A_240 = arith.subf %max3A_234, %max3A_239 : vector<16xf32>
        %exp3A_241 = math.exp %sub3A_240 : vector<16xf32>
        %add3A_242 = arith.constant 40000 : i32
        %add3A_243 = vector.broadcast %add3A_242 : i32 to vector<16xi32>
        %add3A_244 = arith.addi %get3A_202, %add3A_243 : vector<16xi32>
        tpu.vector_store_idx %arg13[%add3A_244], %exp3A_241 {add = true} : memref<60000xf32, #tpu.memory_space<vmem>>[vector<16xi32>], vector<16xf32>,
        %add3A_245 = arith.constant 0 : i32
        %add3A_246 = vector.broadcast %add3A_245 : i32 to vector<16xi32>
        %add3A_247 = arith.addi %get3A_202, %add3A_246 : vector<16xi32>
        %mul3A_248 = arith.mulf %exp3A_241, %gather3A_206 : vector<16xf32>
        tpu.vector_store_idx %arg13[%add3A_247], %mul3A_248 {add = true} : memref<60000xf32, #tpu.memory_space<vmem>>[vector<16xi32>], vector<16xf32>,
        %add3A_249 = arith.constant 10000 : i32
        %add3A_250 = vector.broadcast %add3A_249 : i32 to vector<16xi32>
        %add3A_251 = arith.addi %get3A_202, %add3A_250 : vector<16xi32>
        %mul3A_252 = arith.mulf %exp3A_241, %gather3A_210 : vector<16xf32>
        tpu.vector_store_idx %arg13[%add3A_251], %mul3A_252 {add = true} : memref<60000xf32, #tpu.memory_space<vmem>>[vector<16xi32>], vector<16xf32>,
        %mul3A_253 = arith.mulf %gather3A_214, %get3A_13 : vector<16xf32>
        %mul3A_254 = arith.mulf %gather3A_218, %get3A_15 : vector<16xf32>
        %add3A_255 = arith.addf %mul3A_253, %mul3A_254 : vector<16xf32>
        %add3A_256 = arith.addf %add3A_255, %gather3A_226 : vector<16xf32>
        %mul3A_257 = arith.constant 2.000000e-01 : f32
        %mul3A_258 = vector.broadcast %mul3A_257 : f32 to vector<16xf32>
        %mul3A_259 = arith.mulf %add3A_256, %mul3A_258 : vector<16xf32>
        %max3A_260 = arith.maximumf %add3A_256, %mul3A_259 : vector<16xf32>
        %add3A_261 = arith.addf %gather3A_226, %get3A_19 : vector<16xf32>
        %mul3A_262 = arith.constant 2.000000e-01 : f32
        %mul3A_263 = vector.broadcast %mul3A_262 : f32 to vector<16xf32>
        %mul3A_264 = arith.mulf %add3A_261, %mul3A_263 : vector<16xf32>
        %max3A_265 = arith.maximumf %add3A_261, %mul3A_264 : vector<16xf32>
        %sub3A_266 = arith.subf %max3A_260, %max3A_265 : vector<16xf32>
        %exp3A_267 = math.exp %sub3A_266 : vector<16xf32>
        %add3A_268 = arith.constant 50000 : i32
        %add3A_269 = vector.broadcast %add3A_268 : i32 to vector<16xi32>
        %add3A_270 = arith.addi %get3A_202, %add3A_269 : vector<16xi32>
        tpu.vector_store_idx %arg13[%add3A_270], %exp3A_267 {add = true} : memref<60000xf32, #tpu.memory_space<vmem>>[vector<16xi32>], vector<16xf32>,
        %add3A_271 = arith.constant 20000 : i32
        %add3A_272 = vector.broadcast %add3A_271 : i32 to vector<16xi32>
        %add3A_273 = arith.addi %get3A_202, %add3A_272 : vector<16xi32>
        %mul3A_274 = arith.mulf %exp3A_267, %gather3A_214 : vector<16xf32>
        tpu.vector_store_idx %arg13[%add3A_273], %mul3A_274 {add = true} : memref<60000xf32, #tpu.memory_space<vmem>>[vector<16xi32>], vector<16xf32>,
        %add3A_275 = arith.constant 30000 : i32
        %add3A_276 = vector.broadcast %add3A_275 : i32 to vector<16xi32>
        %add3A_277 = arith.addi %get3A_202, %add3A_276 : vector<16xi32>
        %mul3A_278 = arith.mulf %exp3A_267, %gather3A_218 : vector<16xf32>
        tpu.vector_store_idx %arg13[%add3A_277], %mul3A_278 {add = true} : memref<60000xf32, #tpu.memory_space<vmem>>[vector<16xi32>], vector<16xf32>,
        %mul3A_279 = arith.constant 5 : i32
        %mul3A_280 = arith.muli %scan3A_106, %mul3A_279 : i32
        %add3A_281 = arith.constant 2 : i32
        %add3A_282 = arith.addi %mul3A_280, %add3A_281 : i32
        %mul3A_283 = arith.constant 16 : i32
        %mul3A_284 = arith.muli %add3A_282, %mul3A_283 : i32
        %add3A_285 = arith.constant 2000 : i32
        %add3A_286 = arith.addi %add3A_285, %mul3A_284 : i32
        %get3A_287 = arith.index_cast %add3A_286 : i32 to index
        %get3A_288 = tpu.vector_load %arg14[%get3A_287] {strides = array<i32>} : memref<4000xi32, #tpu.memory_space<vmem>>, vector<16xi32>,
        %get3A_289 = arith.index_cast %add3A_286 : i32 to index
        %get3A_290 = tpu.vector_load %arg15[%get3A_289] {strides = array<i32>} : memref<4000xi32, #tpu.memory_space<vmem>>, vector<16xi32>,
        %add3A_291 = arith.constant 0 : i32
        %add3A_292 = vector.broadcast %add3A_291 : i32 to vector<16xi32>
        %add3A_293 = arith.addi %get3A_288, %add3A_292 : vector<16xi32>
        %gather3A_294 = tpu.vector_load_idx %arg9[%add3A_293] : memref<40000xf32, #tpu.memory_space<vmem>>[vector<16xi32>], vector<16xf32>,
        %add3A_295 = arith.constant 10000 : i32
        %add3A_296 = vector.broadcast %add3A_295 : i32 to vector<16xi32>
        %add3A_297 = arith.addi %get3A_288, %add3A_296 : vector<16xi32>
        %gather3A_298 = tpu.vector_load_idx %arg9[%add3A_297] : memref<40000xf32, #tpu.memory_space<vmem>>[vector<16xi32>], vector<16xf32>,
        %add3A_299 = arith.constant 20000 : i32
        %add3A_300 = vector.broadcast %add3A_299 : i32 to vector<16xi32>
        %add3A_301 = arith.addi %get3A_288, %add3A_300 : vector<16xi32>
        %gather3A_302 = tpu.vector_load_idx %arg9[%add3A_301] : memref<40000xf32, #tpu.memory_space<vmem>>[vector<16xi32>], vector<16xf32>,
        %add3A_303 = arith.constant 30000 : i32
        %add3A_304 = vector.broadcast %add3A_303 : i32 to vector<16xi32>
        %add3A_305 = arith.addi %get3A_288, %add3A_304 : vector<16xi32>
        %gather3A_306 = tpu.vector_load_idx %arg9[%add3A_305] : memref<40000xf32, #tpu.memory_space<vmem>>[vector<16xi32>], vector<16xf32>,
        %add3A_307 = arith.constant 0 : i32
        %add3A_308 = vector.broadcast %add3A_307 : i32 to vector<16xi32>
        %add3A_309 = arith.addi %get3A_290, %add3A_308 : vector<16xi32>
        %gather3A_310 = tpu.vector_load_idx %arg10[%add3A_309] : memref<20000xf32, #tpu.memory_space<vmem>>[vector<16xi32>], vector<16xf32>,
        %add3A_311 = arith.constant 10000 : i32
        %add3A_312 = vector.broadcast %add3A_311 : i32 to vector<16xi32>
        %add3A_313 = arith.addi %get3A_290, %add3A_312 : vector<16xi32>
        %gather3A_314 = tpu.vector_load_idx %arg10[%add3A_313] : memref<20000xf32, #tpu.memory_space<vmem>>[vector<16xi32>], vector<16xf32>,
        %mul3A_315 = arith.mulf %gather3A_294, %get3A_9 : vector<16xf32>
        %mul3A_316 = arith.mulf %gather3A_298, %get3A_11 : vector<16xf32>
        %add3A_317 = arith.addf %mul3A_315, %mul3A_316 : vector<16xf32>
        %add3A_318 = arith.addf %add3A_317, %gather3A_310 : vector<16xf32>
        %mul3A_319 = arith.constant 2.000000e-01 : f32
        %mul3A_320 = vector.broadcast %mul3A_319 : f32 to vector<16xf32>
        %mul3A_321 = arith.mulf %add3A_318, %mul3A_320 : vector<16xf32>
        %max3A_322 = arith.maximumf %add3A_318, %mul3A_321 : vector<16xf32>
        %add3A_323 = arith.addf %gather3A_310, %get3A_17 : vector<16xf32>
        %mul3A_324 = arith.constant 2.000000e-01 : f32
        %mul3A_325 = vector.broadcast %mul3A_324 : f32 to vector<16xf32>
        %mul3A_326 = arith.mulf %add3A_323, %mul3A_325 : vector<16xf32>
        %max3A_327 = arith.maximumf %add3A_323, %mul3A_326 : vector<16xf32>
        %sub3A_328 = arith.subf %max3A_322, %max3A_327 : vector<16xf32>
        %exp3A_329 = math.exp %sub3A_328 : vector<16xf32>
        %add3A_330 = arith.constant 40000 : i32
        %add3A_331 = vector.broadcast %add3A_330 : i32 to vector<16xi32>
        %add3A_332 = arith.addi %get3A_290, %add3A_331 : vector<16xi32>
        tpu.vector_store_idx %arg13[%add3A_332], %exp3A_329 {add = true} : memref<60000xf32, #tpu.memory_space<vmem>>[vector<16xi32>], vector<16xf32>,
        %add3A_333 = arith.constant 0 : i32
        %add3A_334 = vector.broadcast %add3A_333 : i32 to vector<16xi32>
        %add3A_335 = arith.addi %get3A_290, %add3A_334 : vector<16xi32>
        %mul3A_336 = arith.mulf %exp3A_329, %gather3A_294 : vector<16xf32>
        tpu.vector_store_idx %arg13[%add3A_335], %mul3A_336 {add = true} : memref<60000xf32, #tpu.memory_space<vmem>>[vector<16xi32>], vector<16xf32>,
        %add3A_337 = arith.constant 10000 : i32
        %add3A_338 = vector.broadcast %add3A_337 : i32 to vector<16xi32>
        %add3A_339 = arith.addi %get3A_290, %add3A_338 : vector<16xi32>
        %mul3A_340 = arith.mulf %exp3A_329, %gather3A_298 : vector<16xf32>
        tpu.vector_store_idx %arg13[%add3A_339], %mul3A_340 {add = true} : memref<60000xf32, #tpu.memory_space<vmem>>[vector<16xi32>], vector<16xf32>,
        %mul3A_341 = arith.mulf %gather3A_302, %get3A_13 : vector<16xf32>
        %mul3A_342 = arith.mulf %gather3A_306, %get3A_15 : vector<16xf32>
        %add3A_343 = arith.addf %mul3A_341, %mul3A_342 : vector<16xf32>
        %add3A_344 = arith.addf %add3A_343, %gather3A_314 : vector<16xf32>
        %mul3A_345 = arith.constant 2.000000e-01 : f32
        %mul3A_346 = vector.broadcast %mul3A_345 : f32 to vector<16xf32>
        %mul3A_347 = arith.mulf %add3A_344, %mul3A_346 : vector<16xf32>
        %max3A_348 = arith.maximumf %add3A_344, %mul3A_347 : vector<16xf32>
        %add3A_349 = arith.addf %gather3A_314, %get3A_19 : vector<16xf32>
        %mul3A_350 = arith.constant 2.000000e-01 : f32
        %mul3A_351 = vector.broadcast %mul3A_350 : f32 to vector<16xf32>
        %mul3A_352 = arith.mulf %add3A_349, %mul3A_351 : vector<16xf32>
        %max3A_353 = arith.maximumf %add3A_349, %mul3A_352 : vector<16xf32>
        %sub3A_354 = arith.subf %max3A_348, %max3A_353 : vector<16xf32>
        %exp3A_355 = math.exp %sub3A_354 : vector<16xf32>
        %add3A_356 = arith.constant 50000 : i32
        %add3A_357 = vector.broadcast %add3A_356 : i32 to vector<16xi32>
        %add3A_358 = arith.addi %get3A_290, %add3A_357 : vector<16xi32>
        tpu.vector_store_idx %arg13[%add3A_358], %exp3A_355 {add = true} : memref<60000xf32, #tpu.memory_space<vmem>>[vector<16xi32>], vector<16xf32>,
        %add3A_359 = arith.constant 20000 : i32
        %add3A_360 = vector.broadcast %add3A_359 : i32 to vector<16xi32>
        %add3A_361 = arith.addi %get3A_290, %add3A_360 : vector<16xi32>
        %mul3A_362 = arith.mulf %exp3A_355, %gather3A_302 : vector<16xf32>
        tpu.vector_store_idx %arg13[%add3A_361], %mul3A_362 {add = true} : memref<60000xf32, #tpu.memory_space<vmem>>[vector<16xi32>], vector<16xf32>,
        %add3A_363 = arith.constant 30000 : i32
        %add3A_364 = vector.broadcast %add3A_363 : i32 to vector<16xi32>
        %add3A_365 = arith.addi %get3A_290, %add3A_364 : vector<16xi32>
        %mul3A_366 = arith.mulf %exp3A_355, %gather3A_306 : vector<16xf32>
        tpu.vector_store_idx %arg13[%add3A_365], %mul3A_366 {add = true} : memref<60000xf32, #tpu.memory_space<vmem>>[vector<16xi32>], vector<16xf32>,
        %mul3A_367 = arith.constant 5 : i32
        %mul3A_368 = arith.muli %scan3A_106, %mul3A_367 : i32
        %add3A_369 = arith.constant 3 : i32
        %add3A_370 = arith.addi %mul3A_368, %add3A_369 : i32
        %mul3A_371 = arith.constant 16 : i32
        %mul3A_372 = arith.muli %add3A_370, %mul3A_371 : i32
        %add3A_373 = arith.constant 2000 : i32
        %add3A_374 = arith.addi %add3A_373, %mul3A_372 : i32
        %get3A_375 = arith.index_cast %add3A_374 : i32 to index
        %get3A_376 = tpu.vector_load %arg14[%get3A_375] {strides = array<i32>} : memref<4000xi32, #tpu.memory_space<vmem>>, vector<16xi32>,
        %get3A_377 = arith.index_cast %add3A_374 : i32 to index
        %get3A_378 = tpu.vector_load %arg15[%get3A_377] {strides = array<i32>} : memref<4000xi32, #tpu.memory_space<vmem>>, vector<16xi32>,
        %add3A_379 = arith.constant 0 : i32
        %add3A_380 = vector.broadcast %add3A_379 : i32 to vector<16xi32>
        %add3A_381 = arith.addi %get3A_376, %add3A_380 : vector<16xi32>
        %gather3A_382 = tpu.vector_load_idx %arg9[%add3A_381] : memref<40000xf32, #tpu.memory_space<vmem>>[vector<16xi32>], vector<16xf32>,
        %add3A_383 = arith.constant 10000 : i32
        %add3A_384 = vector.broadcast %add3A_383 : i32 to vector<16xi32>
        %add3A_385 = arith.addi %get3A_376, %add3A_384 : vector<16xi32>
        %gather3A_386 = tpu.vector_load_idx %arg9[%add3A_385] : memref<40000xf32, #tpu.memory_space<vmem>>[vector<16xi32>], vector<16xf32>,
        %add3A_387 = arith.constant 20000 : i32
        %add3A_388 = vector.broadcast %add3A_387 : i32 to vector<16xi32>
        %add3A_389 = arith.addi %get3A_376, %add3A_388 : vector<16xi32>
        %gather3A_390 = tpu.vector_load_idx %arg9[%add3A_389] : memref<40000xf32, #tpu.memory_space<vmem>>[vector<16xi32>], vector<16xf32>,
        %add3A_391 = arith.constant 30000 : i32
        %add3A_392 = vector.broadcast %add3A_391 : i32 to vector<16xi32>
        %add3A_393 = arith.addi %get3A_376, %add3A_392 : vector<16xi32>
        %gather3A_394 = tpu.vector_load_idx %arg9[%add3A_393] : memref<40000xf32, #tpu.memory_space<vmem>>[vector<16xi32>], vector<16xf32>,
        %add3A_395 = arith.constant 0 : i32
        %add3A_396 = vector.broadcast %add3A_395 : i32 to vector<16xi32>
        %add3A_397 = arith.addi %get3A_378, %add3A_396 : vector<16xi32>
        %gather3A_398 = tpu.vector_load_idx %arg10[%add3A_397] : memref<20000xf32, #tpu.memory_space<vmem>>[vector<16xi32>], vector<16xf32>,
        %add3A_399 = arith.constant 10000 : i32
        %add3A_400 = vector.broadcast %add3A_399 : i32 to vector<16xi32>
        %add3A_401 = arith.addi %get3A_378, %add3A_400 : vector<16xi32>
        %gather3A_402 = tpu.vector_load_idx %arg10[%add3A_401] : memref<20000xf32, #tpu.memory_space<vmem>>[vector<16xi32>], vector<16xf32>,
        %mul3A_403 = arith.mulf %gather3A_382, %get3A_9 : vector<16xf32>
        %mul3A_404 = arith.mulf %gather3A_386, %get3A_11 : vector<16xf32>
        %add3A_405 = arith.addf %mul3A_403, %mul3A_404 : vector<16xf32>
        %add3A_406 = arith.addf %add3A_405, %gather3A_398 : vector<16xf32>
        %mul3A_407 = arith.constant 2.000000e-01 : f32
        %mul3A_408 = vector.broadcast %mul3A_407 : f32 to vector<16xf32>
        %mul3A_409 = arith.mulf %add3A_406, %mul3A_408 : vector<16xf32>
        %max3A_410 = arith.maximumf %add3A_406, %mul3A_409 : vector<16xf32>
        %add3A_411 = arith.addf %gather3A_398, %get3A_17 : vector<16xf32>
        %mul3A_412 = arith.constant 2.000000e-01 : f32
        %mul3A_413 = vector.broadcast %mul3A_412 : f32 to vector<16xf32>
        %mul3A_414 = arith.mulf %add3A_411, %mul3A_413 : vector<16xf32>
        %max3A_415 = arith.maximumf %add3A_411, %mul3A_414 : vector<16xf32>
        %sub3A_416 = arith.subf %max3A_410, %max3A_415 : vector<16xf32>
        %exp3A_417 = math.exp %sub3A_416 : vector<16xf32>
        %add3A_418 = arith.constant 40000 : i32
        %add3A_419 = vector.broadcast %add3A_418 : i32 to vector<16xi32>
        %add3A_420 = arith.addi %get3A_378, %add3A_419 : vector<16xi32>
        tpu.vector_store_idx %arg13[%add3A_420], %exp3A_417 {add = true} : memref<60000xf32, #tpu.memory_space<vmem>>[vector<16xi32>], vector<16xf32>,
        %add3A_421 = arith.constant 0 : i32
        %add3A_422 = vector.broadcast %add3A_421 : i32 to vector<16xi32>
        %add3A_423 = arith.addi %get3A_378, %add3A_422 : vector<16xi32>
        %mul3A_424 = arith.mulf %exp3A_417, %gather3A_382 : vector<16xf32>
        tpu.vector_store_idx %arg13[%add3A_423], %mul3A_424 {add = true} : memref<60000xf32, #tpu.memory_space<vmem>>[vector<16xi32>], vector<16xf32>,
        %add3A_425 = arith.constant 10000 : i32
        %add3A_426 = vector.broadcast %add3A_425 : i32 to vector<16xi32>
        %add3A_427 = arith.addi %get3A_378, %add3A_426 : vector<16xi32>
        %mul3A_428 = arith.mulf %exp3A_417, %gather3A_386 : vector<16xf32>
        tpu.vector_store_idx %arg13[%add3A_427], %mul3A_428 {add = true} : memref<60000xf32, #tpu.memory_space<vmem>>[vector<16xi32>], vector<16xf32>,
        %mul3A_429 = arith.mulf %gather3A_390, %get3A_13 : vector<16xf32>
        %mul3A_430 = arith.mulf %gather3A_394, %get3A_15 : vector<16xf32>
        %add3A_431 = arith.addf %mul3A_429, %mul3A_430 : vector<16xf32>
        %add3A_432 = arith.addf %add3A_431, %gather3A_402 : vector<16xf32>
        %mul3A_433 = arith.constant 2.000000e-01 : f32
        %mul3A_434 = vector.broadcast %mul3A_433 : f32 to vector<16xf32>
        %mul3A_435 = arith.mulf %add3A_432, %mul3A_434 : vector<16xf32>
        %max3A_436 = arith.maximumf %add3A_432, %mul3A_435 : vector<16xf32>
        %add3A_437 = arith.addf %gather3A_402, %get3A_19 : vector<16xf32>
        %mul3A_438 = arith.constant 2.000000e-01 : f32
        %mul3A_439 = vector.broadcast %mul3A_438 : f32 to vector<16xf32>
        %mul3A_440 = arith.mulf %add3A_437, %mul3A_439 : vector<16xf32>
        %max3A_441 = arith.maximumf %add3A_437, %mul3A_440 : vector<16xf32>
        %sub3A_442 = arith.subf %max3A_436, %max3A_441 : vector<16xf32>
        %exp3A_443 = math.exp %sub3A_442 : vector<16xf32>
        %add3A_444 = arith.constant 50000 : i32
        %add3A_445 = vector.broadcast %add3A_444 : i32 to vector<16xi32>
        %add3A_446 = arith.addi %get3A_378, %add3A_445 : vector<16xi32>
        tpu.vector_store_idx %arg13[%add3A_446], %exp3A_443 {add = true} : memref<60000xf32, #tpu.memory_space<vmem>>[vector<16xi32>], vector<16xf32>,
        %add3A_447 = arith.constant 20000 : i32
        %add3A_448 = vector.broadcast %add3A_447 : i32 to vector<16xi32>
        %add3A_449 = arith.addi %get3A_378, %add3A_448 : vector<16xi32>
        %mul3A_450 = arith.mulf %exp3A_443, %gather3A_390 : vector<16xf32>
        tpu.vector_store_idx %arg13[%add3A_449], %mul3A_450 {add = true} : memref<60000xf32, #tpu.memory_space<vmem>>[vector<16xi32>], vector<16xf32>,
        %add3A_451 = arith.constant 30000 : i32
        %add3A_452 = vector.broadcast %add3A_451 : i32 to vector<16xi32>
        %add3A_453 = arith.addi %get3A_378, %add3A_452 : vector<16xi32>
        %mul3A_454 = arith.mulf %exp3A_443, %gather3A_394 : vector<16xf32>
        tpu.vector_store_idx %arg13[%add3A_453], %mul3A_454 {add = true} : memref<60000xf32, #tpu.memory_space<vmem>>[vector<16xi32>], vector<16xf32>,
        %mul3A_455 = arith.constant 5 : i32
        %mul3A_456 = arith.muli %scan3A_106, %mul3A_455 : i32
        %add3A_457 = arith.constant 4 : i32
        %add3A_458 = arith.addi %mul3A_456, %add3A_457 : i32
        %mul3A_459 = arith.constant 16 : i32
        %mul3A_460 = arith.muli %add3A_458, %mul3A_459 : i32
        %add3A_461 = arith.constant 2000 : i32
        %add3A_462 = arith.addi %add3A_461, %mul3A_460 : i32
        %get3A_463 = arith.index_cast %add3A_462 : i32 to index
        %get3A_464 = tpu.vector_load %arg14[%get3A_463] {strides = array<i32>} : memref<4000xi32, #tpu.memory_space<vmem>>, vector<16xi32>,
        %get3A_465 = arith.index_cast %add3A_462 : i32 to index
        %get3A_466 = tpu.vector_load %arg15[%get3A_465] {strides = array<i32>} : memref<4000xi32, #tpu.memory_space<vmem>>, vector<16xi32>,
        %add3A_467 = arith.constant 0 : i32
        %add3A_468 = vector.broadcast %add3A_467 : i32 to vector<16xi32>
        %add3A_469 = arith.addi %get3A_464, %add3A_468 : vector<16xi32>
        %gather3A_470 = tpu.vector_load_idx %arg9[%add3A_469] : memref<40000xf32, #tpu.memory_space<vmem>>[vector<16xi32>], vector<16xf32>,
        %add3A_471 = arith.constant 10000 : i32
        %add3A_472 = vector.broadcast %add3A_471 : i32 to vector<16xi32>
        %add3A_473 = arith.addi %get3A_464, %add3A_472 : vector<16xi32>
        %gather3A_474 = tpu.vector_load_idx %arg9[%add3A_473] : memref<40000xf32, #tpu.memory_space<vmem>>[vector<16xi32>], vector<16xf32>,
        %add3A_475 = arith.constant 20000 : i32
        %add3A_476 = vector.broadcast %add3A_475 : i32 to vector<16xi32>
        %add3A_477 = arith.addi %get3A_464, %add3A_476 : vector<16xi32>
        %gather3A_478 = tpu.vector_load_idx %arg9[%add3A_477] : memref<40000xf32, #tpu.memory_space<vmem>>[vector<16xi32>], vector<16xf32>,
        %add3A_479 = arith.constant 30000 : i32
        %add3A_480 = vector.broadcast %add3A_479 : i32 to vector<16xi32>
        %add3A_481 = arith.addi %get3A_464, %add3A_480 : vector<16xi32>
        %gather3A_482 = tpu.vector_load_idx %arg9[%add3A_481] : memref<40000xf32, #tpu.memory_space<vmem>>[vector<16xi32>], vector<16xf32>,
        %add3A_483 = arith.constant 0 : i32
        %add3A_484 = vector.broadcast %add3A_483 : i32 to vector<16xi32>
        %add3A_485 = arith.addi %get3A_466, %add3A_484 : vector<16xi32>
        %gather3A_486 = tpu.vector_load_idx %arg10[%add3A_485] : memref<20000xf32, #tpu.memory_space<vmem>>[vector<16xi32>], vector<16xf32>,
        %add3A_487 = arith.constant 10000 : i32
        %add3A_488 = vector.broadcast %add3A_487 : i32 to vector<16xi32>
        %add3A_489 = arith.addi %get3A_466, %add3A_488 : vector<16xi32>
        %gather3A_490 = tpu.vector_load_idx %arg10[%add3A_489] : memref<20000xf32, #tpu.memory_space<vmem>>[vector<16xi32>], vector<16xf32>,
        %mul3A_491 = arith.mulf %gather3A_470, %get3A_9 : vector<16xf32>
        %mul3A_492 = arith.mulf %gather3A_474, %get3A_11 : vector<16xf32>
        %add3A_493 = arith.addf %mul3A_491, %mul3A_492 : vector<16xf32>
        %add3A_494 = arith.addf %add3A_493, %gather3A_486 : vector<16xf32>
        %mul3A_495 = arith.constant 2.000000e-01 : f32
        %mul3A_496 = vector.broadcast %mul3A_495 : f32 to vector<16xf32>
        %mul3A_497 = arith.mulf %add3A_494, %mul3A_496 : vector<16xf32>
        %max3A_498 = arith.maximumf %add3A_494, %mul3A_497 : vector<16xf32>
        %add3A_499 = arith.addf %gather3A_486, %get3A_17 : vector<16xf32>
        %mul3A_500 = arith.constant 2.000000e-01 : f32
        %mul3A_501 = vector.broadcast %mul3A_500 : f32 to vector<16xf32>
        %mul3A_502 = arith.mulf %add3A_499, %mul3A_501 : vector<16xf32>
        %max3A_503 = arith.maximumf %add3A_499, %mul3A_502 : vector<16xf32>
        %sub3A_504 = arith.subf %max3A_498, %max3A_503 : vector<16xf32>
        %exp3A_505 = math.exp %sub3A_504 : vector<16xf32>
        %add3A_506 = arith.constant 40000 : i32
        %add3A_507 = vector.broadcast %add3A_506 : i32 to vector<16xi32>
        %add3A_508 = arith.addi %get3A_466, %add3A_507 : vector<16xi32>
        tpu.vector_store_idx %arg13[%add3A_508], %exp3A_505 {add = true} : memref<60000xf32, #tpu.memory_space<vmem>>[vector<16xi32>], vector<16xf32>,
        %add3A_509 = arith.constant 0 : i32
        %add3A_510 = vector.broadcast %add3A_509 : i32 to vector<16xi32>
        %add3A_511 = arith.addi %get3A_466, %add3A_510 : vector<16xi32>
        %mul3A_512 = arith.mulf %exp3A_505, %gather3A_470 : vector<16xf32>
        tpu.vector_store_idx %arg13[%add3A_511], %mul3A_512 {add = true} : memref<60000xf32, #tpu.memory_space<vmem>>[vector<16xi32>], vector<16xf32>,
        %add3A_513 = arith.constant 10000 : i32
        %add3A_514 = vector.broadcast %add3A_513 : i32 to vector<16xi32>
        %add3A_515 = arith.addi %get3A_466, %add3A_514 : vector<16xi32>
        %mul3A_516 = arith.mulf %exp3A_505, %gather3A_474 : vector<16xf32>
        tpu.vector_store_idx %arg13[%add3A_515], %mul3A_516 {add = true} : memref<60000xf32, #tpu.memory_space<vmem>>[vector<16xi32>], vector<16xf32>,
        %mul3A_517 = arith.mulf %gather3A_478, %get3A_13 : vector<16xf32>
        %mul3A_518 = arith.mulf %gather3A_482, %get3A_15 : vector<16xf32>
        %add3A_519 = arith.addf %mul3A_517, %mul3A_518 : vector<16xf32>
        %add3A_520 = arith.addf %add3A_519, %gather3A_490 : vector<16xf32>
        %mul3A_521 = arith.constant 2.000000e-01 : f32
        %mul3A_522 = vector.broadcast %mul3A_521 : f32 to vector<16xf32>
        %mul3A_523 = arith.mulf %add3A_520, %mul3A_522 : vector<16xf32>
        %max3A_524 = arith.maximumf %add3A_520, %mul3A_523 : vector<16xf32>
        %add3A_525 = arith.addf %gather3A_490, %get3A_19 : vector<16xf32>
        %mul3A_526 = arith.constant 2.000000e-01 : f32
        %mul3A_527 = vector.broadcast %mul3A_526 : f32 to vector<16xf32>
        %mul3A_528 = arith.mulf %add3A_525, %mul3A_527 : vector<16xf32>
        %max3A_529 = arith.maximumf %add3A_525, %mul3A_528 : vector<16xf32>
        %sub3A_530 = arith.subf %max3A_524, %max3A_529 : vector<16xf32>
        %exp3A_531 = math.exp %sub3A_530 : vector<16xf32>
        %add3A_532 = arith.constant 50000 : i32
        %add3A_533 = vector.broadcast %add3A_532 : i32 to vector<16xi32>
        %add3A_534 = arith.addi %get3A_466, %add3A_533 : vector<16xi32>
        tpu.vector_store_idx %arg13[%add3A_534], %exp3A_531 {add = true} : memref<60000xf32, #tpu.memory_space<vmem>>[vector<16xi32>], vector<16xf32>,
        %add3A_535 = arith.constant 20000 : i32
        %add3A_536 = vector.broadcast %add3A_535 : i32 to vector<16xi32>
        %add3A_537 = arith.addi %get3A_466, %add3A_536 : vector<16xi32>
        %mul3A_538 = arith.mulf %exp3A_531, %gather3A_478 : vector<16xf32>
        tpu.vector_store_idx %arg13[%add3A_537], %mul3A_538 {add = true} : memref<60000xf32, #tpu.memory_space<vmem>>[vector<16xi32>], vector<16xf32>,
        %add3A_539 = arith.constant 30000 : i32
        %add3A_540 = vector.broadcast %add3A_539 : i32 to vector<16xi32>
        %add3A_541 = arith.addi %get3A_466, %add3A_540 : vector<16xi32>
        %mul3A_542 = arith.mulf %exp3A_531, %gather3A_482 : vector<16xf32>
        tpu.vector_store_idx %arg13[%add3A_541], %mul3A_542 {add = true} : memref<60000xf32, #tpu.memory_space<vmem>>[vector<16xi32>], vector<16xf32>,
      }
      %scan3A_105 = arith.constant 25 : i32
    }
    %scan3A_38 = arith.constant 5 : i32
    "tpu.region"() ({
      %run_scoped3A = tpu.sem_alloc : memref<!tpu.dma_semaphore, #tpu.memory_space<semaphore_mem>>
      %dma_start3A_39 = arith.constant 0 : i32
      %dma_start3A_40 = tpu.memref_slice %arg8[%add3A, %dma_start3A_39] : memref<32x60000xf32, #tpu.memory_space<hbm>> -> memref<1x60000xf32, #tpu.memory_space<hbm>>
      %dma_start3A_41 = tpu.memref_squeeze %dma_start3A_40 : memref<1x60000xf32, #tpu.memory_space<hbm>> -> memref<60000xf32, #tpu.memory_space<hbm>>
      %dma_start3A_42 = arith.constant 0 : i32
      %dma_start3A_43 = tpu.memref_slice %arg8[%add3A, %dma_start3A_42] : memref<32x60000xf32, #tpu.memory_space<hbm>> -> memref<1x60000xf32, #tpu.memory_space<hbm>>
      %dma_start3A_44 = tpu.memref_squeeze %dma_start3A_43 : memref<1x60000xf32, #tpu.memory_space<hbm>> -> memref<60000xf32, #tpu.memory_space<hbm>>
      tpu.enqueue_dma source(%arg13 : memref<60000xf32, #tpu.memory_space<vmem>>) target(%dma_start3A_44 : memref<60000xf32, #tpu.memory_space<hbm>>) target_semaphore(%run_scoped3A : memref<!tpu.dma_semaphore, #tpu.memory_space<semaphore_mem>>)
      %dma_wait3A = arith.constant 0 : i32
      %dma_wait3A_45 = tpu.memref_slice %arg8[%add3A, %dma_wait3A] : memref<32x60000xf32, #tpu.memory_space<hbm>> -> memref<1x60000xf32, #tpu.memory_space<hbm>>
      %dma_wait3A_46 = tpu.memref_squeeze %dma_wait3A_45 : memref<1x60000xf32, #tpu.memory_space<hbm>> -> memref<60000xf32, #tpu.memory_space<hbm>>
      %dma_wait3A_47 = arith.constant 0 : i32
      %dma_wait3A_48 = tpu.memref_slice %arg8[%add3A, %dma_wait3A_47] : memref<32x60000xf32, #tpu.memory_space<hbm>> -> memref<1x60000xf32, #tpu.memory_space<hbm>>
      %dma_wait3A_49 = tpu.memref_squeeze %dma_wait3A_48 : memref<1x60000xf32, #tpu.memory_space<hbm>> -> memref<60000xf32, #tpu.memory_space<hbm>>
      tpu.wait_dma2 semaphore(%run_scoped3A : memref<!tpu.dma_semaphore, #tpu.memory_space<semaphore_mem>>) src(%arg13 : memref<60000xf32, #tpu.memory_space<vmem>>) dst(%dma_wait3A_49 : memref<60000xf32, #tpu.memory_space<hbm>>)
      tpu.yield
    }) : () -> ()
    return
  }
}

#map = affine_map<(d0, d1) -> (0)>
#map1 = affine_map<(d0, d1) -> (0, 0)>
module attributes {stable_mosaic.version = 14 : i64} {
  func.func @edge_kernel(%arg0: i32, %arg1: i32, %arg2: memref<20000xf32, #tpu.memory_space<hbm>>, %arg3: memref<20000xf32, #tpu.memory_space<hbm>>, %arg4: memref<32xf32, #tpu.memory_space<hbm>>, %arg5: memref<32xf32, #tpu.memory_space<hbm>>, %arg6: memref<640000xi32, #tpu.memory_space<hbm>>, %arg7: memref<640000xi32, #tpu.memory_space<hbm>>, %arg8: memref<32x40000xf32, #tpu.memory_space<hbm>>, %arg9: memref<20000xf32, #tpu.memory_space<vmem>>, %arg10: memref<20000xf32, #tpu.memory_space<vmem>>, %arg11: memref<32xf32, #tpu.memory_space<vmem>>, %arg12: memref<32xf32, #tpu.memory_space<vmem>>, %arg13: memref<40000xf32, #tpu.memory_space<vmem>>, %arg14: memref<4000xi32, #tpu.memory_space<vmem>>, %arg15: memref<4000xi32, #tpu.memory_space<vmem>>, %arg16: memref<!tpu.dma_semaphore, #tpu.memory_space<semaphore_mem>>, %arg17: memref<!tpu.dma_semaphore, #tpu.memory_space<semaphore_mem>>) attributes {dimension_semantics = [#tpu.dimension_semantics<core_parallel>, #tpu.dimension_semantics<subcore_parallel>], iteration_bounds = array<i64: 2, 16>, scalar_prefetch = 0 : i64, scratch_operands = 9 : i64, tpu.core_type = #tpu.core_type<sc_vector_subcore>, window_params = [{transform_indices = #map}, {transform_indices = #map}, {transform_indices = #map}, {transform_indices = #map}, {transform_indices = #map}, {transform_indices = #map}, {transform_indices = #map1}]} {
    %mul3A = arith.constant 2 : i32
    %mul3A_0 = arith.muli %arg1, %mul3A : i32
    %add3A = arith.addi %mul3A_0, %arg0 : i32
    %mul3A_1 = arith.constant 20000 : i32
    %mul3A_2 = arith.muli %add3A, %mul3A_1 : i32
    "tpu.region"() ({
      %run_scoped3A = tpu.sem_alloc : memref<!tpu.dma_semaphore, #tpu.memory_space<semaphore_mem>>
      tpu.enqueue_dma source(%arg2 : memref<20000xf32, #tpu.memory_space<hbm>>) target(%arg9 : memref<20000xf32, #tpu.memory_space<vmem>>) target_semaphore(%run_scoped3A : memref<!tpu.dma_semaphore, #tpu.memory_space<semaphore_mem>>)
      tpu.wait_dma2 semaphore(%run_scoped3A : memref<!tpu.dma_semaphore, #tpu.memory_space<semaphore_mem>>) src(%arg2 : memref<20000xf32, #tpu.memory_space<hbm>>) dst(%arg9 : memref<20000xf32, #tpu.memory_space<vmem>>)
      tpu.yield
    }) : () -> ()
    "tpu.region"() ({
      %run_scoped3A = tpu.sem_alloc : memref<!tpu.dma_semaphore, #tpu.memory_space<semaphore_mem>>
      tpu.enqueue_dma source(%arg3 : memref<20000xf32, #tpu.memory_space<hbm>>) target(%arg10 : memref<20000xf32, #tpu.memory_space<vmem>>) target_semaphore(%run_scoped3A : memref<!tpu.dma_semaphore, #tpu.memory_space<semaphore_mem>>)
      tpu.wait_dma2 semaphore(%run_scoped3A : memref<!tpu.dma_semaphore, #tpu.memory_space<semaphore_mem>>) src(%arg3 : memref<20000xf32, #tpu.memory_space<hbm>>) dst(%arg10 : memref<20000xf32, #tpu.memory_space<vmem>>)
      tpu.yield
    }) : () -> ()
    "tpu.region"() ({
      %run_scoped3A = tpu.sem_alloc : memref<!tpu.dma_semaphore, #tpu.memory_space<semaphore_mem>>
      tpu.enqueue_dma source(%arg4 : memref<32xf32, #tpu.memory_space<hbm>>) target(%arg11 : memref<32xf32, #tpu.memory_space<vmem>>) target_semaphore(%run_scoped3A : memref<!tpu.dma_semaphore, #tpu.memory_space<semaphore_mem>>)
      tpu.wait_dma2 semaphore(%run_scoped3A : memref<!tpu.dma_semaphore, #tpu.memory_space<semaphore_mem>>) src(%arg4 : memref<32xf32, #tpu.memory_space<hbm>>) dst(%arg11 : memref<32xf32, #tpu.memory_space<vmem>>)
      tpu.yield
    }) : () -> ()
    "tpu.region"() ({
      %run_scoped3A = tpu.sem_alloc : memref<!tpu.dma_semaphore, #tpu.memory_space<semaphore_mem>>
      tpu.enqueue_dma source(%arg5 : memref<32xf32, #tpu.memory_space<hbm>>) target(%arg12 : memref<32xf32, #tpu.memory_space<vmem>>) target_semaphore(%run_scoped3A : memref<!tpu.dma_semaphore, #tpu.memory_space<semaphore_mem>>)
      tpu.wait_dma2 semaphore(%run_scoped3A : memref<!tpu.dma_semaphore, #tpu.memory_space<semaphore_mem>>) src(%arg5 : memref<32xf32, #tpu.memory_space<hbm>>) dst(%arg12 : memref<32xf32, #tpu.memory_space<vmem>>)
      tpu.yield
    }) : () -> ()
    %broadcast_in_dim3A = arith.constant 0.000000e+00 : f32
    %broadcast_in_dim3A_3 = vector.broadcast %broadcast_in_dim3A : f32 to vector<16xf32>
    %scan3A = arith.constant 0 : i32
    %scan3A_4 = arith.constant 0 : i32
    %scan3A_5 = arith.constant 500 : i32
    %scan3A_6 = arith.addi %scan3A_4, %scan3A_5 : i32
    %scan3A_7 = arith.constant 1 : i32
    scf.for %scan3A_35 = %scan3A_4 to %scan3A_6 step %scan3A_7  : i32 {
      %mul3A_36 = arith.constant 80 : i32
      %mul3A_37 = arith.muli %scan3A_35, %mul3A_36 : i32
      %add3A_38 = arith.constant 0 : i32
      %add3A_39 = arith.addi %mul3A_37, %add3A_38 : i32
      %swap3A = arith.index_cast %add3A_39 : i32 to index
      %swap3A_40 = tpu.vector_load %arg13[%swap3A] {strides = array<i32>} : memref<40000xf32, #tpu.memory_space<vmem>>, vector<16xf32>,
      tpu.vector_store %arg13[%swap3A], %broadcast_in_dim3A_3 {strides = array<i32>} : memref<40000xf32, #tpu.memory_space<vmem>>, vector<16xf32>,
      %mul3A_41 = arith.constant 80 : i32
      %mul3A_42 = arith.muli %scan3A_35, %mul3A_41 : i32
      %add3A_43 = arith.constant 16 : i32
      %add3A_44 = arith.addi %mul3A_42, %add3A_43 : i32
      %swap3A_45 = arith.index_cast %add3A_44 : i32 to index
      %swap3A_46 = tpu.vector_load %arg13[%swap3A_45] {strides = array<i32>} : memref<40000xf32, #tpu.memory_space<vmem>>, vector<16xf32>,
      tpu.vector_store %arg13[%swap3A_45], %broadcast_in_dim3A_3 {strides = array<i32>} : memref<40000xf32, #tpu.memory_space<vmem>>, vector<16xf32>,
      %mul3A_47 = arith.constant 80 : i32
      %mul3A_48 = arith.muli %scan3A_35, %mul3A_47 : i32
      %add3A_49 = arith.constant 32 : i32
      %add3A_50 = arith.addi %mul3A_48, %add3A_49 : i32
      %swap3A_51 = arith.index_cast %add3A_50 : i32 to index
      %swap3A_52 = tpu.vector_load %arg13[%swap3A_51] {strides = array<i32>} : memref<40000xf32, #tpu.memory_space<vmem>>, vector<16xf32>,
      tpu.vector_store %arg13[%swap3A_51], %broadcast_in_dim3A_3 {strides = array<i32>} : memref<40000xf32, #tpu.memory_space<vmem>>, vector<16xf32>,
      %mul3A_53 = arith.constant 80 : i32
      %mul3A_54 = arith.muli %scan3A_35, %mul3A_53 : i32
      %add3A_55 = arith.constant 48 : i32
      %add3A_56 = arith.addi %mul3A_54, %add3A_55 : i32
      %swap3A_57 = arith.index_cast %add3A_56 : i32 to index
      %swap3A_58 = tpu.vector_load %arg13[%swap3A_57] {strides = array<i32>} : memref<40000xf32, #tpu.memory_space<vmem>>, vector<16xf32>,
      tpu.vector_store %arg13[%swap3A_57], %broadcast_in_dim3A_3 {strides = array<i32>} : memref<40000xf32, #tpu.memory_space<vmem>>, vector<16xf32>,
      %mul3A_59 = arith.constant 80 : i32
      %mul3A_60 = arith.muli %scan3A_35, %mul3A_59 : i32
      %add3A_61 = arith.constant 64 : i32
      %add3A_62 = arith.addi %mul3A_60, %add3A_61 : i32
      %swap3A_63 = arith.index_cast %add3A_62 : i32 to index
      %swap3A_64 = tpu.vector_load %arg13[%swap3A_63] {strides = array<i32>} : memref<40000xf32, #tpu.memory_space<vmem>>, vector<16xf32>,
      tpu.vector_store %arg13[%swap3A_63], %broadcast_in_dim3A_3 {strides = array<i32>} : memref<40000xf32, #tpu.memory_space<vmem>>, vector<16xf32>,
    }
    %scan3A_8 = arith.constant 500 : i32
    %get3A = arith.constant 0 : index
    %get3A_9 = tpu.vector_load %arg11[%get3A] {strides = array<i32>} : memref<32xf32, #tpu.memory_space<vmem>>, vector<16xf32>,
    %get3A_10 = arith.constant 16 : index
    %get3A_11 = tpu.vector_load %arg11[%get3A_10] {strides = array<i32>} : memref<32xf32, #tpu.memory_space<vmem>>, vector<16xf32>,
    %get3A_12 = arith.constant 0 : index
    %get3A_13 = tpu.vector_load %arg12[%get3A_12] {strides = array<i32>} : memref<32xf32, #tpu.memory_space<vmem>>, vector<16xf32>,
    %get3A_14 = arith.constant 16 : index
    %get3A_15 = tpu.vector_load %arg12[%get3A_14] {strides = array<i32>} : memref<32xf32, #tpu.memory_space<vmem>>, vector<16xf32>,
    %add3A_16 = arith.constant 0 : i32
    %add3A_17 = arith.addi %mul3A_2, %add3A_16 : i32
    %dma_start3A = arith.constant 0 : i32
    %dma_start3A_18 = tpu.memref_slice %arg14[%dma_start3A] : memref<4000xi32, #tpu.memory_space<vmem>> -> memref<2000xi32, #tpu.memory_space<vmem>>
    %dma_start3A_19 = tpu.memref_slice %arg6[%add3A_17] : memref<640000xi32, #tpu.memory_space<hbm>> -> memref<2000xi32, #tpu.memory_space<hbm>>
    %dma_start3A_20 = arith.constant 0 : i32
    %dma_start3A_21 = tpu.memref_slice %arg14[%dma_start3A_20] : memref<4000xi32, #tpu.memory_space<vmem>> -> memref<2000xi32, #tpu.memory_space<vmem>>
    %dma_start3A_22 = tpu.memref_slice %arg6[%add3A_17] : memref<640000xi32, #tpu.memory_space<hbm>> -> memref<2000xi32, #tpu.memory_space<hbm>>
    tpu.enqueue_dma source(%dma_start3A_22 : memref<2000xi32, #tpu.memory_space<hbm>>) target(%dma_start3A_21 : memref<2000xi32, #tpu.memory_space<vmem>>) target_semaphore(%arg16 : memref<!tpu.dma_semaphore, #tpu.memory_space<semaphore_mem>>)
    %dma_start3A_23 = arith.constant 0 : i32
    %dma_start3A_24 = tpu.memref_slice %arg15[%dma_start3A_23] : memref<4000xi32, #tpu.memory_space<vmem>> -> memref<2000xi32, #tpu.memory_space<vmem>>
    %dma_start3A_25 = tpu.memref_slice %arg7[%add3A_17] : memref<640000xi32, #tpu.memory_space<hbm>> -> memref<2000xi32, #tpu.memory_space<hbm>>
    %dma_start3A_26 = arith.constant 0 : i32
    %dma_start3A_27 = tpu.memref_slice %arg15[%dma_start3A_26] : memref<4000xi32, #tpu.memory_space<vmem>> -> memref<2000xi32, #tpu.memory_space<vmem>>
    %dma_start3A_28 = tpu.memref_slice %arg7[%add3A_17] : memref<640000xi32, #tpu.memory_space<hbm>> -> memref<2000xi32, #tpu.memory_space<hbm>>
    tpu.enqueue_dma source(%dma_start3A_28 : memref<2000xi32, #tpu.memory_space<hbm>>) target(%dma_start3A_27 : memref<2000xi32, #tpu.memory_space<vmem>>) target_semaphore(%arg16 : memref<!tpu.dma_semaphore, #tpu.memory_space<semaphore_mem>>)
    %scan3A_29 = arith.constant 0 : i32
    %scan3A_30 = arith.constant 0 : i32
    %scan3A_31 = arith.constant 5 : i32
    %scan3A_32 = arith.addi %scan3A_30, %scan3A_31 : i32
    %scan3A_33 = arith.constant 1 : i32
    scf.for %scan3A_35 = %scan3A_30 to %scan3A_32 step %scan3A_33  : i32 {
      %mul3A_36 = arith.constant 2 : i32
      %mul3A_37 = arith.muli %scan3A_35, %mul3A_36 : i32
      %dma_wait3A = arith.constant 0 : i32
      %dma_wait3A_38 = tpu.memref_slice %arg14[%dma_wait3A] : memref<4000xi32, #tpu.memory_space<vmem>> -> memref<2000xi32, #tpu.memory_space<vmem>>
      %dma_wait3A_39 = arith.constant 0 : i32
      %dma_wait3A_40 = tpu.memref_slice %arg6[%dma_wait3A_39] : memref<640000xi32, #tpu.memory_space<hbm>> -> memref<2000xi32, #tpu.memory_space<hbm>>
      %dma_wait3A_41 = arith.constant 0 : i32
      %dma_wait3A_42 = tpu.memref_slice %arg14[%dma_wait3A_41] : memref<4000xi32, #tpu.memory_space<vmem>> -> memref<2000xi32, #tpu.memory_space<vmem>>
      %dma_wait3A_43 = arith.constant 0 : i32
      %dma_wait3A_44 = tpu.memref_slice %arg6[%dma_wait3A_43] : memref<640000xi32, #tpu.memory_space<hbm>> -> memref<2000xi32, #tpu.memory_space<hbm>>
      tpu.wait_dma2 semaphore(%arg16 : memref<!tpu.dma_semaphore, #tpu.memory_space<semaphore_mem>>) src(%dma_wait3A_44 : memref<2000xi32, #tpu.memory_space<hbm>>) dst(%dma_wait3A_42 : memref<2000xi32, #tpu.memory_space<vmem>>)
      %dma_wait3A_45 = arith.constant 0 : i32
      %dma_wait3A_46 = tpu.memref_slice %arg15[%dma_wait3A_45] : memref<4000xi32, #tpu.memory_space<vmem>> -> memref<2000xi32, #tpu.memory_space<vmem>>
      %dma_wait3A_47 = arith.constant 0 : i32
      %dma_wait3A_48 = tpu.memref_slice %arg7[%dma_wait3A_47] : memref<640000xi32, #tpu.memory_space<hbm>> -> memref<2000xi32, #tpu.memory_space<hbm>>
      %dma_wait3A_49 = arith.constant 0 : i32
      %dma_wait3A_50 = tpu.memref_slice %arg15[%dma_wait3A_49] : memref<4000xi32, #tpu.memory_space<vmem>> -> memref<2000xi32, #tpu.memory_space<vmem>>
      %dma_wait3A_51 = arith.constant 0 : i32
      %dma_wait3A_52 = tpu.memref_slice %arg7[%dma_wait3A_51] : memref<640000xi32, #tpu.memory_space<hbm>> -> memref<2000xi32, #tpu.memory_space<hbm>>
      tpu.wait_dma2 semaphore(%arg16 : memref<!tpu.dma_semaphore, #tpu.memory_space<semaphore_mem>>) src(%dma_wait3A_52 : memref<2000xi32, #tpu.memory_space<hbm>>) dst(%dma_wait3A_50 : memref<2000xi32, #tpu.memory_space<vmem>>)
      %add3A_53 = arith.constant 1 : i32
      %add3A_54 = arith.addi %mul3A_37, %add3A_53 : i32
      %mul3A_55 = arith.constant 2000 : i32
      %mul3A_56 = arith.muli %add3A_54, %mul3A_55 : i32
      %add3A_57 = arith.addi %mul3A_2, %mul3A_56 : i32
      %dma_start3A_58 = arith.constant 2000 : i32
      %dma_start3A_59 = tpu.memref_slice %arg14[%dma_start3A_58] : memref<4000xi32, #tpu.memory_space<vmem>> -> memref<2000xi32, #tpu.memory_space<vmem>>
      %dma_start3A_60 = tpu.memref_slice %arg6[%add3A_57] : memref<640000xi32, #tpu.memory_space<hbm>> -> memref<2000xi32, #tpu.memory_space<hbm>>
      %dma_start3A_61 = arith.constant 2000 : i32
      %dma_start3A_62 = tpu.memref_slice %arg14[%dma_start3A_61] : memref<4000xi32, #tpu.memory_space<vmem>> -> memref<2000xi32, #tpu.memory_space<vmem>>
      %dma_start3A_63 = tpu.memref_slice %arg6[%add3A_57] : memref<640000xi32, #tpu.memory_space<hbm>> -> memref<2000xi32, #tpu.memory_space<hbm>>
      tpu.enqueue_dma source(%dma_start3A_63 : memref<2000xi32, #tpu.memory_space<hbm>>) target(%dma_start3A_62 : memref<2000xi32, #tpu.memory_space<vmem>>) target_semaphore(%arg17 : memref<!tpu.dma_semaphore, #tpu.memory_space<semaphore_mem>>)
      %dma_start3A_64 = arith.constant 2000 : i32
      %dma_start3A_65 = tpu.memref_slice %arg15[%dma_start3A_64] : memref<4000xi32, #tpu.memory_space<vmem>> -> memref<2000xi32, #tpu.memory_space<vmem>>
      %dma_start3A_66 = tpu.memref_slice %arg7[%add3A_57] : memref<640000xi32, #tpu.memory_space<hbm>> -> memref<2000xi32, #tpu.memory_space<hbm>>
      %dma_start3A_67 = arith.constant 2000 : i32
      %dma_start3A_68 = tpu.memref_slice %arg15[%dma_start3A_67] : memref<4000xi32, #tpu.memory_space<vmem>> -> memref<2000xi32, #tpu.memory_space<vmem>>
      %dma_start3A_69 = tpu.memref_slice %arg7[%add3A_57] : memref<640000xi32, #tpu.memory_space<hbm>> -> memref<2000xi32, #tpu.memory_space<hbm>>
      tpu.enqueue_dma source(%dma_start3A_69 : memref<2000xi32, #tpu.memory_space<hbm>>) target(%dma_start3A_68 : memref<2000xi32, #tpu.memory_space<vmem>>) target_semaphore(%arg17 : memref<!tpu.dma_semaphore, #tpu.memory_space<semaphore_mem>>)
      %scan3A_70 = arith.constant 0 : i32
      %scan3A_71 = arith.constant 0 : i32
      %scan3A_72 = arith.constant 25 : i32
      %scan3A_73 = arith.addi %scan3A_71, %scan3A_72 : i32
      %scan3A_74 = arith.constant 1 : i32
      scf.for %scan3A_102 = %scan3A_71 to %scan3A_73 step %scan3A_74  : i32 {
        %mul3A_103 = arith.constant 5 : i32
        %mul3A_104 = arith.muli %scan3A_102, %mul3A_103 : i32
        %add3A_105 = arith.constant 0 : i32
        %add3A_106 = arith.addi %mul3A_104, %add3A_105 : i32
        %mul3A_107 = arith.constant 16 : i32
        %mul3A_108 = arith.muli %add3A_106, %mul3A_107 : i32
        %add3A_109 = arith.constant 0 : i32
        %add3A_110 = arith.addi %add3A_109, %mul3A_108 : i32
        %get3A_111 = arith.index_cast %add3A_110 : i32 to index
        %get3A_112 = tpu.vector_load %arg14[%get3A_111] {strides = array<i32>} : memref<4000xi32, #tpu.memory_space<vmem>>, vector<16xi32>,
        %get3A_113 = arith.index_cast %add3A_110 : i32 to index
        %get3A_114 = tpu.vector_load %arg15[%get3A_113] {strides = array<i32>} : memref<4000xi32, #tpu.memory_space<vmem>>, vector<16xi32>,
        %add3A_115 = arith.constant 0 : i32
        %add3A_116 = vector.broadcast %add3A_115 : i32 to vector<16xi32>
        %add3A_117 = arith.addi %get3A_112, %add3A_116 : vector<16xi32>
        %gather3A = tpu.vector_load_idx %arg9[%add3A_117] : memref<20000xf32, #tpu.memory_space<vmem>>[vector<16xi32>], vector<16xf32>,
        %add3A_118 = arith.constant 10000 : i32
        %add3A_119 = vector.broadcast %add3A_118 : i32 to vector<16xi32>
        %add3A_120 = arith.addi %get3A_112, %add3A_119 : vector<16xi32>
        %gather3A_121 = tpu.vector_load_idx %arg9[%add3A_120] : memref<20000xf32, #tpu.memory_space<vmem>>[vector<16xi32>], vector<16xf32>,
        %add3A_122 = arith.constant 0 : i32
        %add3A_123 = vector.broadcast %add3A_122 : i32 to vector<16xi32>
        %add3A_124 = arith.addi %get3A_114, %add3A_123 : vector<16xi32>
        %gather3A_125 = tpu.vector_load_idx %arg10[%add3A_124] : memref<20000xf32, #tpu.memory_space<vmem>>[vector<16xi32>], vector<16xf32>,
        %add3A_126 = arith.constant 10000 : i32
        %add3A_127 = vector.broadcast %add3A_126 : i32 to vector<16xi32>
        %add3A_128 = arith.addi %get3A_114, %add3A_127 : vector<16xi32>
        %gather3A_129 = tpu.vector_load_idx %arg10[%add3A_128] : memref<20000xf32, #tpu.memory_space<vmem>>[vector<16xi32>], vector<16xf32>,
        %mul3A_130 = arith.mulf %gather3A, %get3A_9 : vector<16xf32>
        %add3A_131 = arith.addf %mul3A_130, %gather3A_125 : vector<16xf32>
        %mul3A_132 = arith.constant 2.000000e-01 : f32
        %mul3A_133 = vector.broadcast %mul3A_132 : f32 to vector<16xf32>
        %mul3A_134 = arith.mulf %add3A_131, %mul3A_133 : vector<16xf32>
        %max3A = arith.maximumf %add3A_131, %mul3A_134 : vector<16xf32>
        %add3A_135 = arith.addf %gather3A_125, %get3A_13 : vector<16xf32>
        %mul3A_136 = arith.constant 2.000000e-01 : f32
        %mul3A_137 = vector.broadcast %mul3A_136 : f32 to vector<16xf32>
        %mul3A_138 = arith.mulf %add3A_135, %mul3A_137 : vector<16xf32>
        %max3A_139 = arith.maximumf %add3A_135, %mul3A_138 : vector<16xf32>
        %sub3A = arith.subf %max3A, %max3A_139 : vector<16xf32>
        %exp3A = math.exp %sub3A : vector<16xf32>
        %add3A_140 = arith.constant 20000 : i32
        %add3A_141 = vector.broadcast %add3A_140 : i32 to vector<16xi32>
        %add3A_142 = arith.addi %get3A_114, %add3A_141 : vector<16xi32>
        tpu.vector_store_idx %arg13[%add3A_142], %exp3A {add = true} : memref<40000xf32, #tpu.memory_space<vmem>>[vector<16xi32>], vector<16xf32>,
        %add3A_143 = arith.constant 0 : i32
        %add3A_144 = vector.broadcast %add3A_143 : i32 to vector<16xi32>
        %add3A_145 = arith.addi %get3A_114, %add3A_144 : vector<16xi32>
        %mul3A_146 = arith.mulf %exp3A, %gather3A : vector<16xf32>
        tpu.vector_store_idx %arg13[%add3A_145], %mul3A_146 {add = true} : memref<40000xf32, #tpu.memory_space<vmem>>[vector<16xi32>], vector<16xf32>,
        %mul3A_147 = arith.mulf %gather3A_121, %get3A_11 : vector<16xf32>
        %add3A_148 = arith.addf %mul3A_147, %gather3A_129 : vector<16xf32>
        %mul3A_149 = arith.constant 2.000000e-01 : f32
        %mul3A_150 = vector.broadcast %mul3A_149 : f32 to vector<16xf32>
        %mul3A_151 = arith.mulf %add3A_148, %mul3A_150 : vector<16xf32>
        %max3A_152 = arith.maximumf %add3A_148, %mul3A_151 : vector<16xf32>
        %add3A_153 = arith.addf %gather3A_129, %get3A_15 : vector<16xf32>
        %mul3A_154 = arith.constant 2.000000e-01 : f32
        %mul3A_155 = vector.broadcast %mul3A_154 : f32 to vector<16xf32>
        %mul3A_156 = arith.mulf %add3A_153, %mul3A_155 : vector<16xf32>
        %max3A_157 = arith.maximumf %add3A_153, %mul3A_156 : vector<16xf32>
        %sub3A_158 = arith.subf %max3A_152, %max3A_157 : vector<16xf32>
        %exp3A_159 = math.exp %sub3A_158 : vector<16xf32>
        %add3A_160 = arith.constant 30000 : i32
        %add3A_161 = vector.broadcast %add3A_160 : i32 to vector<16xi32>
        %add3A_162 = arith.addi %get3A_114, %add3A_161 : vector<16xi32>
        tpu.vector_store_idx %arg13[%add3A_162], %exp3A_159 {add = true} : memref<40000xf32, #tpu.memory_space<vmem>>[vector<16xi32>], vector<16xf32>,
        %add3A_163 = arith.constant 10000 : i32
        %add3A_164 = vector.broadcast %add3A_163 : i32 to vector<16xi32>
        %add3A_165 = arith.addi %get3A_114, %add3A_164 : vector<16xi32>
        %mul3A_166 = arith.mulf %exp3A_159, %gather3A_121 : vector<16xf32>
        tpu.vector_store_idx %arg13[%add3A_165], %mul3A_166 {add = true} : memref<40000xf32, #tpu.memory_space<vmem>>[vector<16xi32>], vector<16xf32>,
        %mul3A_167 = arith.constant 5 : i32
        %mul3A_168 = arith.muli %scan3A_102, %mul3A_167 : i32
        %add3A_169 = arith.constant 1 : i32
        %add3A_170 = arith.addi %mul3A_168, %add3A_169 : i32
        %mul3A_171 = arith.constant 16 : i32
        %mul3A_172 = arith.muli %add3A_170, %mul3A_171 : i32
        %add3A_173 = arith.constant 0 : i32
        %add3A_174 = arith.addi %add3A_173, %mul3A_172 : i32
        %get3A_175 = arith.index_cast %add3A_174 : i32 to index
        %get3A_176 = tpu.vector_load %arg14[%get3A_175] {strides = array<i32>} : memref<4000xi32, #tpu.memory_space<vmem>>, vector<16xi32>,
        %get3A_177 = arith.index_cast %add3A_174 : i32 to index
        %get3A_178 = tpu.vector_load %arg15[%get3A_177] {strides = array<i32>} : memref<4000xi32, #tpu.memory_space<vmem>>, vector<16xi32>,
        %add3A_179 = arith.constant 0 : i32
        %add3A_180 = vector.broadcast %add3A_179 : i32 to vector<16xi32>
        %add3A_181 = arith.addi %get3A_176, %add3A_180 : vector<16xi32>
        %gather3A_182 = tpu.vector_load_idx %arg9[%add3A_181] : memref<20000xf32, #tpu.memory_space<vmem>>[vector<16xi32>], vector<16xf32>,
        %add3A_183 = arith.constant 10000 : i32
        %add3A_184 = vector.broadcast %add3A_183 : i32 to vector<16xi32>
        %add3A_185 = arith.addi %get3A_176, %add3A_184 : vector<16xi32>
        %gather3A_186 = tpu.vector_load_idx %arg9[%add3A_185] : memref<20000xf32, #tpu.memory_space<vmem>>[vector<16xi32>], vector<16xf32>,
        %add3A_187 = arith.constant 0 : i32
        %add3A_188 = vector.broadcast %add3A_187 : i32 to vector<16xi32>
        %add3A_189 = arith.addi %get3A_178, %add3A_188 : vector<16xi32>
        %gather3A_190 = tpu.vector_load_idx %arg10[%add3A_189] : memref<20000xf32, #tpu.memory_space<vmem>>[vector<16xi32>], vector<16xf32>,
        %add3A_191 = arith.constant 10000 : i32
        %add3A_192 = vector.broadcast %add3A_191 : i32 to vector<16xi32>
        %add3A_193 = arith.addi %get3A_178, %add3A_192 : vector<16xi32>
        %gather3A_194 = tpu.vector_load_idx %arg10[%add3A_193] : memref<20000xf32, #tpu.memory_space<vmem>>[vector<16xi32>], vector<16xf32>,
        %mul3A_195 = arith.mulf %gather3A_182, %get3A_9 : vector<16xf32>
        %add3A_196 = arith.addf %mul3A_195, %gather3A_190 : vector<16xf32>
        %mul3A_197 = arith.constant 2.000000e-01 : f32
        %mul3A_198 = vector.broadcast %mul3A_197 : f32 to vector<16xf32>
        %mul3A_199 = arith.mulf %add3A_196, %mul3A_198 : vector<16xf32>
        %max3A_200 = arith.maximumf %add3A_196, %mul3A_199 : vector<16xf32>
        %add3A_201 = arith.addf %gather3A_190, %get3A_13 : vector<16xf32>
        %mul3A_202 = arith.constant 2.000000e-01 : f32
        %mul3A_203 = vector.broadcast %mul3A_202 : f32 to vector<16xf32>
        %mul3A_204 = arith.mulf %add3A_201, %mul3A_203 : vector<16xf32>
        %max3A_205 = arith.maximumf %add3A_201, %mul3A_204 : vector<16xf32>
        %sub3A_206 = arith.subf %max3A_200, %max3A_205 : vector<16xf32>
        %exp3A_207 = math.exp %sub3A_206 : vector<16xf32>
        %add3A_208 = arith.constant 20000 : i32
        %add3A_209 = vector.broadcast %add3A_208 : i32 to vector<16xi32>
        %add3A_210 = arith.addi %get3A_178, %add3A_209 : vector<16xi32>
        tpu.vector_store_idx %arg13[%add3A_210], %exp3A_207 {add = true} : memref<40000xf32, #tpu.memory_space<vmem>>[vector<16xi32>], vector<16xf32>,
        %add3A_211 = arith.constant 0 : i32
        %add3A_212 = vector.broadcast %add3A_211 : i32 to vector<16xi32>
        %add3A_213 = arith.addi %get3A_178, %add3A_212 : vector<16xi32>
        %mul3A_214 = arith.mulf %exp3A_207, %gather3A_182 : vector<16xf32>
        tpu.vector_store_idx %arg13[%add3A_213], %mul3A_214 {add = true} : memref<40000xf32, #tpu.memory_space<vmem>>[vector<16xi32>], vector<16xf32>,
        %mul3A_215 = arith.mulf %gather3A_186, %get3A_11 : vector<16xf32>
        %add3A_216 = arith.addf %mul3A_215, %gather3A_194 : vector<16xf32>
        %mul3A_217 = arith.constant 2.000000e-01 : f32
        %mul3A_218 = vector.broadcast %mul3A_217 : f32 to vector<16xf32>
        %mul3A_219 = arith.mulf %add3A_216, %mul3A_218 : vector<16xf32>
        %max3A_220 = arith.maximumf %add3A_216, %mul3A_219 : vector<16xf32>
        %add3A_221 = arith.addf %gather3A_194, %get3A_15 : vector<16xf32>
        %mul3A_222 = arith.constant 2.000000e-01 : f32
        %mul3A_223 = vector.broadcast %mul3A_222 : f32 to vector<16xf32>
        %mul3A_224 = arith.mulf %add3A_221, %mul3A_223 : vector<16xf32>
        %max3A_225 = arith.maximumf %add3A_221, %mul3A_224 : vector<16xf32>
        %sub3A_226 = arith.subf %max3A_220, %max3A_225 : vector<16xf32>
        %exp3A_227 = math.exp %sub3A_226 : vector<16xf32>
        %add3A_228 = arith.constant 30000 : i32
        %add3A_229 = vector.broadcast %add3A_228 : i32 to vector<16xi32>
        %add3A_230 = arith.addi %get3A_178, %add3A_229 : vector<16xi32>
        tpu.vector_store_idx %arg13[%add3A_230], %exp3A_227 {add = true} : memref<40000xf32, #tpu.memory_space<vmem>>[vector<16xi32>], vector<16xf32>,
        %add3A_231 = arith.constant 10000 : i32
        %add3A_232 = vector.broadcast %add3A_231 : i32 to vector<16xi32>
        %add3A_233 = arith.addi %get3A_178, %add3A_232 : vector<16xi32>
        %mul3A_234 = arith.mulf %exp3A_227, %gather3A_186 : vector<16xf32>
        tpu.vector_store_idx %arg13[%add3A_233], %mul3A_234 {add = true} : memref<40000xf32, #tpu.memory_space<vmem>>[vector<16xi32>], vector<16xf32>,
        %mul3A_235 = arith.constant 5 : i32
        %mul3A_236 = arith.muli %scan3A_102, %mul3A_235 : i32
        %add3A_237 = arith.constant 2 : i32
        %add3A_238 = arith.addi %mul3A_236, %add3A_237 : i32
        %mul3A_239 = arith.constant 16 : i32
        %mul3A_240 = arith.muli %add3A_238, %mul3A_239 : i32
        %add3A_241 = arith.constant 0 : i32
        %add3A_242 = arith.addi %add3A_241, %mul3A_240 : i32
        %get3A_243 = arith.index_cast %add3A_242 : i32 to index
        %get3A_244 = tpu.vector_load %arg14[%get3A_243] {strides = array<i32>} : memref<4000xi32, #tpu.memory_space<vmem>>, vector<16xi32>,
        %get3A_245 = arith.index_cast %add3A_242 : i32 to index
        %get3A_246 = tpu.vector_load %arg15[%get3A_245] {strides = array<i32>} : memref<4000xi32, #tpu.memory_space<vmem>>, vector<16xi32>,
        %add3A_247 = arith.constant 0 : i32
        %add3A_248 = vector.broadcast %add3A_247 : i32 to vector<16xi32>
        %add3A_249 = arith.addi %get3A_244, %add3A_248 : vector<16xi32>
        %gather3A_250 = tpu.vector_load_idx %arg9[%add3A_249] : memref<20000xf32, #tpu.memory_space<vmem>>[vector<16xi32>], vector<16xf32>,
        %add3A_251 = arith.constant 10000 : i32
        %add3A_252 = vector.broadcast %add3A_251 : i32 to vector<16xi32>
        %add3A_253 = arith.addi %get3A_244, %add3A_252 : vector<16xi32>
        %gather3A_254 = tpu.vector_load_idx %arg9[%add3A_253] : memref<20000xf32, #tpu.memory_space<vmem>>[vector<16xi32>], vector<16xf32>,
        %add3A_255 = arith.constant 0 : i32
        %add3A_256 = vector.broadcast %add3A_255 : i32 to vector<16xi32>
        %add3A_257 = arith.addi %get3A_246, %add3A_256 : vector<16xi32>
        %gather3A_258 = tpu.vector_load_idx %arg10[%add3A_257] : memref<20000xf32, #tpu.memory_space<vmem>>[vector<16xi32>], vector<16xf32>,
        %add3A_259 = arith.constant 10000 : i32
        %add3A_260 = vector.broadcast %add3A_259 : i32 to vector<16xi32>
        %add3A_261 = arith.addi %get3A_246, %add3A_260 : vector<16xi32>
        %gather3A_262 = tpu.vector_load_idx %arg10[%add3A_261] : memref<20000xf32, #tpu.memory_space<vmem>>[vector<16xi32>], vector<16xf32>,
        %mul3A_263 = arith.mulf %gather3A_250, %get3A_9 : vector<16xf32>
        %add3A_264 = arith.addf %mul3A_263, %gather3A_258 : vector<16xf32>
        %mul3A_265 = arith.constant 2.000000e-01 : f32
        %mul3A_266 = vector.broadcast %mul3A_265 : f32 to vector<16xf32>
        %mul3A_267 = arith.mulf %add3A_264, %mul3A_266 : vector<16xf32>
        %max3A_268 = arith.maximumf %add3A_264, %mul3A_267 : vector<16xf32>
        %add3A_269 = arith.addf %gather3A_258, %get3A_13 : vector<16xf32>
        %mul3A_270 = arith.constant 2.000000e-01 : f32
        %mul3A_271 = vector.broadcast %mul3A_270 : f32 to vector<16xf32>
        %mul3A_272 = arith.mulf %add3A_269, %mul3A_271 : vector<16xf32>
        %max3A_273 = arith.maximumf %add3A_269, %mul3A_272 : vector<16xf32>
        %sub3A_274 = arith.subf %max3A_268, %max3A_273 : vector<16xf32>
        %exp3A_275 = math.exp %sub3A_274 : vector<16xf32>
        %add3A_276 = arith.constant 20000 : i32
        %add3A_277 = vector.broadcast %add3A_276 : i32 to vector<16xi32>
        %add3A_278 = arith.addi %get3A_246, %add3A_277 : vector<16xi32>
        tpu.vector_store_idx %arg13[%add3A_278], %exp3A_275 {add = true} : memref<40000xf32, #tpu.memory_space<vmem>>[vector<16xi32>], vector<16xf32>,
        %add3A_279 = arith.constant 0 : i32
        %add3A_280 = vector.broadcast %add3A_279 : i32 to vector<16xi32>
        %add3A_281 = arith.addi %get3A_246, %add3A_280 : vector<16xi32>
        %mul3A_282 = arith.mulf %exp3A_275, %gather3A_250 : vector<16xf32>
        tpu.vector_store_idx %arg13[%add3A_281], %mul3A_282 {add = true} : memref<40000xf32, #tpu.memory_space<vmem>>[vector<16xi32>], vector<16xf32>,
        %mul3A_283 = arith.mulf %gather3A_254, %get3A_11 : vector<16xf32>
        %add3A_284 = arith.addf %mul3A_283, %gather3A_262 : vector<16xf32>
        %mul3A_285 = arith.constant 2.000000e-01 : f32
        %mul3A_286 = vector.broadcast %mul3A_285 : f32 to vector<16xf32>
        %mul3A_287 = arith.mulf %add3A_284, %mul3A_286 : vector<16xf32>
        %max3A_288 = arith.maximumf %add3A_284, %mul3A_287 : vector<16xf32>
        %add3A_289 = arith.addf %gather3A_262, %get3A_15 : vector<16xf32>
        %mul3A_290 = arith.constant 2.000000e-01 : f32
        %mul3A_291 = vector.broadcast %mul3A_290 : f32 to vector<16xf32>
        %mul3A_292 = arith.mulf %add3A_289, %mul3A_291 : vector<16xf32>
        %max3A_293 = arith.maximumf %add3A_289, %mul3A_292 : vector<16xf32>
        %sub3A_294 = arith.subf %max3A_288, %max3A_293 : vector<16xf32>
        %exp3A_295 = math.exp %sub3A_294 : vector<16xf32>
        %add3A_296 = arith.constant 30000 : i32
        %add3A_297 = vector.broadcast %add3A_296 : i32 to vector<16xi32>
        %add3A_298 = arith.addi %get3A_246, %add3A_297 : vector<16xi32>
        tpu.vector_store_idx %arg13[%add3A_298], %exp3A_295 {add = true} : memref<40000xf32, #tpu.memory_space<vmem>>[vector<16xi32>], vector<16xf32>,
        %add3A_299 = arith.constant 10000 : i32
        %add3A_300 = vector.broadcast %add3A_299 : i32 to vector<16xi32>
        %add3A_301 = arith.addi %get3A_246, %add3A_300 : vector<16xi32>
        %mul3A_302 = arith.mulf %exp3A_295, %gather3A_254 : vector<16xf32>
        tpu.vector_store_idx %arg13[%add3A_301], %mul3A_302 {add = true} : memref<40000xf32, #tpu.memory_space<vmem>>[vector<16xi32>], vector<16xf32>,
        %mul3A_303 = arith.constant 5 : i32
        %mul3A_304 = arith.muli %scan3A_102, %mul3A_303 : i32
        %add3A_305 = arith.constant 3 : i32
        %add3A_306 = arith.addi %mul3A_304, %add3A_305 : i32
        %mul3A_307 = arith.constant 16 : i32
        %mul3A_308 = arith.muli %add3A_306, %mul3A_307 : i32
        %add3A_309 = arith.constant 0 : i32
        %add3A_310 = arith.addi %add3A_309, %mul3A_308 : i32
        %get3A_311 = arith.index_cast %add3A_310 : i32 to index
        %get3A_312 = tpu.vector_load %arg14[%get3A_311] {strides = array<i32>} : memref<4000xi32, #tpu.memory_space<vmem>>, vector<16xi32>,
        %get3A_313 = arith.index_cast %add3A_310 : i32 to index
        %get3A_314 = tpu.vector_load %arg15[%get3A_313] {strides = array<i32>} : memref<4000xi32, #tpu.memory_space<vmem>>, vector<16xi32>,
        %add3A_315 = arith.constant 0 : i32
        %add3A_316 = vector.broadcast %add3A_315 : i32 to vector<16xi32>
        %add3A_317 = arith.addi %get3A_312, %add3A_316 : vector<16xi32>
        %gather3A_318 = tpu.vector_load_idx %arg9[%add3A_317] : memref<20000xf32, #tpu.memory_space<vmem>>[vector<16xi32>], vector<16xf32>,
        %add3A_319 = arith.constant 10000 : i32
        %add3A_320 = vector.broadcast %add3A_319 : i32 to vector<16xi32>
        %add3A_321 = arith.addi %get3A_312, %add3A_320 : vector<16xi32>
        %gather3A_322 = tpu.vector_load_idx %arg9[%add3A_321] : memref<20000xf32, #tpu.memory_space<vmem>>[vector<16xi32>], vector<16xf32>,
        %add3A_323 = arith.constant 0 : i32
        %add3A_324 = vector.broadcast %add3A_323 : i32 to vector<16xi32>
        %add3A_325 = arith.addi %get3A_314, %add3A_324 : vector<16xi32>
        %gather3A_326 = tpu.vector_load_idx %arg10[%add3A_325] : memref<20000xf32, #tpu.memory_space<vmem>>[vector<16xi32>], vector<16xf32>,
        %add3A_327 = arith.constant 10000 : i32
        %add3A_328 = vector.broadcast %add3A_327 : i32 to vector<16xi32>
        %add3A_329 = arith.addi %get3A_314, %add3A_328 : vector<16xi32>
        %gather3A_330 = tpu.vector_load_idx %arg10[%add3A_329] : memref<20000xf32, #tpu.memory_space<vmem>>[vector<16xi32>], vector<16xf32>,
        %mul3A_331 = arith.mulf %gather3A_318, %get3A_9 : vector<16xf32>
        %add3A_332 = arith.addf %mul3A_331, %gather3A_326 : vector<16xf32>
        %mul3A_333 = arith.constant 2.000000e-01 : f32
        %mul3A_334 = vector.broadcast %mul3A_333 : f32 to vector<16xf32>
        %mul3A_335 = arith.mulf %add3A_332, %mul3A_334 : vector<16xf32>
        %max3A_336 = arith.maximumf %add3A_332, %mul3A_335 : vector<16xf32>
        %add3A_337 = arith.addf %gather3A_326, %get3A_13 : vector<16xf32>
        %mul3A_338 = arith.constant 2.000000e-01 : f32
        %mul3A_339 = vector.broadcast %mul3A_338 : f32 to vector<16xf32>
        %mul3A_340 = arith.mulf %add3A_337, %mul3A_339 : vector<16xf32>
        %max3A_341 = arith.maximumf %add3A_337, %mul3A_340 : vector<16xf32>
        %sub3A_342 = arith.subf %max3A_336, %max3A_341 : vector<16xf32>
        %exp3A_343 = math.exp %sub3A_342 : vector<16xf32>
        %add3A_344 = arith.constant 20000 : i32
        %add3A_345 = vector.broadcast %add3A_344 : i32 to vector<16xi32>
        %add3A_346 = arith.addi %get3A_314, %add3A_345 : vector<16xi32>
        tpu.vector_store_idx %arg13[%add3A_346], %exp3A_343 {add = true} : memref<40000xf32, #tpu.memory_space<vmem>>[vector<16xi32>], vector<16xf32>,
        %add3A_347 = arith.constant 0 : i32
        %add3A_348 = vector.broadcast %add3A_347 : i32 to vector<16xi32>
        %add3A_349 = arith.addi %get3A_314, %add3A_348 : vector<16xi32>
        %mul3A_350 = arith.mulf %exp3A_343, %gather3A_318 : vector<16xf32>
        tpu.vector_store_idx %arg13[%add3A_349], %mul3A_350 {add = true} : memref<40000xf32, #tpu.memory_space<vmem>>[vector<16xi32>], vector<16xf32>,
        %mul3A_351 = arith.mulf %gather3A_322, %get3A_11 : vector<16xf32>
        %add3A_352 = arith.addf %mul3A_351, %gather3A_330 : vector<16xf32>
        %mul3A_353 = arith.constant 2.000000e-01 : f32
        %mul3A_354 = vector.broadcast %mul3A_353 : f32 to vector<16xf32>
        %mul3A_355 = arith.mulf %add3A_352, %mul3A_354 : vector<16xf32>
        %max3A_356 = arith.maximumf %add3A_352, %mul3A_355 : vector<16xf32>
        %add3A_357 = arith.addf %gather3A_330, %get3A_15 : vector<16xf32>
        %mul3A_358 = arith.constant 2.000000e-01 : f32
        %mul3A_359 = vector.broadcast %mul3A_358 : f32 to vector<16xf32>
        %mul3A_360 = arith.mulf %add3A_357, %mul3A_359 : vector<16xf32>
        %max3A_361 = arith.maximumf %add3A_357, %mul3A_360 : vector<16xf32>
        %sub3A_362 = arith.subf %max3A_356, %max3A_361 : vector<16xf32>
        %exp3A_363 = math.exp %sub3A_362 : vector<16xf32>
        %add3A_364 = arith.constant 30000 : i32
        %add3A_365 = vector.broadcast %add3A_364 : i32 to vector<16xi32>
        %add3A_366 = arith.addi %get3A_314, %add3A_365 : vector<16xi32>
        tpu.vector_store_idx %arg13[%add3A_366], %exp3A_363 {add = true} : memref<40000xf32, #tpu.memory_space<vmem>>[vector<16xi32>], vector<16xf32>,
        %add3A_367 = arith.constant 10000 : i32
        %add3A_368 = vector.broadcast %add3A_367 : i32 to vector<16xi32>
        %add3A_369 = arith.addi %get3A_314, %add3A_368 : vector<16xi32>
        %mul3A_370 = arith.mulf %exp3A_363, %gather3A_322 : vector<16xf32>
        tpu.vector_store_idx %arg13[%add3A_369], %mul3A_370 {add = true} : memref<40000xf32, #tpu.memory_space<vmem>>[vector<16xi32>], vector<16xf32>,
        %mul3A_371 = arith.constant 5 : i32
        %mul3A_372 = arith.muli %scan3A_102, %mul3A_371 : i32
        %add3A_373 = arith.constant 4 : i32
        %add3A_374 = arith.addi %mul3A_372, %add3A_373 : i32
        %mul3A_375 = arith.constant 16 : i32
        %mul3A_376 = arith.muli %add3A_374, %mul3A_375 : i32
        %add3A_377 = arith.constant 0 : i32
        %add3A_378 = arith.addi %add3A_377, %mul3A_376 : i32
        %get3A_379 = arith.index_cast %add3A_378 : i32 to index
        %get3A_380 = tpu.vector_load %arg14[%get3A_379] {strides = array<i32>} : memref<4000xi32, #tpu.memory_space<vmem>>, vector<16xi32>,
        %get3A_381 = arith.index_cast %add3A_378 : i32 to index
        %get3A_382 = tpu.vector_load %arg15[%get3A_381] {strides = array<i32>} : memref<4000xi32, #tpu.memory_space<vmem>>, vector<16xi32>,
        %add3A_383 = arith.constant 0 : i32
        %add3A_384 = vector.broadcast %add3A_383 : i32 to vector<16xi32>
        %add3A_385 = arith.addi %get3A_380, %add3A_384 : vector<16xi32>
        %gather3A_386 = tpu.vector_load_idx %arg9[%add3A_385] : memref<20000xf32, #tpu.memory_space<vmem>>[vector<16xi32>], vector<16xf32>,
        %add3A_387 = arith.constant 10000 : i32
        %add3A_388 = vector.broadcast %add3A_387 : i32 to vector<16xi32>
        %add3A_389 = arith.addi %get3A_380, %add3A_388 : vector<16xi32>
        %gather3A_390 = tpu.vector_load_idx %arg9[%add3A_389] : memref<20000xf32, #tpu.memory_space<vmem>>[vector<16xi32>], vector<16xf32>,
        %add3A_391 = arith.constant 0 : i32
        %add3A_392 = vector.broadcast %add3A_391 : i32 to vector<16xi32>
        %add3A_393 = arith.addi %get3A_382, %add3A_392 : vector<16xi32>
        %gather3A_394 = tpu.vector_load_idx %arg10[%add3A_393] : memref<20000xf32, #tpu.memory_space<vmem>>[vector<16xi32>], vector<16xf32>,
        %add3A_395 = arith.constant 10000 : i32
        %add3A_396 = vector.broadcast %add3A_395 : i32 to vector<16xi32>
        %add3A_397 = arith.addi %get3A_382, %add3A_396 : vector<16xi32>
        %gather3A_398 = tpu.vector_load_idx %arg10[%add3A_397] : memref<20000xf32, #tpu.memory_space<vmem>>[vector<16xi32>], vector<16xf32>,
        %mul3A_399 = arith.mulf %gather3A_386, %get3A_9 : vector<16xf32>
        %add3A_400 = arith.addf %mul3A_399, %gather3A_394 : vector<16xf32>
        %mul3A_401 = arith.constant 2.000000e-01 : f32
        %mul3A_402 = vector.broadcast %mul3A_401 : f32 to vector<16xf32>
        %mul3A_403 = arith.mulf %add3A_400, %mul3A_402 : vector<16xf32>
        %max3A_404 = arith.maximumf %add3A_400, %mul3A_403 : vector<16xf32>
        %add3A_405 = arith.addf %gather3A_394, %get3A_13 : vector<16xf32>
        %mul3A_406 = arith.constant 2.000000e-01 : f32
        %mul3A_407 = vector.broadcast %mul3A_406 : f32 to vector<16xf32>
        %mul3A_408 = arith.mulf %add3A_405, %mul3A_407 : vector<16xf32>
        %max3A_409 = arith.maximumf %add3A_405, %mul3A_408 : vector<16xf32>
        %sub3A_410 = arith.subf %max3A_404, %max3A_409 : vector<16xf32>
        %exp3A_411 = math.exp %sub3A_410 : vector<16xf32>
        %add3A_412 = arith.constant 20000 : i32
        %add3A_413 = vector.broadcast %add3A_412 : i32 to vector<16xi32>
        %add3A_414 = arith.addi %get3A_382, %add3A_413 : vector<16xi32>
        tpu.vector_store_idx %arg13[%add3A_414], %exp3A_411 {add = true} : memref<40000xf32, #tpu.memory_space<vmem>>[vector<16xi32>], vector<16xf32>,
        %add3A_415 = arith.constant 0 : i32
        %add3A_416 = vector.broadcast %add3A_415 : i32 to vector<16xi32>
        %add3A_417 = arith.addi %get3A_382, %add3A_416 : vector<16xi32>
        %mul3A_418 = arith.mulf %exp3A_411, %gather3A_386 : vector<16xf32>
        tpu.vector_store_idx %arg13[%add3A_417], %mul3A_418 {add = true} : memref<40000xf32, #tpu.memory_space<vmem>>[vector<16xi32>], vector<16xf32>,
        %mul3A_419 = arith.mulf %gather3A_390, %get3A_11 : vector<16xf32>
        %add3A_420 = arith.addf %mul3A_419, %gather3A_398 : vector<16xf32>
        %mul3A_421 = arith.constant 2.000000e-01 : f32
        %mul3A_422 = vector.broadcast %mul3A_421 : f32 to vector<16xf32>
        %mul3A_423 = arith.mulf %add3A_420, %mul3A_422 : vector<16xf32>
        %max3A_424 = arith.maximumf %add3A_420, %mul3A_423 : vector<16xf32>
        %add3A_425 = arith.addf %gather3A_398, %get3A_15 : vector<16xf32>
        %mul3A_426 = arith.constant 2.000000e-01 : f32
        %mul3A_427 = vector.broadcast %mul3A_426 : f32 to vector<16xf32>
        %mul3A_428 = arith.mulf %add3A_425, %mul3A_427 : vector<16xf32>
        %max3A_429 = arith.maximumf %add3A_425, %mul3A_428 : vector<16xf32>
        %sub3A_430 = arith.subf %max3A_424, %max3A_429 : vector<16xf32>
        %exp3A_431 = math.exp %sub3A_430 : vector<16xf32>
        %add3A_432 = arith.constant 30000 : i32
        %add3A_433 = vector.broadcast %add3A_432 : i32 to vector<16xi32>
        %add3A_434 = arith.addi %get3A_382, %add3A_433 : vector<16xi32>
        tpu.vector_store_idx %arg13[%add3A_434], %exp3A_431 {add = true} : memref<40000xf32, #tpu.memory_space<vmem>>[vector<16xi32>], vector<16xf32>,
        %add3A_435 = arith.constant 10000 : i32
        %add3A_436 = vector.broadcast %add3A_435 : i32 to vector<16xi32>
        %add3A_437 = arith.addi %get3A_382, %add3A_436 : vector<16xi32>
        %mul3A_438 = arith.mulf %exp3A_431, %gather3A_390 : vector<16xf32>
        tpu.vector_store_idx %arg13[%add3A_437], %mul3A_438 {add = true} : memref<40000xf32, #tpu.memory_space<vmem>>[vector<16xi32>], vector<16xf32>,
      }
      %scan3A_75 = arith.constant 25 : i32
      %dma_wait3A_76 = arith.constant 2000 : i32
      %dma_wait3A_77 = tpu.memref_slice %arg14[%dma_wait3A_76] : memref<4000xi32, #tpu.memory_space<vmem>> -> memref<2000xi32, #tpu.memory_space<vmem>>
      %dma_wait3A_78 = arith.constant 0 : i32
      %dma_wait3A_79 = tpu.memref_slice %arg6[%dma_wait3A_78] : memref<640000xi32, #tpu.memory_space<hbm>> -> memref<2000xi32, #tpu.memory_space<hbm>>
      %dma_wait3A_80 = arith.constant 2000 : i32
      %dma_wait3A_81 = tpu.memref_slice %arg14[%dma_wait3A_80] : memref<4000xi32, #tpu.memory_space<vmem>> -> memref<2000xi32, #tpu.memory_space<vmem>>
      %dma_wait3A_82 = arith.constant 0 : i32
      %dma_wait3A_83 = tpu.memref_slice %arg6[%dma_wait3A_82] : memref<640000xi32, #tpu.memory_space<hbm>> -> memref<2000xi32, #tpu.memory_space<hbm>>
      tpu.wait_dma2 semaphore(%arg17 : memref<!tpu.dma_semaphore, #tpu.memory_space<semaphore_mem>>) src(%dma_wait3A_83 : memref<2000xi32, #tpu.memory_space<hbm>>) dst(%dma_wait3A_81 : memref<2000xi32, #tpu.memory_space<vmem>>)
      %dma_wait3A_84 = arith.constant 2000 : i32
      %dma_wait3A_85 = tpu.memref_slice %arg15[%dma_wait3A_84] : memref<4000xi32, #tpu.memory_space<vmem>> -> memref<2000xi32, #tpu.memory_space<vmem>>
      %dma_wait3A_86 = arith.constant 0 : i32
      %dma_wait3A_87 = tpu.memref_slice %arg7[%dma_wait3A_86] : memref<640000xi32, #tpu.memory_space<hbm>> -> memref<2000xi32, #tpu.memory_space<hbm>>
      %dma_wait3A_88 = arith.constant 2000 : i32
      %dma_wait3A_89 = tpu.memref_slice %arg15[%dma_wait3A_88] : memref<4000xi32, #tpu.memory_space<vmem>> -> memref<2000xi32, #tpu.memory_space<vmem>>
      %dma_wait3A_90 = arith.constant 0 : i32
      %dma_wait3A_91 = tpu.memref_slice %arg7[%dma_wait3A_90] : memref<640000xi32, #tpu.memory_space<hbm>> -> memref<2000xi32, #tpu.memory_space<hbm>>
      tpu.wait_dma2 semaphore(%arg17 : memref<!tpu.dma_semaphore, #tpu.memory_space<semaphore_mem>>) src(%dma_wait3A_91 : memref<2000xi32, #tpu.memory_space<hbm>>) dst(%dma_wait3A_89 : memref<2000xi32, #tpu.memory_space<vmem>>)
      %add3A_92 = arith.constant 2 : i32
      %add3A_93 = arith.addi %mul3A_37, %add3A_92 : i32
      %lt3A = arith.constant 10 : i32
      %lt3A_94 = arith.cmpi slt, %add3A_93, %lt3A : i32
      %convert_element_type3A = arith.extui %lt3A_94 : i1 to i32
      %cond3A = arith.constant 0 : i32
      %cond3A_95 = arith.cmpi ne, %convert_element_type3A, %cond3A : i32
      scf.if %cond3A_95 {
        %add3A_102 = arith.constant 2 : i32
        %add3A_103 = arith.addi %mul3A_37, %add3A_102 : i32
        %mul3A_104 = arith.constant 2000 : i32
        %mul3A_105 = arith.muli %add3A_103, %mul3A_104 : i32
        %add3A_106 = arith.addi %mul3A_2, %mul3A_105 : i32
        %dma_start3A_107 = arith.constant 0 : i32
        %dma_start3A_108 = tpu.memref_slice %arg14[%dma_start3A_107] : memref<4000xi32, #tpu.memory_space<vmem>> -> memref<2000xi32, #tpu.memory_space<vmem>>
        %dma_start3A_109 = tpu.memref_slice %arg6[%add3A_106] : memref<640000xi32, #tpu.memory_space<hbm>> -> memref<2000xi32, #tpu.memory_space<hbm>>
        %dma_start3A_110 = arith.constant 0 : i32
        %dma_start3A_111 = tpu.memref_slice %arg14[%dma_start3A_110] : memref<4000xi32, #tpu.memory_space<vmem>> -> memref<2000xi32, #tpu.memory_space<vmem>>
        %dma_start3A_112 = tpu.memref_slice %arg6[%add3A_106] : memref<640000xi32, #tpu.memory_space<hbm>> -> memref<2000xi32, #tpu.memory_space<hbm>>
        tpu.enqueue_dma source(%dma_start3A_112 : memref<2000xi32, #tpu.memory_space<hbm>>) target(%dma_start3A_111 : memref<2000xi32, #tpu.memory_space<vmem>>) target_semaphore(%arg16 : memref<!tpu.dma_semaphore, #tpu.memory_space<semaphore_mem>>)
        %dma_start3A_113 = arith.constant 0 : i32
        %dma_start3A_114 = tpu.memref_slice %arg15[%dma_start3A_113] : memref<4000xi32, #tpu.memory_space<vmem>> -> memref<2000xi32, #tpu.memory_space<vmem>>
        %dma_start3A_115 = tpu.memref_slice %arg7[%add3A_106] : memref<640000xi32, #tpu.memory_space<hbm>> -> memref<2000xi32, #tpu.memory_space<hbm>>
        %dma_start3A_116 = arith.constant 0 : i32
        %dma_start3A_117 = tpu.memref_slice %arg15[%dma_start3A_116] : memref<4000xi32, #tpu.memory_space<vmem>> -> memref<2000xi32, #tpu.memory_space<vmem>>
        %dma_start3A_118 = tpu.memref_slice %arg7[%add3A_106] : memref<640000xi32, #tpu.memory_space<hbm>> -> memref<2000xi32, #tpu.memory_space<hbm>>
        tpu.enqueue_dma source(%dma_start3A_118 : memref<2000xi32, #tpu.memory_space<hbm>>) target(%dma_start3A_117 : memref<2000xi32, #tpu.memory_space<vmem>>) target_semaphore(%arg16 : memref<!tpu.dma_semaphore, #tpu.memory_space<semaphore_mem>>)
      } else {
      }
      %scan3A_96 = arith.constant 0 : i32
      %scan3A_97 = arith.constant 0 : i32
      %scan3A_98 = arith.constant 25 : i32
      %scan3A_99 = arith.addi %scan3A_97, %scan3A_98 : i32
      %scan3A_100 = arith.constant 1 : i32
      scf.for %scan3A_102 = %scan3A_97 to %scan3A_99 step %scan3A_100  : i32 {
        %mul3A_103 = arith.constant 5 : i32
        %mul3A_104 = arith.muli %scan3A_102, %mul3A_103 : i32
        %add3A_105 = arith.constant 0 : i32
        %add3A_106 = arith.addi %mul3A_104, %add3A_105 : i32
        %mul3A_107 = arith.constant 16 : i32
        %mul3A_108 = arith.muli %add3A_106, %mul3A_107 : i32
        %add3A_109 = arith.constant 2000 : i32
        %add3A_110 = arith.addi %add3A_109, %mul3A_108 : i32
        %get3A_111 = arith.index_cast %add3A_110 : i32 to index
        %get3A_112 = tpu.vector_load %arg14[%get3A_111] {strides = array<i32>} : memref<4000xi32, #tpu.memory_space<vmem>>, vector<16xi32>,
        %get3A_113 = arith.index_cast %add3A_110 : i32 to index
        %get3A_114 = tpu.vector_load %arg15[%get3A_113] {strides = array<i32>} : memref<4000xi32, #tpu.memory_space<vmem>>, vector<16xi32>,
        %add3A_115 = arith.constant 0 : i32
        %add3A_116 = vector.broadcast %add3A_115 : i32 to vector<16xi32>
        %add3A_117 = arith.addi %get3A_112, %add3A_116 : vector<16xi32>
        %gather3A = tpu.vector_load_idx %arg9[%add3A_117] : memref<20000xf32, #tpu.memory_space<vmem>>[vector<16xi32>], vector<16xf32>,
        %add3A_118 = arith.constant 10000 : i32
        %add3A_119 = vector.broadcast %add3A_118 : i32 to vector<16xi32>
        %add3A_120 = arith.addi %get3A_112, %add3A_119 : vector<16xi32>
        %gather3A_121 = tpu.vector_load_idx %arg9[%add3A_120] : memref<20000xf32, #tpu.memory_space<vmem>>[vector<16xi32>], vector<16xf32>,
        %add3A_122 = arith.constant 0 : i32
        %add3A_123 = vector.broadcast %add3A_122 : i32 to vector<16xi32>
        %add3A_124 = arith.addi %get3A_114, %add3A_123 : vector<16xi32>
        %gather3A_125 = tpu.vector_load_idx %arg10[%add3A_124] : memref<20000xf32, #tpu.memory_space<vmem>>[vector<16xi32>], vector<16xf32>,
        %add3A_126 = arith.constant 10000 : i32
        %add3A_127 = vector.broadcast %add3A_126 : i32 to vector<16xi32>
        %add3A_128 = arith.addi %get3A_114, %add3A_127 : vector<16xi32>
        %gather3A_129 = tpu.vector_load_idx %arg10[%add3A_128] : memref<20000xf32, #tpu.memory_space<vmem>>[vector<16xi32>], vector<16xf32>,
        %mul3A_130 = arith.mulf %gather3A, %get3A_9 : vector<16xf32>
        %add3A_131 = arith.addf %mul3A_130, %gather3A_125 : vector<16xf32>
        %mul3A_132 = arith.constant 2.000000e-01 : f32
        %mul3A_133 = vector.broadcast %mul3A_132 : f32 to vector<16xf32>
        %mul3A_134 = arith.mulf %add3A_131, %mul3A_133 : vector<16xf32>
        %max3A = arith.maximumf %add3A_131, %mul3A_134 : vector<16xf32>
        %add3A_135 = arith.addf %gather3A_125, %get3A_13 : vector<16xf32>
        %mul3A_136 = arith.constant 2.000000e-01 : f32
        %mul3A_137 = vector.broadcast %mul3A_136 : f32 to vector<16xf32>
        %mul3A_138 = arith.mulf %add3A_135, %mul3A_137 : vector<16xf32>
        %max3A_139 = arith.maximumf %add3A_135, %mul3A_138 : vector<16xf32>
        %sub3A = arith.subf %max3A, %max3A_139 : vector<16xf32>
        %exp3A = math.exp %sub3A : vector<16xf32>
        %add3A_140 = arith.constant 20000 : i32
        %add3A_141 = vector.broadcast %add3A_140 : i32 to vector<16xi32>
        %add3A_142 = arith.addi %get3A_114, %add3A_141 : vector<16xi32>
        tpu.vector_store_idx %arg13[%add3A_142], %exp3A {add = true} : memref<40000xf32, #tpu.memory_space<vmem>>[vector<16xi32>], vector<16xf32>,
        %add3A_143 = arith.constant 0 : i32
        %add3A_144 = vector.broadcast %add3A_143 : i32 to vector<16xi32>
        %add3A_145 = arith.addi %get3A_114, %add3A_144 : vector<16xi32>
        %mul3A_146 = arith.mulf %exp3A, %gather3A : vector<16xf32>
        tpu.vector_store_idx %arg13[%add3A_145], %mul3A_146 {add = true} : memref<40000xf32, #tpu.memory_space<vmem>>[vector<16xi32>], vector<16xf32>,
        %mul3A_147 = arith.mulf %gather3A_121, %get3A_11 : vector<16xf32>
        %add3A_148 = arith.addf %mul3A_147, %gather3A_129 : vector<16xf32>
        %mul3A_149 = arith.constant 2.000000e-01 : f32
        %mul3A_150 = vector.broadcast %mul3A_149 : f32 to vector<16xf32>
        %mul3A_151 = arith.mulf %add3A_148, %mul3A_150 : vector<16xf32>
        %max3A_152 = arith.maximumf %add3A_148, %mul3A_151 : vector<16xf32>
        %add3A_153 = arith.addf %gather3A_129, %get3A_15 : vector<16xf32>
        %mul3A_154 = arith.constant 2.000000e-01 : f32
        %mul3A_155 = vector.broadcast %mul3A_154 : f32 to vector<16xf32>
        %mul3A_156 = arith.mulf %add3A_153, %mul3A_155 : vector<16xf32>
        %max3A_157 = arith.maximumf %add3A_153, %mul3A_156 : vector<16xf32>
        %sub3A_158 = arith.subf %max3A_152, %max3A_157 : vector<16xf32>
        %exp3A_159 = math.exp %sub3A_158 : vector<16xf32>
        %add3A_160 = arith.constant 30000 : i32
        %add3A_161 = vector.broadcast %add3A_160 : i32 to vector<16xi32>
        %add3A_162 = arith.addi %get3A_114, %add3A_161 : vector<16xi32>
        tpu.vector_store_idx %arg13[%add3A_162], %exp3A_159 {add = true} : memref<40000xf32, #tpu.memory_space<vmem>>[vector<16xi32>], vector<16xf32>,
        %add3A_163 = arith.constant 10000 : i32
        %add3A_164 = vector.broadcast %add3A_163 : i32 to vector<16xi32>
        %add3A_165 = arith.addi %get3A_114, %add3A_164 : vector<16xi32>
        %mul3A_166 = arith.mulf %exp3A_159, %gather3A_121 : vector<16xf32>
        tpu.vector_store_idx %arg13[%add3A_165], %mul3A_166 {add = true} : memref<40000xf32, #tpu.memory_space<vmem>>[vector<16xi32>], vector<16xf32>,
        %mul3A_167 = arith.constant 5 : i32
        %mul3A_168 = arith.muli %scan3A_102, %mul3A_167 : i32
        %add3A_169 = arith.constant 1 : i32
        %add3A_170 = arith.addi %mul3A_168, %add3A_169 : i32
        %mul3A_171 = arith.constant 16 : i32
        %mul3A_172 = arith.muli %add3A_170, %mul3A_171 : i32
        %add3A_173 = arith.constant 2000 : i32
        %add3A_174 = arith.addi %add3A_173, %mul3A_172 : i32
        %get3A_175 = arith.index_cast %add3A_174 : i32 to index
        %get3A_176 = tpu.vector_load %arg14[%get3A_175] {strides = array<i32>} : memref<4000xi32, #tpu.memory_space<vmem>>, vector<16xi32>,
        %get3A_177 = arith.index_cast %add3A_174 : i32 to index
        %get3A_178 = tpu.vector_load %arg15[%get3A_177] {strides = array<i32>} : memref<4000xi32, #tpu.memory_space<vmem>>, vector<16xi32>,
        %add3A_179 = arith.constant 0 : i32
        %add3A_180 = vector.broadcast %add3A_179 : i32 to vector<16xi32>
        %add3A_181 = arith.addi %get3A_176, %add3A_180 : vector<16xi32>
        %gather3A_182 = tpu.vector_load_idx %arg9[%add3A_181] : memref<20000xf32, #tpu.memory_space<vmem>>[vector<16xi32>], vector<16xf32>,
        %add3A_183 = arith.constant 10000 : i32
        %add3A_184 = vector.broadcast %add3A_183 : i32 to vector<16xi32>
        %add3A_185 = arith.addi %get3A_176, %add3A_184 : vector<16xi32>
        %gather3A_186 = tpu.vector_load_idx %arg9[%add3A_185] : memref<20000xf32, #tpu.memory_space<vmem>>[vector<16xi32>], vector<16xf32>,
        %add3A_187 = arith.constant 0 : i32
        %add3A_188 = vector.broadcast %add3A_187 : i32 to vector<16xi32>
        %add3A_189 = arith.addi %get3A_178, %add3A_188 : vector<16xi32>
        %gather3A_190 = tpu.vector_load_idx %arg10[%add3A_189] : memref<20000xf32, #tpu.memory_space<vmem>>[vector<16xi32>], vector<16xf32>,
        %add3A_191 = arith.constant 10000 : i32
        %add3A_192 = vector.broadcast %add3A_191 : i32 to vector<16xi32>
        %add3A_193 = arith.addi %get3A_178, %add3A_192 : vector<16xi32>
        %gather3A_194 = tpu.vector_load_idx %arg10[%add3A_193] : memref<20000xf32, #tpu.memory_space<vmem>>[vector<16xi32>], vector<16xf32>,
        %mul3A_195 = arith.mulf %gather3A_182, %get3A_9 : vector<16xf32>
        %add3A_196 = arith.addf %mul3A_195, %gather3A_190 : vector<16xf32>
        %mul3A_197 = arith.constant 2.000000e-01 : f32
        %mul3A_198 = vector.broadcast %mul3A_197 : f32 to vector<16xf32>
        %mul3A_199 = arith.mulf %add3A_196, %mul3A_198 : vector<16xf32>
        %max3A_200 = arith.maximumf %add3A_196, %mul3A_199 : vector<16xf32>
        %add3A_201 = arith.addf %gather3A_190, %get3A_13 : vector<16xf32>
        %mul3A_202 = arith.constant 2.000000e-01 : f32
        %mul3A_203 = vector.broadcast %mul3A_202 : f32 to vector<16xf32>
        %mul3A_204 = arith.mulf %add3A_201, %mul3A_203 : vector<16xf32>
        %max3A_205 = arith.maximumf %add3A_201, %mul3A_204 : vector<16xf32>
        %sub3A_206 = arith.subf %max3A_200, %max3A_205 : vector<16xf32>
        %exp3A_207 = math.exp %sub3A_206 : vector<16xf32>
        %add3A_208 = arith.constant 20000 : i32
        %add3A_209 = vector.broadcast %add3A_208 : i32 to vector<16xi32>
        %add3A_210 = arith.addi %get3A_178, %add3A_209 : vector<16xi32>
        tpu.vector_store_idx %arg13[%add3A_210], %exp3A_207 {add = true} : memref<40000xf32, #tpu.memory_space<vmem>>[vector<16xi32>], vector<16xf32>,
        %add3A_211 = arith.constant 0 : i32
        %add3A_212 = vector.broadcast %add3A_211 : i32 to vector<16xi32>
        %add3A_213 = arith.addi %get3A_178, %add3A_212 : vector<16xi32>
        %mul3A_214 = arith.mulf %exp3A_207, %gather3A_182 : vector<16xf32>
        tpu.vector_store_idx %arg13[%add3A_213], %mul3A_214 {add = true} : memref<40000xf32, #tpu.memory_space<vmem>>[vector<16xi32>], vector<16xf32>,
        %mul3A_215 = arith.mulf %gather3A_186, %get3A_11 : vector<16xf32>
        %add3A_216 = arith.addf %mul3A_215, %gather3A_194 : vector<16xf32>
        %mul3A_217 = arith.constant 2.000000e-01 : f32
        %mul3A_218 = vector.broadcast %mul3A_217 : f32 to vector<16xf32>
        %mul3A_219 = arith.mulf %add3A_216, %mul3A_218 : vector<16xf32>
        %max3A_220 = arith.maximumf %add3A_216, %mul3A_219 : vector<16xf32>
        %add3A_221 = arith.addf %gather3A_194, %get3A_15 : vector<16xf32>
        %mul3A_222 = arith.constant 2.000000e-01 : f32
        %mul3A_223 = vector.broadcast %mul3A_222 : f32 to vector<16xf32>
        %mul3A_224 = arith.mulf %add3A_221, %mul3A_223 : vector<16xf32>
        %max3A_225 = arith.maximumf %add3A_221, %mul3A_224 : vector<16xf32>
        %sub3A_226 = arith.subf %max3A_220, %max3A_225 : vector<16xf32>
        %exp3A_227 = math.exp %sub3A_226 : vector<16xf32>
        %add3A_228 = arith.constant 30000 : i32
        %add3A_229 = vector.broadcast %add3A_228 : i32 to vector<16xi32>
        %add3A_230 = arith.addi %get3A_178, %add3A_229 : vector<16xi32>
        tpu.vector_store_idx %arg13[%add3A_230], %exp3A_227 {add = true} : memref<40000xf32, #tpu.memory_space<vmem>>[vector<16xi32>], vector<16xf32>,
        %add3A_231 = arith.constant 10000 : i32
        %add3A_232 = vector.broadcast %add3A_231 : i32 to vector<16xi32>
        %add3A_233 = arith.addi %get3A_178, %add3A_232 : vector<16xi32>
        %mul3A_234 = arith.mulf %exp3A_227, %gather3A_186 : vector<16xf32>
        tpu.vector_store_idx %arg13[%add3A_233], %mul3A_234 {add = true} : memref<40000xf32, #tpu.memory_space<vmem>>[vector<16xi32>], vector<16xf32>,
        %mul3A_235 = arith.constant 5 : i32
        %mul3A_236 = arith.muli %scan3A_102, %mul3A_235 : i32
        %add3A_237 = arith.constant 2 : i32
        %add3A_238 = arith.addi %mul3A_236, %add3A_237 : i32
        %mul3A_239 = arith.constant 16 : i32
        %mul3A_240 = arith.muli %add3A_238, %mul3A_239 : i32
        %add3A_241 = arith.constant 2000 : i32
        %add3A_242 = arith.addi %add3A_241, %mul3A_240 : i32
        %get3A_243 = arith.index_cast %add3A_242 : i32 to index
        %get3A_244 = tpu.vector_load %arg14[%get3A_243] {strides = array<i32>} : memref<4000xi32, #tpu.memory_space<vmem>>, vector<16xi32>,
        %get3A_245 = arith.index_cast %add3A_242 : i32 to index
        %get3A_246 = tpu.vector_load %arg15[%get3A_245] {strides = array<i32>} : memref<4000xi32, #tpu.memory_space<vmem>>, vector<16xi32>,
        %add3A_247 = arith.constant 0 : i32
        %add3A_248 = vector.broadcast %add3A_247 : i32 to vector<16xi32>
        %add3A_249 = arith.addi %get3A_244, %add3A_248 : vector<16xi32>
        %gather3A_250 = tpu.vector_load_idx %arg9[%add3A_249] : memref<20000xf32, #tpu.memory_space<vmem>>[vector<16xi32>], vector<16xf32>,
        %add3A_251 = arith.constant 10000 : i32
        %add3A_252 = vector.broadcast %add3A_251 : i32 to vector<16xi32>
        %add3A_253 = arith.addi %get3A_244, %add3A_252 : vector<16xi32>
        %gather3A_254 = tpu.vector_load_idx %arg9[%add3A_253] : memref<20000xf32, #tpu.memory_space<vmem>>[vector<16xi32>], vector<16xf32>,
        %add3A_255 = arith.constant 0 : i32
        %add3A_256 = vector.broadcast %add3A_255 : i32 to vector<16xi32>
        %add3A_257 = arith.addi %get3A_246, %add3A_256 : vector<16xi32>
        %gather3A_258 = tpu.vector_load_idx %arg10[%add3A_257] : memref<20000xf32, #tpu.memory_space<vmem>>[vector<16xi32>], vector<16xf32>,
        %add3A_259 = arith.constant 10000 : i32
        %add3A_260 = vector.broadcast %add3A_259 : i32 to vector<16xi32>
        %add3A_261 = arith.addi %get3A_246, %add3A_260 : vector<16xi32>
        %gather3A_262 = tpu.vector_load_idx %arg10[%add3A_261] : memref<20000xf32, #tpu.memory_space<vmem>>[vector<16xi32>], vector<16xf32>,
        %mul3A_263 = arith.mulf %gather3A_250, %get3A_9 : vector<16xf32>
        %add3A_264 = arith.addf %mul3A_263, %gather3A_258 : vector<16xf32>
        %mul3A_265 = arith.constant 2.000000e-01 : f32
        %mul3A_266 = vector.broadcast %mul3A_265 : f32 to vector<16xf32>
        %mul3A_267 = arith.mulf %add3A_264, %mul3A_266 : vector<16xf32>
        %max3A_268 = arith.maximumf %add3A_264, %mul3A_267 : vector<16xf32>
        %add3A_269 = arith.addf %gather3A_258, %get3A_13 : vector<16xf32>
        %mul3A_270 = arith.constant 2.000000e-01 : f32
        %mul3A_271 = vector.broadcast %mul3A_270 : f32 to vector<16xf32>
        %mul3A_272 = arith.mulf %add3A_269, %mul3A_271 : vector<16xf32>
        %max3A_273 = arith.maximumf %add3A_269, %mul3A_272 : vector<16xf32>
        %sub3A_274 = arith.subf %max3A_268, %max3A_273 : vector<16xf32>
        %exp3A_275 = math.exp %sub3A_274 : vector<16xf32>
        %add3A_276 = arith.constant 20000 : i32
        %add3A_277 = vector.broadcast %add3A_276 : i32 to vector<16xi32>
        %add3A_278 = arith.addi %get3A_246, %add3A_277 : vector<16xi32>
        tpu.vector_store_idx %arg13[%add3A_278], %exp3A_275 {add = true} : memref<40000xf32, #tpu.memory_space<vmem>>[vector<16xi32>], vector<16xf32>,
        %add3A_279 = arith.constant 0 : i32
        %add3A_280 = vector.broadcast %add3A_279 : i32 to vector<16xi32>
        %add3A_281 = arith.addi %get3A_246, %add3A_280 : vector<16xi32>
        %mul3A_282 = arith.mulf %exp3A_275, %gather3A_250 : vector<16xf32>
        tpu.vector_store_idx %arg13[%add3A_281], %mul3A_282 {add = true} : memref<40000xf32, #tpu.memory_space<vmem>>[vector<16xi32>], vector<16xf32>,
        %mul3A_283 = arith.mulf %gather3A_254, %get3A_11 : vector<16xf32>
        %add3A_284 = arith.addf %mul3A_283, %gather3A_262 : vector<16xf32>
        %mul3A_285 = arith.constant 2.000000e-01 : f32
        %mul3A_286 = vector.broadcast %mul3A_285 : f32 to vector<16xf32>
        %mul3A_287 = arith.mulf %add3A_284, %mul3A_286 : vector<16xf32>
        %max3A_288 = arith.maximumf %add3A_284, %mul3A_287 : vector<16xf32>
        %add3A_289 = arith.addf %gather3A_262, %get3A_15 : vector<16xf32>
        %mul3A_290 = arith.constant 2.000000e-01 : f32
        %mul3A_291 = vector.broadcast %mul3A_290 : f32 to vector<16xf32>
        %mul3A_292 = arith.mulf %add3A_289, %mul3A_291 : vector<16xf32>
        %max3A_293 = arith.maximumf %add3A_289, %mul3A_292 : vector<16xf32>
        %sub3A_294 = arith.subf %max3A_288, %max3A_293 : vector<16xf32>
        %exp3A_295 = math.exp %sub3A_294 : vector<16xf32>
        %add3A_296 = arith.constant 30000 : i32
        %add3A_297 = vector.broadcast %add3A_296 : i32 to vector<16xi32>
        %add3A_298 = arith.addi %get3A_246, %add3A_297 : vector<16xi32>
        tpu.vector_store_idx %arg13[%add3A_298], %exp3A_295 {add = true} : memref<40000xf32, #tpu.memory_space<vmem>>[vector<16xi32>], vector<16xf32>,
        %add3A_299 = arith.constant 10000 : i32
        %add3A_300 = vector.broadcast %add3A_299 : i32 to vector<16xi32>
        %add3A_301 = arith.addi %get3A_246, %add3A_300 : vector<16xi32>
        %mul3A_302 = arith.mulf %exp3A_295, %gather3A_254 : vector<16xf32>
        tpu.vector_store_idx %arg13[%add3A_301], %mul3A_302 {add = true} : memref<40000xf32, #tpu.memory_space<vmem>>[vector<16xi32>], vector<16xf32>,
        %mul3A_303 = arith.constant 5 : i32
        %mul3A_304 = arith.muli %scan3A_102, %mul3A_303 : i32
        %add3A_305 = arith.constant 3 : i32
        %add3A_306 = arith.addi %mul3A_304, %add3A_305 : i32
        %mul3A_307 = arith.constant 16 : i32
        %mul3A_308 = arith.muli %add3A_306, %mul3A_307 : i32
        %add3A_309 = arith.constant 2000 : i32
        %add3A_310 = arith.addi %add3A_309, %mul3A_308 : i32
        %get3A_311 = arith.index_cast %add3A_310 : i32 to index
        %get3A_312 = tpu.vector_load %arg14[%get3A_311] {strides = array<i32>} : memref<4000xi32, #tpu.memory_space<vmem>>, vector<16xi32>,
        %get3A_313 = arith.index_cast %add3A_310 : i32 to index
        %get3A_314 = tpu.vector_load %arg15[%get3A_313] {strides = array<i32>} : memref<4000xi32, #tpu.memory_space<vmem>>, vector<16xi32>,
        %add3A_315 = arith.constant 0 : i32
        %add3A_316 = vector.broadcast %add3A_315 : i32 to vector<16xi32>
        %add3A_317 = arith.addi %get3A_312, %add3A_316 : vector<16xi32>
        %gather3A_318 = tpu.vector_load_idx %arg9[%add3A_317] : memref<20000xf32, #tpu.memory_space<vmem>>[vector<16xi32>], vector<16xf32>,
        %add3A_319 = arith.constant 10000 : i32
        %add3A_320 = vector.broadcast %add3A_319 : i32 to vector<16xi32>
        %add3A_321 = arith.addi %get3A_312, %add3A_320 : vector<16xi32>
        %gather3A_322 = tpu.vector_load_idx %arg9[%add3A_321] : memref<20000xf32, #tpu.memory_space<vmem>>[vector<16xi32>], vector<16xf32>,
        %add3A_323 = arith.constant 0 : i32
        %add3A_324 = vector.broadcast %add3A_323 : i32 to vector<16xi32>
        %add3A_325 = arith.addi %get3A_314, %add3A_324 : vector<16xi32>
        %gather3A_326 = tpu.vector_load_idx %arg10[%add3A_325] : memref<20000xf32, #tpu.memory_space<vmem>>[vector<16xi32>], vector<16xf32>,
        %add3A_327 = arith.constant 10000 : i32
        %add3A_328 = vector.broadcast %add3A_327 : i32 to vector<16xi32>
        %add3A_329 = arith.addi %get3A_314, %add3A_328 : vector<16xi32>
        %gather3A_330 = tpu.vector_load_idx %arg10[%add3A_329] : memref<20000xf32, #tpu.memory_space<vmem>>[vector<16xi32>], vector<16xf32>,
        %mul3A_331 = arith.mulf %gather3A_318, %get3A_9 : vector<16xf32>
        %add3A_332 = arith.addf %mul3A_331, %gather3A_326 : vector<16xf32>
        %mul3A_333 = arith.constant 2.000000e-01 : f32
        %mul3A_334 = vector.broadcast %mul3A_333 : f32 to vector<16xf32>
        %mul3A_335 = arith.mulf %add3A_332, %mul3A_334 : vector<16xf32>
        %max3A_336 = arith.maximumf %add3A_332, %mul3A_335 : vector<16xf32>
        %add3A_337 = arith.addf %gather3A_326, %get3A_13 : vector<16xf32>
        %mul3A_338 = arith.constant 2.000000e-01 : f32
        %mul3A_339 = vector.broadcast %mul3A_338 : f32 to vector<16xf32>
        %mul3A_340 = arith.mulf %add3A_337, %mul3A_339 : vector<16xf32>
        %max3A_341 = arith.maximumf %add3A_337, %mul3A_340 : vector<16xf32>
        %sub3A_342 = arith.subf %max3A_336, %max3A_341 : vector<16xf32>
        %exp3A_343 = math.exp %sub3A_342 : vector<16xf32>
        %add3A_344 = arith.constant 20000 : i32
        %add3A_345 = vector.broadcast %add3A_344 : i32 to vector<16xi32>
        %add3A_346 = arith.addi %get3A_314, %add3A_345 : vector<16xi32>
        tpu.vector_store_idx %arg13[%add3A_346], %exp3A_343 {add = true} : memref<40000xf32, #tpu.memory_space<vmem>>[vector<16xi32>], vector<16xf32>,
        %add3A_347 = arith.constant 0 : i32
        %add3A_348 = vector.broadcast %add3A_347 : i32 to vector<16xi32>
        %add3A_349 = arith.addi %get3A_314, %add3A_348 : vector<16xi32>
        %mul3A_350 = arith.mulf %exp3A_343, %gather3A_318 : vector<16xf32>
        tpu.vector_store_idx %arg13[%add3A_349], %mul3A_350 {add = true} : memref<40000xf32, #tpu.memory_space<vmem>>[vector<16xi32>], vector<16xf32>,
        %mul3A_351 = arith.mulf %gather3A_322, %get3A_11 : vector<16xf32>
        %add3A_352 = arith.addf %mul3A_351, %gather3A_330 : vector<16xf32>
        %mul3A_353 = arith.constant 2.000000e-01 : f32
        %mul3A_354 = vector.broadcast %mul3A_353 : f32 to vector<16xf32>
        %mul3A_355 = arith.mulf %add3A_352, %mul3A_354 : vector<16xf32>
        %max3A_356 = arith.maximumf %add3A_352, %mul3A_355 : vector<16xf32>
        %add3A_357 = arith.addf %gather3A_330, %get3A_15 : vector<16xf32>
        %mul3A_358 = arith.constant 2.000000e-01 : f32
        %mul3A_359 = vector.broadcast %mul3A_358 : f32 to vector<16xf32>
        %mul3A_360 = arith.mulf %add3A_357, %mul3A_359 : vector<16xf32>
        %max3A_361 = arith.maximumf %add3A_357, %mul3A_360 : vector<16xf32>
        %sub3A_362 = arith.subf %max3A_356, %max3A_361 : vector<16xf32>
        %exp3A_363 = math.exp %sub3A_362 : vector<16xf32>
        %add3A_364 = arith.constant 30000 : i32
        %add3A_365 = vector.broadcast %add3A_364 : i32 to vector<16xi32>
        %add3A_366 = arith.addi %get3A_314, %add3A_365 : vector<16xi32>
        tpu.vector_store_idx %arg13[%add3A_366], %exp3A_363 {add = true} : memref<40000xf32, #tpu.memory_space<vmem>>[vector<16xi32>], vector<16xf32>,
        %add3A_367 = arith.constant 10000 : i32
        %add3A_368 = vector.broadcast %add3A_367 : i32 to vector<16xi32>
        %add3A_369 = arith.addi %get3A_314, %add3A_368 : vector<16xi32>
        %mul3A_370 = arith.mulf %exp3A_363, %gather3A_322 : vector<16xf32>
        tpu.vector_store_idx %arg13[%add3A_369], %mul3A_370 {add = true} : memref<40000xf32, #tpu.memory_space<vmem>>[vector<16xi32>], vector<16xf32>,
        %mul3A_371 = arith.constant 5 : i32
        %mul3A_372 = arith.muli %scan3A_102, %mul3A_371 : i32
        %add3A_373 = arith.constant 4 : i32
        %add3A_374 = arith.addi %mul3A_372, %add3A_373 : i32
        %mul3A_375 = arith.constant 16 : i32
        %mul3A_376 = arith.muli %add3A_374, %mul3A_375 : i32
        %add3A_377 = arith.constant 2000 : i32
        %add3A_378 = arith.addi %add3A_377, %mul3A_376 : i32
        %get3A_379 = arith.index_cast %add3A_378 : i32 to index
        %get3A_380 = tpu.vector_load %arg14[%get3A_379] {strides = array<i32>} : memref<4000xi32, #tpu.memory_space<vmem>>, vector<16xi32>,
        %get3A_381 = arith.index_cast %add3A_378 : i32 to index
        %get3A_382 = tpu.vector_load %arg15[%get3A_381] {strides = array<i32>} : memref<4000xi32, #tpu.memory_space<vmem>>, vector<16xi32>,
        %add3A_383 = arith.constant 0 : i32
        %add3A_384 = vector.broadcast %add3A_383 : i32 to vector<16xi32>
        %add3A_385 = arith.addi %get3A_380, %add3A_384 : vector<16xi32>
        %gather3A_386 = tpu.vector_load_idx %arg9[%add3A_385] : memref<20000xf32, #tpu.memory_space<vmem>>[vector<16xi32>], vector<16xf32>,
        %add3A_387 = arith.constant 10000 : i32
        %add3A_388 = vector.broadcast %add3A_387 : i32 to vector<16xi32>
        %add3A_389 = arith.addi %get3A_380, %add3A_388 : vector<16xi32>
        %gather3A_390 = tpu.vector_load_idx %arg9[%add3A_389] : memref<20000xf32, #tpu.memory_space<vmem>>[vector<16xi32>], vector<16xf32>,
        %add3A_391 = arith.constant 0 : i32
        %add3A_392 = vector.broadcast %add3A_391 : i32 to vector<16xi32>
        %add3A_393 = arith.addi %get3A_382, %add3A_392 : vector<16xi32>
        %gather3A_394 = tpu.vector_load_idx %arg10[%add3A_393] : memref<20000xf32, #tpu.memory_space<vmem>>[vector<16xi32>], vector<16xf32>,
        %add3A_395 = arith.constant 10000 : i32
        %add3A_396 = vector.broadcast %add3A_395 : i32 to vector<16xi32>
        %add3A_397 = arith.addi %get3A_382, %add3A_396 : vector<16xi32>
        %gather3A_398 = tpu.vector_load_idx %arg10[%add3A_397] : memref<20000xf32, #tpu.memory_space<vmem>>[vector<16xi32>], vector<16xf32>,
        %mul3A_399 = arith.mulf %gather3A_386, %get3A_9 : vector<16xf32>
        %add3A_400 = arith.addf %mul3A_399, %gather3A_394 : vector<16xf32>
        %mul3A_401 = arith.constant 2.000000e-01 : f32
        %mul3A_402 = vector.broadcast %mul3A_401 : f32 to vector<16xf32>
        %mul3A_403 = arith.mulf %add3A_400, %mul3A_402 : vector<16xf32>
        %max3A_404 = arith.maximumf %add3A_400, %mul3A_403 : vector<16xf32>
        %add3A_405 = arith.addf %gather3A_394, %get3A_13 : vector<16xf32>
        %mul3A_406 = arith.constant 2.000000e-01 : f32
        %mul3A_407 = vector.broadcast %mul3A_406 : f32 to vector<16xf32>
        %mul3A_408 = arith.mulf %add3A_405, %mul3A_407 : vector<16xf32>
        %max3A_409 = arith.maximumf %add3A_405, %mul3A_408 : vector<16xf32>
        %sub3A_410 = arith.subf %max3A_404, %max3A_409 : vector<16xf32>
        %exp3A_411 = math.exp %sub3A_410 : vector<16xf32>
        %add3A_412 = arith.constant 20000 : i32
        %add3A_413 = vector.broadcast %add3A_412 : i32 to vector<16xi32>
        %add3A_414 = arith.addi %get3A_382, %add3A_413 : vector<16xi32>
        tpu.vector_store_idx %arg13[%add3A_414], %exp3A_411 {add = true} : memref<40000xf32, #tpu.memory_space<vmem>>[vector<16xi32>], vector<16xf32>,
        %add3A_415 = arith.constant 0 : i32
        %add3A_416 = vector.broadcast %add3A_415 : i32 to vector<16xi32>
        %add3A_417 = arith.addi %get3A_382, %add3A_416 : vector<16xi32>
        %mul3A_418 = arith.mulf %exp3A_411, %gather3A_386 : vector<16xf32>
        tpu.vector_store_idx %arg13[%add3A_417], %mul3A_418 {add = true} : memref<40000xf32, #tpu.memory_space<vmem>>[vector<16xi32>], vector<16xf32>,
        %mul3A_419 = arith.mulf %gather3A_390, %get3A_11 : vector<16xf32>
        %add3A_420 = arith.addf %mul3A_419, %gather3A_398 : vector<16xf32>
        %mul3A_421 = arith.constant 2.000000e-01 : f32
        %mul3A_422 = vector.broadcast %mul3A_421 : f32 to vector<16xf32>
        %mul3A_423 = arith.mulf %add3A_420, %mul3A_422 : vector<16xf32>
        %max3A_424 = arith.maximumf %add3A_420, %mul3A_423 : vector<16xf32>
        %add3A_425 = arith.addf %gather3A_398, %get3A_15 : vector<16xf32>
        %mul3A_426 = arith.constant 2.000000e-01 : f32
        %mul3A_427 = vector.broadcast %mul3A_426 : f32 to vector<16xf32>
        %mul3A_428 = arith.mulf %add3A_425, %mul3A_427 : vector<16xf32>
        %max3A_429 = arith.maximumf %add3A_425, %mul3A_428 : vector<16xf32>
        %sub3A_430 = arith.subf %max3A_424, %max3A_429 : vector<16xf32>
        %exp3A_431 = math.exp %sub3A_430 : vector<16xf32>
        %add3A_432 = arith.constant 30000 : i32
        %add3A_433 = vector.broadcast %add3A_432 : i32 to vector<16xi32>
        %add3A_434 = arith.addi %get3A_382, %add3A_433 : vector<16xi32>
        tpu.vector_store_idx %arg13[%add3A_434], %exp3A_431 {add = true} : memref<40000xf32, #tpu.memory_space<vmem>>[vector<16xi32>], vector<16xf32>,
        %add3A_435 = arith.constant 10000 : i32
        %add3A_436 = vector.broadcast %add3A_435 : i32 to vector<16xi32>
        %add3A_437 = arith.addi %get3A_382, %add3A_436 : vector<16xi32>
        %mul3A_438 = arith.mulf %exp3A_431, %gather3A_390 : vector<16xf32>
        tpu.vector_store_idx %arg13[%add3A_437], %mul3A_438 {add = true} : memref<40000xf32, #tpu.memory_space<vmem>>[vector<16xi32>], vector<16xf32>,
      }
      %scan3A_101 = arith.constant 25 : i32
    }
    %scan3A_34 = arith.constant 5 : i32
    "tpu.region"() ({
      %run_scoped3A = tpu.sem_alloc : memref<!tpu.dma_semaphore, #tpu.memory_space<semaphore_mem>>
      %dma_start3A_35 = arith.constant 0 : i32
      %dma_start3A_36 = tpu.memref_slice %arg8[%add3A, %dma_start3A_35] : memref<32x40000xf32, #tpu.memory_space<hbm>> -> memref<1x40000xf32, #tpu.memory_space<hbm>>
      %dma_start3A_37 = tpu.memref_squeeze %dma_start3A_36 : memref<1x40000xf32, #tpu.memory_space<hbm>> -> memref<40000xf32, #tpu.memory_space<hbm>>
      %dma_start3A_38 = arith.constant 0 : i32
      %dma_start3A_39 = tpu.memref_slice %arg8[%add3A, %dma_start3A_38] : memref<32x40000xf32, #tpu.memory_space<hbm>> -> memref<1x40000xf32, #tpu.memory_space<hbm>>
      %dma_start3A_40 = tpu.memref_squeeze %dma_start3A_39 : memref<1x40000xf32, #tpu.memory_space<hbm>> -> memref<40000xf32, #tpu.memory_space<hbm>>
      tpu.enqueue_dma source(%arg13 : memref<40000xf32, #tpu.memory_space<vmem>>) target(%dma_start3A_40 : memref<40000xf32, #tpu.memory_space<hbm>>) target_semaphore(%run_scoped3A : memref<!tpu.dma_semaphore, #tpu.memory_space<semaphore_mem>>)
      %dma_wait3A = arith.constant 0 : i32
      %dma_wait3A_41 = tpu.memref_slice %arg8[%add3A, %dma_wait3A] : memref<32x40000xf32, #tpu.memory_space<hbm>> -> memref<1x40000xf32, #tpu.memory_space<hbm>>
      %dma_wait3A_42 = tpu.memref_squeeze %dma_wait3A_41 : memref<1x40000xf32, #tpu.memory_space<hbm>> -> memref<40000xf32, #tpu.memory_space<hbm>>
      %dma_wait3A_43 = arith.constant 0 : i32
      %dma_wait3A_44 = tpu.memref_slice %arg8[%add3A, %dma_wait3A_43] : memref<32x40000xf32, #tpu.memory_space<hbm>> -> memref<1x40000xf32, #tpu.memory_space<hbm>>
      %dma_wait3A_45 = tpu.memref_squeeze %dma_wait3A_44 : memref<1x40000xf32, #tpu.memory_space<hbm>> -> memref<40000xf32, #tpu.memory_space<hbm>>
      tpu.wait_dma2 semaphore(%run_scoped3A : memref<!tpu.dma_semaphore, #tpu.memory_space<semaphore_mem>>) src(%arg13 : memref<40000xf32, #tpu.memory_space<vmem>>) dst(%dma_wait3A_45 : memref<40000xf32, #tpu.memory_space<hbm>>)
      tpu.yield
    }) : () -> ()
    return
  }
}

#map = affine_map<(d0, d1) -> (0)>
#map1 = affine_map<(d0, d1) -> (0, 0)>
module attributes {stable_mosaic.version = 14 : i64} {
  func.func @edge_kernel(%arg0: i32, %arg1: i32, %arg2: memref<10000xf32, #tpu.memory_space<hbm>>, %arg3: memref<10000xf32, #tpu.memory_space<hbm>>, %arg4: memref<16xf32, #tpu.memory_space<hbm>>, %arg5: memref<16xf32, #tpu.memory_space<hbm>>, %arg6: memref<640000xi32, #tpu.memory_space<hbm>>, %arg7: memref<640000xi32, #tpu.memory_space<hbm>>, %arg8: memref<32x20000xf32, #tpu.memory_space<hbm>>, %arg9: memref<10000xf32, #tpu.memory_space<vmem>>, %arg10: memref<10000xf32, #tpu.memory_space<vmem>>, %arg11: memref<16xf32, #tpu.memory_space<vmem>>, %arg12: memref<16xf32, #tpu.memory_space<vmem>>, %arg13: memref<20000xf32, #tpu.memory_space<vmem>>, %arg14: memref<4000xi32, #tpu.memory_space<vmem>>, %arg15: memref<4000xi32, #tpu.memory_space<vmem>>, %arg16: memref<!tpu.dma_semaphore, #tpu.memory_space<semaphore_mem>>, %arg17: memref<!tpu.dma_semaphore, #tpu.memory_space<semaphore_mem>>) attributes {dimension_semantics = [#tpu.dimension_semantics<core_parallel>, #tpu.dimension_semantics<subcore_parallel>], iteration_bounds = array<i64: 2, 16>, scalar_prefetch = 0 : i64, scratch_operands = 9 : i64, tpu.core_type = #tpu.core_type<sc_vector_subcore>, window_params = [{transform_indices = #map}, {transform_indices = #map}, {transform_indices = #map}, {transform_indices = #map}, {transform_indices = #map}, {transform_indices = #map}, {transform_indices = #map1}]} {
    %mul3A = arith.constant 2 : i32
    %mul3A_0 = arith.muli %arg1, %mul3A : i32
    %add3A = arith.addi %mul3A_0, %arg0 : i32
    %mul3A_1 = arith.constant 20000 : i32
    %mul3A_2 = arith.muli %add3A, %mul3A_1 : i32
    "tpu.region"() ({
      %run_scoped3A = tpu.sem_alloc : memref<!tpu.dma_semaphore, #tpu.memory_space<semaphore_mem>>
      tpu.enqueue_dma source(%arg2 : memref<10000xf32, #tpu.memory_space<hbm>>) target(%arg9 : memref<10000xf32, #tpu.memory_space<vmem>>) target_semaphore(%run_scoped3A : memref<!tpu.dma_semaphore, #tpu.memory_space<semaphore_mem>>)
      tpu.wait_dma2 semaphore(%run_scoped3A : memref<!tpu.dma_semaphore, #tpu.memory_space<semaphore_mem>>) src(%arg2 : memref<10000xf32, #tpu.memory_space<hbm>>) dst(%arg9 : memref<10000xf32, #tpu.memory_space<vmem>>)
      tpu.yield
    }) : () -> ()
    "tpu.region"() ({
      %run_scoped3A = tpu.sem_alloc : memref<!tpu.dma_semaphore, #tpu.memory_space<semaphore_mem>>
      tpu.enqueue_dma source(%arg3 : memref<10000xf32, #tpu.memory_space<hbm>>) target(%arg10 : memref<10000xf32, #tpu.memory_space<vmem>>) target_semaphore(%run_scoped3A : memref<!tpu.dma_semaphore, #tpu.memory_space<semaphore_mem>>)
      tpu.wait_dma2 semaphore(%run_scoped3A : memref<!tpu.dma_semaphore, #tpu.memory_space<semaphore_mem>>) src(%arg3 : memref<10000xf32, #tpu.memory_space<hbm>>) dst(%arg10 : memref<10000xf32, #tpu.memory_space<vmem>>)
      tpu.yield
    }) : () -> ()
    "tpu.region"() ({
      %run_scoped3A = tpu.sem_alloc : memref<!tpu.dma_semaphore, #tpu.memory_space<semaphore_mem>>
      tpu.enqueue_dma source(%arg4 : memref<16xf32, #tpu.memory_space<hbm>>) target(%arg11 : memref<16xf32, #tpu.memory_space<vmem>>) target_semaphore(%run_scoped3A : memref<!tpu.dma_semaphore, #tpu.memory_space<semaphore_mem>>)
      tpu.wait_dma2 semaphore(%run_scoped3A : memref<!tpu.dma_semaphore, #tpu.memory_space<semaphore_mem>>) src(%arg4 : memref<16xf32, #tpu.memory_space<hbm>>) dst(%arg11 : memref<16xf32, #tpu.memory_space<vmem>>)
      tpu.yield
    }) : () -> ()
    "tpu.region"() ({
      %run_scoped3A = tpu.sem_alloc : memref<!tpu.dma_semaphore, #tpu.memory_space<semaphore_mem>>
      tpu.enqueue_dma source(%arg5 : memref<16xf32, #tpu.memory_space<hbm>>) target(%arg12 : memref<16xf32, #tpu.memory_space<vmem>>) target_semaphore(%run_scoped3A : memref<!tpu.dma_semaphore, #tpu.memory_space<semaphore_mem>>)
      tpu.wait_dma2 semaphore(%run_scoped3A : memref<!tpu.dma_semaphore, #tpu.memory_space<semaphore_mem>>) src(%arg5 : memref<16xf32, #tpu.memory_space<hbm>>) dst(%arg12 : memref<16xf32, #tpu.memory_space<vmem>>)
      tpu.yield
    }) : () -> ()
    %broadcast_in_dim3A = arith.constant 0.000000e+00 : f32
    %broadcast_in_dim3A_3 = vector.broadcast %broadcast_in_dim3A : f32 to vector<16xf32>
    %scan3A = arith.constant 0 : i32
    %scan3A_4 = arith.constant 0 : i32
    %scan3A_5 = arith.constant 250 : i32
    %scan3A_6 = arith.addi %scan3A_4, %scan3A_5 : i32
    %scan3A_7 = arith.constant 1 : i32
    scf.for %scan3A_31 = %scan3A_4 to %scan3A_6 step %scan3A_7  : i32 {
      %mul3A_32 = arith.constant 80 : i32
      %mul3A_33 = arith.muli %scan3A_31, %mul3A_32 : i32
      %add3A_34 = arith.constant 0 : i32
      %add3A_35 = arith.addi %mul3A_33, %add3A_34 : i32
      %swap3A = arith.index_cast %add3A_35 : i32 to index
      %swap3A_36 = tpu.vector_load %arg13[%swap3A] {strides = array<i32>} : memref<20000xf32, #tpu.memory_space<vmem>>, vector<16xf32>,
      tpu.vector_store %arg13[%swap3A], %broadcast_in_dim3A_3 {strides = array<i32>} : memref<20000xf32, #tpu.memory_space<vmem>>, vector<16xf32>,
      %mul3A_37 = arith.constant 80 : i32
      %mul3A_38 = arith.muli %scan3A_31, %mul3A_37 : i32
      %add3A_39 = arith.constant 16 : i32
      %add3A_40 = arith.addi %mul3A_38, %add3A_39 : i32
      %swap3A_41 = arith.index_cast %add3A_40 : i32 to index
      %swap3A_42 = tpu.vector_load %arg13[%swap3A_41] {strides = array<i32>} : memref<20000xf32, #tpu.memory_space<vmem>>, vector<16xf32>,
      tpu.vector_store %arg13[%swap3A_41], %broadcast_in_dim3A_3 {strides = array<i32>} : memref<20000xf32, #tpu.memory_space<vmem>>, vector<16xf32>,
      %mul3A_43 = arith.constant 80 : i32
      %mul3A_44 = arith.muli %scan3A_31, %mul3A_43 : i32
      %add3A_45 = arith.constant 32 : i32
      %add3A_46 = arith.addi %mul3A_44, %add3A_45 : i32
      %swap3A_47 = arith.index_cast %add3A_46 : i32 to index
      %swap3A_48 = tpu.vector_load %arg13[%swap3A_47] {strides = array<i32>} : memref<20000xf32, #tpu.memory_space<vmem>>, vector<16xf32>,
      tpu.vector_store %arg13[%swap3A_47], %broadcast_in_dim3A_3 {strides = array<i32>} : memref<20000xf32, #tpu.memory_space<vmem>>, vector<16xf32>,
      %mul3A_49 = arith.constant 80 : i32
      %mul3A_50 = arith.muli %scan3A_31, %mul3A_49 : i32
      %add3A_51 = arith.constant 48 : i32
      %add3A_52 = arith.addi %mul3A_50, %add3A_51 : i32
      %swap3A_53 = arith.index_cast %add3A_52 : i32 to index
      %swap3A_54 = tpu.vector_load %arg13[%swap3A_53] {strides = array<i32>} : memref<20000xf32, #tpu.memory_space<vmem>>, vector<16xf32>,
      tpu.vector_store %arg13[%swap3A_53], %broadcast_in_dim3A_3 {strides = array<i32>} : memref<20000xf32, #tpu.memory_space<vmem>>, vector<16xf32>,
      %mul3A_55 = arith.constant 80 : i32
      %mul3A_56 = arith.muli %scan3A_31, %mul3A_55 : i32
      %add3A_57 = arith.constant 64 : i32
      %add3A_58 = arith.addi %mul3A_56, %add3A_57 : i32
      %swap3A_59 = arith.index_cast %add3A_58 : i32 to index
      %swap3A_60 = tpu.vector_load %arg13[%swap3A_59] {strides = array<i32>} : memref<20000xf32, #tpu.memory_space<vmem>>, vector<16xf32>,
      tpu.vector_store %arg13[%swap3A_59], %broadcast_in_dim3A_3 {strides = array<i32>} : memref<20000xf32, #tpu.memory_space<vmem>>, vector<16xf32>,
    }
    %scan3A_8 = arith.constant 250 : i32
    %get3A = arith.constant 0 : index
    %get3A_9 = tpu.vector_load %arg11[%get3A] {strides = array<i32>} : memref<16xf32, #tpu.memory_space<vmem>>, vector<16xf32>,
    %get3A_10 = arith.constant 0 : index
    %get3A_11 = tpu.vector_load %arg12[%get3A_10] {strides = array<i32>} : memref<16xf32, #tpu.memory_space<vmem>>, vector<16xf32>,
    %add3A_12 = arith.constant 0 : i32
    %add3A_13 = arith.addi %mul3A_2, %add3A_12 : i32
    %dma_start3A = arith.constant 0 : i32
    %dma_start3A_14 = tpu.memref_slice %arg14[%dma_start3A] : memref<4000xi32, #tpu.memory_space<vmem>> -> memref<2000xi32, #tpu.memory_space<vmem>>
    %dma_start3A_15 = tpu.memref_slice %arg6[%add3A_13] : memref<640000xi32, #tpu.memory_space<hbm>> -> memref<2000xi32, #tpu.memory_space<hbm>>
    %dma_start3A_16 = arith.constant 0 : i32
    %dma_start3A_17 = tpu.memref_slice %arg14[%dma_start3A_16] : memref<4000xi32, #tpu.memory_space<vmem>> -> memref<2000xi32, #tpu.memory_space<vmem>>
    %dma_start3A_18 = tpu.memref_slice %arg6[%add3A_13] : memref<640000xi32, #tpu.memory_space<hbm>> -> memref<2000xi32, #tpu.memory_space<hbm>>
    tpu.enqueue_dma source(%dma_start3A_18 : memref<2000xi32, #tpu.memory_space<hbm>>) target(%dma_start3A_17 : memref<2000xi32, #tpu.memory_space<vmem>>) target_semaphore(%arg16 : memref<!tpu.dma_semaphore, #tpu.memory_space<semaphore_mem>>)
    %dma_start3A_19 = arith.constant 0 : i32
    %dma_start3A_20 = tpu.memref_slice %arg15[%dma_start3A_19] : memref<4000xi32, #tpu.memory_space<vmem>> -> memref<2000xi32, #tpu.memory_space<vmem>>
    %dma_start3A_21 = tpu.memref_slice %arg7[%add3A_13] : memref<640000xi32, #tpu.memory_space<hbm>> -> memref<2000xi32, #tpu.memory_space<hbm>>
    %dma_start3A_22 = arith.constant 0 : i32
    %dma_start3A_23 = tpu.memref_slice %arg15[%dma_start3A_22] : memref<4000xi32, #tpu.memory_space<vmem>> -> memref<2000xi32, #tpu.memory_space<vmem>>
    %dma_start3A_24 = tpu.memref_slice %arg7[%add3A_13] : memref<640000xi32, #tpu.memory_space<hbm>> -> memref<2000xi32, #tpu.memory_space<hbm>>
    tpu.enqueue_dma source(%dma_start3A_24 : memref<2000xi32, #tpu.memory_space<hbm>>) target(%dma_start3A_23 : memref<2000xi32, #tpu.memory_space<vmem>>) target_semaphore(%arg16 : memref<!tpu.dma_semaphore, #tpu.memory_space<semaphore_mem>>)
    %scan3A_25 = arith.constant 0 : i32
    %scan3A_26 = arith.constant 0 : i32
    %scan3A_27 = arith.constant 5 : i32
    %scan3A_28 = arith.addi %scan3A_26, %scan3A_27 : i32
    %scan3A_29 = arith.constant 1 : i32
    scf.for %scan3A_31 = %scan3A_26 to %scan3A_28 step %scan3A_29  : i32 {
      %mul3A_32 = arith.constant 2 : i32
      %mul3A_33 = arith.muli %scan3A_31, %mul3A_32 : i32
      %dma_wait3A = arith.constant 0 : i32
      %dma_wait3A_34 = tpu.memref_slice %arg14[%dma_wait3A] : memref<4000xi32, #tpu.memory_space<vmem>> -> memref<2000xi32, #tpu.memory_space<vmem>>
      %dma_wait3A_35 = arith.constant 0 : i32
      %dma_wait3A_36 = tpu.memref_slice %arg6[%dma_wait3A_35] : memref<640000xi32, #tpu.memory_space<hbm>> -> memref<2000xi32, #tpu.memory_space<hbm>>
      %dma_wait3A_37 = arith.constant 0 : i32
      %dma_wait3A_38 = tpu.memref_slice %arg14[%dma_wait3A_37] : memref<4000xi32, #tpu.memory_space<vmem>> -> memref<2000xi32, #tpu.memory_space<vmem>>
      %dma_wait3A_39 = arith.constant 0 : i32
      %dma_wait3A_40 = tpu.memref_slice %arg6[%dma_wait3A_39] : memref<640000xi32, #tpu.memory_space<hbm>> -> memref<2000xi32, #tpu.memory_space<hbm>>
      tpu.wait_dma2 semaphore(%arg16 : memref<!tpu.dma_semaphore, #tpu.memory_space<semaphore_mem>>) src(%dma_wait3A_40 : memref<2000xi32, #tpu.memory_space<hbm>>) dst(%dma_wait3A_38 : memref<2000xi32, #tpu.memory_space<vmem>>)
      %dma_wait3A_41 = arith.constant 0 : i32
      %dma_wait3A_42 = tpu.memref_slice %arg15[%dma_wait3A_41] : memref<4000xi32, #tpu.memory_space<vmem>> -> memref<2000xi32, #tpu.memory_space<vmem>>
      %dma_wait3A_43 = arith.constant 0 : i32
      %dma_wait3A_44 = tpu.memref_slice %arg7[%dma_wait3A_43] : memref<640000xi32, #tpu.memory_space<hbm>> -> memref<2000xi32, #tpu.memory_space<hbm>>
      %dma_wait3A_45 = arith.constant 0 : i32
      %dma_wait3A_46 = tpu.memref_slice %arg15[%dma_wait3A_45] : memref<4000xi32, #tpu.memory_space<vmem>> -> memref<2000xi32, #tpu.memory_space<vmem>>
      %dma_wait3A_47 = arith.constant 0 : i32
      %dma_wait3A_48 = tpu.memref_slice %arg7[%dma_wait3A_47] : memref<640000xi32, #tpu.memory_space<hbm>> -> memref<2000xi32, #tpu.memory_space<hbm>>
      tpu.wait_dma2 semaphore(%arg16 : memref<!tpu.dma_semaphore, #tpu.memory_space<semaphore_mem>>) src(%dma_wait3A_48 : memref<2000xi32, #tpu.memory_space<hbm>>) dst(%dma_wait3A_46 : memref<2000xi32, #tpu.memory_space<vmem>>)
      %add3A_49 = arith.constant 1 : i32
      %add3A_50 = arith.addi %mul3A_33, %add3A_49 : i32
      %mul3A_51 = arith.constant 2000 : i32
      %mul3A_52 = arith.muli %add3A_50, %mul3A_51 : i32
      %add3A_53 = arith.addi %mul3A_2, %mul3A_52 : i32
      %dma_start3A_54 = arith.constant 2000 : i32
      %dma_start3A_55 = tpu.memref_slice %arg14[%dma_start3A_54] : memref<4000xi32, #tpu.memory_space<vmem>> -> memref<2000xi32, #tpu.memory_space<vmem>>
      %dma_start3A_56 = tpu.memref_slice %arg6[%add3A_53] : memref<640000xi32, #tpu.memory_space<hbm>> -> memref<2000xi32, #tpu.memory_space<hbm>>
      %dma_start3A_57 = arith.constant 2000 : i32
      %dma_start3A_58 = tpu.memref_slice %arg14[%dma_start3A_57] : memref<4000xi32, #tpu.memory_space<vmem>> -> memref<2000xi32, #tpu.memory_space<vmem>>
      %dma_start3A_59 = tpu.memref_slice %arg6[%add3A_53] : memref<640000xi32, #tpu.memory_space<hbm>> -> memref<2000xi32, #tpu.memory_space<hbm>>
      tpu.enqueue_dma source(%dma_start3A_59 : memref<2000xi32, #tpu.memory_space<hbm>>) target(%dma_start3A_58 : memref<2000xi32, #tpu.memory_space<vmem>>) target_semaphore(%arg17 : memref<!tpu.dma_semaphore, #tpu.memory_space<semaphore_mem>>)
      %dma_start3A_60 = arith.constant 2000 : i32
      %dma_start3A_61 = tpu.memref_slice %arg15[%dma_start3A_60] : memref<4000xi32, #tpu.memory_space<vmem>> -> memref<2000xi32, #tpu.memory_space<vmem>>
      %dma_start3A_62 = tpu.memref_slice %arg7[%add3A_53] : memref<640000xi32, #tpu.memory_space<hbm>> -> memref<2000xi32, #tpu.memory_space<hbm>>
      %dma_start3A_63 = arith.constant 2000 : i32
      %dma_start3A_64 = tpu.memref_slice %arg15[%dma_start3A_63] : memref<4000xi32, #tpu.memory_space<vmem>> -> memref<2000xi32, #tpu.memory_space<vmem>>
      %dma_start3A_65 = tpu.memref_slice %arg7[%add3A_53] : memref<640000xi32, #tpu.memory_space<hbm>> -> memref<2000xi32, #tpu.memory_space<hbm>>
      tpu.enqueue_dma source(%dma_start3A_65 : memref<2000xi32, #tpu.memory_space<hbm>>) target(%dma_start3A_64 : memref<2000xi32, #tpu.memory_space<vmem>>) target_semaphore(%arg17 : memref<!tpu.dma_semaphore, #tpu.memory_space<semaphore_mem>>)
      %scan3A_66 = arith.constant 0 : i32
      %scan3A_67 = arith.constant 0 : i32
      %scan3A_68 = arith.constant 25 : i32
      %scan3A_69 = arith.addi %scan3A_67, %scan3A_68 : i32
      %scan3A_70 = arith.constant 1 : i32
      scf.for %scan3A_98 = %scan3A_67 to %scan3A_69 step %scan3A_70  : i32 {
        %mul3A_99 = arith.constant 5 : i32
        %mul3A_100 = arith.muli %scan3A_98, %mul3A_99 : i32
        %add3A_101 = arith.constant 0 : i32
        %add3A_102 = arith.addi %mul3A_100, %add3A_101 : i32
        %mul3A_103 = arith.constant 16 : i32
        %mul3A_104 = arith.muli %add3A_102, %mul3A_103 : i32
        %add3A_105 = arith.constant 0 : i32
        %add3A_106 = arith.addi %add3A_105, %mul3A_104 : i32
        %get3A_107 = arith.index_cast %add3A_106 : i32 to index
        %get3A_108 = tpu.vector_load %arg14[%get3A_107] {strides = array<i32>} : memref<4000xi32, #tpu.memory_space<vmem>>, vector<16xi32>,
        %get3A_109 = arith.index_cast %add3A_106 : i32 to index
        %get3A_110 = tpu.vector_load %arg15[%get3A_109] {strides = array<i32>} : memref<4000xi32, #tpu.memory_space<vmem>>, vector<16xi32>,
        %add3A_111 = arith.constant 0 : i32
        %add3A_112 = vector.broadcast %add3A_111 : i32 to vector<16xi32>
        %add3A_113 = arith.addi %get3A_108, %add3A_112 : vector<16xi32>
        %gather3A = tpu.vector_load_idx %arg9[%add3A_113] : memref<10000xf32, #tpu.memory_space<vmem>>[vector<16xi32>], vector<16xf32>,
        %add3A_114 = arith.constant 0 : i32
        %add3A_115 = vector.broadcast %add3A_114 : i32 to vector<16xi32>
        %add3A_116 = arith.addi %get3A_110, %add3A_115 : vector<16xi32>
        %gather3A_117 = tpu.vector_load_idx %arg10[%add3A_116] : memref<10000xf32, #tpu.memory_space<vmem>>[vector<16xi32>], vector<16xf32>,
        %mul3A_118 = arith.mulf %gather3A, %get3A_9 : vector<16xf32>
        %add3A_119 = arith.addf %mul3A_118, %gather3A_117 : vector<16xf32>
        %mul3A_120 = arith.constant 2.000000e-01 : f32
        %mul3A_121 = vector.broadcast %mul3A_120 : f32 to vector<16xf32>
        %mul3A_122 = arith.mulf %add3A_119, %mul3A_121 : vector<16xf32>
        %max3A = arith.maximumf %add3A_119, %mul3A_122 : vector<16xf32>
        %add3A_123 = arith.addf %gather3A_117, %get3A_11 : vector<16xf32>
        %mul3A_124 = arith.constant 2.000000e-01 : f32
        %mul3A_125 = vector.broadcast %mul3A_124 : f32 to vector<16xf32>
        %mul3A_126 = arith.mulf %add3A_123, %mul3A_125 : vector<16xf32>
        %max3A_127 = arith.maximumf %add3A_123, %mul3A_126 : vector<16xf32>
        %sub3A = arith.subf %max3A, %max3A_127 : vector<16xf32>
        %exp3A = math.exp %sub3A : vector<16xf32>
        %add3A_128 = arith.constant 10000 : i32
        %add3A_129 = vector.broadcast %add3A_128 : i32 to vector<16xi32>
        %add3A_130 = arith.addi %get3A_110, %add3A_129 : vector<16xi32>
        tpu.vector_store_idx %arg13[%add3A_130], %exp3A {add = true} : memref<20000xf32, #tpu.memory_space<vmem>>[vector<16xi32>], vector<16xf32>,
        %add3A_131 = arith.constant 0 : i32
        %add3A_132 = vector.broadcast %add3A_131 : i32 to vector<16xi32>
        %add3A_133 = arith.addi %get3A_110, %add3A_132 : vector<16xi32>
        %mul3A_134 = arith.mulf %exp3A, %gather3A : vector<16xf32>
        tpu.vector_store_idx %arg13[%add3A_133], %mul3A_134 {add = true} : memref<20000xf32, #tpu.memory_space<vmem>>[vector<16xi32>], vector<16xf32>,
        %mul3A_135 = arith.constant 5 : i32
        %mul3A_136 = arith.muli %scan3A_98, %mul3A_135 : i32
        %add3A_137 = arith.constant 1 : i32
        %add3A_138 = arith.addi %mul3A_136, %add3A_137 : i32
        %mul3A_139 = arith.constant 16 : i32
        %mul3A_140 = arith.muli %add3A_138, %mul3A_139 : i32
        %add3A_141 = arith.constant 0 : i32
        %add3A_142 = arith.addi %add3A_141, %mul3A_140 : i32
        %get3A_143 = arith.index_cast %add3A_142 : i32 to index
        %get3A_144 = tpu.vector_load %arg14[%get3A_143] {strides = array<i32>} : memref<4000xi32, #tpu.memory_space<vmem>>, vector<16xi32>,
        %get3A_145 = arith.index_cast %add3A_142 : i32 to index
        %get3A_146 = tpu.vector_load %arg15[%get3A_145] {strides = array<i32>} : memref<4000xi32, #tpu.memory_space<vmem>>, vector<16xi32>,
        %add3A_147 = arith.constant 0 : i32
        %add3A_148 = vector.broadcast %add3A_147 : i32 to vector<16xi32>
        %add3A_149 = arith.addi %get3A_144, %add3A_148 : vector<16xi32>
        %gather3A_150 = tpu.vector_load_idx %arg9[%add3A_149] : memref<10000xf32, #tpu.memory_space<vmem>>[vector<16xi32>], vector<16xf32>,
        %add3A_151 = arith.constant 0 : i32
        %add3A_152 = vector.broadcast %add3A_151 : i32 to vector<16xi32>
        %add3A_153 = arith.addi %get3A_146, %add3A_152 : vector<16xi32>
        %gather3A_154 = tpu.vector_load_idx %arg10[%add3A_153] : memref<10000xf32, #tpu.memory_space<vmem>>[vector<16xi32>], vector<16xf32>,
        %mul3A_155 = arith.mulf %gather3A_150, %get3A_9 : vector<16xf32>
        %add3A_156 = arith.addf %mul3A_155, %gather3A_154 : vector<16xf32>
        %mul3A_157 = arith.constant 2.000000e-01 : f32
        %mul3A_158 = vector.broadcast %mul3A_157 : f32 to vector<16xf32>
        %mul3A_159 = arith.mulf %add3A_156, %mul3A_158 : vector<16xf32>
        %max3A_160 = arith.maximumf %add3A_156, %mul3A_159 : vector<16xf32>
        %add3A_161 = arith.addf %gather3A_154, %get3A_11 : vector<16xf32>
        %mul3A_162 = arith.constant 2.000000e-01 : f32
        %mul3A_163 = vector.broadcast %mul3A_162 : f32 to vector<16xf32>
        %mul3A_164 = arith.mulf %add3A_161, %mul3A_163 : vector<16xf32>
        %max3A_165 = arith.maximumf %add3A_161, %mul3A_164 : vector<16xf32>
        %sub3A_166 = arith.subf %max3A_160, %max3A_165 : vector<16xf32>
        %exp3A_167 = math.exp %sub3A_166 : vector<16xf32>
        %add3A_168 = arith.constant 10000 : i32
        %add3A_169 = vector.broadcast %add3A_168 : i32 to vector<16xi32>
        %add3A_170 = arith.addi %get3A_146, %add3A_169 : vector<16xi32>
        tpu.vector_store_idx %arg13[%add3A_170], %exp3A_167 {add = true} : memref<20000xf32, #tpu.memory_space<vmem>>[vector<16xi32>], vector<16xf32>,
        %add3A_171 = arith.constant 0 : i32
        %add3A_172 = vector.broadcast %add3A_171 : i32 to vector<16xi32>
        %add3A_173 = arith.addi %get3A_146, %add3A_172 : vector<16xi32>
        %mul3A_174 = arith.mulf %exp3A_167, %gather3A_150 : vector<16xf32>
        tpu.vector_store_idx %arg13[%add3A_173], %mul3A_174 {add = true} : memref<20000xf32, #tpu.memory_space<vmem>>[vector<16xi32>], vector<16xf32>,
        %mul3A_175 = arith.constant 5 : i32
        %mul3A_176 = arith.muli %scan3A_98, %mul3A_175 : i32
        %add3A_177 = arith.constant 2 : i32
        %add3A_178 = arith.addi %mul3A_176, %add3A_177 : i32
        %mul3A_179 = arith.constant 16 : i32
        %mul3A_180 = arith.muli %add3A_178, %mul3A_179 : i32
        %add3A_181 = arith.constant 0 : i32
        %add3A_182 = arith.addi %add3A_181, %mul3A_180 : i32
        %get3A_183 = arith.index_cast %add3A_182 : i32 to index
        %get3A_184 = tpu.vector_load %arg14[%get3A_183] {strides = array<i32>} : memref<4000xi32, #tpu.memory_space<vmem>>, vector<16xi32>,
        %get3A_185 = arith.index_cast %add3A_182 : i32 to index
        %get3A_186 = tpu.vector_load %arg15[%get3A_185] {strides = array<i32>} : memref<4000xi32, #tpu.memory_space<vmem>>, vector<16xi32>,
        %add3A_187 = arith.constant 0 : i32
        %add3A_188 = vector.broadcast %add3A_187 : i32 to vector<16xi32>
        %add3A_189 = arith.addi %get3A_184, %add3A_188 : vector<16xi32>
        %gather3A_190 = tpu.vector_load_idx %arg9[%add3A_189] : memref<10000xf32, #tpu.memory_space<vmem>>[vector<16xi32>], vector<16xf32>,
        %add3A_191 = arith.constant 0 : i32
        %add3A_192 = vector.broadcast %add3A_191 : i32 to vector<16xi32>
        %add3A_193 = arith.addi %get3A_186, %add3A_192 : vector<16xi32>
        %gather3A_194 = tpu.vector_load_idx %arg10[%add3A_193] : memref<10000xf32, #tpu.memory_space<vmem>>[vector<16xi32>], vector<16xf32>,
        %mul3A_195 = arith.mulf %gather3A_190, %get3A_9 : vector<16xf32>
        %add3A_196 = arith.addf %mul3A_195, %gather3A_194 : vector<16xf32>
        %mul3A_197 = arith.constant 2.000000e-01 : f32
        %mul3A_198 = vector.broadcast %mul3A_197 : f32 to vector<16xf32>
        %mul3A_199 = arith.mulf %add3A_196, %mul3A_198 : vector<16xf32>
        %max3A_200 = arith.maximumf %add3A_196, %mul3A_199 : vector<16xf32>
        %add3A_201 = arith.addf %gather3A_194, %get3A_11 : vector<16xf32>
        %mul3A_202 = arith.constant 2.000000e-01 : f32
        %mul3A_203 = vector.broadcast %mul3A_202 : f32 to vector<16xf32>
        %mul3A_204 = arith.mulf %add3A_201, %mul3A_203 : vector<16xf32>
        %max3A_205 = arith.maximumf %add3A_201, %mul3A_204 : vector<16xf32>
        %sub3A_206 = arith.subf %max3A_200, %max3A_205 : vector<16xf32>
        %exp3A_207 = math.exp %sub3A_206 : vector<16xf32>
        %add3A_208 = arith.constant 10000 : i32
        %add3A_209 = vector.broadcast %add3A_208 : i32 to vector<16xi32>
        %add3A_210 = arith.addi %get3A_186, %add3A_209 : vector<16xi32>
        tpu.vector_store_idx %arg13[%add3A_210], %exp3A_207 {add = true} : memref<20000xf32, #tpu.memory_space<vmem>>[vector<16xi32>], vector<16xf32>,
        %add3A_211 = arith.constant 0 : i32
        %add3A_212 = vector.broadcast %add3A_211 : i32 to vector<16xi32>
        %add3A_213 = arith.addi %get3A_186, %add3A_212 : vector<16xi32>
        %mul3A_214 = arith.mulf %exp3A_207, %gather3A_190 : vector<16xf32>
        tpu.vector_store_idx %arg13[%add3A_213], %mul3A_214 {add = true} : memref<20000xf32, #tpu.memory_space<vmem>>[vector<16xi32>], vector<16xf32>,
        %mul3A_215 = arith.constant 5 : i32
        %mul3A_216 = arith.muli %scan3A_98, %mul3A_215 : i32
        %add3A_217 = arith.constant 3 : i32
        %add3A_218 = arith.addi %mul3A_216, %add3A_217 : i32
        %mul3A_219 = arith.constant 16 : i32
        %mul3A_220 = arith.muli %add3A_218, %mul3A_219 : i32
        %add3A_221 = arith.constant 0 : i32
        %add3A_222 = arith.addi %add3A_221, %mul3A_220 : i32
        %get3A_223 = arith.index_cast %add3A_222 : i32 to index
        %get3A_224 = tpu.vector_load %arg14[%get3A_223] {strides = array<i32>} : memref<4000xi32, #tpu.memory_space<vmem>>, vector<16xi32>,
        %get3A_225 = arith.index_cast %add3A_222 : i32 to index
        %get3A_226 = tpu.vector_load %arg15[%get3A_225] {strides = array<i32>} : memref<4000xi32, #tpu.memory_space<vmem>>, vector<16xi32>,
        %add3A_227 = arith.constant 0 : i32
        %add3A_228 = vector.broadcast %add3A_227 : i32 to vector<16xi32>
        %add3A_229 = arith.addi %get3A_224, %add3A_228 : vector<16xi32>
        %gather3A_230 = tpu.vector_load_idx %arg9[%add3A_229] : memref<10000xf32, #tpu.memory_space<vmem>>[vector<16xi32>], vector<16xf32>,
        %add3A_231 = arith.constant 0 : i32
        %add3A_232 = vector.broadcast %add3A_231 : i32 to vector<16xi32>
        %add3A_233 = arith.addi %get3A_226, %add3A_232 : vector<16xi32>
        %gather3A_234 = tpu.vector_load_idx %arg10[%add3A_233] : memref<10000xf32, #tpu.memory_space<vmem>>[vector<16xi32>], vector<16xf32>,
        %mul3A_235 = arith.mulf %gather3A_230, %get3A_9 : vector<16xf32>
        %add3A_236 = arith.addf %mul3A_235, %gather3A_234 : vector<16xf32>
        %mul3A_237 = arith.constant 2.000000e-01 : f32
        %mul3A_238 = vector.broadcast %mul3A_237 : f32 to vector<16xf32>
        %mul3A_239 = arith.mulf %add3A_236, %mul3A_238 : vector<16xf32>
        %max3A_240 = arith.maximumf %add3A_236, %mul3A_239 : vector<16xf32>
        %add3A_241 = arith.addf %gather3A_234, %get3A_11 : vector<16xf32>
        %mul3A_242 = arith.constant 2.000000e-01 : f32
        %mul3A_243 = vector.broadcast %mul3A_242 : f32 to vector<16xf32>
        %mul3A_244 = arith.mulf %add3A_241, %mul3A_243 : vector<16xf32>
        %max3A_245 = arith.maximumf %add3A_241, %mul3A_244 : vector<16xf32>
        %sub3A_246 = arith.subf %max3A_240, %max3A_245 : vector<16xf32>
        %exp3A_247 = math.exp %sub3A_246 : vector<16xf32>
        %add3A_248 = arith.constant 10000 : i32
        %add3A_249 = vector.broadcast %add3A_248 : i32 to vector<16xi32>
        %add3A_250 = arith.addi %get3A_226, %add3A_249 : vector<16xi32>
        tpu.vector_store_idx %arg13[%add3A_250], %exp3A_247 {add = true} : memref<20000xf32, #tpu.memory_space<vmem>>[vector<16xi32>], vector<16xf32>,
        %add3A_251 = arith.constant 0 : i32
        %add3A_252 = vector.broadcast %add3A_251 : i32 to vector<16xi32>
        %add3A_253 = arith.addi %get3A_226, %add3A_252 : vector<16xi32>
        %mul3A_254 = arith.mulf %exp3A_247, %gather3A_230 : vector<16xf32>
        tpu.vector_store_idx %arg13[%add3A_253], %mul3A_254 {add = true} : memref<20000xf32, #tpu.memory_space<vmem>>[vector<16xi32>], vector<16xf32>,
        %mul3A_255 = arith.constant 5 : i32
        %mul3A_256 = arith.muli %scan3A_98, %mul3A_255 : i32
        %add3A_257 = arith.constant 4 : i32
        %add3A_258 = arith.addi %mul3A_256, %add3A_257 : i32
        %mul3A_259 = arith.constant 16 : i32
        %mul3A_260 = arith.muli %add3A_258, %mul3A_259 : i32
        %add3A_261 = arith.constant 0 : i32
        %add3A_262 = arith.addi %add3A_261, %mul3A_260 : i32
        %get3A_263 = arith.index_cast %add3A_262 : i32 to index
        %get3A_264 = tpu.vector_load %arg14[%get3A_263] {strides = array<i32>} : memref<4000xi32, #tpu.memory_space<vmem>>, vector<16xi32>,
        %get3A_265 = arith.index_cast %add3A_262 : i32 to index
        %get3A_266 = tpu.vector_load %arg15[%get3A_265] {strides = array<i32>} : memref<4000xi32, #tpu.memory_space<vmem>>, vector<16xi32>,
        %add3A_267 = arith.constant 0 : i32
        %add3A_268 = vector.broadcast %add3A_267 : i32 to vector<16xi32>
        %add3A_269 = arith.addi %get3A_264, %add3A_268 : vector<16xi32>
        %gather3A_270 = tpu.vector_load_idx %arg9[%add3A_269] : memref<10000xf32, #tpu.memory_space<vmem>>[vector<16xi32>], vector<16xf32>,
        %add3A_271 = arith.constant 0 : i32
        %add3A_272 = vector.broadcast %add3A_271 : i32 to vector<16xi32>
        %add3A_273 = arith.addi %get3A_266, %add3A_272 : vector<16xi32>
        %gather3A_274 = tpu.vector_load_idx %arg10[%add3A_273] : memref<10000xf32, #tpu.memory_space<vmem>>[vector<16xi32>], vector<16xf32>,
        %mul3A_275 = arith.mulf %gather3A_270, %get3A_9 : vector<16xf32>
        %add3A_276 = arith.addf %mul3A_275, %gather3A_274 : vector<16xf32>
        %mul3A_277 = arith.constant 2.000000e-01 : f32
        %mul3A_278 = vector.broadcast %mul3A_277 : f32 to vector<16xf32>
        %mul3A_279 = arith.mulf %add3A_276, %mul3A_278 : vector<16xf32>
        %max3A_280 = arith.maximumf %add3A_276, %mul3A_279 : vector<16xf32>
        %add3A_281 = arith.addf %gather3A_274, %get3A_11 : vector<16xf32>
        %mul3A_282 = arith.constant 2.000000e-01 : f32
        %mul3A_283 = vector.broadcast %mul3A_282 : f32 to vector<16xf32>
        %mul3A_284 = arith.mulf %add3A_281, %mul3A_283 : vector<16xf32>
        %max3A_285 = arith.maximumf %add3A_281, %mul3A_284 : vector<16xf32>
        %sub3A_286 = arith.subf %max3A_280, %max3A_285 : vector<16xf32>
        %exp3A_287 = math.exp %sub3A_286 : vector<16xf32>
        %add3A_288 = arith.constant 10000 : i32
        %add3A_289 = vector.broadcast %add3A_288 : i32 to vector<16xi32>
        %add3A_290 = arith.addi %get3A_266, %add3A_289 : vector<16xi32>
        tpu.vector_store_idx %arg13[%add3A_290], %exp3A_287 {add = true} : memref<20000xf32, #tpu.memory_space<vmem>>[vector<16xi32>], vector<16xf32>,
        %add3A_291 = arith.constant 0 : i32
        %add3A_292 = vector.broadcast %add3A_291 : i32 to vector<16xi32>
        %add3A_293 = arith.addi %get3A_266, %add3A_292 : vector<16xi32>
        %mul3A_294 = arith.mulf %exp3A_287, %gather3A_270 : vector<16xf32>
        tpu.vector_store_idx %arg13[%add3A_293], %mul3A_294 {add = true} : memref<20000xf32, #tpu.memory_space<vmem>>[vector<16xi32>], vector<16xf32>,
      }
      %scan3A_71 = arith.constant 25 : i32
      %dma_wait3A_72 = arith.constant 2000 : i32
      %dma_wait3A_73 = tpu.memref_slice %arg14[%dma_wait3A_72] : memref<4000xi32, #tpu.memory_space<vmem>> -> memref<2000xi32, #tpu.memory_space<vmem>>
      %dma_wait3A_74 = arith.constant 0 : i32
      %dma_wait3A_75 = tpu.memref_slice %arg6[%dma_wait3A_74] : memref<640000xi32, #tpu.memory_space<hbm>> -> memref<2000xi32, #tpu.memory_space<hbm>>
      %dma_wait3A_76 = arith.constant 2000 : i32
      %dma_wait3A_77 = tpu.memref_slice %arg14[%dma_wait3A_76] : memref<4000xi32, #tpu.memory_space<vmem>> -> memref<2000xi32, #tpu.memory_space<vmem>>
      %dma_wait3A_78 = arith.constant 0 : i32
      %dma_wait3A_79 = tpu.memref_slice %arg6[%dma_wait3A_78] : memref<640000xi32, #tpu.memory_space<hbm>> -> memref<2000xi32, #tpu.memory_space<hbm>>
      tpu.wait_dma2 semaphore(%arg17 : memref<!tpu.dma_semaphore, #tpu.memory_space<semaphore_mem>>) src(%dma_wait3A_79 : memref<2000xi32, #tpu.memory_space<hbm>>) dst(%dma_wait3A_77 : memref<2000xi32, #tpu.memory_space<vmem>>)
      %dma_wait3A_80 = arith.constant 2000 : i32
      %dma_wait3A_81 = tpu.memref_slice %arg15[%dma_wait3A_80] : memref<4000xi32, #tpu.memory_space<vmem>> -> memref<2000xi32, #tpu.memory_space<vmem>>
      %dma_wait3A_82 = arith.constant 0 : i32
      %dma_wait3A_83 = tpu.memref_slice %arg7[%dma_wait3A_82] : memref<640000xi32, #tpu.memory_space<hbm>> -> memref<2000xi32, #tpu.memory_space<hbm>>
      %dma_wait3A_84 = arith.constant 2000 : i32
      %dma_wait3A_85 = tpu.memref_slice %arg15[%dma_wait3A_84] : memref<4000xi32, #tpu.memory_space<vmem>> -> memref<2000xi32, #tpu.memory_space<vmem>>
      %dma_wait3A_86 = arith.constant 0 : i32
      %dma_wait3A_87 = tpu.memref_slice %arg7[%dma_wait3A_86] : memref<640000xi32, #tpu.memory_space<hbm>> -> memref<2000xi32, #tpu.memory_space<hbm>>
      tpu.wait_dma2 semaphore(%arg17 : memref<!tpu.dma_semaphore, #tpu.memory_space<semaphore_mem>>) src(%dma_wait3A_87 : memref<2000xi32, #tpu.memory_space<hbm>>) dst(%dma_wait3A_85 : memref<2000xi32, #tpu.memory_space<vmem>>)
      %add3A_88 = arith.constant 2 : i32
      %add3A_89 = arith.addi %mul3A_33, %add3A_88 : i32
      %lt3A = arith.constant 10 : i32
      %lt3A_90 = arith.cmpi slt, %add3A_89, %lt3A : i32
      %convert_element_type3A = arith.extui %lt3A_90 : i1 to i32
      %cond3A = arith.constant 0 : i32
      %cond3A_91 = arith.cmpi ne, %convert_element_type3A, %cond3A : i32
      scf.if %cond3A_91 {
        %add3A_98 = arith.constant 2 : i32
        %add3A_99 = arith.addi %mul3A_33, %add3A_98 : i32
        %mul3A_100 = arith.constant 2000 : i32
        %mul3A_101 = arith.muli %add3A_99, %mul3A_100 : i32
        %add3A_102 = arith.addi %mul3A_2, %mul3A_101 : i32
        %dma_start3A_103 = arith.constant 0 : i32
        %dma_start3A_104 = tpu.memref_slice %arg14[%dma_start3A_103] : memref<4000xi32, #tpu.memory_space<vmem>> -> memref<2000xi32, #tpu.memory_space<vmem>>
        %dma_start3A_105 = tpu.memref_slice %arg6[%add3A_102] : memref<640000xi32, #tpu.memory_space<hbm>> -> memref<2000xi32, #tpu.memory_space<hbm>>
        %dma_start3A_106 = arith.constant 0 : i32
        %dma_start3A_107 = tpu.memref_slice %arg14[%dma_start3A_106] : memref<4000xi32, #tpu.memory_space<vmem>> -> memref<2000xi32, #tpu.memory_space<vmem>>
        %dma_start3A_108 = tpu.memref_slice %arg6[%add3A_102] : memref<640000xi32, #tpu.memory_space<hbm>> -> memref<2000xi32, #tpu.memory_space<hbm>>
        tpu.enqueue_dma source(%dma_start3A_108 : memref<2000xi32, #tpu.memory_space<hbm>>) target(%dma_start3A_107 : memref<2000xi32, #tpu.memory_space<vmem>>) target_semaphore(%arg16 : memref<!tpu.dma_semaphore, #tpu.memory_space<semaphore_mem>>)
        %dma_start3A_109 = arith.constant 0 : i32
        %dma_start3A_110 = tpu.memref_slice %arg15[%dma_start3A_109] : memref<4000xi32, #tpu.memory_space<vmem>> -> memref<2000xi32, #tpu.memory_space<vmem>>
        %dma_start3A_111 = tpu.memref_slice %arg7[%add3A_102] : memref<640000xi32, #tpu.memory_space<hbm>> -> memref<2000xi32, #tpu.memory_space<hbm>>
        %dma_start3A_112 = arith.constant 0 : i32
        %dma_start3A_113 = tpu.memref_slice %arg15[%dma_start3A_112] : memref<4000xi32, #tpu.memory_space<vmem>> -> memref<2000xi32, #tpu.memory_space<vmem>>
        %dma_start3A_114 = tpu.memref_slice %arg7[%add3A_102] : memref<640000xi32, #tpu.memory_space<hbm>> -> memref<2000xi32, #tpu.memory_space<hbm>>
        tpu.enqueue_dma source(%dma_start3A_114 : memref<2000xi32, #tpu.memory_space<hbm>>) target(%dma_start3A_113 : memref<2000xi32, #tpu.memory_space<vmem>>) target_semaphore(%arg16 : memref<!tpu.dma_semaphore, #tpu.memory_space<semaphore_mem>>)
      } else {
      }
      %scan3A_92 = arith.constant 0 : i32
      %scan3A_93 = arith.constant 0 : i32
      %scan3A_94 = arith.constant 25 : i32
      %scan3A_95 = arith.addi %scan3A_93, %scan3A_94 : i32
      %scan3A_96 = arith.constant 1 : i32
      scf.for %scan3A_98 = %scan3A_93 to %scan3A_95 step %scan3A_96  : i32 {
        %mul3A_99 = arith.constant 5 : i32
        %mul3A_100 = arith.muli %scan3A_98, %mul3A_99 : i32
        %add3A_101 = arith.constant 0 : i32
        %add3A_102 = arith.addi %mul3A_100, %add3A_101 : i32
        %mul3A_103 = arith.constant 16 : i32
        %mul3A_104 = arith.muli %add3A_102, %mul3A_103 : i32
        %add3A_105 = arith.constant 2000 : i32
        %add3A_106 = arith.addi %add3A_105, %mul3A_104 : i32
        %get3A_107 = arith.index_cast %add3A_106 : i32 to index
        %get3A_108 = tpu.vector_load %arg14[%get3A_107] {strides = array<i32>} : memref<4000xi32, #tpu.memory_space<vmem>>, vector<16xi32>,
        %get3A_109 = arith.index_cast %add3A_106 : i32 to index
        %get3A_110 = tpu.vector_load %arg15[%get3A_109] {strides = array<i32>} : memref<4000xi32, #tpu.memory_space<vmem>>, vector<16xi32>,
        %add3A_111 = arith.constant 0 : i32
        %add3A_112 = vector.broadcast %add3A_111 : i32 to vector<16xi32>
        %add3A_113 = arith.addi %get3A_108, %add3A_112 : vector<16xi32>
        %gather3A = tpu.vector_load_idx %arg9[%add3A_113] : memref<10000xf32, #tpu.memory_space<vmem>>[vector<16xi32>], vector<16xf32>,
        %add3A_114 = arith.constant 0 : i32
        %add3A_115 = vector.broadcast %add3A_114 : i32 to vector<16xi32>
        %add3A_116 = arith.addi %get3A_110, %add3A_115 : vector<16xi32>
        %gather3A_117 = tpu.vector_load_idx %arg10[%add3A_116] : memref<10000xf32, #tpu.memory_space<vmem>>[vector<16xi32>], vector<16xf32>,
        %mul3A_118 = arith.mulf %gather3A, %get3A_9 : vector<16xf32>
        %add3A_119 = arith.addf %mul3A_118, %gather3A_117 : vector<16xf32>
        %mul3A_120 = arith.constant 2.000000e-01 : f32
        %mul3A_121 = vector.broadcast %mul3A_120 : f32 to vector<16xf32>
        %mul3A_122 = arith.mulf %add3A_119, %mul3A_121 : vector<16xf32>
        %max3A = arith.maximumf %add3A_119, %mul3A_122 : vector<16xf32>
        %add3A_123 = arith.addf %gather3A_117, %get3A_11 : vector<16xf32>
        %mul3A_124 = arith.constant 2.000000e-01 : f32
        %mul3A_125 = vector.broadcast %mul3A_124 : f32 to vector<16xf32>
        %mul3A_126 = arith.mulf %add3A_123, %mul3A_125 : vector<16xf32>
        %max3A_127 = arith.maximumf %add3A_123, %mul3A_126 : vector<16xf32>
        %sub3A = arith.subf %max3A, %max3A_127 : vector<16xf32>
        %exp3A = math.exp %sub3A : vector<16xf32>
        %add3A_128 = arith.constant 10000 : i32
        %add3A_129 = vector.broadcast %add3A_128 : i32 to vector<16xi32>
        %add3A_130 = arith.addi %get3A_110, %add3A_129 : vector<16xi32>
        tpu.vector_store_idx %arg13[%add3A_130], %exp3A {add = true} : memref<20000xf32, #tpu.memory_space<vmem>>[vector<16xi32>], vector<16xf32>,
        %add3A_131 = arith.constant 0 : i32
        %add3A_132 = vector.broadcast %add3A_131 : i32 to vector<16xi32>
        %add3A_133 = arith.addi %get3A_110, %add3A_132 : vector<16xi32>
        %mul3A_134 = arith.mulf %exp3A, %gather3A : vector<16xf32>
        tpu.vector_store_idx %arg13[%add3A_133], %mul3A_134 {add = true} : memref<20000xf32, #tpu.memory_space<vmem>>[vector<16xi32>], vector<16xf32>,
        %mul3A_135 = arith.constant 5 : i32
        %mul3A_136 = arith.muli %scan3A_98, %mul3A_135 : i32
        %add3A_137 = arith.constant 1 : i32
        %add3A_138 = arith.addi %mul3A_136, %add3A_137 : i32
        %mul3A_139 = arith.constant 16 : i32
        %mul3A_140 = arith.muli %add3A_138, %mul3A_139 : i32
        %add3A_141 = arith.constant 2000 : i32
        %add3A_142 = arith.addi %add3A_141, %mul3A_140 : i32
        %get3A_143 = arith.index_cast %add3A_142 : i32 to index
        %get3A_144 = tpu.vector_load %arg14[%get3A_143] {strides = array<i32>} : memref<4000xi32, #tpu.memory_space<vmem>>, vector<16xi32>,
        %get3A_145 = arith.index_cast %add3A_142 : i32 to index
        %get3A_146 = tpu.vector_load %arg15[%get3A_145] {strides = array<i32>} : memref<4000xi32, #tpu.memory_space<vmem>>, vector<16xi32>,
        %add3A_147 = arith.constant 0 : i32
        %add3A_148 = vector.broadcast %add3A_147 : i32 to vector<16xi32>
        %add3A_149 = arith.addi %get3A_144, %add3A_148 : vector<16xi32>
        %gather3A_150 = tpu.vector_load_idx %arg9[%add3A_149] : memref<10000xf32, #tpu.memory_space<vmem>>[vector<16xi32>], vector<16xf32>,
        %add3A_151 = arith.constant 0 : i32
        %add3A_152 = vector.broadcast %add3A_151 : i32 to vector<16xi32>
        %add3A_153 = arith.addi %get3A_146, %add3A_152 : vector<16xi32>
        %gather3A_154 = tpu.vector_load_idx %arg10[%add3A_153] : memref<10000xf32, #tpu.memory_space<vmem>>[vector<16xi32>], vector<16xf32>,
        %mul3A_155 = arith.mulf %gather3A_150, %get3A_9 : vector<16xf32>
        %add3A_156 = arith.addf %mul3A_155, %gather3A_154 : vector<16xf32>
        %mul3A_157 = arith.constant 2.000000e-01 : f32
        %mul3A_158 = vector.broadcast %mul3A_157 : f32 to vector<16xf32>
        %mul3A_159 = arith.mulf %add3A_156, %mul3A_158 : vector<16xf32>
        %max3A_160 = arith.maximumf %add3A_156, %mul3A_159 : vector<16xf32>
        %add3A_161 = arith.addf %gather3A_154, %get3A_11 : vector<16xf32>
        %mul3A_162 = arith.constant 2.000000e-01 : f32
        %mul3A_163 = vector.broadcast %mul3A_162 : f32 to vector<16xf32>
        %mul3A_164 = arith.mulf %add3A_161, %mul3A_163 : vector<16xf32>
        %max3A_165 = arith.maximumf %add3A_161, %mul3A_164 : vector<16xf32>
        %sub3A_166 = arith.subf %max3A_160, %max3A_165 : vector<16xf32>
        %exp3A_167 = math.exp %sub3A_166 : vector<16xf32>
        %add3A_168 = arith.constant 10000 : i32
        %add3A_169 = vector.broadcast %add3A_168 : i32 to vector<16xi32>
        %add3A_170 = arith.addi %get3A_146, %add3A_169 : vector<16xi32>
        tpu.vector_store_idx %arg13[%add3A_170], %exp3A_167 {add = true} : memref<20000xf32, #tpu.memory_space<vmem>>[vector<16xi32>], vector<16xf32>,
        %add3A_171 = arith.constant 0 : i32
        %add3A_172 = vector.broadcast %add3A_171 : i32 to vector<16xi32>
        %add3A_173 = arith.addi %get3A_146, %add3A_172 : vector<16xi32>
        %mul3A_174 = arith.mulf %exp3A_167, %gather3A_150 : vector<16xf32>
        tpu.vector_store_idx %arg13[%add3A_173], %mul3A_174 {add = true} : memref<20000xf32, #tpu.memory_space<vmem>>[vector<16xi32>], vector<16xf32>,
        %mul3A_175 = arith.constant 5 : i32
        %mul3A_176 = arith.muli %scan3A_98, %mul3A_175 : i32
        %add3A_177 = arith.constant 2 : i32
        %add3A_178 = arith.addi %mul3A_176, %add3A_177 : i32
        %mul3A_179 = arith.constant 16 : i32
        %mul3A_180 = arith.muli %add3A_178, %mul3A_179 : i32
        %add3A_181 = arith.constant 2000 : i32
        %add3A_182 = arith.addi %add3A_181, %mul3A_180 : i32
        %get3A_183 = arith.index_cast %add3A_182 : i32 to index
        %get3A_184 = tpu.vector_load %arg14[%get3A_183] {strides = array<i32>} : memref<4000xi32, #tpu.memory_space<vmem>>, vector<16xi32>,
        %get3A_185 = arith.index_cast %add3A_182 : i32 to index
        %get3A_186 = tpu.vector_load %arg15[%get3A_185] {strides = array<i32>} : memref<4000xi32, #tpu.memory_space<vmem>>, vector<16xi32>,
        %add3A_187 = arith.constant 0 : i32
        %add3A_188 = vector.broadcast %add3A_187 : i32 to vector<16xi32>
        %add3A_189 = arith.addi %get3A_184, %add3A_188 : vector<16xi32>
        %gather3A_190 = tpu.vector_load_idx %arg9[%add3A_189] : memref<10000xf32, #tpu.memory_space<vmem>>[vector<16xi32>], vector<16xf32>,
        %add3A_191 = arith.constant 0 : i32
        %add3A_192 = vector.broadcast %add3A_191 : i32 to vector<16xi32>
        %add3A_193 = arith.addi %get3A_186, %add3A_192 : vector<16xi32>
        %gather3A_194 = tpu.vector_load_idx %arg10[%add3A_193] : memref<10000xf32, #tpu.memory_space<vmem>>[vector<16xi32>], vector<16xf32>,
        %mul3A_195 = arith.mulf %gather3A_190, %get3A_9 : vector<16xf32>
        %add3A_196 = arith.addf %mul3A_195, %gather3A_194 : vector<16xf32>
        %mul3A_197 = arith.constant 2.000000e-01 : f32
        %mul3A_198 = vector.broadcast %mul3A_197 : f32 to vector<16xf32>
        %mul3A_199 = arith.mulf %add3A_196, %mul3A_198 : vector<16xf32>
        %max3A_200 = arith.maximumf %add3A_196, %mul3A_199 : vector<16xf32>
        %add3A_201 = arith.addf %gather3A_194, %get3A_11 : vector<16xf32>
        %mul3A_202 = arith.constant 2.000000e-01 : f32
        %mul3A_203 = vector.broadcast %mul3A_202 : f32 to vector<16xf32>
        %mul3A_204 = arith.mulf %add3A_201, %mul3A_203 : vector<16xf32>
        %max3A_205 = arith.maximumf %add3A_201, %mul3A_204 : vector<16xf32>
        %sub3A_206 = arith.subf %max3A_200, %max3A_205 : vector<16xf32>
        %exp3A_207 = math.exp %sub3A_206 : vector<16xf32>
        %add3A_208 = arith.constant 10000 : i32
        %add3A_209 = vector.broadcast %add3A_208 : i32 to vector<16xi32>
        %add3A_210 = arith.addi %get3A_186, %add3A_209 : vector<16xi32>
        tpu.vector_store_idx %arg13[%add3A_210], %exp3A_207 {add = true} : memref<20000xf32, #tpu.memory_space<vmem>>[vector<16xi32>], vector<16xf32>,
        %add3A_211 = arith.constant 0 : i32
        %add3A_212 = vector.broadcast %add3A_211 : i32 to vector<16xi32>
        %add3A_213 = arith.addi %get3A_186, %add3A_212 : vector<16xi32>
        %mul3A_214 = arith.mulf %exp3A_207, %gather3A_190 : vector<16xf32>
        tpu.vector_store_idx %arg13[%add3A_213], %mul3A_214 {add = true} : memref<20000xf32, #tpu.memory_space<vmem>>[vector<16xi32>], vector<16xf32>,
        %mul3A_215 = arith.constant 5 : i32
        %mul3A_216 = arith.muli %scan3A_98, %mul3A_215 : i32
        %add3A_217 = arith.constant 3 : i32
        %add3A_218 = arith.addi %mul3A_216, %add3A_217 : i32
        %mul3A_219 = arith.constant 16 : i32
        %mul3A_220 = arith.muli %add3A_218, %mul3A_219 : i32
        %add3A_221 = arith.constant 2000 : i32
        %add3A_222 = arith.addi %add3A_221, %mul3A_220 : i32
        %get3A_223 = arith.index_cast %add3A_222 : i32 to index
        %get3A_224 = tpu.vector_load %arg14[%get3A_223] {strides = array<i32>} : memref<4000xi32, #tpu.memory_space<vmem>>, vector<16xi32>,
        %get3A_225 = arith.index_cast %add3A_222 : i32 to index
        %get3A_226 = tpu.vector_load %arg15[%get3A_225] {strides = array<i32>} : memref<4000xi32, #tpu.memory_space<vmem>>, vector<16xi32>,
        %add3A_227 = arith.constant 0 : i32
        %add3A_228 = vector.broadcast %add3A_227 : i32 to vector<16xi32>
        %add3A_229 = arith.addi %get3A_224, %add3A_228 : vector<16xi32>
        %gather3A_230 = tpu.vector_load_idx %arg9[%add3A_229] : memref<10000xf32, #tpu.memory_space<vmem>>[vector<16xi32>], vector<16xf32>,
        %add3A_231 = arith.constant 0 : i32
        %add3A_232 = vector.broadcast %add3A_231 : i32 to vector<16xi32>
        %add3A_233 = arith.addi %get3A_226, %add3A_232 : vector<16xi32>
        %gather3A_234 = tpu.vector_load_idx %arg10[%add3A_233] : memref<10000xf32, #tpu.memory_space<vmem>>[vector<16xi32>], vector<16xf32>,
        %mul3A_235 = arith.mulf %gather3A_230, %get3A_9 : vector<16xf32>
        %add3A_236 = arith.addf %mul3A_235, %gather3A_234 : vector<16xf32>
        %mul3A_237 = arith.constant 2.000000e-01 : f32
        %mul3A_238 = vector.broadcast %mul3A_237 : f32 to vector<16xf32>
        %mul3A_239 = arith.mulf %add3A_236, %mul3A_238 : vector<16xf32>
        %max3A_240 = arith.maximumf %add3A_236, %mul3A_239 : vector<16xf32>
        %add3A_241 = arith.addf %gather3A_234, %get3A_11 : vector<16xf32>
        %mul3A_242 = arith.constant 2.000000e-01 : f32
        %mul3A_243 = vector.broadcast %mul3A_242 : f32 to vector<16xf32>
        %mul3A_244 = arith.mulf %add3A_241, %mul3A_243 : vector<16xf32>
        %max3A_245 = arith.maximumf %add3A_241, %mul3A_244 : vector<16xf32>
        %sub3A_246 = arith.subf %max3A_240, %max3A_245 : vector<16xf32>
        %exp3A_247 = math.exp %sub3A_246 : vector<16xf32>
        %add3A_248 = arith.constant 10000 : i32
        %add3A_249 = vector.broadcast %add3A_248 : i32 to vector<16xi32>
        %add3A_250 = arith.addi %get3A_226, %add3A_249 : vector<16xi32>
        tpu.vector_store_idx %arg13[%add3A_250], %exp3A_247 {add = true} : memref<20000xf32, #tpu.memory_space<vmem>>[vector<16xi32>], vector<16xf32>,
        %add3A_251 = arith.constant 0 : i32
        %add3A_252 = vector.broadcast %add3A_251 : i32 to vector<16xi32>
        %add3A_253 = arith.addi %get3A_226, %add3A_252 : vector<16xi32>
        %mul3A_254 = arith.mulf %exp3A_247, %gather3A_230 : vector<16xf32>
        tpu.vector_store_idx %arg13[%add3A_253], %mul3A_254 {add = true} : memref<20000xf32, #tpu.memory_space<vmem>>[vector<16xi32>], vector<16xf32>,
        %mul3A_255 = arith.constant 5 : i32
        %mul3A_256 = arith.muli %scan3A_98, %mul3A_255 : i32
        %add3A_257 = arith.constant 4 : i32
        %add3A_258 = arith.addi %mul3A_256, %add3A_257 : i32
        %mul3A_259 = arith.constant 16 : i32
        %mul3A_260 = arith.muli %add3A_258, %mul3A_259 : i32
        %add3A_261 = arith.constant 2000 : i32
        %add3A_262 = arith.addi %add3A_261, %mul3A_260 : i32
        %get3A_263 = arith.index_cast %add3A_262 : i32 to index
        %get3A_264 = tpu.vector_load %arg14[%get3A_263] {strides = array<i32>} : memref<4000xi32, #tpu.memory_space<vmem>>, vector<16xi32>,
        %get3A_265 = arith.index_cast %add3A_262 : i32 to index
        %get3A_266 = tpu.vector_load %arg15[%get3A_265] {strides = array<i32>} : memref<4000xi32, #tpu.memory_space<vmem>>, vector<16xi32>,
        %add3A_267 = arith.constant 0 : i32
        %add3A_268 = vector.broadcast %add3A_267 : i32 to vector<16xi32>
        %add3A_269 = arith.addi %get3A_264, %add3A_268 : vector<16xi32>
        %gather3A_270 = tpu.vector_load_idx %arg9[%add3A_269] : memref<10000xf32, #tpu.memory_space<vmem>>[vector<16xi32>], vector<16xf32>,
        %add3A_271 = arith.constant 0 : i32
        %add3A_272 = vector.broadcast %add3A_271 : i32 to vector<16xi32>
        %add3A_273 = arith.addi %get3A_266, %add3A_272 : vector<16xi32>
        %gather3A_274 = tpu.vector_load_idx %arg10[%add3A_273] : memref<10000xf32, #tpu.memory_space<vmem>>[vector<16xi32>], vector<16xf32>,
        %mul3A_275 = arith.mulf %gather3A_270, %get3A_9 : vector<16xf32>
        %add3A_276 = arith.addf %mul3A_275, %gather3A_274 : vector<16xf32>
        %mul3A_277 = arith.constant 2.000000e-01 : f32
        %mul3A_278 = vector.broadcast %mul3A_277 : f32 to vector<16xf32>
        %mul3A_279 = arith.mulf %add3A_276, %mul3A_278 : vector<16xf32>
        %max3A_280 = arith.maximumf %add3A_276, %mul3A_279 : vector<16xf32>
        %add3A_281 = arith.addf %gather3A_274, %get3A_11 : vector<16xf32>
        %mul3A_282 = arith.constant 2.000000e-01 : f32
        %mul3A_283 = vector.broadcast %mul3A_282 : f32 to vector<16xf32>
        %mul3A_284 = arith.mulf %add3A_281, %mul3A_283 : vector<16xf32>
        %max3A_285 = arith.maximumf %add3A_281, %mul3A_284 : vector<16xf32>
        %sub3A_286 = arith.subf %max3A_280, %max3A_285 : vector<16xf32>
        %exp3A_287 = math.exp %sub3A_286 : vector<16xf32>
        %add3A_288 = arith.constant 10000 : i32
        %add3A_289 = vector.broadcast %add3A_288 : i32 to vector<16xi32>
        %add3A_290 = arith.addi %get3A_266, %add3A_289 : vector<16xi32>
        tpu.vector_store_idx %arg13[%add3A_290], %exp3A_287 {add = true} : memref<20000xf32, #tpu.memory_space<vmem>>[vector<16xi32>], vector<16xf32>,
        %add3A_291 = arith.constant 0 : i32
        %add3A_292 = vector.broadcast %add3A_291 : i32 to vector<16xi32>
        %add3A_293 = arith.addi %get3A_266, %add3A_292 : vector<16xi32>
        %mul3A_294 = arith.mulf %exp3A_287, %gather3A_270 : vector<16xf32>
        tpu.vector_store_idx %arg13[%add3A_293], %mul3A_294 {add = true} : memref<20000xf32, #tpu.memory_space<vmem>>[vector<16xi32>], vector<16xf32>,
      }
      %scan3A_97 = arith.constant 25 : i32
    }
    %scan3A_30 = arith.constant 5 : i32
    "tpu.region"() ({
      %run_scoped3A = tpu.sem_alloc : memref<!tpu.dma_semaphore, #tpu.memory_space<semaphore_mem>>
      %dma_start3A_31 = arith.constant 0 : i32
      %dma_start3A_32 = tpu.memref_slice %arg8[%add3A, %dma_start3A_31] : memref<32x20000xf32, #tpu.memory_space<hbm>> -> memref<1x20000xf32, #tpu.memory_space<hbm>>
      %dma_start3A_33 = tpu.memref_squeeze %dma_start3A_32 : memref<1x20000xf32, #tpu.memory_space<hbm>> -> memref<20000xf32, #tpu.memory_space<hbm>>
      %dma_start3A_34 = arith.constant 0 : i32
      %dma_start3A_35 = tpu.memref_slice %arg8[%add3A, %dma_start3A_34] : memref<32x20000xf32, #tpu.memory_space<hbm>> -> memref<1x20000xf32, #tpu.memory_space<hbm>>
      %dma_start3A_36 = tpu.memref_squeeze %dma_start3A_35 : memref<1x20000xf32, #tpu.memory_space<hbm>> -> memref<20000xf32, #tpu.memory_space<hbm>>
      tpu.enqueue_dma source(%arg13 : memref<20000xf32, #tpu.memory_space<vmem>>) target(%dma_start3A_36 : memref<20000xf32, #tpu.memory_space<hbm>>) target_semaphore(%run_scoped3A : memref<!tpu.dma_semaphore, #tpu.memory_space<semaphore_mem>>)
      %dma_wait3A = arith.constant 0 : i32
      %dma_wait3A_37 = tpu.memref_slice %arg8[%add3A, %dma_wait3A] : memref<32x20000xf32, #tpu.memory_space<hbm>> -> memref<1x20000xf32, #tpu.memory_space<hbm>>
      %dma_wait3A_38 = tpu.memref_squeeze %dma_wait3A_37 : memref<1x20000xf32, #tpu.memory_space<hbm>> -> memref<20000xf32, #tpu.memory_space<hbm>>
      %dma_wait3A_39 = arith.constant 0 : i32
      %dma_wait3A_40 = tpu.memref_slice %arg8[%add3A, %dma_wait3A_39] : memref<32x20000xf32, #tpu.memory_space<hbm>> -> memref<1x20000xf32, #tpu.memory_space<hbm>>
      %dma_wait3A_41 = tpu.memref_squeeze %dma_wait3A_40 : memref<1x20000xf32, #tpu.memory_space<hbm>> -> memref<20000xf32, #tpu.memory_space<hbm>>
      tpu.wait_dma2 semaphore(%run_scoped3A : memref<!tpu.dma_semaphore, #tpu.memory_space<semaphore_mem>>) src(%arg13 : memref<20000xf32, #tpu.memory_space<vmem>>) dst(%dma_wait3A_41 : memref<20000xf32, #tpu.memory_space<hbm>>)
      tpu.yield
    }) : () -> ()
    return
  }
}

module attributes {stable_mosaic.version = 14 : i64} {
  func.func @_prep_body(%arg0: memref<3x10000xf32, #tpu.memory_space<vmem>>, %arg1: memref<4x3xf32, #tpu.memory_space<vmem>>, %arg2: memref<2x4xf32, #tpu.memory_space<vmem>>, %arg3: memref<2x4xf32, #tpu.memory_space<vmem>>, %arg4: memref<4x10000xf32, #tpu.memory_space<vmem>>, %arg5: memref<2x10000xf32, #tpu.memory_space<vmem>>, %arg6: memref<2x16xf32, #tpu.memory_space<vmem>>) attributes {dimension_semantics = [], scalar_prefetch = 0 : i64, scratch_operands = 0 : i64, tpu.core_type = #tpu.core_type<tc>} {
    %get3A = arith.constant 0 : index
    %get3A_0 = arith.constant 0 : index
    %get3A_1 = vector.load %arg0[%get3A, %get3A_0] : memref<3x10000xf32, #tpu.memory_space<vmem>>, vector<3x10000xf32>
    %get3A_2 = arith.constant 0 : index
    %get3A_3 = arith.constant 0 : index
    %get3A_4 = vector.load %arg1[%get3A_2, %get3A_3] : memref<4x3xf32, #tpu.memory_space<vmem>>, vector<4x3xf32>
    %dot_general3A = arith.constant dense<0.000000e+00> : vector<4x10000xf32>
    %dot_general3A_5 = tpu.matmul %get3A_4, %get3A_1, %dot_general3A {dimension_numbers = #tpu.dot_dimension_numbers<[1], [0], [0], [1], [0, 0, 1, 1], [], []>, transpose_lhs_hint = false} : vector<4x3xf32>, vector<3x10000xf32>, vector<4x10000xf32> -> vector<4x10000xf32>
    %get3A_6 = arith.constant 0 : index
    %get3A_7 = arith.constant 0 : index
    %get3A_8 = vector.load %arg2[%get3A_6, %get3A_7] : memref<2x4xf32, #tpu.memory_space<vmem>>, vector<2x4xf32>
    %dot_general3A_9 = arith.constant dense<0.000000e+00> : vector<2x10000xf32>
    %dot_general3A_10 = tpu.matmul %get3A_8, %dot_general3A_5, %dot_general3A_9 {dimension_numbers = #tpu.dot_dimension_numbers<[1], [0], [0], [1], [0, 0, 1, 1], [], []>, transpose_lhs_hint = false} : vector<2x4xf32>, vector<4x10000xf32>, vector<2x10000xf32> -> vector<2x10000xf32>
    %get3A_11 = arith.constant 0 : index
    %get3A_12 = arith.constant 0 : index
    %get3A_13 = vector.load %arg3[%get3A_11, %get3A_12] : memref<2x4xf32, #tpu.memory_space<vmem>>, vector<2x4xf32>
    %dot_general3A_14 = arith.constant dense<0.000000e+00> : vector<2x10000xf32>
    %dot_general3A_15 = tpu.matmul %get3A_13, %dot_general3A_5, %dot_general3A_14 {dimension_numbers = #tpu.dot_dimension_numbers<[1], [0], [0], [1], [0, 0, 1, 1], [], []>, transpose_lhs_hint = false} : vector<2x4xf32>, vector<4x10000xf32>, vector<2x10000xf32> -> vector<2x10000xf32>
    %swap3A = arith.constant 0 : index
    %swap3A_16 = arith.constant 0 : index
    %swap3A_17 = vector.load %arg4[%swap3A, %swap3A_16] : memref<4x10000xf32, #tpu.memory_space<vmem>>, vector<4x10000xf32>
    tpu.vector_store %arg4[%swap3A, %swap3A_16], %dot_general3A_5 {strides = array<i32>} : memref<4x10000xf32, #tpu.memory_space<vmem>>, vector<4x10000xf32>,
    %swap3A_18 = arith.constant 0 : index
    %swap3A_19 = arith.constant 0 : index
    %swap3A_20 = vector.load %arg5[%swap3A_18, %swap3A_19] : memref<2x10000xf32, #tpu.memory_space<vmem>>, vector<2x10000xf32>
    tpu.vector_store %arg5[%swap3A_18, %swap3A_19], %dot_general3A_15 {strides = array<i32>} : memref<2x10000xf32, #tpu.memory_space<vmem>>, vector<2x10000xf32>,
    %reduce_max3A = arith.constant dense<0xFF800000> : vector<2xf32>
    %reduce_max3A_21 = vector.multi_reduction <maximumf>, %dot_general3A_10, %reduce_max3A [1] : vector<2x10000xf32> to vector<2xf32>
    %broadcast_in_dim3A = vector.shape_cast %reduce_max3A_21 : vector<2xf32> to vector<2x1xf32>
    %broadcast_in_dim3A_22 = vector.shape_cast %broadcast_in_dim3A : vector<2x1xf32> to vector<2x1xf32>
    %broadcast_in_dim3A_23 = vector.broadcast %broadcast_in_dim3A_22 : vector<2x1xf32> to vector<2x16xf32>
    %swap3A_24 = arith.constant 0 : index
    %swap3A_25 = arith.constant 0 : index
    %swap3A_26 = vector.load %arg6[%swap3A_24, %swap3A_25] : memref<2x16xf32, #tpu.memory_space<vmem>>, vector<2x16xf32>
    tpu.vector_store %arg6[%swap3A_24, %swap3A_25], %broadcast_in_dim3A_23 {strides = array<i32>} : memref<2x16xf32, #tpu.memory_space<vmem>>, vector<2x16xf32>,
    return
  }
}

module attributes {stable_mosaic.version = 14 : i64} {
  func.func @_combine_prep_body(%arg0: memref<32x6x10000xf32, #tpu.memory_space<vmem>>, %arg1: memref<4x1xf32, #tpu.memory_space<vmem>>, %arg2: memref<2x4xf32, #tpu.memory_space<vmem>>, %arg3: memref<2x2xf32, #tpu.memory_space<vmem>>, %arg4: memref<2x2xf32, #tpu.memory_space<vmem>>, %arg5: memref<2x10000xf32, #tpu.memory_space<vmem>>, %arg6: memref<2x10000xf32, #tpu.memory_space<vmem>>, %arg7: memref<2x16xf32, #tpu.memory_space<vmem>>) attributes {dimension_semantics = [], scalar_prefetch = 0 : i64, scratch_operands = 0 : i64, tpu.core_type = #tpu.core_type<tc>} {
    %get3A = arith.constant 0 : index
    %get3A_0 = arith.constant 0 : index
    %get3A_1 = arith.constant 0 : index
    %get3A_2 = vector.load %arg0[%get3A, %get3A_0, %get3A_1] : memref<32x6x10000xf32, #tpu.memory_space<vmem>>, vector<32x6x10000xf32>
    %reduce_sum3A = arith.constant dense<0.000000e+00> : vector<6x10000xf32>
    %reduce_sum3A_3 = vector.multi_reduction <add>, %get3A_2, %reduce_sum3A [0] : vector<32x6x10000xf32> to vector<6x10000xf32>
    %slice3A = vector.extract_strided_slice %reduce_sum3A_3 {offsets = [0, 0], sizes = [4, 10000], strides = [1, 1]} : vector<6x10000xf32> to vector<4x10000xf32>
    %slice3A_4 = vector.extract_strided_slice %reduce_sum3A_3 {offsets = [4, 0], sizes = [2, 10000], strides = [1, 1]} : vector<6x10000xf32> to vector<2x10000xf32>
    %slice3A_5 = vector.extract_strided_slice %slice3A_4 {offsets = [0, 0], sizes = [1, 10000], strides = [1, 1]} : vector<2x10000xf32> to vector<1x10000xf32>
    %slice3A_6 = vector.extract_strided_slice %slice3A_4 {offsets = [0, 0], sizes = [1, 10000], strides = [1, 1]} : vector<2x10000xf32> to vector<1x10000xf32>
    %slice3A_7 = vector.extract_strided_slice %slice3A_4 {offsets = [1, 0], sizes = [1, 10000], strides = [1, 1]} : vector<2x10000xf32> to vector<1x10000xf32>
    %slice3A_8 = vector.extract_strided_slice %slice3A_4 {offsets = [1, 0], sizes = [1, 10000], strides = [1, 1]} : vector<2x10000xf32> to vector<1x10000xf32>
    %concatenate3A = tpu.concatenate %slice3A_5, %slice3A_6, %slice3A_7, %slice3A_8 in 0 : vector<1x10000xf32>, vector<1x10000xf32>, vector<1x10000xf32>, vector<1x10000xf32> -> vector<4x10000xf32>
    %gt3A = arith.constant 0.000000e+00 : f32
    %gt3A_9 = vector.broadcast %gt3A : f32 to vector<4x10000xf32>
    %gt3A_10 = arith.cmpf ogt, %concatenate3A, %gt3A_9 : vector<4x10000xf32>
    %div3A = arith.divf %slice3A, %concatenate3A : vector<4x10000xf32>
    %jit3A = arith.constant 0.000000e+00 : f32
    %broadcast_in_dim3A = vector.broadcast %jit3A : f32 to vector<4x10000xf32>
    %select_n3A = arith.select %gt3A_10, %div3A, %broadcast_in_dim3A : vector<4x10000xi1>, vector<4x10000xf32>
    %get3A_11 = arith.constant 0 : index
    %get3A_12 = arith.constant 0 : index
    %get3A_13 = vector.load %arg1[%get3A_11, %get3A_12] : memref<4x1xf32, #tpu.memory_space<vmem>>, vector<4x1xf32>
    %add3A = vector.broadcast %get3A_13 : vector<4x1xf32> to vector<4x10000xf32>
    %add3A_14 = arith.addf %select_n3A, %add3A : vector<4x10000xf32>
    %max3A = arith.constant 0.000000e+00 : f32
    %max3A_15 = vector.broadcast %max3A : f32 to vector<4x10000xf32>
    %max3A_16 = arith.maximumf %add3A_14, %max3A_15 : vector<4x10000xf32>
    %get3A_17 = arith.constant 0 : index
    %get3A_18 = arith.constant 0 : index
    %get3A_19 = vector.load %arg2[%get3A_17, %get3A_18] : memref<2x4xf32, #tpu.memory_space<vmem>>, vector<2x4xf32>
    %dot_general3A = arith.constant dense<0.000000e+00> : vector<2x10000xf32>
    %dot_general3A_20 = tpu.matmul %get3A_19, %max3A_16, %dot_general3A {dimension_numbers = #tpu.dot_dimension_numbers<[1], [0], [0], [1], [0, 0, 1, 1], [], []>, transpose_lhs_hint = false} : vector<2x4xf32>, vector<4x10000xf32>, vector<2x10000xf32> -> vector<2x10000xf32>
    %get3A_21 = arith.constant 0 : index
    %get3A_22 = arith.constant 0 : index
    %get3A_23 = vector.load %arg3[%get3A_21, %get3A_22] : memref<2x2xf32, #tpu.memory_space<vmem>>, vector<2x2xf32>
    %dot_general3A_24 = arith.constant dense<0.000000e+00> : vector<2x10000xf32>
    %dot_general3A_25 = tpu.matmul %get3A_23, %dot_general3A_20, %dot_general3A_24 {dimension_numbers = #tpu.dot_dimension_numbers<[1], [0], [0], [1], [0, 0, 1, 1], [], []>, transpose_lhs_hint = false} : vector<2x2xf32>, vector<2x10000xf32>, vector<2x10000xf32> -> vector<2x10000xf32>
    %get3A_26 = arith.constant 0 : index
    %get3A_27 = arith.constant 0 : index
    %get3A_28 = vector.load %arg4[%get3A_26, %get3A_27] : memref<2x2xf32, #tpu.memory_space<vmem>>, vector<2x2xf32>
    %dot_general3A_29 = arith.constant dense<0.000000e+00> : vector<2x10000xf32>
    %dot_general3A_30 = tpu.matmul %get3A_28, %dot_general3A_20, %dot_general3A_29 {dimension_numbers = #tpu.dot_dimension_numbers<[1], [0], [0], [1], [0, 0, 1, 1], [], []>, transpose_lhs_hint = false} : vector<2x2xf32>, vector<2x10000xf32>, vector<2x10000xf32> -> vector<2x10000xf32>
    %swap3A = arith.constant 0 : index
    %swap3A_31 = arith.constant 0 : index
    %swap3A_32 = vector.load %arg5[%swap3A, %swap3A_31] : memref<2x10000xf32, #tpu.memory_space<vmem>>, vector<2x10000xf32>
    tpu.vector_store %arg5[%swap3A, %swap3A_31], %dot_general3A_20 {strides = array<i32>} : memref<2x10000xf32, #tpu.memory_space<vmem>>, vector<2x10000xf32>,
    %swap3A_33 = arith.constant 0 : index
    %swap3A_34 = arith.constant 0 : index
    %swap3A_35 = vector.load %arg6[%swap3A_33, %swap3A_34] : memref<2x10000xf32, #tpu.memory_space<vmem>>, vector<2x10000xf32>
    tpu.vector_store %arg6[%swap3A_33, %swap3A_34], %dot_general3A_30 {strides = array<i32>} : memref<2x10000xf32, #tpu.memory_space<vmem>>, vector<2x10000xf32>,
    %reduce_max3A = arith.constant dense<0xFF800000> : vector<2xf32>
    %reduce_max3A_36 = vector.multi_reduction <maximumf>, %dot_general3A_25, %reduce_max3A [1] : vector<2x10000xf32> to vector<2xf32>
    %broadcast_in_dim3A_37 = vector.shape_cast %reduce_max3A_36 : vector<2xf32> to vector<2x1xf32>
    %broadcast_in_dim3A_38 = vector.shape_cast %broadcast_in_dim3A_37 : vector<2x1xf32> to vector<2x1xf32>
    %broadcast_in_dim3A_39 = vector.broadcast %broadcast_in_dim3A_38 : vector<2x1xf32> to vector<2x16xf32>
    %swap3A_40 = arith.constant 0 : index
    %swap3A_41 = arith.constant 0 : index
    %swap3A_42 = vector.load %arg7[%swap3A_40, %swap3A_41] : memref<2x16xf32, #tpu.memory_space<vmem>>, vector<2x16xf32>
    tpu.vector_store %arg7[%swap3A_40, %swap3A_41], %broadcast_in_dim3A_39 {strides = array<i32>} : memref<2x16xf32, #tpu.memory_space<vmem>>, vector<2x16xf32>,
    return
  }
}

module attributes {stable_mosaic.version = 14 : i64} {
  func.func @_combine_prep_body(%arg0: memref<32x4x10000xf32, #tpu.memory_space<vmem>>, %arg1: memref<2x1xf32, #tpu.memory_space<vmem>>, %arg2: memref<1x2xf32, #tpu.memory_space<vmem>>, %arg3: memref<1x1xf32, #tpu.memory_space<vmem>>, %arg4: memref<1x1xf32, #tpu.memory_space<vmem>>, %arg5: memref<1x10000xf32, #tpu.memory_space<vmem>>, %arg6: memref<1x10000xf32, #tpu.memory_space<vmem>>, %arg7: memref<1x16xf32, #tpu.memory_space<vmem>>) attributes {dimension_semantics = [], scalar_prefetch = 0 : i64, scratch_operands = 0 : i64, tpu.core_type = #tpu.core_type<tc>} {
    %get3A = arith.constant 0 : index
    %get3A_0 = arith.constant 0 : index
    %get3A_1 = arith.constant 0 : index
    %get3A_2 = vector.load %arg0[%get3A, %get3A_0, %get3A_1] : memref<32x4x10000xf32, #tpu.memory_space<vmem>>, vector<32x4x10000xf32>
    %reduce_sum3A = arith.constant dense<0.000000e+00> : vector<4x10000xf32>
    %reduce_sum3A_3 = vector.multi_reduction <add>, %get3A_2, %reduce_sum3A [0] : vector<32x4x10000xf32> to vector<4x10000xf32>
    %slice3A = vector.extract_strided_slice %reduce_sum3A_3 {offsets = [0, 0], sizes = [2, 10000], strides = [1, 1]} : vector<4x10000xf32> to vector<2x10000xf32>
    %slice3A_4 = vector.extract_strided_slice %reduce_sum3A_3 {offsets = [2, 0], sizes = [2, 10000], strides = [1, 1]} : vector<4x10000xf32> to vector<2x10000xf32>
    %gt3A = arith.constant 0.000000e+00 : f32
    %gt3A_5 = vector.broadcast %gt3A : f32 to vector<2x10000xf32>
    %gt3A_6 = arith.cmpf ogt, %slice3A_4, %gt3A_5 : vector<2x10000xf32>
    %div3A = arith.divf %slice3A, %slice3A_4 : vector<2x10000xf32>
    %jit3A = arith.constant 0.000000e+00 : f32
    %broadcast_in_dim3A = vector.broadcast %jit3A : f32 to vector<2x10000xf32>
    %select_n3A = arith.select %gt3A_6, %div3A, %broadcast_in_dim3A : vector<2x10000xi1>, vector<2x10000xf32>
    %get3A_7 = arith.constant 0 : index
    %get3A_8 = arith.constant 0 : index
    %get3A_9 = vector.load %arg1[%get3A_7, %get3A_8] : memref<2x1xf32, #tpu.memory_space<vmem>>, vector<2x1xf32>
    %add3A = vector.broadcast %get3A_9 : vector<2x1xf32> to vector<2x10000xf32>
    %add3A_10 = arith.addf %select_n3A, %add3A : vector<2x10000xf32>
    %max3A = arith.constant 0.000000e+00 : f32
    %max3A_11 = vector.broadcast %max3A : f32 to vector<2x10000xf32>
    %max3A_12 = arith.maximumf %add3A_10, %max3A_11 : vector<2x10000xf32>
    %get3A_13 = arith.constant 0 : index
    %get3A_14 = arith.constant 0 : index
    %get3A_15 = vector.load %arg2[%get3A_13, %get3A_14] : memref<1x2xf32, #tpu.memory_space<vmem>>, vector<1x2xf32>
    %dot_general3A = arith.constant dense<0.000000e+00> : vector<1x10000xf32>
    %dot_general3A_16 = tpu.matmul %get3A_15, %max3A_12, %dot_general3A {dimension_numbers = #tpu.dot_dimension_numbers<[1], [0], [0], [1], [0, 0, 1, 1], [], []>, transpose_lhs_hint = false} : vector<1x2xf32>, vector<2x10000xf32>, vector<1x10000xf32> -> vector<1x10000xf32>
    %get3A_17 = arith.constant 0 : index
    %get3A_18 = arith.constant 0 : index
    %get3A_19 = vector.load %arg3[%get3A_17, %get3A_18] : memref<1x1xf32, #tpu.memory_space<vmem>>, vector<1x1xf32>
    %dot_general3A_20 = arith.constant dense<0.000000e+00> : vector<1x10000xf32>
    %dot_general3A_21 = tpu.matmul %get3A_19, %dot_general3A_16, %dot_general3A_20 {dimension_numbers = #tpu.dot_dimension_numbers<[1], [0], [0], [1], [0, 0, 1, 1], [], []>, transpose_lhs_hint = false} : vector<1x1xf32>, vector<1x10000xf32>, vector<1x10000xf32> -> vector<1x10000xf32>
    %get3A_22 = arith.constant 0 : index
    %get3A_23 = arith.constant 0 : index
    %get3A_24 = vector.load %arg4[%get3A_22, %get3A_23] : memref<1x1xf32, #tpu.memory_space<vmem>>, vector<1x1xf32>
    %dot_general3A_25 = arith.constant dense<0.000000e+00> : vector<1x10000xf32>
    %dot_general3A_26 = tpu.matmul %get3A_24, %dot_general3A_16, %dot_general3A_25 {dimension_numbers = #tpu.dot_dimension_numbers<[1], [0], [0], [1], [0, 0, 1, 1], [], []>, transpose_lhs_hint = false} : vector<1x1xf32>, vector<1x10000xf32>, vector<1x10000xf32> -> vector<1x10000xf32>
    %swap3A = arith.constant 0 : index
    %swap3A_27 = arith.constant 0 : index
    %swap3A_28 = vector.load %arg5[%swap3A, %swap3A_27] : memref<1x10000xf32, #tpu.memory_space<vmem>>, vector<1x10000xf32>
    tpu.vector_store %arg5[%swap3A, %swap3A_27], %dot_general3A_16 {strides = array<i32>} : memref<1x10000xf32, #tpu.memory_space<vmem>>, vector<1x10000xf32>,
    %swap3A_29 = arith.constant 0 : index
    %swap3A_30 = arith.constant 0 : index
    %swap3A_31 = vector.load %arg6[%swap3A_29, %swap3A_30] : memref<1x10000xf32, #tpu.memory_space<vmem>>, vector<1x10000xf32>
    tpu.vector_store %arg6[%swap3A_29, %swap3A_30], %dot_general3A_26 {strides = array<i32>} : memref<1x10000xf32, #tpu.memory_space<vmem>>, vector<1x10000xf32>,
    %reduce_max3A = arith.constant dense<0xFF800000> : vector<1xf32>
    %reduce_max3A_32 = vector.multi_reduction <maximumf>, %dot_general3A_21, %reduce_max3A [1] : vector<1x10000xf32> to vector<1xf32>
    %broadcast_in_dim3A_33 = vector.shape_cast %reduce_max3A_32 : vector<1xf32> to vector<1x1xf32>
    %broadcast_in_dim3A_34 = vector.shape_cast %broadcast_in_dim3A_33 : vector<1x1xf32> to vector<1x1xf32>
    %broadcast_in_dim3A_35 = vector.broadcast %broadcast_in_dim3A_34 : vector<1x1xf32> to vector<1x16xf32>
    %swap3A_36 = arith.constant 0 : index
    %swap3A_37 = arith.constant 0 : index
    %swap3A_38 = vector.load %arg7[%swap3A_36, %swap3A_37] : memref<1x16xf32, #tpu.memory_space<vmem>>, vector<1x16xf32>
    tpu.vector_store %arg7[%swap3A_36, %swap3A_37], %broadcast_in_dim3A_35 {strides = array<i32>} : memref<1x16xf32, #tpu.memory_space<vmem>>, vector<1x16xf32>,
    return
  }
}

module attributes {stable_mosaic.version = 14 : i64} {
  func.func @_final_combine_body(%arg0: memref<32x2x10000xf32, #tpu.memory_space<vmem>>, %arg1: memref<1x1xf32, #tpu.memory_space<vmem>>, %arg2: memref<1x10000xf32, #tpu.memory_space<vmem>>) attributes {dimension_semantics = [], scalar_prefetch = 0 : i64, scratch_operands = 0 : i64, tpu.core_type = #tpu.core_type<tc>} {
    %get3A = arith.constant 0 : index
    %get3A_0 = arith.constant 0 : index
    %get3A_1 = arith.constant 0 : index
    %get3A_2 = vector.load %arg0[%get3A, %get3A_0, %get3A_1] : memref<32x2x10000xf32, #tpu.memory_space<vmem>>, vector<32x2x10000xf32>
    %reduce_sum3A = arith.constant dense<0.000000e+00> : vector<2x10000xf32>
    %reduce_sum3A_3 = vector.multi_reduction <add>, %get3A_2, %reduce_sum3A [0] : vector<32x2x10000xf32> to vector<2x10000xf32>
    %slice3A = vector.extract_strided_slice %reduce_sum3A_3 {offsets = [0, 0], sizes = [1, 10000], strides = [1, 1]} : vector<2x10000xf32> to vector<1x10000xf32>
    %slice3A_4 = vector.extract_strided_slice %reduce_sum3A_3 {offsets = [1, 0], sizes = [1, 10000], strides = [1, 1]} : vector<2x10000xf32> to vector<1x10000xf32>
    %gt3A = arith.constant 0.000000e+00 : f32
    %gt3A_5 = vector.broadcast %gt3A : f32 to vector<1x10000xf32>
    %gt3A_6 = arith.cmpf ogt, %slice3A_4, %gt3A_5 : vector<1x10000xf32>
    %div3A = arith.divf %slice3A, %slice3A_4 : vector<1x10000xf32>
    %jit3A = arith.constant 0.000000e+00 : f32
    %broadcast_in_dim3A = vector.broadcast %jit3A : f32 to vector<1x10000xf32>
    %select_n3A = arith.select %gt3A_6, %div3A, %broadcast_in_dim3A : vector<1x10000xi1>, vector<1x10000xf32>
    %get3A_7 = arith.constant 0 : index
    %get3A_8 = arith.constant 0 : index
    %get3A_9 = vector.load %arg1[%get3A_7, %get3A_8] : memref<1x1xf32, #tpu.memory_space<vmem>>, vector<1x1xf32>
    %add3A = vector.broadcast %get3A_9 : vector<1x1xf32> to vector<1x10000xf32>
    %add3A_10 = arith.addf %select_n3A, %add3A : vector<1x10000xf32>
    %swap3A = arith.constant 0 : index
    %swap3A_11 = arith.constant 0 : index
    %swap3A_12 = vector.load %arg2[%swap3A, %swap3A_11] : memref<1x10000xf32, #tpu.memory_space<vmem>>, vector<1x10000xf32>
    tpu.vector_store %arg2[%swap3A, %swap3A_11], %add3A_10 {strides = array<i32>} : memref<1x10000xf32, #tpu.memory_space<vmem>>, vector<1x10000xf32>,
    return
  }
}

module attributes {stable_mosaic.version = 14 : i64} {
  func.func @_gemv_body(%arg0: i32, %arg1: memref<1x1x200xf32, #tpu.memory_space<vmem>>, %arg2: memref<200x20000xf32, #tpu.memory_space<vmem>>, %arg3: memref<1x20000xf32, #tpu.memory_space<vmem>>, %arg4: memref<1x20000xf32, #tpu.memory_space<vmem>>) attributes {dimension_semantics = [#tpu.dimension_semantics<arbitrary>], iteration_bounds = array<i64: 50>, scalar_prefetch = 0 : i64, scratch_operands = 0 : i64, tpu.core_type = #tpu.core_type<tc>, window_params = [{transform_indices = @transform_0, window_bounds = array<i64: 1, 1, 200>}, {transform_indices = @transform_1, window_bounds = array<i64: 200, 20000>}, {pipeline_mode = #tpu.pipeline_mode<synchronous>, transform_indices = @transform_2, window_bounds = array<i64: 1, 20000>}, {pipeline_mode = #tpu.pipeline_mode<synchronous>, transform_indices = @transform_3, window_bounds = array<i64: 1, 20000>}]} {
    %eq3A = arith.constant 0 : i32
    %eq3A_0 = arith.cmpi eq, %arg0, %eq3A : i32
    %convert_element_type3A = arith.extui %eq3A_0 : i1 to i32
    %cond3A = arith.constant 0 : i32
    %cond3A_1 = arith.cmpi ne, %convert_element_type3A, %cond3A : i32
    scf.if %cond3A_1 {
      %get3A_14 = arith.constant 0 : index
      %get3A_15 = arith.constant 0 : index
      %get3A_16 = vector.load %arg3[%get3A_14, %get3A_15] : memref<1x20000xf32, #tpu.memory_space<vmem>>, vector<1x20000xf32>
      %swap3A_17 = arith.constant 0 : index
      %swap3A_18 = arith.constant 0 : index
      %swap3A_19 = vector.load %arg4[%swap3A_17, %swap3A_18] : memref<1x20000xf32, #tpu.memory_space<vmem>>, vector<1x20000xf32>
      tpu.vector_store %arg4[%swap3A_17, %swap3A_18], %get3A_16 {strides = array<i32>} : memref<1x20000xf32, #tpu.memory_space<vmem>>, vector<1x20000xf32>,
    } else {
    }
    %get3A = arith.constant 0 : index
    %get3A_2 = arith.constant 0 : index
    %get3A_3 = arith.constant 0 : index
    %get3A_4 = vector.load %arg1[%get3A, %get3A_2, %get3A_3] : memref<1x1x200xf32, #tpu.memory_space<vmem>>, vector<1x1x200xf32>
    %reshape3A = vector.shape_cast %get3A_4 : vector<1x1x200xf32> to vector<1x200xf32>
    %get3A_5 = arith.constant 0 : index
    %get3A_6 = arith.constant 0 : index
    %get3A_7 = vector.load %arg4[%get3A_5, %get3A_6] : memref<1x20000xf32, #tpu.memory_space<vmem>>, vector<1x20000xf32>
    %get3A_8 = arith.constant 0 : index
    %get3A_9 = arith.constant 0 : index
    %get3A_10 = vector.load %arg2[%get3A_8, %get3A_9] : memref<200x20000xf32, #tpu.memory_space<vmem>>, vector<200x20000xf32>
    %dot_general3A = arith.constant dense<0.000000e+00> : vector<1x20000xf32>
    %dot_general3A_11 = tpu.matmul %reshape3A, %get3A_10, %dot_general3A {dimension_numbers = #tpu.dot_dimension_numbers<[1], [0], [0], [1], [0, 0, 1, 1], [], []>, transpose_lhs_hint = false} : vector<1x200xf32>, vector<200x20000xf32>, vector<1x20000xf32> -> vector<1x20000xf32>
    %add3A = arith.addf %get3A_7, %dot_general3A_11 : vector<1x20000xf32>
    %swap3A = arith.constant 0 : index
    %swap3A_12 = arith.constant 0 : index
    %swap3A_13 = vector.load %arg4[%swap3A, %swap3A_12] : memref<1x20000xf32, #tpu.memory_space<vmem>>, vector<1x20000xf32>
    tpu.vector_store %arg4[%swap3A, %swap3A_12], %add3A {strides = array<i32>} : memref<1x20000xf32, #tpu.memory_space<vmem>>, vector<1x20000xf32>,
    return
  }
  func.func @transform_0(%arg0: i32) -> (i32, i32, i32) {
    %c0_i32 = arith.constant 0 : i32
    %c0_i32_0 = arith.constant 0 : i32
    %c0_i32_1 = arith.constant 0 : i32
    return %arg0, %c0_i32, %c0_i32_0 : i32, i32, i32
  }
  func.func @transform_1(%arg0: i32) -> (i32, i32) {
    %c0_i32 = arith.constant 0 : i32
    %c0_i32_0 = arith.constant 0 : i32
    return %arg0, %c0_i32 : i32, i32
  }
  func.func @transform_2(%arg0: i32) -> (i32, i32) {
    %c0_i32 = arith.constant 0 : i32
    %c0_i32_0 = arith.constant 0 : i32
    %c0_i32_1 = arith.constant 0 : i32
    return %c0_i32, %c0_i32_0 : i32, i32
  }
  func.func @transform_3(%arg0: i32) -> (i32, i32) {
    %c0_i32 = arith.constant 0 : i32
    %c0_i32_0 = arith.constant 0 : i32
    %c0_i32_1 = arith.constant 0 : i32
    return %c0_i32, %c0_i32_0 : i32, i32
  }
}

module attributes {stable_mosaic.version = 14 : i64} {
  func.func @_gemv_body(%arg0: i32, %arg1: memref<1x1x400xf32, #tpu.memory_space<vmem>>, %arg2: memref<400x10000xf32, #tpu.memory_space<vmem>>, %arg3: memref<1x10000xf32, #tpu.memory_space<vmem>>, %arg4: memref<1x10000xf32, #tpu.memory_space<vmem>>) attributes {dimension_semantics = [#tpu.dimension_semantics<arbitrary>], iteration_bounds = array<i64: 50>, scalar_prefetch = 0 : i64, scratch_operands = 0 : i64, tpu.core_type = #tpu.core_type<tc>, window_params = [{transform_indices = @transform_0, window_bounds = array<i64: 1, 1, 400>}, {transform_indices = @transform_1, window_bounds = array<i64: 400, 10000>}, {pipeline_mode = #tpu.pipeline_mode<synchronous>, transform_indices = @transform_2, window_bounds = array<i64: 1, 10000>}, {pipeline_mode = #tpu.pipeline_mode<synchronous>, transform_indices = @transform_3, window_bounds = array<i64: 1, 10000>}]} {
    %eq3A = arith.constant 0 : i32
    %eq3A_0 = arith.cmpi eq, %arg0, %eq3A : i32
    %convert_element_type3A = arith.extui %eq3A_0 : i1 to i32
    %cond3A = arith.constant 0 : i32
    %cond3A_1 = arith.cmpi ne, %convert_element_type3A, %cond3A : i32
    scf.if %cond3A_1 {
      %get3A_14 = arith.constant 0 : index
      %get3A_15 = arith.constant 0 : index
      %get3A_16 = vector.load %arg3[%get3A_14, %get3A_15] : memref<1x10000xf32, #tpu.memory_space<vmem>>, vector<1x10000xf32>
      %swap3A_17 = arith.constant 0 : index
      %swap3A_18 = arith.constant 0 : index
      %swap3A_19 = vector.load %arg4[%swap3A_17, %swap3A_18] : memref<1x10000xf32, #tpu.memory_space<vmem>>, vector<1x10000xf32>
      tpu.vector_store %arg4[%swap3A_17, %swap3A_18], %get3A_16 {strides = array<i32>} : memref<1x10000xf32, #tpu.memory_space<vmem>>, vector<1x10000xf32>,
    } else {
    }
    %get3A = arith.constant 0 : index
    %get3A_2 = arith.constant 0 : index
    %get3A_3 = arith.constant 0 : index
    %get3A_4 = vector.load %arg1[%get3A, %get3A_2, %get3A_3] : memref<1x1x400xf32, #tpu.memory_space<vmem>>, vector<1x1x400xf32>
    %reshape3A = vector.shape_cast %get3A_4 : vector<1x1x400xf32> to vector<1x400xf32>
    %get3A_5 = arith.constant 0 : index
    %get3A_6 = arith.constant 0 : index
    %get3A_7 = vector.load %arg4[%get3A_5, %get3A_6] : memref<1x10000xf32, #tpu.memory_space<vmem>>, vector<1x10000xf32>
    %get3A_8 = arith.constant 0 : index
    %get3A_9 = arith.constant 0 : index
    %get3A_10 = vector.load %arg2[%get3A_8, %get3A_9] : memref<400x10000xf32, #tpu.memory_space<vmem>>, vector<400x10000xf32>
    %dot_general3A = arith.constant dense<0.000000e+00> : vector<1x10000xf32>
    %dot_general3A_11 = tpu.matmul %reshape3A, %get3A_10, %dot_general3A {dimension_numbers = #tpu.dot_dimension_numbers<[1], [0], [0], [1], [0, 0, 1, 1], [], []>, transpose_lhs_hint = false} : vector<1x400xf32>, vector<400x10000xf32>, vector<1x10000xf32> -> vector<1x10000xf32>
    %add3A = arith.addf %get3A_7, %dot_general3A_11 : vector<1x10000xf32>
    %swap3A = arith.constant 0 : index
    %swap3A_12 = arith.constant 0 : index
    %swap3A_13 = vector.load %arg4[%swap3A, %swap3A_12] : memref<1x10000xf32, #tpu.memory_space<vmem>>, vector<1x10000xf32>
    tpu.vector_store %arg4[%swap3A, %swap3A_12], %add3A {strides = array<i32>} : memref<1x10000xf32, #tpu.memory_space<vmem>>, vector<1x10000xf32>,
    return
  }
  func.func @transform_0(%arg0: i32) -> (i32, i32, i32) {
    %c0_i32 = arith.constant 0 : i32
    %c0_i32_0 = arith.constant 0 : i32
    %c0_i32_1 = arith.constant 0 : i32
    return %arg0, %c0_i32, %c0_i32_0 : i32, i32, i32
  }
  func.func @transform_1(%arg0: i32) -> (i32, i32) {
    %c0_i32 = arith.constant 0 : i32
    %c0_i32_0 = arith.constant 0 : i32
    return %arg0, %c0_i32 : i32, i32
  }
  func.func @transform_2(%arg0: i32) -> (i32, i32) {
    %c0_i32 = arith.constant 0 : i32
    %c0_i32_0 = arith.constant 0 : i32
    %c0_i32_1 = arith.constant 0 : i32
    return %c0_i32, %c0_i32_0 : i32, i32
  }
  func.func @transform_3(%arg0: i32) -> (i32, i32) {
    %c0_i32 = arith.constant 0 : i32
    %c0_i32_0 = arith.constant 0 : i32
    %c0_i32_1 = arith.constant 0 : i32
    return %c0_i32, %c0_i32_0 : i32, i32
  }
}

module attributes {stable_mosaic.version = 14 : i64} {
  func.func @_gemv_body(%arg0: i32, %arg1: memref<1x1x400xf32, #tpu.memory_space<vmem>>, %arg2: memref<400x10000xf32, #tpu.memory_space<vmem>>, %arg3: memref<1x10000xf32, #tpu.memory_space<vmem>>, %arg4: memref<1x10000xf32, #tpu.memory_space<vmem>>) attributes {dimension_semantics = [#tpu.dimension_semantics<arbitrary>], iteration_bounds = array<i64: 25>, scalar_prefetch = 0 : i64, scratch_operands = 0 : i64, tpu.core_type = #tpu.core_type<tc>, window_params = [{transform_indices = @transform_0, window_bounds = array<i64: 1, 1, 400>}, {transform_indices = @transform_1, window_bounds = array<i64: 400, 10000>}, {pipeline_mode = #tpu.pipeline_mode<synchronous>, transform_indices = @transform_2, window_bounds = array<i64: 1, 10000>}, {pipeline_mode = #tpu.pipeline_mode<synchronous>, transform_indices = @transform_3, window_bounds = array<i64: 1, 10000>}]} {
    %eq3A = arith.constant 0 : i32
    %eq3A_0 = arith.cmpi eq, %arg0, %eq3A : i32
    %convert_element_type3A = arith.extui %eq3A_0 : i1 to i32
    %cond3A = arith.constant 0 : i32
    %cond3A_1 = arith.cmpi ne, %convert_element_type3A, %cond3A : i32
    scf.if %cond3A_1 {
      %get3A_14 = arith.constant 0 : index
      %get3A_15 = arith.constant 0 : index
      %get3A_16 = vector.load %arg3[%get3A_14, %get3A_15] : memref<1x10000xf32, #tpu.memory_space<vmem>>, vector<1x10000xf32>
      %swap3A_17 = arith.constant 0 : index
      %swap3A_18 = arith.constant 0 : index
      %swap3A_19 = vector.load %arg4[%swap3A_17, %swap3A_18] : memref<1x10000xf32, #tpu.memory_space<vmem>>, vector<1x10000xf32>
      tpu.vector_store %arg4[%swap3A_17, %swap3A_18], %get3A_16 {strides = array<i32>} : memref<1x10000xf32, #tpu.memory_space<vmem>>, vector<1x10000xf32>,
    } else {
    }
    %get3A = arith.constant 0 : index
    %get3A_2 = arith.constant 0 : index
    %get3A_3 = arith.constant 0 : index
    %get3A_4 = vector.load %arg1[%get3A, %get3A_2, %get3A_3] : memref<1x1x400xf32, #tpu.memory_space<vmem>>, vector<1x1x400xf32>
    %reshape3A = vector.shape_cast %get3A_4 : vector<1x1x400xf32> to vector<1x400xf32>
    %get3A_5 = arith.constant 0 : index
    %get3A_6 = arith.constant 0 : index
    %get3A_7 = vector.load %arg4[%get3A_5, %get3A_6] : memref<1x10000xf32, #tpu.memory_space<vmem>>, vector<1x10000xf32>
    %get3A_8 = arith.constant 0 : index
    %get3A_9 = arith.constant 0 : index
    %get3A_10 = vector.load %arg2[%get3A_8, %get3A_9] : memref<400x10000xf32, #tpu.memory_space<vmem>>, vector<400x10000xf32>
    %dot_general3A = arith.constant dense<0.000000e+00> : vector<1x10000xf32>
    %dot_general3A_11 = tpu.matmul %reshape3A, %get3A_10, %dot_general3A {dimension_numbers = #tpu.dot_dimension_numbers<[1], [0], [0], [1], [0, 0, 1, 1], [], []>, transpose_lhs_hint = false} : vector<1x400xf32>, vector<400x10000xf32>, vector<1x10000xf32> -> vector<1x10000xf32>
    %add3A = arith.addf %get3A_7, %dot_general3A_11 : vector<1x10000xf32>
    %swap3A = arith.constant 0 : index
    %swap3A_12 = arith.constant 0 : index
    %swap3A_13 = vector.load %arg4[%swap3A, %swap3A_12] : memref<1x10000xf32, #tpu.memory_space<vmem>>, vector<1x10000xf32>
    tpu.vector_store %arg4[%swap3A, %swap3A_12], %add3A {strides = array<i32>} : memref<1x10000xf32, #tpu.memory_space<vmem>>, vector<1x10000xf32>,
    return
  }
  func.func @transform_0(%arg0: i32) -> (i32, i32, i32) {
    %c0_i32 = arith.constant 0 : i32
    %c0_i32_0 = arith.constant 0 : i32
    %c0_i32_1 = arith.constant 0 : i32
    return %arg0, %c0_i32, %c0_i32_0 : i32, i32, i32
  }
  func.func @transform_1(%arg0: i32) -> (i32, i32) {
    %c0_i32 = arith.constant 0 : i32
    %c0_i32_0 = arith.constant 0 : i32
    return %arg0, %c0_i32 : i32, i32
  }
  func.func @transform_2(%arg0: i32) -> (i32, i32) {
    %c0_i32 = arith.constant 0 : i32
    %c0_i32_0 = arith.constant 0 : i32
    %c0_i32_1 = arith.constant 0 : i32
    return %c0_i32, %c0_i32_0 : i32, i32
  }
  func.func @transform_3(%arg0: i32) -> (i32, i32) {
    %c0_i32 = arith.constant 0 : i32
    %c0_i32_0 = arith.constant 0 : i32
    %c0_i32_1 = arith.constant 0 : i32
    return %c0_i32, %c0_i32_0 : i32, i32
  }
}

module attributes {stable_mosaic.version = 14 : i64} {
  func.func @_head_body(%arg0: memref<1x10000xf32, #tpu.memory_space<vmem>>, %arg1: memref<1x10000xf32, #tpu.memory_space<vmem>>, %arg2: memref<1x10000xf32, #tpu.memory_space<vmem>>, %arg3: memref<1x1xf32, #tpu.memory_space<vmem>>, %arg4: memref<1x10000xf32, #tpu.memory_space<vmem>>, %arg5: memref<1x10000xf32, #tpu.memory_space<vmem>>, %arg6: memref<1x1xf32, #tpu.memory_space<vmem>>, %arg7: memref<1x1xi32, #tpu.memory_space<vmem>>) attributes {dimension_semantics = [], scalar_prefetch = 0 : i64, scratch_operands = 0 : i64, tpu.core_type = #tpu.core_type<tc>} {
    %get3A = arith.constant 0 : index
    %get3A_0 = arith.constant 0 : index
    %get3A_1 = vector.load %arg0[%get3A, %get3A_0] : memref<1x10000xf32, #tpu.memory_space<vmem>>, vector<1x10000xf32>
    %get3A_2 = arith.constant 0 : index
    %get3A_3 = arith.constant 0 : index
    %get3A_4 = vector.load %arg4[%get3A_2, %get3A_3] : memref<1x10000xf32, #tpu.memory_space<vmem>>, vector<1x10000xf32>
    %gt3A = arith.constant 0.000000e+00 : f32
    %gt3A_5 = vector.broadcast %gt3A : f32 to vector<1x10000xf32>
    %gt3A_6 = arith.cmpf ogt, %get3A_4, %gt3A_5 : vector<1x10000xf32>
    %tanh3A = math.tanh %get3A_1 : vector<1x10000xf32>
    %jit3A = arith.constant -9.999990e+05 : f32
    %broadcast_in_dim3A = vector.broadcast %jit3A : f32 to vector<1x10000xf32>
    %select_n3A = arith.select %gt3A_6, %tanh3A, %broadcast_in_dim3A : vector<1x10000xi1>, vector<1x10000xf32>
    %reduce_max3A = vector.shape_cast %select_n3A : vector<1x10000xf32> to vector<1x1x10000xf32>
    %reduce_max3A_7 = arith.constant dense<0xFF800000> : vector<1xf32>
    %reduce_max3A_8 = vector.multi_reduction <maximumf>, %reduce_max3A, %reduce_max3A_7 [1, 2] : vector<1x1x10000xf32> to vector<1xf32>
    %reduce_max3A_9 = vector.shape_cast %reduce_max3A_8 : vector<1xf32> to vector<1x1x1xf32>
    %reduce_max3A_10 = vector.extract %reduce_max3A_9[0, 0, 0] : f32 from vector<1x1x1xf32>
    %sub3A = vector.broadcast %reduce_max3A_10 : f32 to vector<1x10000xf32>
    %sub3A_11 = arith.subf %select_n3A, %sub3A : vector<1x10000xf32>
    %exp3A = math.exp %sub3A_11 : vector<1x10000xf32>
    %reduce_sum3A = vector.shape_cast %exp3A : vector<1x10000xf32> to vector<1x1x10000xf32>
    %reduce_sum3A_12 = arith.constant dense<0.000000e+00> : vector<1xf32>
    %reduce_sum3A_13 = vector.multi_reduction <add>, %reduce_sum3A, %reduce_sum3A_12 [1, 2] : vector<1x1x10000xf32> to vector<1xf32>
    %reduce_sum3A_14 = vector.shape_cast %reduce_sum3A_13 : vector<1xf32> to vector<1x1x1xf32>
    %reduce_sum3A_15 = vector.extract %reduce_sum3A_14[0, 0, 0] : f32 from vector<1x1x1xf32>
    %div3A = vector.broadcast %reduce_sum3A_15 : f32 to vector<1x10000xf32>
    %div3A_16 = arith.divf %exp3A, %div3A : vector<1x10000xf32>
    %swap3A = arith.constant 0 : index
    %swap3A_17 = arith.constant 0 : index
    %swap3A_18 = vector.load %arg5[%swap3A, %swap3A_17] : memref<1x10000xf32, #tpu.memory_space<vmem>>, vector<1x10000xf32>
    tpu.vector_store %arg5[%swap3A, %swap3A_17], %div3A_16 {strides = array<i32>} : memref<1x10000xf32, #tpu.memory_space<vmem>>, vector<1x10000xf32>,
    %get3A_19 = arith.constant 0 : index
    %get3A_20 = arith.constant 0 : index
    %get3A_21 = vector.load %arg1[%get3A_19, %get3A_20] : memref<1x10000xf32, #tpu.memory_space<vmem>>, vector<1x10000xf32>
    %get3A_22 = arith.constant 0 : index
    %get3A_23 = arith.constant 0 : index
    %get3A_24 = vector.load %arg2[%get3A_22, %get3A_23] : memref<1x10000xf32, #tpu.memory_space<vmem>>, vector<1x10000xf32>
    %mul3A = arith.mulf %get3A_21, %get3A_24 : vector<1x10000xf32>
    %reduce_sum3A_25 = arith.constant dense<0.000000e+00> : vector<1xf32>
    %reduce_sum3A_26 = vector.multi_reduction <add>, %mul3A, %reduce_sum3A_25 [1] : vector<1x10000xf32> to vector<1xf32>
    %broadcast_in_dim3A_27 = vector.shape_cast %reduce_sum3A_26 : vector<1xf32> to vector<1x1xf32>
    %get3A_28 = arith.constant 0 : index
    %get3A_29 = arith.constant 0 : index
    %get3A_30 = vector.load %arg3[%get3A_28, %get3A_29] : memref<1x1xf32, #tpu.memory_space<vmem>>, vector<1x1xf32>
    %add3A = arith.addf %broadcast_in_dim3A_27, %get3A_30 : vector<1x1xf32>
    %swap3A_31 = arith.constant 0 : index
    %swap3A_32 = arith.constant 0 : index
    %swap3A_33 = vector.load %arg6[%swap3A_31, %swap3A_32] : memref<1x1xf32, #tpu.memory_space<vmem>>, vector<1x1xf32>
    tpu.vector_store %arg6[%swap3A_31, %swap3A_32], %add3A {strides = array<i32>} : memref<1x1xf32, #tpu.memory_space<vmem>>, vector<1x1xf32>,
    %reduce_max3A_34 = vector.shape_cast %div3A_16 : vector<1x10000xf32> to vector<1x1x10000xf32>
    %reduce_max3A_35 = arith.constant dense<0xFF800000> : vector<1xf32>
    %reduce_max3A_36 = vector.multi_reduction <maximumf>, %reduce_max3A_34, %reduce_max3A_35 [1, 2] : vector<1x1x10000xf32> to vector<1xf32>
    %reduce_max3A_37 = vector.shape_cast %reduce_max3A_36 : vector<1xf32> to vector<1x1x1xf32>
    %reduce_max3A_38 = vector.extract %reduce_max3A_37[0, 0, 0] : f32 from vector<1x1x1xf32>
    %iota3A = tpu.iota {dimensions = array<i32: 1>} : vector<1x10000xi32>
    %eq3A = vector.broadcast %reduce_max3A_38 : f32 to vector<1x10000xf32>
    %eq3A_39 = arith.cmpf oeq, %div3A_16, %eq3A : vector<1x10000xf32>
    %jit3A_40 = arith.constant 10000 : i32
    %broadcast_in_dim3A_41 = vector.broadcast %jit3A_40 : i32 to vector<1x10000xi32>
    %select_n3A_42 = arith.select %eq3A_39, %iota3A, %broadcast_in_dim3A_41 : vector<1x10000xi1>, vector<1x10000xi32>
    %reduce_min3A = arith.constant dense<2147483647> : vector<1xi32>
    %reduce_min3A_43 = vector.multi_reduction <minsi>, %select_n3A_42, %reduce_min3A [1] : vector<1x10000xi32> to vector<1xi32>
    %broadcast_in_dim3A_44 = vector.shape_cast %reduce_min3A_43 : vector<1xi32> to vector<1x1xi32>
    %swap3A_45 = arith.constant 0 : index
    %swap3A_46 = arith.constant 0 : index
    %swap3A_47 = vector.load %arg7[%swap3A_45, %swap3A_46] : memref<1x1xi32, #tpu.memory_space<vmem>>, vector<1x1xi32>
    tpu.vector_store %arg7[%swap3A_45, %swap3A_46], %broadcast_in_dim3A_44 {strides = array<i32>} : memref<1x1xi32, #tpu.memory_space<vmem>>, vector<1x1xi32>,
    return
  }
}

</mosaic_0001>

<sc_bundles>
// kernel: kernel.13.cloned.1.call-start
scs
__scs_entry_jumppad:
0x0: {  	(pc) =	sbr.rel $0x88, $3  }
0x1: {  	(tag) =	ssettag $0x0;
	lr =	simm.s32 $0x1  }
0x2: {  	[smem:$0x3F8A] =	sst lr;
	_ =	strace $0xD0000000  }
0x3: {  	_ = 	snop  }
0x4: {  	_ = 	snop  }
0x5: {  	_ = 	snop  }
0x6: {  	_ = 	snop  }
0x7: {  	_ = 	snop  }
__scs_overlays_trampoline_lowered:
0x8: {  	[smem:$0x3F99] =	sst s0  }
0x9: {  	[smem:$0x3F9A] =	sst s1  }
0xa: {  	[smem:$0x3F9B] =	sst s2  }
0xb: {  	[smem:$0x3F9C] =	sst s3  }
0xc: {  	[smem:$0x3F9D] =	sst s4  }
0xd: {  	[smem:$0x3F9E] =	sst s5  }
0xe: {  	[smem:$0x3F9F] =	sst s6  }
0xf: {  	[smem:$0x3FA0] =	sst s7  }
0x10: {  	[smem:$0x3FA1] =	sst s8  }
0x11: {  	[smem:$0x3FA2] =	sst s9;
	s0 =	simm.s32 @!p0 $0x0  }
0x12: {  	s1 =	sld [smem:$0x3F88];
	s0 =	simm.s32 @p0 $0x1  }
0x13: {  	[smem:$0x3FA3] =	sst s0;
	s0 =	simm.s32 @!p1 $0x0  }
0x14: {  	s2 =	sld [smem:$0x3F87];
	s0 =	simm.s32 @p1 $0x1  }
0x15: {  	[smem:$0x3FA4] =	sst s0;
	s0 =	simm.s32 @!p2 $0x0  }
0x16: {  	s3 =	sld [smem:$0x3FDB];
	s0 =	simm.s32 @p2 $0x1  }
0x17: {  	s4 =	simm.s32 $0x1BF5;
	[smem:$0x3FA6] =	sst s0  }
0x18: {  	s0 =	sld [smem:$0x3F89];
	_ =	swait.ge [sflag:s4], $0x0  }
0x19: {  	s7 =	sld [smem:$0x3F8A]  }
0x1a: {  	s8 =	sadd.s32 $0xFFFFE003, lr  }
0x1b: {  	s9 =	sadd.s32 $0xFFFFFEF7, lr;
	s5 =	simm.s32 $0xFFFFFFFF;
	p2 =	slt.u32 s8, $0xFFFFF086  }
0x1c: {  	p1 =	slt.u32 s9, $0xF7A;
	s5 =	simm.s32 @!p2 $0x0  }
0x1d: {  	s5 =	simm.s32 @p1 $0x1;
	p0 =	seq.s32 s7, s2  }
0x1e: {  	s7 =	smul.u32 @!p0 $0xF7A, s2;
	p2 =	seq.s32 @!p0 s5, $0x0  }
0x1f: {  	s9 =	smul.u32 $0xF7A, s1;
	s8 =	simm.s32 @!p0 $0x1BF5;
	p2 =	por !p2, p0  }
0x20: {  	[sflag:s8] =	ssyncset.s32 @!p0 $0xFFFFF086;
	s6 =	sadd.s32 @!p0 s3, s7;
	s7 =	simm.s32 @!p0 $0x108  }
0x21: {  	s3 =	sadd.s32 s3, s9;
	s6 =	sadd.s32 @!p0 $0x88, s6;
	s7 =	simm.s32 @p2 $0x1082  }
0x22: {  	[simem:s7], [sflag:s8] =	dma.local @!p0 [hbm:s6], $0xF7A  }
0x23: {  	s9 =	sor.u32 $0xD0000000, s2;
	s6 =	simm.s32 $0x108;
	_ =	swait.ge @!p0 [sflag:s8], $0x0  }
0x24: {  	s3 =	sadd.s32 $0x88, s3;
	s6 =	simm.s32 @!p1 $0x1082;
	[sflag:s4] =	ssyncset.s32 $0xFFFFF086  }
0x25: {  	[simem:s6], [sflag:s4] =	dma.local [hbm:s3], $0xF7A  }
0x26: {  	[smem:$0x3F8A] =	sst s1;
	(tag) =	ssettag s2;
	_ =	strace s9  }
0x27: {  	s1 =	sld [smem:$0x3F9A]  }
0x28: {  	s2 =	sld [smem:$0x3F9B]  }
0x29: {  	s4 =	sld [smem:$0x3F9D]  }
0x2a: {  	p0 =	seq.s32 s5, $0x0;
	s5 =	sld [smem:$0x3F9E]  }
0x2b: {  	s6 =	sld [smem:$0x3F9F]  }
0x2c: {  	s7 =	sld [smem:$0x3FA0]  }
0x2d: {  	s3 =	simm.s32 $0x108;
	s8 =	sld [smem:$0x3FA1]  }
0x2e: {  	s3 =	simm.s32 @!p0 $0x1082;
	s9 =	sld [smem:$0x3FA2]  }
0x2f: {  	lr =	sadd.s32 s0, s3;
	s0 =	sld [smem:$0x3F99]  }
0x30: {  	s3 =	sld [smem:$0x3F9C]  }
0x31: {  	[smem:$0x3FA5] =	sst s10  }
0x32: {  	s10 =	sld [smem:$0x3FA3];
	_ =	sdelay $0x3  }
0x33: {  	p0 =	seq.s32 s10, $0x1;
	s10 =	sld [smem:$0x3FA5];
	_ =	sdelay $0x3  }
0x34: {  	[smem:$0x3FA5] =	sst s10  }
0x35: {  	s10 =	sld [smem:$0x3FA4];
	_ =	sdelay $0x3  }
0x36: {  	p1 =	seq.s32 s10, $0x1;
	s10 =	sld [smem:$0x3FA5];
	_ =	sdelay $0x3  }
0x37: {  	[smem:$0x3FA5] =	sst s10  }
0x38: {  	s10 =	sld [smem:$0x3FA6]  }
0x39: {  	_ = 	snop;
	(pc) =	sbr.ind lr, $3  }
0x3a: {  	_ = 	snop  }
0x3b: {  	_ = 	snop  }
0x3c: {  	p2 =	seq.s32 s10, $0x1;
	s10 =	sld [smem:$0x3FA5]  }
0x3d: {  	_ =	shalt  }
0x3e: {  	_ =	shalt  }
0x3f: {  	_ =	shalt  }
0x40: {  	_ =	shalt  }
0x41: {  	_ =	shalt  }
0x42: {  	_ =	shalt  }
0x43: {  	_ =	shalt  }
0x44: {  	_ =	shalt  }
0x45: {  	_ =	shalt  }
0x46: {  	_ =	shalt  }
0x47: {  	_ =	shalt  }
0x48: {  	_ =	shalt  }
0x49: {  	_ =	shalt  }
0x4a: {  	_ =	shalt  }
0x4b: {  	_ =	shalt  }
0x4c: {  	_ =	shalt  }
0x4d: {  	_ =	shalt  }
0x4e: {  	_ =	shalt  }
0x4f: {  	_ =	shalt  }
0x50: {  	_ =	shalt  }
0x51: {  	_ =	shalt  }
0x52: {  	_ =	shalt  }
0x53: {  	_ =	shalt  }
0x54: {  	_ =	shalt  }
0x55: {  	_ =	shalt  }
0x56: {  	_ =	shalt  }
0x57: {  	_ =	shalt  }
0x58: {  	_ =	shalt  }
0x59: {  	_ =	shalt  }
0x5a: {  	_ =	shalt  }
0x5b: {  	_ =	shalt  }
0x5c: {  	_ =	shalt  }
0x5d: {  	_ =	shalt  }
0x5e: {  	_ =	shalt  }
0x5f: {  	_ =	shalt  }
0x60: {  	_ =	shalt  }
0x61: {  	_ =	shalt  }
0x62: {  	_ =	shalt  }
0x63: {  	_ =	shalt  }
0x64: {  	_ =	shalt  }
0x65: {  	_ =	shalt  }
0x66: {  	_ =	shalt  }
0x67: {  	_ =	shalt  }
0x68: {  	_ =	shalt  }
0x69: {  	_ =	shalt  }
0x6a: {  	_ =	shalt  }
0x6b: {  	_ =	shalt  }
0x6c: {  	_ =	shalt  }
0x6d: {  	_ =	shalt  }
0x6e: {  	_ =	shalt  }
0x6f: {  	_ =	shalt  }
0x70: {  	_ =	shalt  }
0x71: {  	_ =	shalt  }
0x72: {  	_ =	shalt  }
0x73: {  	_ =	shalt  }
0x74: {  	_ =	shalt  }
0x75: {  	_ =	shalt  }
0x76: {  	_ =	shalt  }
0x77: {  	_ =	shalt  }
0x78: {  	_ =	shalt  }
0x79: {  	_ =	shalt  }
0x7a: {  	_ =	shalt  }
0x7b: {  	_ =	shalt  }
0x7c: {  	_ =	shalt  }
0x7d: {  	_ =	shalt  }
0x7e: {  	_ =	shalt  }
0x7f: {  	_ =	shalt  }
0x80: {  	_ =	shalt  }
0x81: {  	_ =	shalt  }
0x82: {  	_ =	shalt  }
0x83: {  	_ =	shalt  }
0x84: {  	_ =	shalt  }
0x85: {  	_ =	shalt  }
0x86: {  	_ =	shalt  }
0x87: {  	_ =	shalt  }
.Lfunc_end0:
.L_simem_size_0:
called_computation_lowered:
.L_overlay_start_0:
0x88: {  	s2 =	sld [smem:$0x3FD9]  }
0x89: {  	s3 =	sld [smem:$0x3FFE];
	_ =	sdelay $0x1  }
0x8a: {  	s1 =	srdreg.scid  }
0x8b: {  	s0 =	sand.u32 $0x1, s1  }
0x8c: {  	s14 =	sshll.u32 s0, $0xA;
	s2 =	sadd.s32 s3, s2  }
0x8d: {  	s2 =	sadd.s32 s2, s14  }
0x8e: {  	[smem:$0x3FB1] =	sst s2  }
0x8f: {  	_ = 	snop  }
0x90: {  	s2 =	sld [smem:$0x3FD0];
	_ =	sdelay $0x2  }
0x91: {  	s15 =	simm.s32 $0xA;
	s4 =	simm.s32 $0x10  }
0x92: {  	[smem:s4], [sflag:s15] =	dma.local [hbm:s2], $0x1  }
0x93: {  	_ =	swait.eq [sflag:s15], $0x1  }
0x94: {  	[sflag:s15] =	ssyncset.done $0x0  }
0x95: {  	s16 =	sld [smem:$0x11];
	[sflag:s15] =	ssyncadd.s32 $0xFFFFFFFF  }
0x96: {  	s17 =	sld [smem:$0x12];
	(tm) =	ssettm $0x1  }
0x97: {  	s18 =	sld [smem:$0x3FFB];
	_ =	sdelay $0x3  }
0x98: {  	_ =	strace s18  }
0x99: {  	s4 =	sld [smem:$0x3FFC];
	_ =	sdelay $0x3  }
0x9a: {  	_ =	strace s4  }
0x9b: {  	s4 =	sld [smem:$0x3FFD];
	_ =	sdelay $0x3  }
0x9c: {  	_ =	strace s4  }
0x9d: {  	_ =	strace $0x8FFFFFFF  }
0x9e: {  	s19 =	sld [smem:$0x3FDB];
	_ =	sdelay $0x1  }
0x9f: {  	s5 =	simm.s32 $_scs_section_size  }
0xa0: {  	s6 =	simm.s32 $_size__tile_overlayer_lowered;
	s7 =	simm.s32 $_tile_overlayer_lowered  }
0xa1: {  	s22 =	simm.s32 $0x1BFF;
	s21 =	sshll.u32 s7, $0x1;
	s4 =	sadd.s32 s5, s19  }
0xa2: {  	s8 =	simm.s32 $0x0;
	s20 =	sshll.u32 s6, $0x1;
	s6 =	sadd.s32 s21, s4  }
0xa3: {  	[timem:s8], [sflag:s22] =	dma.local [hbm:s6], s20  }
0xa4: {  	_ =	swait.ge [sflag:s22], s20  }
0xa5: {  	s5 =	ssub.s32 $0x0, s20;
	[sflag:s22] =	ssyncset.done $0x0  }
0xa6: {  	[sflag:s22] =	ssyncadd.s32 s5;
	_ =	sdelay $0x1  }
0xa7: {  	s23 =	simm.s32 $0x1B8B  }
0xa8: {  	_ =	swait.ge [sflag:s23], $0x1  }
0xa9: {  	[sflag:s23] =	ssyncset.done $0x0  }
0xaa: {  	s25 =	simm.s32 $0x1B8E;
	s24 =	sld [smem:$0x3FFE];
	[sflag:s23] =	ssyncadd.s32 $0xFFFFFFFF  }
0xab: {  	s26 =	simm.s32 $execute0_lowered;
	[smem:$0x3FD2] =	sst s25  }
0xac: {  	s6 =	sshll.u32 s26, $0x1;
	_ =	strace $0x80000046;
	[dreg:$0x1] =	wrdreg $0xFFFFFFFF  }
0xad: {  	s28 =	simm.s32 $_size_execute0_lowered;
	s4 =	sadd.s32 s4, s6;
	[dreg:$0x0] =	wrdreg $0x0  }
0xae: {  	s6 =	sshll.u32 s28, $0x1;
	[dreg:$0x2] =	wrdreg s4  }
0xaf: {  	[dreg:$0x3] =	wrdreg s6  }
0xb0: {  	[dreg:$0x4] =	wrdreg $0xC0  }
0xb1: {  	_ =	task [dreg:s8], $0x5FFFF  }
0xb2: {  	[dreg:$0x1] =	wrdreg $0xFFFFFFFF  }
0xb3: {  	[dreg:$0x0] =	wrdreg $0x60  }
0xb4: {  	[dreg:$0x2] =	wrdreg s24  }
0xb5: {  	[dreg:$0x3] =	wrdreg s17  }
0xb6: {  	[dreg:$0x4] =	wrdreg s16  }
0xb7: {  	[dreg:$0x5] =	wrdreg $0x9  }
0xb8: {  	_ =	task.clear_ibuf [dreg:s8], $0x6FFFF;
	_ =	strace $0x90000046  }
0xb9: {  	s29 =	simm.s32 $0x9;
	_ =	strace $0x80000048  }
0xba: {  	_ =	swait.ge [sflag:s29], $0x1  }
0xbb: {  	[sflag:s29] =	ssyncadd.s32 $0xFFFFFFFF  }
0xbc: {  	_ =	strace $0x90000048  }
0xbd: {  	_ =	sfence  }
0xbe: {  	s30 =	sld [smem:$0x0];
	_ =	sdelay $0x2  }
0xbf: {  	s31 =	sshll.u32 s1, $0xD;
	s1 =	sshrl.u32 s1, $0x2  }
0xc0: {  	s3 =	sand.u32 $0x4000, s31;
	s1 =	sadd.s32 s1, s30  }
0xc1: {  	s0 =	sor.u32 s3, s0;
	s1 =	sshll.u32 s1, $0x11  }
0xc2: {  	s0 =	sor.u32 s1, s0  }
0xc3: {  	s0 =	sadd.s32 $0x8F2B, s0  }
0xc4: {  	[sflag:s0] =	ssyncadd.remote.s32 $0x1  }
0xc5: {  	_ =	sfence.sel $0xFFFF  }
0xc6: {  	[dreg:$0x0] =	wrdreg $0xFFFFFFFF;
	(pc) =	sbr.abs _section_cstart, $3  }
0xc7: {  	[dreg:$0x1] =	wrdreg $0xFFFFFFFF  }
0xc8: {  	_ =	task.clear_ibuf [dreg:s8], $0x2FFFF;
	_ =	strace $0x9FFFFFFF  }
0xc9: {  	(tm) =	ssettm $0x7FFFFFFF  }
tec
execute0_lowered:
.L_overlay_start_1:
0x0: {  	(tag) =	ssettag $0x1  }
0x1: {  	s0 =	rddreg [dreg:$0x0]  }
0x2: {  	s1 =	srdreg.scid;
	s3 =	stileid.u32;
	s4 =	simm.s32 $0x0  }
0x3: {  	s15 =	simm.s32 $0x3;
	s16 =	simm.s32 $0x9C80;
	s17 =	simm.s32 $0xEB00  }
0x4: {  	s18 =	simm.s32 $0xEB80;
	s19 =	simm.s32 $0x1D680;
	s20 =	simm.s32 $0x1E680  }
0x5: {  	s21 =	simm.s32 $0x1;
	s22 =	simm.s32 $0x1DE50;
	s23 =	simm.s32 $0x1EE50  }
0x6: {  	s24 =	simm.s32 $0xEC00;
	s25 =	simm.s32 $0x2;
	s26 =	simm.s32 $0x80  }
0x7: {  	s28 =	simm.s32 $0x400;
	s29 =	simm.s32 $0x0;
	s30 =	simm.s32 $0x0  }
0x8: {  	s1 =	sand.u32 $0x1, s1;
	s2 =	sshll.u32 s3, $0x1;
	[smem:$0x7FF] =	sst s4  }
0x9: {  	s5 =	sshrl.u32 s3, $0x2;
	s6 =	sadd.s32 $0x3C00, s0;
	s2 =	sor.u32 s1, s2  }
0xa: {  	_ =	strace $0x80000047;
	s8 =	smul.u32 $0x75400, s5;
	s5 =	sadd.s32 $0x2800, s0  }
0xb: {  	s1 =	ssub.s32 $0x2, s1;
	s7 =	sshll.u32 s2, $0x7;
	s2 =	smul.u32 $0x4E20, s2  }
0xc: {  	s31 =	sshrl.u32 s1, $0x1;
	s9 =	sand.u32 $0x380, s7;
	s7 =	sadd.s32 $0x18000, s0  }
0xd: {  	s1 =	ssub.s32 s1, s31;
	s9 =	sor.u32 s8, s9;
	s8 =	sadd.s32 $0x4600, s0  }
0xe: {  	s10 =	sshrl.u32 s2, $0x3;
	s11 =	sadd.s32 $0x7D0, s2;
	s9 =	sshrl.u32 s9, $0x3  }
0xf: {  	s12 =	sadd.s32 $0xFA0, s2;
	s14 =	smax.u32 s1, $0x1;
	s0 =	sadd.s32 s9, s0  }
0x10: {  	v0 =	vimm.f32 $0.0e+00;
	s9 =	sadd.s32 s7, s10;
	s10 =	sadd.s32 s8, s10;
	s13 =	sadd.s32 $0x2BA00, s0  }
.LBB2_1:
0x11: {  	[tilespmem:s4], [sflag:$0x3] =	stream.linear.gather [hbm4b:s5+s4], $0x9C80, $0x38;
	[tilespmem:$0x1F680] =	vst v63  }
0x12: {  	_ =	swait.ge [sflag:s15], $0x9C80  }
0x13: {  	[sflag:s15] =	ssyncset.done $0x0  }
0x14: {  	[sflag:s15] =	ssyncadd.s32 $0xFFFF6380  }
0x15: {  	[tilespmem:s16], [sflag:$0x3] =	stream.linear.gather [hbm4b:s6+s4], $0x4E80, $0x38;
	[tilespmem:$0x1F680] =	vst v63  }
0x16: {  	_ =	swait.ge [sflag:s15], $0x4E80  }
0x17: {  	[sflag:s15] =	ssyncset.done $0x0  }
0x18: {  	[sflag:s15] =	ssyncadd.s32 $0xFFFFB180  }
0x19: {  	s0 =	rddreg [dreg:$0x1]  }
0x1a: {  	[tilespmem:s17], [sflag:$0x3] =	stream.linear.gather [hbm4b:s0+s4], $0x80, $0x38;
	[tilespmem:$0x1F680] =	vst v63  }
0x1b: {  	_ =	swait.ge [sflag:s15], $0x80  }
0x1c: {  	[sflag:s15] =	ssyncset.done $0x0  }
0x1d: {  	[sflag:s15] =	ssyncadd.s32 $0xFFFFFF80  }
0x1e: {  	s31 =	rddreg [dreg:$0x2]  }
0x1f: {  	[tilespmem:s18], [sflag:$0x3] =	stream.linear.gather [hbm4b:s31+s4], $0x80, $0x38;
	[tilespmem:$0x1F680] =	vst v63  }
0x20: {  	_ =	swait.ge [sflag:s15], $0x80  }
0x21: {  	[sflag:s15] =	ssyncset.done $0x0  }
0x22: {  	s1 =	simm.s32 $0x140;
	s0 =	simm.s32 $0x0;
	[sflag:s15] =	ssyncadd.s32 $0xFFFFFF80  }
.LBB2_2:
0x23: {  	p0 =	sne.s32 s1, $0x3A840;
	[tilespmem:s0+$0xEC40] =	vst v0;
	s2 =	smov.u32 s1;
	s1 =	sadd.s32 $0x140, s1  }
.Ltmp0:
0x24: {  	[tilespmem:s0+$0xEC30] =	vst v0;
	(pc) =	sbr.rel @p0 .LBB2_2-.Ltmp0, $4  }
0x25: {  	[tilespmem:s0+$0xEC20] =	vst v0  }
0x26: {  	[tilespmem:s0+$0xEC00] =	vst v0  }
0x27: {  	[tilespmem:s0+$0xEC10] =	vst v0  }
0x28: {  	s0 =	sshra.s32 s2, $0x2  }
0x29: {  	[tilespmem:s0+$0xEC40] =	vst v0  }
0x2a: {  	[tilespmem:s0+$0xEC30] =	vst v0  }
0x2b: {  	[tilespmem:s0+$0xEC20] =	vst v0  }
0x2c: {  	[tilespmem:s0+$0xEC00] =	vst v0  }
0x2d: {  	[tilespmem:s0+$0xEC10] =	vst v0  }
0x2e: {  	v1 =	vld [tilespmem:$0xEB00]  }
0x2f: {  	v2 =	vld [tilespmem:$0xEB10]  }
0x30: {  	v3 =	vld [tilespmem:$0xEB20]  }
0x31: {  	v4 =	vld [tilespmem:$0xEB30]  }
0x32: {  	v5 =	vld [tilespmem:$0xEB80]  }
0x33: {  	v6 =	vld [tilespmem:$0xEB90];
	[tilespmem:s19], [sflag:$0x1] =	stream.linear.gather [hbm4b:s9+s30], $0x7D0, $0x38  }
0x34: {  	s31 =	simm.s32 $0x0  }
0x35: {  	[tilespmem:s20], [sflag:$0x1] =	stream.linear.gather [hbm4b:s10+s30], $0x7D0, $0x38;
	[tilespmem:$0x1F680] =	vst v63  }
.LBB2_4:
0x36: {  	_ =	swait.ge [sflag:s21], $0x7D0  }
0x37: {  	s0 =	smul.u32 $0xFA0, s31;
	[sflag:s21] =	ssyncset.done $0x0  }
0x38: {  	[sflag:s21] =	ssyncadd.s32 $0xFFFFF830  }
0x39: {  	s1 =	sadd.s32 s0, s11;
	_ =	swait.ge [sflag:s21], $0x7D0  }
0x3a: {  	s1 =	sshrl.u32 s1, $0x3;
	[sflag:s21] =	ssyncset.done $0x0  }
0x3b: {  	s2 =	sadd.s32 s7, s1;
	[sflag:s21] =	ssyncadd.s32 $0xFFFFF830  }
0x3c: {  	[tilespmem:s22], [sflag:$0x2] =	stream.linear.gather [hbm4b:s2+s30], $0x7D0, $0x38;
	[tilespmem:$0x1F680] =	vst v63  }
0x3d: {  	s1 =	sadd.s32 s8, s1  }
0x3e: {  	[tilespmem:s23], [sflag:$0x2] =	stream.linear.gather [hbm4b:s1+s30], $0x7D0, $0x38;
	[tilespmem:$0x1F680] =	vst v63  }
0x3f: {  	s1 =	simm.s32 $0x0  }
.LBB2_5:
0x40: {  	s2 =	sshra.s32 s1, $0x2  }
0x41: {  	v7 =	vld [tilespmem:s2+$0x1D680];
	_ =	sdelay $0x3  }
0x42: {  	v9 =	vld [tilespmem:s2+$0x1E680]  }
0x43: {  	v8 =	vadd.s32 $0x2710, v7;
	_ =	sdelay $0x2  }
0x44: {  	v10 =	vadd.s32 $0x4E20, v7  }
0x45: {  	v11 =	vadd.s32 $0x7530, v7;
	v7 =	vld.idx.msk [tilespmem:v7+s4+$0x0], $0xffff  }
0x46: {  	v8 =	vld.idx.msk [tilespmem:v8+s4+$0x0], $0xffff;
	_ =	sdelay $0x1  }
0x47: {  	v13 =	vld.idx.msk [tilespmem:v9+s16+$0x0], $0xffff  }
0x48: {  	v12 =	vadd.s32 $0x2710, v9;
	v10 =	vld.idx.msk [tilespmem:v10+s4+$0x0], $0xffff  }
0x49: {  	v11 =	vld.idx.msk [tilespmem:v11+s4+$0x0], $0xffff  }
0x4a: {  	v14 =	vmul.f32 v7, v1;
	v15 =	vmul.f32 v8, v2;
	_ =	sdelay $0x1  }
0x4b: {  	v14 =	vadd.f32 v15, v14  }
0x4c: {  	v16 =	vld.idx.msk [tilespmem:v12+s16+$0x0], $0xffff;
	v25 =	vmul.f32 v10, v3  }
0x4d: {  	v17 =	vmul.f32 v11, v4;
	v14 =	vadd.f32 v13, v14;
	v13 =	vadd.f32 v13, v5;
	_ =	sdelay $0x1  }
0x4e: {  	v15 =	vadd.f32 v17, v25;
	v26 =	vmul.f32 $2.000000030e-01, v14;
	v18 =	vmul.f32 $2.000000030e-01, v13;
	_ =	sdelay $0x1  }
0x4f: {  	v15 =	vadd.f32 v16, v15;
	v14 =	vmax.f32 v14, v26;
	v13 =	vmax.f32 v13, v18  }
0x50: {  	v16 =	vadd.f32 v16, v6;
	v13 =	vsub.f32 v14, v13  }
0x51: {  	v27 =	vmul.f32 $2.000000030e-01, v15  }
0x52: {  	v28 =	vmul.f32 $2.000000030e-01, v16;
	v13 =	vmul.f32 $1.442695020e+00, v13;
	_ =	sdelay $0x1  }
0x53: {  	v29 =	vmax.f32 v16, v28;
	v14 =	vmax.f32 v15, v27;
	(erf) = vpow2.f32 v13  }
0x54: {  	v14 =	vsub.f32 v14, v29;
	_ =	sdelay $0x1  }
0x55: {  	v30 =	vmul.f32 $1.442695020e+00, v14;
	_ =	sdelay $0x1  }
0x56: {  	(erf) = vpow2.f32 v30;
	_ =	sdelay $0x2  }
0x57: {  	v31 =	vadd.s32 $0x9C40, v9  }
0x58: {  	v32 =	vpop (erf)  }
0x59: {  	v7 =	vmul.f32 v32, v7  }
0x5a: {  	v33 =	vadd.s32 $0xC350, v9  }
0x5b: {  	v34 =	vadd.s32 $0x4E20, v9  }
0x5c: {  	v35 =	vadd.s32 $0x7530, v9;
	[tilespmem:v31+s24+$0x0] =	vst.idx.add.f32.msk $0xffff, v32;
	v8 =	vmul.f32 v32, v8  }
0x5d: {  	[tilespmem:v9+s24+$0x0] =	vst.idx.add.f32.msk $0xffff, v7;
	v7 =	vpop (erf)  }
0x5e: {  	[tilespmem:v12+s24+$0x0] =	vst.idx.add.f32.msk $0xffff, v8;
	v8 =	vmul.f32 v7, v10  }
0x5f: {  	[tilespmem:v33+s24+$0x0] =	vst.idx.add.f32.msk $0xffff, v7;
	v7 =	vmul.f32 v7, v11  }
0x60: {  	[tilespmem:v34+s24+$0x0] =	vst.idx.add.f32.msk $0xffff, v8  }
0x61: {  	[tilespmem:v35+s24+$0x0] =	vst.idx.add.f32.msk $0xffff, v7  }
0x62: {  	v7 =	vld [tilespmem:s2+$0x1D690];
	_ =	sdelay $0x3  }
0x63: {  	v9 =	vld [tilespmem:s2+$0x1E690]  }
0x64: {  	v8 =	vadd.s32 $0x2710, v7;
	_ =	sdelay $0x2  }
0x65: {  	v36 =	vadd.s32 $0x4E20, v7  }
0x66: {  	v37 =	vadd.s32 $0x7530, v7;
	v7 =	vld.idx.msk [tilespmem:v7+s4+$0x0], $0xffff  }
0x67: {  	v8 =	vld.idx.msk [tilespmem:v8+s4+$0x0], $0xffff;
	_ =	sdelay $0x1  }
0x68: {  	v13 =	vld.idx.msk [tilespmem:v9+s16+$0x0], $0xffff  }
0x69: {  	v38 =	vadd.s32 $0x2710, v9;
	v10 =	vld.idx.msk [tilespmem:v36+s4+$0x0], $0xffff  }
0x6a: {  	v11 =	vld.idx.msk [tilespmem:v37+s4+$0x0], $0xffff  }
0x6b: {  	v39 =	vmul.f32 v7, v1;
	v40 =	vmul.f32 v8, v2;
	_ =	sdelay $0x1  }
0x6c: {  	v14 =	vadd.f32 v40, v39  }
0x6d: {  	v16 =	vld.idx.msk [tilespmem:v38+s16+$0x0], $0xffff;
	v41 =	vmul.f32 v10, v3  }
0x6e: {  	v42 =	vmul.f32 v11, v4;
	v14 =	vadd.f32 v13, v14;
	v13 =	vadd.f32 v13, v5;
	_ =	sdelay $0x1  }
0x6f: {  	v15 =	vadd.f32 v42, v41;
	v43 =	vmul.f32 $2.000000030e-01, v14;
	v44 =	vmul.f32 $2.000000030e-01, v13;
	_ =	sdelay $0x1  }
0x70: {  	v15 =	vadd.f32 v16, v15;
	v14 =	vmax.f32 v14, v43;
	v13 =	vmax.f32 v13, v44  }
0x71: {  	v16 =	vadd.f32 v16, v6;
	v13 =	vsub.f32 v14, v13  }
0x72: {  	v45 =	vmul.f32 $2.000000030e-01, v15  }
0x73: {  	v46 =	vmul.f32 $2.000000030e-01, v16;
	v13 =	vmul.f32 $1.442695020e+00, v13;
	_ =	sdelay $0x1  }
0x74: {  	v47 =	vmax.f32 v16, v46;
	v14 =	vmax.f32 v15, v45;
	(erf) = vpow2.f32 v13  }
0x75: {  	v14 =	vsub.f32 v14, v47;
	_ =	sdelay $0x1  }
0x76: {  	v48 =	vmul.f32 $1.442695020e+00, v14;
	_ =	sdelay $0x1  }
0x77: {  	(erf) = vpow2.f32 v48;
	_ =	sdelay $0x2  }
0x78: {  	v49 =	vadd.s32 $0x9C40, v9  }
0x79: {  	v50 =	vpop (erf)  }
0x7a: {  	v7 =	vmul.f32 v50, v7  }
0x7b: {  	v51 =	vadd.s32 $0xC350, v9  }
0x7c: {  	v52 =	vadd.s32 $0x4E20, v9  }
0x7d: {  	v53 =	vadd.s32 $0x7530, v9;
	[tilespmem:v49+s24+$0x0] =	vst.idx.add.f32.msk $0xffff, v50;
	v8 =	vmul.f32 v50, v8  }
0x7e: {  	[tilespmem:v9+s24+$0x0] =	vst.idx.add.f32.msk $0xffff, v7;
	v7 =	vpop (erf)  }
0x7f: {  	[tilespmem:v38+s24+$0x0] =	vst.idx.add.f32.msk $0xffff, v8;
	v8 =	vmul.f32 v7, v10  }
0x80: {  	[tilespmem:v51+s24+$0x0] =	vst.idx.add.f32.msk $0xffff, v7;
	v7 =	vmul.f32 v7, v11  }
0x81: {  	[tilespmem:v52+s24+$0x0] =	vst.idx.add.f32.msk $0xffff, v8  }
0x82: {  	[tilespmem:v53+s24+$0x0] =	vst.idx.add.f32.msk $0xffff, v7  }
0x83: {  	v7 =	vld [tilespmem:s2+$0x1D6A0];
	_ =	sdelay $0x3  }
0x84: {  	v9 =	vld [tilespmem:s2+$0x1E6A0]  }
0x85: {  	v8 =	vadd.s32 $0x2710, v7;
	_ =	sdelay $0x2  }
0x86: {  	v54 =	vadd.s32 $0x4E20, v7  }
0x87: {  	v55 =	vadd.s32 $0x7530, v7;
	v7 =	vld.idx.msk [tilespmem:v7+s4+$0x0], $0xffff  }
0x88: {  	v8 =	vld.idx.msk [tilespmem:v8+s4+$0x0], $0xffff;
	_ =	sdelay $0x1  }
0x89: {  	v13 =	vld.idx.msk [tilespmem:v9+s16+$0x0], $0xffff  }
0x8a: {  	v56 =	vadd.s32 $0x2710, v9;
	v10 =	vld.idx.msk [tilespmem:v54+s4+$0x0], $0xffff  }
0x8b: {  	v11 =	vld.idx.msk [tilespmem:v55+s4+$0x0], $0xffff  }
0x8c: {  	v57 =	vmul.f32 v7, v1;
	v58 =	vmul.f32 v8, v2;
	_ =	sdelay $0x1  }
0x8d: {  	v14 =	vadd.f32 v58, v57  }
0x8e: {  	v16 =	vld.idx.msk [tilespmem:v56+s16+$0x0], $0xffff;
	v59 =	vmul.f32 v10, v3  }
0x8f: {  	v60 =	vmul.f32 v11, v4;
	v14 =	vadd.f32 v13, v14;
	v13 =	vadd.f32 v13, v5;
	_ =	sdelay $0x1  }
0x90: {  	v15 =	vadd.f32 v60, v59;
	v61 =	vmul.f32 $2.000000030e-01, v14;
	v62 =	vmul.f32 $2.000000030e-01, v13;
	_ =	sdelay $0x1  }
0x91: {  	v15 =	vadd.f32 v16, v15;
	v14 =	vmax.f32 v14, v61;
	v13 =	vmax.f32 v13, v62  }
0x92: {  	v16 =	vadd.f32 v16, v6;
	v13 =	vsub.f32 v14, v13  }
0x93: {  	v63 =	vmul.f32 $2.000000030e-01, v15  }
0x94: {  	v20 =	vmul.f32 $2.000000030e-01, v16;
	v13 =	vmul.f32 $1.442695020e+00, v13;
	_ =	sdelay $0x1  }
0x95: {  	v21 =	vmax.f32 v16, v20;
	v14 =	vmax.f32 v15, v63;
	(erf) = vpow2.f32 v13  }
0x96: {  	v14 =	vsub.f32 v14, v21;
	_ =	sdelay $0x1  }
0x97: {  	v22 =	vmul.f32 $1.442695020e+00, v14;
	_ =	sdelay $0x1  }
0x98: {  	(erf) = vpow2.f32 v22;
	_ =	sdelay $0x2  }
0x99: {  	v23 =	vadd.s32 $0x9C40, v9  }
0x9a: {  	v24 =	vpop (erf)  }
0x9b: {  	v7 =	vmul.f32 v24, v7  }
0x9c: {  	v25 =	vadd.s32 $0xC350, v9  }
0x9d: {  	v26 =	vadd.s32 $0x4E20, v9  }
0x9e: {  	v27 =	vadd.s32 $0x7530, v9;
	[tilespmem:v23+s24+$0x0] =	vst.idx.add.f32.msk $0xffff, v24;
	v8 =	vmul.f32 v24, v8  }
0x9f: {  	[tilespmem:v9+s24+$0x0] =	vst.idx.add.f32.msk $0xffff, v7;
	v7 =	vpop (erf)  }
0xa0: {  	[tilespmem:v56+s24+$0x0] =	vst.idx.add.f32.msk $0xffff, v8;
	v8 =	vmul.f32 v7, v10  }
0xa1: {  	[tilespmem:v25+s24+$0x0] =	vst.idx.add.f32.msk $0xffff, v7;
	v7 =	vmul.f32 v7, v11  }
0xa2: {  	[tilespmem:v26+s24+$0x0] =	vst.idx.add.f32.msk $0xffff, v8  }
0xa3: {  	[tilespmem:v27+s24+$0x0] =	vst.idx.add.f32.msk $0xffff, v7  }
0xa4: {  	v7 =	vld [tilespmem:s2+$0x1D6B0];
	_ =	sdelay $0x3  }
0xa5: {  	v9 =	vld [tilespmem:s2+$0x1E6B0]  }
0xa6: {  	v8 =	vadd.s32 $0x2710, v7;
	_ =	sdelay $0x2  }
0xa7: {  	v28 =	vadd.s32 $0x4E20, v7  }
0xa8: {  	v29 =	vadd.s32 $0x7530, v7;
	v7 =	vld.idx.msk [tilespmem:v7+s4+$0x0], $0xffff  }
0xa9: {  	v8 =	vld.idx.msk [tilespmem:v8+s4+$0x0], $0xffff;
	_ =	sdelay $0x1  }
0xaa: {  	v13 =	vld.idx.msk [tilespmem:v9+s16+$0x0], $0xffff  }
0xab: {  	v30 =	vadd.s32 $0x2710, v9;
	v10 =	vld.idx.msk [tilespmem:v28+s4+$0x0], $0xffff  }
0xac: {  	v11 =	vld.idx.msk [tilespmem:v29+s4+$0x0], $0xffff  }
0xad: {  	v31 =	vmul.f32 v7, v1;
	v32 =	vmul.f32 v8, v2;
	_ =	sdelay $0x1  }
0xae: {  	v14 =	vadd.f32 v32, v31  }
0xaf: {  	v16 =	vld.idx.msk [tilespmem:v30+s16+$0x0], $0xffff;
	v33 =	vmul.f32 v10, v3  }
0xb0: {  	v34 =	vmul.f32 v11, v4;
	v14 =	vadd.f32 v13, v14;
	v13 =	vadd.f32 v13, v5;
	_ =	sdelay $0x1  }
0xb1: {  	v15 =	vadd.f32 v34, v33;
	v35 =	vmul.f32 $2.000000030e-01, v14;
	v36 =	vmul.f32 $2.000000030e-01, v13;
	_ =	sdelay $0x1  }
0xb2: {  	v15 =	vadd.f32 v16, v15;
	v14 =	vmax.f32 v14, v35;
	v13 =	vmax.f32 v13, v36  }
0xb3: {  	v16 =	vadd.f32 v16, v6;
	v13 =	vsub.f32 v14, v13  }
0xb4: {  	v37 =	vmul.f32 $2.000000030e-01, v15  }
0xb5: {  	v38 =	vmul.f32 $2.000000030e-01, v16;
	v13 =	vmul.f32 $1.442695020e+00, v13;
	_ =	sdelay $0x1  }
0xb6: {  	v39 =	vmax.f32 v16, v38;
	v14 =	vmax.f32 v15, v37;
	(erf) = vpow2.f32 v13  }
0xb7: {  	v14 =	vsub.f32 v14, v39;
	_ =	sdelay $0x1  }
0xb8: {  	v40 =	vmul.f32 $1.442695020e+00, v14;
	_ =	sdelay $0x1  }
0xb9: {  	(erf) = vpow2.f32 v40;
	_ =	sdelay $0x2  }
0xba: {  	v41 =	vadd.s32 $0x9C40, v9  }
0xbb: {  	v42 =	vpop (erf)  }
0xbc: {  	v7 =	vmul.f32 v42, v7  }
0xbd: {  	v43 =	vadd.s32 $0xC350, v9  }
0xbe: {  	v44 =	vadd.s32 $0x4E20, v9  }
0xbf: {  	v45 =	vadd.s32 $0x7530, v9;
	[tilespmem:v41+s24+$0x0] =	vst.idx.add.f32.msk $0xffff, v42;
	v8 =	vmul.f32 v42, v8  }
0xc0: {  	[tilespmem:v9+s24+$0x0] =	vst.idx.add.f32.msk $0xffff, v7;
	v7 =	vpop (erf)  }
0xc1: {  	[tilespmem:v30+s24+$0x0] =	vst.idx.add.f32.msk $0xffff, v8;
	v8 =	vmul.f32 v7, v10  }
0xc2: {  	[tilespmem:v43+s24+$0x0] =	vst.idx.add.f32.msk $0xffff, v7;
	v7 =	vmul.f32 v7, v11  }
0xc3: {  	[tilespmem:v44+s24+$0x0] =	vst.idx.add.f32.msk $0xffff, v8  }
0xc4: {  	[tilespmem:v45+s24+$0x0] =	vst.idx.add.f32.msk $0xffff, v7  }
0xc5: {  	v7 =	vld [tilespmem:s2+$0x1D6C0];
	_ =	sdelay $0x3  }
0xc6: {  	v9 =	vld [tilespmem:s2+$0x1E6C0]  }
0xc7: {  	v8 =	vadd.s32 $0x2710, v7;
	_ =	sdelay $0x2  }
0xc8: {  	v46 =	vadd.s32 $0x4E20, v7  }
0xc9: {  	v47 =	vadd.s32 $0x7530, v7;
	v7 =	vld.idx.msk [tilespmem:v7+s4+$0x0], $0xffff  }
0xca: {  	v8 =	vld.idx.msk [tilespmem:v8+s4+$0x0], $0xffff;
	_ =	sdelay $0x1  }
0xcb: {  	v13 =	vld.idx.msk [tilespmem:v9+s16+$0x0], $0xffff  }
0xcc: {  	v48 =	vadd.s32 $0x2710, v9;
	v10 =	vld.idx.msk [tilespmem:v46+s4+$0x0], $0xffff  }
0xcd: {  	v11 =	vld.idx.msk [tilespmem:v47+s4+$0x0], $0xffff  }
0xce: {  	v49 =	vmul.f32 v7, v1;
	v50 =	vmul.f32 v8, v2;
	_ =	sdelay $0x1  }
0xcf: {  	v14 =	vadd.f32 v50, v49  }
0xd0: {  	v16 =	vld.idx.msk [tilespmem:v48+s16+$0x0], $0xffff;
	v51 =	vmul.f32 v10, v3  }
0xd1: {  	v52 =	vmul.f32 v11, v4;
	v14 =	vadd.f32 v13, v14;
	v13 =	vadd.f32 v13, v5;
	_ =	sdelay $0x1  }
0xd2: {  	v15 =	vadd.f32 v52, v51;
	v53 =	vmul.f32 $2.000000030e-01, v14;
	v54 =	vmul.f32 $2.000000030e-01, v13;
	_ =	sdelay $0x1  }
0xd3: {  	v15 =	vadd.f32 v16, v15;
	v14 =	vmax.f32 v14, v53;
	v13 =	vmax.f32 v13, v54  }
0xd4: {  	v16 =	vadd.f32 v16, v6;
	v13 =	vsub.f32 v14, v13  }
0xd5: {  	v55 =	vmul.f32 $2.000000030e-01, v15  }
0xd6: {  	v56 =	vmul.f32 $2.000000030e-01, v16;
	v13 =	vmul.f32 $1.442695020e+00, v13;
	_ =	sdelay $0x1  }
0xd7: {  	v57 =	vmax.f32 v16, v56;
	v14 =	vmax.f32 v15, v55;
	(erf) = vpow2.f32 v13  }
0xd8: {  	v14 =	vsub.f32 v14, v57;
	_ =	sdelay $0x1  }
0xd9: {  	v58 =	vmul.f32 $1.442695020e+00, v14;
	_ =	sdelay $0x1  }
0xda: {  	(erf) = vpow2.f32 v58;
	_ =	sdelay $0x2  }
0xdb: {  	v59 =	vadd.s32 $0x9C40, v9  }
0xdc: {  	v60 =	vpop (erf)  }
0xdd: {  	v7 =	vmul.f32 v60, v7  }
0xde: {  	v61 =	vadd.s32 $0xC350, v9  }
0xdf: {  	v62 =	vadd.s32 $0x4E20, v9  }
0xe0: {  	p0 =	sne.s32 s1, $0x1E00;
	v63 =	vadd.s32 $0x7530, v9;
	[tilespmem:v59+s24+$0x0] =	vst.idx.add.f32.msk $0xffff, v60;
	v8 =	vmul.f32 v60, v8  }
.Ltmp1:
0xe1: {  	[tilespmem:v9+s24+$0x0] =	vst.idx.add.f32.msk $0xffff, v7;
	v7 =	vpop (erf);
	(pc) =	sbr.rel @p0 .LBB2_5-.Ltmp1, $4  }
0xe2: {  	[tilespmem:v48+s24+$0x0] =	vst.idx.add.f32.msk $0xffff, v8;
	v8 =	vmul.f32 v7, v10  }
0xe3: {  	[tilespmem:v61+s24+$0x0] =	vst.idx.add.f32.msk $0xffff, v7;
	v7 =	vmul.f32 v7, v11  }
0xe4: {  	[tilespmem:v62+s24+$0x0] =	vst.idx.add.f32.msk $0xffff, v8  }
0xe5: {  	s1 =	sadd.s32 $0x140, s1;
	[tilespmem:v63+s24+$0x0] =	vst.idx.add.f32.msk $0xffff, v7  }
0xe6: {  	_ =	swait.ge [sflag:s25], $0x7D0  }
0xe7: {  	[sflag:s25] =	ssyncset.done $0x0  }
0xe8: {  	p0 =	seq.s32 s31, $0x4;
	[sflag:s25] =	ssyncadd.s32 $0xFFFFF830  }
0xe9: {  	s0 =	sadd.s32 @!p0 s0, s12;
	_ =	swait.ge [sflag:s25], $0x7D0  }
0xea: {  	s2 =	simm.s32 @!p0 $0x0;
	s0 =	sshrl.u32 @!p0 s0, $0x3;
	[sflag:s25] =	ssyncset.done $0x0  }
0xeb: {  	s3 =	simm.s32 @!p0 $0x1D680;
	s1 =	sadd.s32 @!p0 s7, s0;
	[sflag:s25] =	ssyncadd.s32 $0xFFFFF830  }
0xec: {  	[tilespmem:s3], [sflag:$0x1] =	stream.linear.gather @!p0 [hbm4b:s1+s2], $0x7D0, $0x38;
	[tilespmem:$0x1F680] =	vst v63  }
0xed: {  	s0 =	sadd.s32 @!p0 s8, s0;
	s1 =	simm.s32 @!p0 $0x1E680  }
0xee: {  	[tilespmem:s1], [sflag:$0x1] =	stream.linear.gather @!p0 [hbm4b:s0+s2], $0x7D0, $0x38;
	[tilespmem:$0x1F680] =	vst v63  }
0xef: {  	s0 =	simm.s32 $0x0;
	s1 =	simm.s32 $0x1DE90;
	s2 =	simm.s32 $0x1EE90  }
.LBB2_7:
0xf0: {  	v7 =	vld [tilespmem:s1+$0xFFFFFFC0];
	_ =	sdelay $0x3  }
0xf1: {  	v9 =	vld [tilespmem:s2+$0xFFFFFFC0]  }
0xf2: {  	v8 =	vadd.s32 $0x2710, v7;
	_ =	sdelay $0x2  }
0xf3: {  	v10 =	vadd.s32 $0x4E20, v7  }
0xf4: {  	v11 =	vadd.s32 $0x7530, v7;
	v7 =	vld.idx.msk [tilespmem:v7+s4+$0x0], $0xffff  }
0xf5: {  	v8 =	vld.idx.msk [tilespmem:v8+s4+$0x0], $0xffff;
	_ =	sdelay $0x1  }
0xf6: {  	v13 =	vld.idx.msk [tilespmem:v9+s16+$0x0], $0xffff  }
0xf7: {  	v12 =	vadd.s32 $0x2710, v9;
	v10 =	vld.idx.msk [tilespmem:v10+s4+$0x0], $0xffff  }
0xf8: {  	v11 =	vld.idx.msk [tilespmem:v11+s4+$0x0], $0xffff  }
0xf9: {  	v14 =	vmul.f32 v7, v1;
	v15 =	vmul.f32 v8, v2;
	_ =	sdelay $0x1  }
0xfa: {  	v14 =	vadd.f32 v15, v14  }
0xfb: {  	v16 =	vld.idx.msk [tilespmem:v12+s16+$0x0], $0xffff;
	v25 =	vmul.f32 v10, v3  }
0xfc: {  	v17 =	vmul.f32 v11, v4;
	v14 =	vadd.f32 v13, v14;
	v13 =	vadd.f32 v13, v5;
	_ =	sdelay $0x1  }
0xfd: {  	v15 =	vadd.f32 v17, v25;
	v26 =	vmul.f32 $2.000000030e-01, v14;
	v18 =	vmul.f32 $2.000000030e-01, v13;
	_ =	sdelay $0x1  }
0xfe: {  	v15 =	vadd.f32 v16, v15;
	v14 =	vmax.f32 v14, v26;
	v13 =	vmax.f32 v13, v18  }
0xff: {  	v16 =	vadd.f32 v16, v6;
	v13 =	vsub.f32 v14, v13  }
0x100: {  	v27 =	vmul.f32 $2.000000030e-01, v15  }
0x101: {  	v28 =	vmul.f32 $2.000000030e-01, v16;
	v13 =	vmul.f32 $1.442695020e+00, v13;
	_ =	sdelay $0x1  }
0x102: {  	v29 =	vmax.f32 v16, v28;
	v14 =	vmax.f32 v15, v27;
	(erf) = vpow2.f32 v13  }
0x103: {  	v14 =	vsub.f32 v14, v29;
	_ =	sdelay $0x1  }
0x104: {  	v30 =	vmul.f32 $1.442695020e+00, v14;
	_ =	sdelay $0x1  }
0x105: {  	(erf) = vpow2.f32 v30;
	_ =	sdelay $0x2  }
0x106: {  	v31 =	vadd.s32 $0x9C40, v9  }
0x107: {  	v32 =	vpop (erf)  }
0x108: {  	v7 =	vmul.f32 v32, v7  }
0x109: {  	v33 =	vadd.s32 $0xC350, v9  }
0x10a: {  	v34 =	vadd.s32 $0x4E20, v9  }
0x10b: {  	v35 =	vadd.s32 $0x7530, v9;
	[tilespmem:v31+s24+$0x0] =	vst.idx.add.f32.msk $0xffff, v32;
	v8 =	vmul.f32 v32, v8  }
0x10c: {  	[tilespmem:v9+s24+$0x0] =	vst.idx.add.f32.msk $0xffff, v7;
	v7 =	vpop (erf)  }
0x10d: {  	[tilespmem:v12+s24+$0x0] =	vst.idx.add.f32.msk $0xffff, v8;
	v8 =	vmul.f32 v7, v10  }
0x10e: {  	[tilespmem:v33+s24+$0x0] =	vst.idx.add.f32.msk $0xffff, v7;
	v7 =	vmul.f32 v7, v11  }
0x10f: {  	[tilespmem:v34+s24+$0x0] =	vst.idx.add.f32.msk $0xffff, v8  }
0x110: {  	[tilespmem:v35+s24+$0x0] =	vst.idx.add.f32.msk $0xffff, v7  }
0x111: {  	v7 =	vld [tilespmem:s1+$0xFFFFFFD0];
	_ =	sdelay $0x3  }
0x112: {  	v9 =	vld [tilespmem:s2+$0xFFFFFFD0]  }
0x113: {  	v8 =	vadd.s32 $0x2710, v7;
	_ =	sdelay $0x2  }
0x114: {  	v36 =	vadd.s32 $0x4E20, v7  }
0x115: {  	v37 =	vadd.s32 $0x7530, v7;
	v7 =	vld.idx.msk [tilespmem:v7+s4+$0x0], $0xffff  }
0x116: {  	v8 =	vld.idx.msk [tilespmem:v8+s4+$0x0], $0xffff;
	_ =	sdelay $0x1  }
0x117: {  	v13 =	vld.idx.msk [tilespmem:v9+s16+$0x0], $0xffff  }
0x118: {  	v38 =	vadd.s32 $0x2710, v9;
	v10 =	vld.idx.msk [tilespmem:v36+s4+$0x0], $0xffff  }
0x119: {  	v11 =	vld.idx.msk [tilespmem:v37+s4+$0x0], $0xffff  }
0x11a: {  	v39 =	vmul.f32 v7, v1;
	v40 =	vmul.f32 v8, v2;
	_ =	sdelay $0x1  }
0x11b: {  	v14 =	vadd.f32 v40, v39  }
0x11c: {  	v16 =	vld.idx.msk [tilespmem:v38+s16+$0x0], $0xffff;
	v41 =	vmul.f32 v10, v3  }
0x11d: {  	v42 =	vmul.f32 v11, v4;
	v14 =	vadd.f32 v13, v14;
	v13 =	vadd.f32 v13, v5;
	_ =	sdelay $0x1  }
0x11e: {  	v15 =	vadd.f32 v42, v41;
	v43 =	vmul.f32 $2.000000030e-01, v14;
	v44 =	vmul.f32 $2.000000030e-01, v13;
	_ =	sdelay $0x1  }
0x11f: {  	v15 =	vadd.f32 v16, v15;
	v14 =	vmax.f32 v14, v43;
	v13 =	vmax.f32 v13, v44  }
0x120: {  	v16 =	vadd.f32 v16, v6;
	v13 =	vsub.f32 v14, v13  }
0x121: {  	v45 =	vmul.f32 $2.000000030e-01, v15  }
0x122: {  	v46 =	vmul.f32 $2.000000030e-01, v16;
	v13 =	vmul.f32 $1.442695020e+00, v13;
	_ =	sdelay $0x1  }
0x123: {  	v47 =	vmax.f32 v16, v46;
	v14 =	vmax.f32 v15, v45;
	(erf) = vpow2.f32 v13  }
0x124: {  	v14 =	vsub.f32 v14, v47;
	_ =	sdelay $0x1  }
0x125: {  	v48 =	vmul.f32 $1.442695020e+00, v14;
	_ =	sdelay $0x1  }
0x126: {  	(erf) = vpow2.f32 v48;
	_ =	sdelay $0x2  }
0x127: {  	v49 =	vadd.s32 $0x9C40, v9  }
0x128: {  	v50 =	vpop (erf)  }
0x129: {  	v7 =	vmul.f32 v50, v7  }
0x12a: {  	v51 =	vadd.s32 $0xC350, v9  }
0x12b: {  	v52 =	vadd.s32 $0x4E20, v9  }
0x12c: {  	v53 =	vadd.s32 $0x7530, v9;
	[tilespmem:v49+s24+$0x0] =	vst.idx.add.f32.msk $0xffff, v50;
	v8 =	vmul.f32 v50, v8  }
0x12d: {  	[tilespmem:v9+s24+$0x0] =	vst.idx.add.f32.msk $0xffff, v7;
	v7 =	vpop (erf)  }
0x12e: {  	[tilespmem:v38+s24+$0x0] =	vst.idx.add.f32.msk $0xffff, v8;
	v8 =	vmul.f32 v7, v10  }
0x12f: {  	[tilespmem:v51+s24+$0x0] =	vst.idx.add.f32.msk $0xffff, v7;
	v7 =	vmul.f32 v7, v11  }
0x130: {  	[tilespmem:v52+s24+$0x0] =	vst.idx.add.f32.msk $0xffff, v8  }
0x131: {  	[tilespmem:v53+s24+$0x0] =	vst.idx.add.f32.msk $0xffff, v7  }
0x132: {  	v7 =	vld [tilespmem:s1+$0xFFFFFFE0];
	_ =	sdelay $0x3  }
0x133: {  	v9 =	vld [tilespmem:s2+$0xFFFFFFE0]  }
0x134: {  	v8 =	vadd.s32 $0x2710, v7;
	_ =	sdelay $0x2  }
0x135: {  	v54 =	vadd.s32 $0x4E20, v7  }
0x136: {  	v55 =	vadd.s32 $0x7530, v7;
	v7 =	vld.idx.msk [tilespmem:v7+s4+$0x0], $0xffff  }
0x137: {  	v8 =	vld.idx.msk [tilespmem:v8+s4+$0x0], $0xffff;
	_ =	sdelay $0x1  }
0x138: {  	v13 =	vld.idx.msk [tilespmem:v9+s16+$0x0], $0xffff  }
0x139: {  	v56 =	vadd.s32 $0x2710, v9;
	v10 =	vld.idx.msk [tilespmem:v54+s4+$0x0], $0xffff  }
0x13a: {  	v11 =	vld.idx.msk [tilespmem:v55+s4+$0x0], $0xffff  }
0x13b: {  	v57 =	vmul.f32 v7, v1;
	v58 =	vmul.f32 v8, v2;
	_ =	sdelay $0x1  }
0x13c: {  	v14 =	vadd.f32 v58, v57  }
0x13d: {  	v16 =	vld.idx.msk [tilespmem:v56+s16+$0x0], $0xffff;
	v59 =	vmul.f32 v10, v3  }
0x13e: {  	v60 =	vmul.f32 v11, v4;
	v14 =	vadd.f32 v13, v14;
	v13 =	vadd.f32 v13, v5;
	_ =	sdelay $0x1  }
0x13f: {  	v15 =	vadd.f32 v60, v59;
	v61 =	vmul.f32 $2.000000030e-01, v14;
	v62 =	vmul.f32 $2.000000030e-01, v13;
	_ =	sdelay $0x1  }
0x140: {  	v15 =	vadd.f32 v16, v15;
	v14 =	vmax.f32 v14, v61;
	v13 =	vmax.f32 v13, v62  }
0x141: {  	v16 =	vadd.f32 v16, v6;
	v13 =	vsub.f32 v14, v13  }
0x142: {  	v63 =	vmul.f32 $2.000000030e-01, v15  }
0x143: {  	v20 =	vmul.f32 $2.000000030e-01, v16;
	v13 =	vmul.f32 $1.442695020e+00, v13;
	_ =	sdelay $0x1  }
0x144: {  	v21 =	vmax.f32 v16, v20;
	v14 =	vmax.f32 v15, v63;
	(erf) = vpow2.f32 v13  }
0x145: {  	v14 =	vsub.f32 v14, v21;
	_ =	sdelay $0x1  }
0x146: {  	v22 =	vmul.f32 $1.442695020e+00, v14;
	_ =	sdelay $0x1  }
0x147: {  	(erf) = vpow2.f32 v22;
	_ =	sdelay $0x2  }
0x148: {  	v23 =	vadd.s32 $0x9C40, v9  }
0x149: {  	v24 =	vpop (erf)  }
0x14a: {  	v7 =	vmul.f32 v24, v7  }
0x14b: {  	v25 =	vadd.s32 $0xC350, v9  }
0x14c: {  	v26 =	vadd.s32 $0x4E20, v9  }
0x14d: {  	v27 =	vadd.s32 $0x7530, v9;
	[tilespmem:v23+s24+$0x0] =	vst.idx.add.f32.msk $0xffff, v24;
	v8 =	vmul.f32 v24, v8  }
0x14e: {  	[tilespmem:v9+s24+$0x0] =	vst.idx.add.f32.msk $0xffff, v7;
	v7 =	vpop (erf)  }
0x14f: {  	[tilespmem:v56+s24+$0x0] =	vst.idx.add.f32.msk $0xffff, v8;
	v8 =	vmul.f32 v7, v10  }
0x150: {  	[tilespmem:v25+s24+$0x0] =	vst.idx.add.f32.msk $0xffff, v7;
	v7 =	vmul.f32 v7, v11  }
0x151: {  	[tilespmem:v26+s24+$0x0] =	vst.idx.add.f32.msk $0xffff, v8  }
0x152: {  	s3 =	sand.u32 $0xFF0, s0;
	[tilespmem:v27+s24+$0x0] =	vst.idx.add.f32.msk $0xffff, v7  }
0x153: {  	v7 =	vld [tilespmem:s3+$0x1DE80];
	_ =	sdelay $0x3  }
0x154: {  	v9 =	vld [tilespmem:s3+$0x1EE80]  }
0x155: {  	v8 =	vadd.s32 $0x2710, v7;
	_ =	sdelay $0x2  }
0x156: {  	v28 =	vadd.s32 $0x4E20, v7  }
0x157: {  	v29 =	vadd.s32 $0x7530, v7;
	v7 =	vld.idx.msk [tilespmem:v7+s4+$0x0], $0xffff  }
0x158: {  	v8 =	vld.idx.msk [tilespmem:v8+s4+$0x0], $0xffff;
	_ =	sdelay $0x1  }
0x159: {  	v13 =	vld.idx.msk [tilespmem:v9+s16+$0x0], $0xffff  }
0x15a: {  	v30 =	vadd.s32 $0x2710, v9;
	v10 =	vld.idx.msk [tilespmem:v28+s4+$0x0], $0xffff  }
0x15b: {  	v11 =	vld.idx.msk [tilespmem:v29+s4+$0x0], $0xffff  }
0x15c: {  	v31 =	vmul.f32 v7, v1;
	v32 =	vmul.f32 v8, v2;
	_ =	sdelay $0x1  }
0x15d: {  	v14 =	vadd.f32 v32, v31  }
0x15e: {  	v16 =	vld.idx.msk [tilespmem:v30+s16+$0x0], $0xffff;
	v33 =	vmul.f32 v10, v3  }
0x15f: {  	v34 =	vmul.f32 v11, v4;
	v14 =	vadd.f32 v13, v14;
	v13 =	vadd.f32 v13, v5;
	_ =	sdelay $0x1  }
0x160: {  	v15 =	vadd.f32 v34, v33;
	v35 =	vmul.f32 $2.000000030e-01, v14;
	v36 =	vmul.f32 $2.000000030e-01, v13;
	_ =	sdelay $0x1  }
0x161: {  	v15 =	vadd.f32 v16, v15;
	v14 =	vmax.f32 v14, v35;
	v13 =	vmax.f32 v13, v36  }
0x162: {  	v16 =	vadd.f32 v16, v6;
	v13 =	vsub.f32 v14, v13  }
0x163: {  	v37 =	vmul.f32 $2.000000030e-01, v15  }
0x164: {  	v38 =	vmul.f32 $2.000000030e-01, v16;
	v13 =	vmul.f32 $1.442695020e+00, v13;
	_ =	sdelay $0x1  }
0x165: {  	v39 =	vmax.f32 v16, v38;
	v14 =	vmax.f32 v15, v37;
	(erf) = vpow2.f32 v13  }
0x166: {  	v14 =	vsub.f32 v14, v39;
	_ =	sdelay $0x1  }
0x167: {  	v40 =	vmul.f32 $1.442695020e+00, v14;
	_ =	sdelay $0x1  }
0x168: {  	(erf) = vpow2.f32 v40;
	_ =	sdelay $0x2  }
0x169: {  	v41 =	vadd.s32 $0x9C40, v9  }
0x16a: {  	v42 =	vpop (erf)  }
0x16b: {  	v7 =	vmul.f32 v42, v7  }
0x16c: {  	v43 =	vadd.s32 $0xC350, v9  }
0x16d: {  	v44 =	vadd.s32 $0x4E20, v9  }
0x16e: {  	v45 =	vadd.s32 $0x7530, v9;
	[tilespmem:v41+s24+$0x0] =	vst.idx.add.f32.msk $0xffff, v42;
	v8 =	vmul.f32 v42, v8  }
0x16f: {  	[tilespmem:v9+s24+$0x0] =	vst.idx.add.f32.msk $0xffff, v7;
	v7 =	vpop (erf)  }
0x170: {  	[tilespmem:v30+s24+$0x0] =	vst.idx.add.f32.msk $0xffff, v8;
	v8 =	vmul.f32 v7, v10  }
0x171: {  	[tilespmem:v43+s24+$0x0] =	vst.idx.add.f32.msk $0xffff, v7;
	v7 =	vmul.f32 v7, v11  }
0x172: {  	[tilespmem:v44+s24+$0x0] =	vst.idx.add.f32.msk $0xffff, v8  }
0x173: {  	[tilespmem:v45+s24+$0x0] =	vst.idx.add.f32.msk $0xffff, v7  }
0x174: {  	v7 =	vld [tilespmem:s1+$0x0];
	_ =	sdelay $0x3  }
0x175: {  	v9 =	vld [tilespmem:s2+$0x0]  }
0x176: {  	v8 =	vadd.s32 $0x2710, v7;
	_ =	sdelay $0x2  }
0x177: {  	v46 =	vadd.s32 $0x4E20, v7  }
0x178: {  	v47 =	vadd.s32 $0x7530, v7;
	v7 =	vld.idx.msk [tilespmem:v7+s4+$0x0], $0xffff  }
0x179: {  	v8 =	vld.idx.msk [tilespmem:v8+s4+$0x0], $0xffff;
	_ =	sdelay $0x1  }
0x17a: {  	v13 =	vld.idx.msk [tilespmem:v9+s16+$0x0], $0xffff  }
0x17b: {  	v48 =	vadd.s32 $0x2710, v9;
	v10 =	vld.idx.msk [tilespmem:v46+s4+$0x0], $0xffff  }
0x17c: {  	v11 =	vld.idx.msk [tilespmem:v47+s4+$0x0], $0xffff  }
0x17d: {  	v49 =	vmul.f32 v7, v1;
	v50 =	vmul.f32 v8, v2;
	_ =	sdelay $0x1  }
0x17e: {  	v14 =	vadd.f32 v50, v49  }
0x17f: {  	v16 =	vld.idx.msk [tilespmem:v48+s16+$0x0], $0xffff;
	v51 =	vmul.f32 v10, v3  }
0x180: {  	v52 =	vmul.f32 v11, v4;
	v14 =	vadd.f32 v13, v14;
	v13 =	vadd.f32 v13, v5;
	_ =	sdelay $0x1  }
0x181: {  	v15 =	vadd.f32 v52, v51;
	v53 =	vmul.f32 $2.000000030e-01, v14;
	v54 =	vmul.f32 $2.000000030e-01, v13;
	_ =	sdelay $0x1  }
0x182: {  	v15 =	vadd.f32 v16, v15;
	v14 =	vmax.f32 v14, v53;
	v13 =	vmax.f32 v13, v54  }
0x183: {  	v16 =	vadd.f32 v16, v6;
	v13 =	vsub.f32 v14, v13  }
0x184: {  	v55 =	vmul.f32 $2.000000030e-01, v15  }
0x185: {  	v56 =	vmul.f32 $2.000000030e-01, v16;
	v13 =	vmul.f32 $1.442695020e+00, v13;
	_ =	sdelay $0x1  }
0x186: {  	v57 =	vmax.f32 v16, v56;
	v14 =	vmax.f32 v15, v55;
	(erf) = vpow2.f32 v13  }
0x187: {  	v14 =	vsub.f32 v14, v57;
	_ =	sdelay $0x1  }
0x188: {  	v58 =	vmul.f32 $1.442695020e+00, v14;
	_ =	sdelay $0x1  }
0x189: {  	(erf) = vpow2.f32 v58;
	_ =	sdelay $0x2  }
0x18a: {  	v59 =	vadd.s32 $0x9C40, v9  }
0x18b: {  	v60 =	vpop (erf)  }
0x18c: {  	v7 =	vmul.f32 v60, v7  }
0x18d: {  	v61 =	vadd.s32 $0xC350, v9  }
0x18e: {  	v62 =	vadd.s32 $0x4E20, v9  }
0x18f: {  	p0 =	sne.s32 s0, $0x780;
	v63 =	vadd.s32 $0x7530, v9;
	[tilespmem:v59+s24+$0x0] =	vst.idx.add.f32.msk $0xffff, v60;
	v8 =	vmul.f32 v60, v8  }
.Ltmp2:
0x190: {  	[tilespmem:v9+s24+$0x0] =	vst.idx.add.f32.msk $0xffff, v7;
	v7 =	vpop (erf);
	(pc) =	sbr.rel @p0 .LBB2_7-.Ltmp2, $4  }
0x191: {  	[tilespmem:v48+s24+$0x0] =	vst.idx.add.f32.msk $0xffff, v8;
	v8 =	vmul.f32 v7, v10  }
0x192: {  	[tilespmem:v61+s24+$0x0] =	vst.idx.add.f32.msk $0xffff, v7;
	v7 =	vmul.f32 v7, v11  }
0x193: {  	[tilespmem:v62+s24+$0x0] =	vst.idx.add.f32.msk $0xffff, v8  }
0x194: {  	s0 =	sadd.s32 $0x50, s0;
	s1 =	sadd.s32 $0x50, s1;
	s2 =	sadd.s32 $0x50, s2;
	[tilespmem:v63+s24+$0x0] =	vst.idx.add.f32.msk $0xffff, v7  }
0x195: {  	s31 =	sadd.s32 $0x1, s31  }
0x196: {  	p0 =	sne.s32 s31, $0x5  }
.Ltmp3:
0x197: {  	_ = 	snop;
	(pc) =	sbr.rel @p0 .LBB2_4-.Ltmp3, $1  }
0x198: {  	_ =	sdelay $0x3  }
0x199: {  	s29 =	sadd.s32 $0x1, s29  }
0x19a: {  	p0 =	sne.s32 s29, s14  }
.Ltmp4:
0x19b: {  	_ = 	snop;
	(pc) =	sbr.rel @p0 .LBB2_1-.Ltmp4, $4  }
0x19c: {  	[hbm4b:s13+s26] =	stream.strided.scatter [tilespmem:s24], [sflag:$0x3], $0xEA80, s28, s26, $0x38;
	[tilespmem:$0x1F680] =	vst v63  }
0x19d: {  	_ =	swait.ge [sflag:s15], $0xEA80  }
0x19e: {  	[sflag:s15] =	ssyncset.done $0x0  }
0x19f: {  	[sflag:s15] =	ssyncadd.s32 $0xFFFF1580  }
0x1a0: {  	_ =	sfence.sel $0x180000  }
0x1a1: {  	[bflag:$0x0] =	sbarrier.arrive $0xFFFF  }
0x1a2: {  	_ =	strace $0x90000047  }
0x1a3: {  	s0 =	stileid.u32;
	[bflag:$0x2] =	sbarrier.arrive $0xFFFF  }
0x1a4: {  	p0 =	sne.s32 s0, $0x0;
	s0 =	rddreg [dreg:$0x3]  }
0x1a5: {  	s0 =	sadd.s32 @!p0 $0x100000, s0  }
0x1a6: {  	[sflag:s0] =	ssyncadd.tile.s32 @!p0 $0x1;
	_ =	shalt  }
.Lfunc_end2:
_tile_overlayer_lowered:
.L_overlay_start_2:
0x1a7: {  	(tag) =	ssettag $0x2  }
0x1a8: {  	s0 =	rddreg [dreg:$0x0];
	s2 =	stileid.u32  }
0x1a9: {  	s1 =	rddreg [dreg:$0x1];
	p0 =	sne.s32 s2, $0x0  }
0x1aa: {  	s3 =	rddreg [dreg:$0x2];
	[bflag:$0x3] =	sbarrier.arrive $0xFFFF;
	s2 =	simm.s32 @!p0 $0x1C03  }
0x1ab: {  	[timem:s3], [sflag:s2] =	dma.local @!p0 [hbm:s0], s1  }
0x1ac: {  	s0 =	simm.s32 @!p0 $0x3  }
0x1ad: {  	_ =	swait.ge @!p0 [sflag:s0], s1  }
0x1ae: {  	s1 =	ssub.s32 @!p0 $0x0, s1;
	[sflag:s0] =	ssyncset.done @!p0 $0x0  }
0x1af: {  	[sflag:s0] =	ssyncadd.s32 @!p0 s1  }
0x1b0: {  	[bflag:$0x3] =	sbarrier.arrive $0xFFFF  }
0x1b1: {  	_ =	shalt  }

// kernel: kernel.16.cloned.1.call-start
scs
__scs_entry_jumppad:
0x0: {  	(pc) =	sbr.rel $0x88, $3  }
0x1: {  	(tag) =	ssettag $0x0;
	lr =	simm.s32 $0x1  }
0x2: {  	[smem:$0x3F8A] =	sst lr;
	_ =	strace $0xD0000000  }
0x3: {  	_ = 	snop  }
0x4: {  	_ = 	snop  }
0x5: {  	_ = 	snop  }
0x6: {  	_ = 	snop  }
0x7: {  	_ = 	snop  }
__scs_overlays_trampoline_lowered:
0x8: {  	[smem:$0x3F99] =	sst s0  }
0x9: {  	[smem:$0x3F9A] =	sst s1  }
0xa: {  	[smem:$0x3F9B] =	sst s2  }
0xb: {  	[smem:$0x3F9C] =	sst s3  }
0xc: {  	[smem:$0x3F9D] =	sst s4  }
0xd: {  	[smem:$0x3F9E] =	sst s5  }
0xe: {  	[smem:$0x3F9F] =	sst s6  }
0xf: {  	[smem:$0x3FA0] =	sst s7  }
0x10: {  	[smem:$0x3FA1] =	sst s8  }
0x11: {  	[smem:$0x3FA2] =	sst s9;
	s0 =	simm.s32 @!p0 $0x0  }
0x12: {  	s1 =	sld [smem:$0x3F88];
	s0 =	simm.s32 @p0 $0x1  }
0x13: {  	[smem:$0x3FA3] =	sst s0;
	s0 =	simm.s32 @!p1 $0x0  }
0x14: {  	s2 =	sld [smem:$0x3F87];
	s0 =	simm.s32 @p1 $0x1  }
0x15: {  	[smem:$0x3FA4] =	sst s0;
	s0 =	simm.s32 @!p2 $0x0  }
0x16: {  	s3 =	sld [smem:$0x3FDB];
	s0 =	simm.s32 @p2 $0x1  }
0x17: {  	s4 =	simm.s32 $0x1BF5;
	[smem:$0x3FA6] =	sst s0  }
0x18: {  	s0 =	sld [smem:$0x3F89];
	_ =	swait.ge [sflag:s4], $0x0  }
0x19: {  	s7 =	sld [smem:$0x3F8A]  }
0x1a: {  	s8 =	sadd.s32 $0xFFFFE003, lr  }
0x1b: {  	s9 =	sadd.s32 $0xFFFFFEF7, lr;
	s5 =	simm.s32 $0xFFFFFFFF;
	p2 =	slt.u32 s8, $0xFFFFF086  }
0x1c: {  	p1 =	slt.u32 s9, $0xF7A;
	s5 =	simm.s32 @!p2 $0x0  }
0x1d: {  	s5 =	simm.s32 @p1 $0x1;
	p0 =	seq.s32 s7, s2  }
0x1e: {  	s7 =	smul.u32 @!p0 $0xF7A, s2;
	p2 =	seq.s32 @!p0 s5, $0x0  }
0x1f: {  	s9 =	smul.u32 $0xF7A, s1;
	s8 =	simm.s32 @!p0 $0x1BF5;
	p2 =	por !p2, p0  }
0x20: {  	[sflag:s8] =	ssyncset.s32 @!p0 $0xFFFFF086;
	s6 =	sadd.s32 @!p0 s3, s7;
	s7 =	simm.s32 @!p0 $0x108  }
0x21: {  	s3 =	sadd.s32 s3, s9;
	s6 =	sadd.s32 @!p0 $0x88, s6;
	s7 =	simm.s32 @p2 $0x1082  }
0x22: {  	[simem:s7], [sflag:s8] =	dma.local @!p0 [hbm:s6], $0xF7A  }
0x23: {  	s9 =	sor.u32 $0xD0000000, s2;
	s6 =	simm.s32 $0x108;
	_ =	swait.ge @!p0 [sflag:s8], $0x0  }
0x24: {  	s3 =	sadd.s32 $0x88, s3;
	s6 =	simm.s32 @!p1 $0x1082;
	[sflag:s4] =	ssyncset.s32 $0xFFFFF086  }
0x25: {  	[simem:s6], [sflag:s4] =	dma.local [hbm:s3], $0xF7A  }
0x26: {  	[smem:$0x3F8A] =	sst s1;
	(tag) =	ssettag s2;
	_ =	strace s9  }
0x27: {  	s1 =	sld [smem:$0x3F9A]  }
0x28: {  	s2 =	sld [smem:$0x3F9B]  }
0x29: {  	s4 =	sld [smem:$0x3F9D]  }
0x2a: {  	p0 =	seq.s32 s5, $0x0;
	s5 =	sld [smem:$0x3F9E]  }
0x2b: {  	s6 =	sld [smem:$0x3F9F]  }
0x2c: {  	s7 =	sld [smem:$0x3FA0]  }
0x2d: {  	s3 =	simm.s32 $0x108;
	s8 =	sld [smem:$0x3FA1]  }
0x2e: {  	s3 =	simm.s32 @!p0 $0x1082;
	s9 =	sld [smem:$0x3FA2]  }
0x2f: {  	lr =	sadd.s32 s0, s3;
	s0 =	sld [smem:$0x3F99]  }
0x30: {  	s3 =	sld [smem:$0x3F9C]  }
0x31: {  	[smem:$0x3FA5] =	sst s10  }
0x32: {  	s10 =	sld [smem:$0x3FA3];
	_ =	sdelay $0x3  }
0x33: {  	p0 =	seq.s32 s10, $0x1;
	s10 =	sld [smem:$0x3FA5];
	_ =	sdelay $0x3  }
0x34: {  	[smem:$0x3FA5] =	sst s10  }
0x35: {  	s10 =	sld [smem:$0x3FA4];
	_ =	sdelay $0x3  }
0x36: {  	p1 =	seq.s32 s10, $0x1;
	s10 =	sld [smem:$0x3FA5];
	_ =	sdelay $0x3  }
0x37: {  	[smem:$0x3FA5] =	sst s10  }
0x38: {  	s10 =	sld [smem:$0x3FA6]  }
0x39: {  	_ = 	snop;
	(pc) =	sbr.ind lr, $3  }
0x3a: {  	_ = 	snop  }
0x3b: {  	_ = 	snop  }
0x3c: {  	p2 =	seq.s32 s10, $0x1;
	s10 =	sld [smem:$0x3FA5]  }
0x3d: {  	_ =	shalt  }
0x3e: {  	_ =	shalt  }
0x3f: {  	_ =	shalt  }
0x40: {  	_ =	shalt  }
0x41: {  	_ =	shalt  }
0x42: {  	_ =	shalt  }
0x43: {  	_ =	shalt  }
0x44: {  	_ =	shalt  }
0x45: {  	_ =	shalt  }
0x46: {  	_ =	shalt  }
0x47: {  	_ =	shalt  }
0x48: {  	_ =	shalt  }
0x49: {  	_ =	shalt  }
0x4a: {  	_ =	shalt  }
0x4b: {  	_ =	shalt  }
0x4c: {  	_ =	shalt  }
0x4d: {  	_ =	shalt  }
0x4e: {  	_ =	shalt  }
0x4f: {  	_ =	shalt  }
0x50: {  	_ =	shalt  }
0x51: {  	_ =	shalt  }
0x52: {  	_ =	shalt  }
0x53: {  	_ =	shalt  }
0x54: {  	_ =	shalt  }
0x55: {  	_ =	shalt  }
0x56: {  	_ =	shalt  }
0x57: {  	_ =	shalt  }
0x58: {  	_ =	shalt  }
0x59: {  	_ =	shalt  }
0x5a: {  	_ =	shalt  }
0x5b: {  	_ =	shalt  }
0x5c: {  	_ =	shalt  }
0x5d: {  	_ =	shalt  }
0x5e: {  	_ =	shalt  }
0x5f: {  	_ =	shalt  }
0x60: {  	_ =	shalt  }
0x61: {  	_ =	shalt  }
0x62: {  	_ =	shalt  }
0x63: {  	_ =	shalt  }
0x64: {  	_ =	shalt  }
0x65: {  	_ =	shalt  }
0x66: {  	_ =	shalt  }
0x67: {  	_ =	shalt  }
0x68: {  	_ =	shalt  }
0x69: {  	_ =	shalt  }
0x6a: {  	_ =	shalt  }
0x6b: {  	_ =	shalt  }
0x6c: {  	_ =	shalt  }
0x6d: {  	_ =	shalt  }
0x6e: {  	_ =	shalt  }
0x6f: {  	_ =	shalt  }
0x70: {  	_ =	shalt  }
0x71: {  	_ =	shalt  }
0x72: {  	_ =	shalt  }
0x73: {  	_ =	shalt  }
0x74: {  	_ =	shalt  }
0x75: {  	_ =	shalt  }
0x76: {  	_ =	shalt  }
0x77: {  	_ =	shalt  }
0x78: {  	_ =	shalt  }
0x79: {  	_ =	shalt  }
0x7a: {  	_ =	shalt  }
0x7b: {  	_ =	shalt  }
0x7c: {  	_ =	shalt  }
0x7d: {  	_ =	shalt  }
0x7e: {  	_ =	shalt  }
0x7f: {  	_ =	shalt  }
0x80: {  	_ =	shalt  }
0x81: {  	_ =	shalt  }
0x82: {  	_ =	shalt  }
0x83: {  	_ =	shalt  }
0x84: {  	_ =	shalt  }
0x85: {  	_ =	shalt  }
0x86: {  	_ =	shalt  }
0x87: {  	_ =	shalt  }
.Lfunc_end0:
.L_simem_size_0:
called_computation.1_lowered:
.L_overlay_start_0:
0x88: {  	s2 =	sld [smem:$0x3FD9]  }
0x89: {  	s3 =	sld [smem:$0x3FFE];
	_ =	sdelay $0x1  }
0x8a: {  	s1 =	srdreg.scid  }
0x8b: {  	s0 =	sand.u32 $0x1, s1  }
0x8c: {  	s14 =	sshll.u32 s0, $0xA;
	s2 =	sadd.s32 s3, s2  }
0x8d: {  	s2 =	sadd.s32 s2, s14  }
0x8e: {  	[smem:$0x3FB1] =	sst s2  }
0x8f: {  	_ = 	snop  }
0x90: {  	s2 =	sld [smem:$0x3FD0];
	_ =	sdelay $0x2  }
0x91: {  	s15 =	simm.s32 $0xA;
	s4 =	simm.s32 $0x10  }
0x92: {  	[smem:s4], [sflag:s15] =	dma.local [hbm:s2], $0x1  }
0x93: {  	_ =	swait.eq [sflag:s15], $0x1  }
0x94: {  	[sflag:s15] =	ssyncset.done $0x0  }
0x95: {  	s16 =	sld [smem:$0x10];
	[sflag:s15] =	ssyncadd.s32 $0xFFFFFFFF  }
0x96: {  	s17 =	sld [smem:$0x12];
	(tm) =	ssettm $0x1  }
0x97: {  	s18 =	sld [smem:$0x3FFB];
	_ =	sdelay $0x3  }
0x98: {  	_ =	strace s18  }
0x99: {  	s4 =	sld [smem:$0x3FFC];
	_ =	sdelay $0x3  }
0x9a: {  	_ =	strace s4  }
0x9b: {  	s4 =	sld [smem:$0x3FFD];
	_ =	sdelay $0x3  }
0x9c: {  	_ =	strace s4  }
0x9d: {  	_ =	strace $0x8FFFFFFF  }
0x9e: {  	s19 =	sld [smem:$0x3FDB];
	_ =	sdelay $0x1  }
0x9f: {  	s5 =	simm.s32 $_scs_section_size  }
0xa0: {  	s6 =	simm.s32 $_size__tile_overlayer_lowered;
	s7 =	simm.s32 $_tile_overlayer_lowered  }
0xa1: {  	s22 =	simm.s32 $0x1BFF;
	s21 =	sshll.u32 s7, $0x1;
	s4 =	sadd.s32 s5, s19  }
0xa2: {  	s8 =	simm.s32 $0x0;
	s20 =	sshll.u32 s6, $0x1;
	s6 =	sadd.s32 s21, s4  }
0xa3: {  	[timem:s8], [sflag:s22] =	dma.local [hbm:s6], s20  }
0xa4: {  	_ =	swait.ge [sflag:s22], s20  }
0xa5: {  	s5 =	ssub.s32 $0x0, s20;
	[sflag:s22] =	ssyncset.done $0x0  }
0xa6: {  	[sflag:s22] =	ssyncadd.s32 s5;
	_ =	sdelay $0x1  }
0xa7: {  	s23 =	simm.s32 $0x1B8B  }
0xa8: {  	_ =	swait.ge [sflag:s23], $0x1  }
0xa9: {  	[sflag:s23] =	ssyncset.done $0x0  }
0xaa: {  	s25 =	simm.s32 $0x1B8E;
	s24 =	sld [smem:$0x3FFE];
	[sflag:s23] =	ssyncadd.s32 $0xFFFFFFFF  }
0xab: {  	s26 =	simm.s32 $execute0_lowered;
	[smem:$0x3FD2] =	sst s25  }
0xac: {  	s6 =	sshll.u32 s26, $0x1;
	_ =	strace $0x80000049;
	[dreg:$0x1] =	wrdreg $0xFFFFFFFF  }
0xad: {  	s28 =	simm.s32 $_size_execute0_lowered;
	s4 =	sadd.s32 s4, s6;
	[dreg:$0x0] =	wrdreg $0x0  }
0xae: {  	s6 =	sshll.u32 s28, $0x1;
	[dreg:$0x2] =	wrdreg s4  }
0xaf: {  	[dreg:$0x3] =	wrdreg s6  }
0xb0: {  	[dreg:$0x4] =	wrdreg $0xC0  }
0xb1: {  	_ =	task [dreg:s8], $0x5FFFF  }
0xb2: {  	[dreg:$0x1] =	wrdreg $0xFFFFFFFF  }
0xb3: {  	[dreg:$0x0] =	wrdreg $0x60  }
0xb4: {  	[dreg:$0x2] =	wrdreg s24  }
0xb5: {  	[dreg:$0x3] =	wrdreg s16  }
0xb6: {  	[dreg:$0x4] =	wrdreg s17  }
0xb7: {  	[dreg:$0x5] =	wrdreg $0x9  }
0xb8: {  	_ =	task.clear_ibuf [dreg:s8], $0x6FFFF;
	_ =	strace $0x90000049  }
0xb9: {  	s29 =	simm.s32 $0x9;
	_ =	strace $0x8000004B  }
0xba: {  	_ =	swait.ge [sflag:s29], $0x1  }
0xbb: {  	[sflag:s29] =	ssyncadd.s32 $0xFFFFFFFF  }
0xbc: {  	_ =	strace $0x9000004B  }
0xbd: {  	_ =	sfence  }
0xbe: {  	s30 =	sld [smem:$0x0];
	_ =	sdelay $0x2  }
0xbf: {  	s31 =	sshll.u32 s1, $0xD;
	s1 =	sshrl.u32 s1, $0x2  }
0xc0: {  	s3 =	sand.u32 $0x4000, s31;
	s1 =	sadd.s32 s1, s30  }
0xc1: {  	s0 =	sor.u32 s3, s0;
	s1 =	sshll.u32 s1, $0x11  }
0xc2: {  	s0 =	sor.u32 s1, s0  }
0xc3: {  	s0 =	sadd.s32 $0x8F2B, s0  }
0xc4: {  	[sflag:s0] =	ssyncadd.remote.s32 $0x1  }
0xc5: {  	_ =	sfence.sel $0xFFFF  }
0xc6: {  	[dreg:$0x0] =	wrdreg $0xFFFFFFFF;
	(pc) =	sbr.abs _section_cstart, $3  }
0xc7: {  	[dreg:$0x1] =	wrdreg $0xFFFFFFFF  }
0xc8: {  	_ =	task.clear_ibuf [dreg:s8], $0x2FFFF;
	_ =	strace $0x9FFFFFFF  }
0xc9: {  	(tm) =	ssettm $0x7FFFFFFF  }
tec
execute0_lowered:
.L_overlay_start_1:
0x0: {  	(tag) =	ssettag $0x1  }
0x1: {  	s0 =	rddreg [dreg:$0x0]  }
0x2: {  	s1 =	srdreg.scid;
	s3 =	stileid.u32;
	s4 =	simm.s32 $0x0  }
0x3: {  	s15 =	simm.s32 $0x3;
	s16 =	simm.s32 $0x4E80;
	s17 =	simm.s32 $0x9D00  }
0x4: {  	s18 =	simm.s32 $0x9D80;
	s19 =	simm.s32 $0x13A80;
	s20 =	simm.s32 $0x14A80  }
0x5: {  	s21 =	simm.s32 $0x1;
	s22 =	simm.s32 $0x14250;
	s23 =	simm.s32 $0x15250  }
0x6: {  	s24 =	simm.s32 $0x9E00;
	s25 =	simm.s32 $0x2;
	s26 =	simm.s32 $0x80  }
0x7: {  	s28 =	simm.s32 $0x400;
	s29 =	simm.s32 $0x0;
	s30 =	simm.s32 $0x0  }
0x8: {  	s1 =	sand.u32 $0x1, s1;
	s2 =	sshll.u32 s3, $0x1;
	[smem:$0x7FF] =	sst s4  }
0x9: {  	s5 =	sshrl.u32 s3, $0x2;
	s6 =	sadd.s32 $0x3200, s0;
	s2 =	sor.u32 s1, s2  }
0xa: {  	_ =	strace $0x8000004A;
	s8 =	smul.u32 $0x4E400, s5;
	s5 =	sadd.s32 $0x2800, s0  }
0xb: {  	s1 =	ssub.s32 $0x2, s1;
	s7 =	sshll.u32 s2, $0x7;
	s2 =	smul.u32 $0x4E20, s2  }
0xc: {  	s31 =	sshrl.u32 s1, $0x1;
	s9 =	sand.u32 $0x380, s7;
	s7 =	sadd.s32 $0x18000, s0  }
0xd: {  	s1 =	ssub.s32 s1, s31;
	s9 =	sor.u32 s8, s9;
	s8 =	sadd.s32 $0x4600, s0  }
0xe: {  	s10 =	sshrl.u32 s2, $0x3;
	s11 =	sadd.s32 $0x7D0, s2;
	s9 =	sshrl.u32 s9, $0x3  }
0xf: {  	s12 =	sadd.s32 $0xFA0, s2;
	s14 =	smax.u32 s1, $0x1;
	s0 =	sadd.s32 s9, s0  }
0x10: {  	v0 =	vimm.f32 $0.0e+00;
	s9 =	sadd.s32 s7, s10;
	s10 =	sadd.s32 s8, s10;
	s13 =	sadd.s32 $0x2BA00, s0  }
.LBB2_1:
0x11: {  	[tilespmem:s4], [sflag:$0x3] =	stream.linear.gather [hbm4b:s5+s4], $0x4E80, $0x38;
	[tilespmem:$0x15A80] =	vst v63  }
0x12: {  	_ =	swait.ge [sflag:s15], $0x4E80  }
0x13: {  	[sflag:s15] =	ssyncset.done $0x0  }
0x14: {  	[sflag:s15] =	ssyncadd.s32 $0xFFFFB180  }
0x15: {  	[tilespmem:s16], [sflag:$0x3] =	stream.linear.gather [hbm4b:s6+s4], $0x4E80, $0x38;
	[tilespmem:$0x15A80] =	vst v63  }
0x16: {  	_ =	swait.ge [sflag:s15], $0x4E80  }
0x17: {  	[sflag:s15] =	ssyncset.done $0x0  }
0x18: {  	[sflag:s15] =	ssyncadd.s32 $0xFFFFB180  }
0x19: {  	s0 =	rddreg [dreg:$0x1]  }
0x1a: {  	[tilespmem:s17], [sflag:$0x3] =	stream.linear.gather [hbm4b:s0+s4], $0x80, $0x38;
	[tilespmem:$0x15A80] =	vst v63  }
0x1b: {  	_ =	swait.ge [sflag:s15], $0x80  }
0x1c: {  	[sflag:s15] =	ssyncset.done $0x0  }
0x1d: {  	[sflag:s15] =	ssyncadd.s32 $0xFFFFFF80  }
0x1e: {  	s31 =	rddreg [dreg:$0x2]  }
0x1f: {  	[tilespmem:s18], [sflag:$0x3] =	stream.linear.gather [hbm4b:s31+s4], $0x80, $0x38;
	[tilespmem:$0x15A80] =	vst v63  }
0x20: {  	_ =	swait.ge [sflag:s15], $0x80  }
0x21: {  	[sflag:s15] =	ssyncset.done $0x0  }
0x22: {  	s1 =	simm.s32 $0x140;
	s0 =	simm.s32 $0x0;
	[sflag:s15] =	ssyncadd.s32 $0xFFFFFF80  }
.LBB2_2:
0x23: {  	p0 =	sne.s32 s1, $0x26FC0;
	[tilespmem:s0+$0x9E40] =	vst v0;
	s2 =	smov.u32 s1;
	s1 =	sadd.s32 $0x140, s1  }
.Ltmp0:
0x24: {  	[tilespmem:s0+$0x9E30] =	vst v0;
	(pc) =	sbr.rel @p0 .LBB2_2-.Ltmp0, $4  }
0x25: {  	[tilespmem:s0+$0x9E20] =	vst v0  }
0x26: {  	[tilespmem:s0+$0x9E00] =	vst v0  }
0x27: {  	[tilespmem:s0+$0x9E10] =	vst v0  }
0x28: {  	s0 =	sshra.s32 s2, $0x2  }
0x29: {  	[tilespmem:s0+$0x9E40] =	vst v0  }
0x2a: {  	[tilespmem:s0+$0x9E30] =	vst v0  }
0x2b: {  	[tilespmem:s0+$0x9E20] =	vst v0  }
0x2c: {  	[tilespmem:s0+$0x9E00] =	vst v0  }
0x2d: {  	[tilespmem:s0+$0x9E10] =	vst v0  }
0x2e: {  	v1 =	vld [tilespmem:$0x9D00]  }
0x2f: {  	v2 =	vld [tilespmem:$0x9D10]  }
0x30: {  	v3 =	vld [tilespmem:$0x9D80]  }
0x31: {  	v4 =	vld [tilespmem:$0x9D90];
	[tilespmem:s19], [sflag:$0x1] =	stream.linear.gather [hbm4b:s9+s30], $0x7D0, $0x38  }
0x32: {  	s31 =	simm.s32 $0x0  }
0x33: {  	[tilespmem:s20], [sflag:$0x1] =	stream.linear.gather [hbm4b:s10+s30], $0x7D0, $0x38;
	[tilespmem:$0x15A80] =	vst v63  }
.LBB2_4:
0x34: {  	_ =	swait.ge [sflag:s21], $0x7D0  }
0x35: {  	s0 =	smul.u32 $0xFA0, s31;
	[sflag:s21] =	ssyncset.done $0x0  }
0x36: {  	[sflag:s21] =	ssyncadd.s32 $0xFFFFF830  }
0x37: {  	s1 =	sadd.s32 s0, s11;
	_ =	swait.ge [sflag:s21], $0x7D0  }
0x38: {  	s1 =	sshrl.u32 s1, $0x3;
	[sflag:s21] =	ssyncset.done $0x0  }
0x39: {  	s2 =	sadd.s32 s7, s1;
	[sflag:s21] =	ssyncadd.s32 $0xFFFFF830  }
0x3a: {  	[tilespmem:s22], [sflag:$0x2] =	stream.linear.gather [hbm4b:s2+s30], $0x7D0, $0x38;
	[tilespmem:$0x15A80] =	vst v63  }
0x3b: {  	s1 =	sadd.s32 s8, s1  }
0x3c: {  	[tilespmem:s23], [sflag:$0x2] =	stream.linear.gather [hbm4b:s1+s30], $0x7D0, $0x38;
	[tilespmem:$0x15A80] =	vst v63  }
0x3d: {  	s1 =	simm.s32 $0x0  }
.LBB2_5:
0x3e: {  	s2 =	sshra.s32 s1, $0x2  }
0x3f: {  	v5 =	vld [tilespmem:s2+$0x13A80];
	_ =	sdelay $0x1  }
0x40: {  	v6 =	vld [tilespmem:s2+$0x14A80];
	_ =	sdelay $0x3  }
0x41: {  	v7 =	vadd.s32 $0x2710, v5;
	_ =	sdelay $0x1  }
0x42: {  	v8 =	vadd.s32 $0x2710, v6;
	v5 =	vld.idx.msk [tilespmem:v5+s4+$0x0], $0xffff;
	_ =	sdelay $0x1  }
0x43: {  	v9 =	vld.idx.msk [tilespmem:v6+s16+$0x0], $0xffff  }
0x44: {  	v7 =	vld.idx.msk [tilespmem:v7+s4+$0x0], $0xffff;
	_ =	sdelay $0x1  }
0x45: {  	v10 =	vld.idx.msk [tilespmem:v8+s16+$0x0], $0xffff;
	v11 =	vmul.f32 v5, v1;
	_ =	sdelay $0x1  }
0x46: {  	v11 =	vadd.f32 v9, v11  }
0x47: {  	v9 =	vadd.f32 v9, v3;
	v12 =	vmul.f32 v7, v2  }
0x48: {  	v13 =	vmul.f32 $2.000000030e-01, v11  }
0x49: {  	v14 =	vmul.f32 $2.000000030e-01, v9;
	v12 =	vadd.f32 v10, v12;
	v10 =	vadd.f32 v10, v4  }
0x4a: {  	v11 =	vmax.f32 v11, v13  }
0x4b: {  	v9 =	vmax.f32 v9, v14;
	v52 =	vmul.f32 $2.000000030e-01, v12;
	v53 =	vmul.f32 $2.000000030e-01, v10  }
0x4c: {  	v9 =	vsub.f32 v11, v9  }
0x4d: {  	v54 =	vmax.f32 v12, v52;
	v10 =	vmax.f32 v10, v53  }
0x4e: {  	v9 =	vmul.f32 $1.442695020e+00, v9;
	v10 =	vsub.f32 v54, v10;
	_ =	sdelay $0x1  }
0x4f: {  	(erf) = vpow2.f32 v9;
	v55 =	vmul.f32 $1.442695020e+00, v10;
	_ =	sdelay $0x1  }
0x50: {  	(erf) = vpow2.f32 v55;
	_ =	sdelay $0x3  }
0x51: {  	v56 =	vadd.s32 $0x4E20, v6;
	_ =	sdelay $0x1  }
0x52: {  	v57 =	vadd.s32 $0x7530, v6  }
0x53: {  	v58 =	vpop (erf)  }
0x54: {  	v5 =	vmul.f32 v58, v5  }
0x55: {  	[tilespmem:v56+s24+$0x0] =	vst.idx.add.f32.msk $0xffff, v58;
	v59 =	vpop (erf)  }
0x56: {  	[tilespmem:v6+s24+$0x0] =	vst.idx.add.f32.msk $0xffff, v5;
	v5 =	vmul.f32 v59, v7  }
0x57: {  	[tilespmem:v57+s24+$0x0] =	vst.idx.add.f32.msk $0xffff, v59  }
0x58: {  	[tilespmem:v8+s24+$0x0] =	vst.idx.add.f32.msk $0xffff, v5  }
0x59: {  	v5 =	vld [tilespmem:s2+$0x13A90];
	_ =	sdelay $0x1  }
0x5a: {  	v6 =	vld [tilespmem:s2+$0x14A90];
	_ =	sdelay $0x3  }
0x5b: {  	v7 =	vadd.s32 $0x2710, v5;
	_ =	sdelay $0x1  }
0x5c: {  	v60 =	vadd.s32 $0x2710, v6;
	v5 =	vld.idx.msk [tilespmem:v5+s4+$0x0], $0xffff;
	_ =	sdelay $0x1  }
0x5d: {  	v9 =	vld.idx.msk [tilespmem:v6+s16+$0x0], $0xffff  }
0x5e: {  	v7 =	vld.idx.msk [tilespmem:v7+s4+$0x0], $0xffff;
	_ =	sdelay $0x1  }
0x5f: {  	v10 =	vld.idx.msk [tilespmem:v60+s16+$0x0], $0xffff;
	v61 =	vmul.f32 v5, v1;
	_ =	sdelay $0x1  }
0x60: {  	v11 =	vadd.f32 v9, v61  }
0x61: {  	v9 =	vadd.f32 v9, v3;
	v62 =	vmul.f32 v7, v2  }
0x62: {  	v63 =	vmul.f32 $2.000000030e-01, v11  }
0x63: {  	v16 =	vmul.f32 $2.000000030e-01, v9;
	v12 =	vadd.f32 v10, v62;
	v10 =	vadd.f32 v10, v4  }
0x64: {  	v11 =	vmax.f32 v11, v63  }
0x65: {  	v9 =	vmax.f32 v9, v16;
	v17 =	vmul.f32 $2.000000030e-01, v12;
	v18 =	vmul.f32 $2.000000030e-01, v10  }
0x66: {  	v9 =	vsub.f32 v11, v9  }
0x67: {  	v19 =	vmax.f32 v12, v17;
	v10 =	vmax.f32 v10, v18  }
0x68: {  	v9 =	vmul.f32 $1.442695020e+00, v9;
	v10 =	vsub.f32 v19, v10;
	_ =	sdelay $0x1  }
0x69: {  	(erf) = vpow2.f32 v9;
	v20 =	vmul.f32 $1.442695020e+00, v10;
	_ =	sdelay $0x1  }
0x6a: {  	(erf) = vpow2.f32 v20;
	_ =	sdelay $0x3  }
0x6b: {  	v21 =	vadd.s32 $0x4E20, v6;
	_ =	sdelay $0x1  }
0x6c: {  	v22 =	vadd.s32 $0x7530, v6  }
0x6d: {  	v23 =	vpop (erf)  }
0x6e: {  	v5 =	vmul.f32 v23, v5  }
0x6f: {  	[tilespmem:v21+s24+$0x0] =	vst.idx.add.f32.msk $0xffff, v23;
	v24 =	vpop (erf)  }
0x70: {  	[tilespmem:v6+s24+$0x0] =	vst.idx.add.f32.msk $0xffff, v5;
	v5 =	vmul.f32 v24, v7  }
0x71: {  	[tilespmem:v22+s24+$0x0] =	vst.idx.add.f32.msk $0xffff, v24  }
0x72: {  	[tilespmem:v60+s24+$0x0] =	vst.idx.add.f32.msk $0xffff, v5  }
0x73: {  	v5 =	vld [tilespmem:s2+$0x13AA0];
	_ =	sdelay $0x1  }
0x74: {  	v6 =	vld [tilespmem:s2+$0x14AA0];
	_ =	sdelay $0x3  }
0x75: {  	v7 =	vadd.s32 $0x2710, v5;
	_ =	sdelay $0x1  }
0x76: {  	v25 =	vadd.s32 $0x2710, v6;
	v5 =	vld.idx.msk [tilespmem:v5+s4+$0x0], $0xffff;
	_ =	sdelay $0x1  }
0x77: {  	v9 =	vld.idx.msk [tilespmem:v6+s16+$0x0], $0xffff  }
0x78: {  	v7 =	vld.idx.msk [tilespmem:v7+s4+$0x0], $0xffff;
	_ =	sdelay $0x1  }
0x79: {  	v10 =	vld.idx.msk [tilespmem:v25+s16+$0x0], $0xffff;
	v26 =	vmul.f32 v5, v1;
	_ =	sdelay $0x1  }
0x7a: {  	v11 =	vadd.f32 v9, v26  }
0x7b: {  	v9 =	vadd.f32 v9, v3;
	v27 =	vmul.f32 v7, v2  }
0x7c: {  	v28 =	vmul.f32 $2.000000030e-01, v11  }
0x7d: {  	v29 =	vmul.f32 $2.000000030e-01, v9;
	v12 =	vadd.f32 v10, v27;
	v10 =	vadd.f32 v10, v4  }
0x7e: {  	v11 =	vmax.f32 v11, v28  }
0x7f: {  	v9 =	vmax.f32 v9, v29;
	v30 =	vmul.f32 $2.000000030e-01, v12;
	v31 =	vmul.f32 $2.000000030e-01, v10  }
0x80: {  	v9 =	vsub.f32 v11, v9  }
0x81: {  	v32 =	vmax.f32 v12, v30;
	v10 =	vmax.f32 v10, v31  }
0x82: {  	v9 =	vmul.f32 $1.442695020e+00, v9;
	v10 =	vsub.f32 v32, v10;
	_ =	sdelay $0x1  }
0x83: {  	(erf) = vpow2.f32 v9;
	v33 =	vmul.f32 $1.442695020e+00, v10;
	_ =	sdelay $0x1  }
0x84: {  	(erf) = vpow2.f32 v33;
	_ =	sdelay $0x3  }
0x85: {  	v34 =	vadd.s32 $0x4E20, v6;
	_ =	sdelay $0x1  }
0x86: {  	v35 =	vadd.s32 $0x7530, v6  }
0x87: {  	v36 =	vpop (erf)  }
0x88: {  	v5 =	vmul.f32 v36, v5  }
0x89: {  	[tilespmem:v34+s24+$0x0] =	vst.idx.add.f32.msk $0xffff, v36;
	v37 =	vpop (erf)  }
0x8a: {  	[tilespmem:v6+s24+$0x0] =	vst.idx.add.f32.msk $0xffff, v5;
	v5 =	vmul.f32 v37, v7  }
0x8b: {  	[tilespmem:v35+s24+$0x0] =	vst.idx.add.f32.msk $0xffff, v37  }
0x8c: {  	[tilespmem:v25+s24+$0x0] =	vst.idx.add.f32.msk $0xffff, v5  }
0x8d: {  	v5 =	vld [tilespmem:s2+$0x13AB0];
	_ =	sdelay $0x1  }
0x8e: {  	v6 =	vld [tilespmem:s2+$0x14AB0];
	_ =	sdelay $0x3  }
0x8f: {  	v7 =	vadd.s32 $0x2710, v5;
	_ =	sdelay $0x1  }
0x90: {  	v38 =	vadd.s32 $0x2710, v6;
	v5 =	vld.idx.msk [tilespmem:v5+s4+$0x0], $0xffff;
	_ =	sdelay $0x1  }
0x91: {  	v9 =	vld.idx.msk [tilespmem:v6+s16+$0x0], $0xffff  }
0x92: {  	v7 =	vld.idx.msk [tilespmem:v7+s4+$0x0], $0xffff;
	_ =	sdelay $0x1  }
0x93: {  	v10 =	vld.idx.msk [tilespmem:v38+s16+$0x0], $0xffff;
	v39 =	vmul.f32 v5, v1;
	_ =	sdelay $0x1  }
0x94: {  	v11 =	vadd.f32 v9, v39  }
0x95: {  	v9 =	vadd.f32 v9, v3;
	v40 =	vmul.f32 v7, v2  }
0x96: {  	v41 =	vmul.f32 $2.000000030e-01, v11  }
0x97: {  	v42 =	vmul.f32 $2.000000030e-01, v9;
	v12 =	vadd.f32 v10, v40;
	v10 =	vadd.f32 v10, v4  }
0x98: {  	v11 =	vmax.f32 v11, v41  }
0x99: {  	v9 =	vmax.f32 v9, v42;
	v43 =	vmul.f32 $2.000000030e-01, v12;
	v44 =	vmul.f32 $2.000000030e-01, v10  }
0x9a: {  	v9 =	vsub.f32 v11, v9  }
0x9b: {  	v45 =	vmax.f32 v12, v43;
	v10 =	vmax.f32 v10, v44  }
0x9c: {  	v9 =	vmul.f32 $1.442695020e+00, v9;
	v10 =	vsub.f32 v45, v10;
	_ =	sdelay $0x1  }
0x9d: {  	(erf) = vpow2.f32 v9;
	v46 =	vmul.f32 $1.442695020e+00, v10;
	_ =	sdelay $0x1  }
0x9e: {  	(erf) = vpow2.f32 v46;
	_ =	sdelay $0x3  }
0x9f: {  	v47 =	vadd.s32 $0x4E20, v6;
	_ =	sdelay $0x1  }
0xa0: {  	v48 =	vadd.s32 $0x7530, v6  }
0xa1: {  	v49 =	vpop (erf)  }
0xa2: {  	v5 =	vmul.f32 v49, v5  }
0xa3: {  	[tilespmem:v47+s24+$0x0] =	vst.idx.add.f32.msk $0xffff, v49;
	v50 =	vpop (erf)  }
0xa4: {  	[tilespmem:v6+s24+$0x0] =	vst.idx.add.f32.msk $0xffff, v5;
	v5 =	vmul.f32 v50, v7  }
0xa5: {  	[tilespmem:v48+s24+$0x0] =	vst.idx.add.f32.msk $0xffff, v50  }
0xa6: {  	[tilespmem:v38+s24+$0x0] =	vst.idx.add.f32.msk $0xffff, v5  }
0xa7: {  	v5 =	vld [tilespmem:s2+$0x13AC0];
	_ =	sdelay $0x1  }
0xa8: {  	v6 =	vld [tilespmem:s2+$0x14AC0];
	_ =	sdelay $0x3  }
0xa9: {  	v7 =	vadd.s32 $0x2710, v5;
	_ =	sdelay $0x1  }
0xaa: {  	v51 =	vadd.s32 $0x2710, v6;
	v5 =	vld.idx.msk [tilespmem:v5+s4+$0x0], $0xffff;
	_ =	sdelay $0x1  }
0xab: {  	v9 =	vld.idx.msk [tilespmem:v6+s16+$0x0], $0xffff  }
0xac: {  	v7 =	vld.idx.msk [tilespmem:v7+s4+$0x0], $0xffff;
	_ =	sdelay $0x1  }
0xad: {  	v10 =	vld.idx.msk [tilespmem:v51+s16+$0x0], $0xffff;
	v52 =	vmul.f32 v5, v1;
	_ =	sdelay $0x1  }
0xae: {  	v11 =	vadd.f32 v9, v52  }
0xaf: {  	v9 =	vadd.f32 v9, v3;
	v53 =	vmul.f32 v7, v2  }
0xb0: {  	v54 =	vmul.f32 $2.000000030e-01, v11  }
0xb1: {  	v55 =	vmul.f32 $2.000000030e-01, v9;
	v12 =	vadd.f32 v10, v53;
	v10 =	vadd.f32 v10, v4  }
0xb2: {  	v11 =	vmax.f32 v11, v54  }
0xb3: {  	v9 =	vmax.f32 v9, v55;
	v56 =	vmul.f32 $2.000000030e-01, v12;
	v57 =	vmul.f32 $2.000000030e-01, v10  }
0xb4: {  	v9 =	vsub.f32 v11, v9  }
0xb5: {  	v58 =	vmax.f32 v12, v56;
	v10 =	vmax.f32 v10, v57  }
0xb6: {  	v9 =	vmul.f32 $1.442695020e+00, v9;
	v10 =	vsub.f32 v58, v10;
	_ =	sdelay $0x1  }
0xb7: {  	(erf) = vpow2.f32 v9;
	v59 =	vmul.f32 $1.442695020e+00, v10;
	_ =	sdelay $0x1  }
0xb8: {  	(erf) = vpow2.f32 v59;
	_ =	sdelay $0x3  }
0xb9: {  	v60 =	vadd.s32 $0x4E20, v6;
	_ =	sdelay $0x1  }
0xba: {  	v61 =	vadd.s32 $0x7530, v6  }
0xbb: {  	p0 =	sne.s32 s1, $0x1E00;
	v62 =	vpop (erf)  }
.Ltmp1:
0xbc: {  	v5 =	vmul.f32 v62, v5;
	(pc) =	sbr.rel @p0 .LBB2_5-.Ltmp1, $4  }
0xbd: {  	[tilespmem:v60+s24+$0x0] =	vst.idx.add.f32.msk $0xffff, v62;
	v63 =	vpop (erf)  }
0xbe: {  	[tilespmem:v6+s24+$0x0] =	vst.idx.add.f32.msk $0xffff, v5;
	v5 =	vmul.f32 v63, v7  }
0xbf: {  	[tilespmem:v61+s24+$0x0] =	vst.idx.add.f32.msk $0xffff, v63  }
0xc0: {  	s1 =	sadd.s32 $0x140, s1;
	[tilespmem:v51+s24+$0x0] =	vst.idx.add.f32.msk $0xffff, v5  }
0xc1: {  	_ =	swait.ge [sflag:s25], $0x7D0  }
0xc2: {  	[sflag:s25] =	ssyncset.done $0x0  }
0xc3: {  	p0 =	seq.s32 s31, $0x4;
	[sflag:s25] =	ssyncadd.s32 $0xFFFFF830  }
0xc4: {  	s0 =	sadd.s32 @!p0 s0, s12;
	_ =	swait.ge [sflag:s25], $0x7D0  }
0xc5: {  	s2 =	simm.s32 @!p0 $0x0;
	s0 =	sshrl.u32 @!p0 s0, $0x3;
	[sflag:s25] =	ssyncset.done $0x0  }
0xc6: {  	s3 =	simm.s32 @!p0 $0x13A80;
	s1 =	sadd.s32 @!p0 s7, s0;
	[sflag:s25] =	ssyncadd.s32 $0xFFFFF830  }
0xc7: {  	[tilespmem:s3], [sflag:$0x1] =	stream.linear.gather @!p0 [hbm4b:s1+s2], $0x7D0, $0x38;
	[tilespmem:$0x15A80] =	vst v63  }
0xc8: {  	s0 =	sadd.s32 @!p0 s8, s0;
	s1 =	simm.s32 @!p0 $0x14A80  }
0xc9: {  	[tilespmem:s1], [sflag:$0x1] =	stream.linear.gather @!p0 [hbm4b:s0+s2], $0x7D0, $0x38;
	[tilespmem:$0x15A80] =	vst v63  }
0xca: {  	s0 =	simm.s32 $0x0;
	s1 =	simm.s32 $0x14290;
	s2 =	simm.s32 $0x15290  }
.LBB2_7:
0xcb: {  	v5 =	vld [tilespmem:s1+$0xFFFFFFC0];
	_ =	sdelay $0x1  }
0xcc: {  	v6 =	vld [tilespmem:s2+$0xFFFFFFC0];
	_ =	sdelay $0x3  }
0xcd: {  	v7 =	vadd.s32 $0x2710, v5;
	_ =	sdelay $0x1  }
0xce: {  	v8 =	vadd.s32 $0x2710, v6;
	v5 =	vld.idx.msk [tilespmem:v5+s4+$0x0], $0xffff;
	_ =	sdelay $0x1  }
0xcf: {  	v9 =	vld.idx.msk [tilespmem:v6+s16+$0x0], $0xffff  }
0xd0: {  	v7 =	vld.idx.msk [tilespmem:v7+s4+$0x0], $0xffff;
	_ =	sdelay $0x1  }
0xd1: {  	v10 =	vld.idx.msk [tilespmem:v8+s16+$0x0], $0xffff;
	v11 =	vmul.f32 v5, v1;
	_ =	sdelay $0x1  }
0xd2: {  	v11 =	vadd.f32 v9, v11  }
0xd3: {  	v9 =	vadd.f32 v9, v3;
	v12 =	vmul.f32 v7, v2  }
0xd4: {  	v13 =	vmul.f32 $2.000000030e-01, v11  }
0xd5: {  	v14 =	vmul.f32 $2.000000030e-01, v9;
	v12 =	vadd.f32 v10, v12;
	v10 =	vadd.f32 v10, v4  }
0xd6: {  	v11 =	vmax.f32 v11, v13  }
0xd7: {  	v9 =	vmax.f32 v9, v14;
	v52 =	vmul.f32 $2.000000030e-01, v12;
	v53 =	vmul.f32 $2.000000030e-01, v10  }
0xd8: {  	v9 =	vsub.f32 v11, v9  }
0xd9: {  	v54 =	vmax.f32 v12, v52;
	v10 =	vmax.f32 v10, v53  }
0xda: {  	v9 =	vmul.f32 $1.442695020e+00, v9;
	v10 =	vsub.f32 v54, v10;
	_ =	sdelay $0x1  }
0xdb: {  	(erf) = vpow2.f32 v9;
	v55 =	vmul.f32 $1.442695020e+00, v10;
	_ =	sdelay $0x1  }
0xdc: {  	(erf) = vpow2.f32 v55;
	_ =	sdelay $0x3  }
0xdd: {  	v56 =	vadd.s32 $0x4E20, v6;
	_ =	sdelay $0x1  }
0xde: {  	v57 =	vadd.s32 $0x7530, v6  }
0xdf: {  	v58 =	vpop (erf)  }
0xe0: {  	v5 =	vmul.f32 v58, v5  }
0xe1: {  	[tilespmem:v56+s24+$0x0] =	vst.idx.add.f32.msk $0xffff, v58;
	v59 =	vpop (erf)  }
0xe2: {  	[tilespmem:v6+s24+$0x0] =	vst.idx.add.f32.msk $0xffff, v5;
	v5 =	vmul.f32 v59, v7  }
0xe3: {  	[tilespmem:v57+s24+$0x0] =	vst.idx.add.f32.msk $0xffff, v59  }
0xe4: {  	[tilespmem:v8+s24+$0x0] =	vst.idx.add.f32.msk $0xffff, v5  }
0xe5: {  	v5 =	vld [tilespmem:s1+$0xFFFFFFD0];
	_ =	sdelay $0x1  }
0xe6: {  	v6 =	vld [tilespmem:s2+$0xFFFFFFD0];
	_ =	sdelay $0x3  }
0xe7: {  	v7 =	vadd.s32 $0x2710, v5;
	_ =	sdelay $0x1  }
0xe8: {  	v60 =	vadd.s32 $0x2710, v6;
	v5 =	vld.idx.msk [tilespmem:v5+s4+$0x0], $0xffff;
	_ =	sdelay $0x1  }
0xe9: {  	v9 =	vld.idx.msk [tilespmem:v6+s16+$0x0], $0xffff  }
0xea: {  	v7 =	vld.idx.msk [tilespmem:v7+s4+$0x0], $0xffff;
	_ =	sdelay $0x1  }
0xeb: {  	v10 =	vld.idx.msk [tilespmem:v60+s16+$0x0], $0xffff;
	v61 =	vmul.f32 v5, v1;
	_ =	sdelay $0x1  }
0xec: {  	v11 =	vadd.f32 v9, v61  }
0xed: {  	v9 =	vadd.f32 v9, v3;
	v62 =	vmul.f32 v7, v2  }
0xee: {  	v63 =	vmul.f32 $2.000000030e-01, v11  }
0xef: {  	v16 =	vmul.f32 $2.000000030e-01, v9;
	v12 =	vadd.f32 v10, v62;
	v10 =	vadd.f32 v10, v4  }
0xf0: {  	v11 =	vmax.f32 v11, v63  }
0xf1: {  	v9 =	vmax.f32 v9, v16;
	v17 =	vmul.f32 $2.000000030e-01, v12;
	v18 =	vmul.f32 $2.000000030e-01, v10  }
0xf2: {  	v9 =	vsub.f32 v11, v9  }
0xf3: {  	v19 =	vmax.f32 v12, v17;
	v10 =	vmax.f32 v10, v18  }
0xf4: {  	v9 =	vmul.f32 $1.442695020e+00, v9;
	v10 =	vsub.f32 v19, v10;
	_ =	sdelay $0x1  }
0xf5: {  	(erf) = vpow2.f32 v9;
	v20 =	vmul.f32 $1.442695020e+00, v10;
	_ =	sdelay $0x1  }
0xf6: {  	(erf) = vpow2.f32 v20;
	_ =	sdelay $0x3  }
0xf7: {  	v21 =	vadd.s32 $0x4E20, v6;
	_ =	sdelay $0x1  }
0xf8: {  	v22 =	vadd.s32 $0x7530, v6  }
0xf9: {  	v23 =	vpop (erf)  }
0xfa: {  	v5 =	vmul.f32 v23, v5  }
0xfb: {  	[tilespmem:v21+s24+$0x0] =	vst.idx.add.f32.msk $0xffff, v23;
	v24 =	vpop (erf)  }
0xfc: {  	[tilespmem:v6+s24+$0x0] =	vst.idx.add.f32.msk $0xffff, v5;
	v5 =	vmul.f32 v24, v7  }
0xfd: {  	[tilespmem:v22+s24+$0x0] =	vst.idx.add.f32.msk $0xffff, v24  }
0xfe: {  	[tilespmem:v60+s24+$0x0] =	vst.idx.add.f32.msk $0xffff, v5  }
0xff: {  	v5 =	vld [tilespmem:s1+$0xFFFFFFE0];
	_ =	sdelay $0x1  }
0x100: {  	v6 =	vld [tilespmem:s2+$0xFFFFFFE0];
	_ =	sdelay $0x3  }
0x101: {  	v7 =	vadd.s32 $0x2710, v5;
	_ =	sdelay $0x1  }
0x102: {  	v25 =	vadd.s32 $0x2710, v6;
	v5 =	vld.idx.msk [tilespmem:v5+s4+$0x0], $0xffff;
	_ =	sdelay $0x1  }
0x103: {  	v9 =	vld.idx.msk [tilespmem:v6+s16+$0x0], $0xffff  }
0x104: {  	v7 =	vld.idx.msk [tilespmem:v7+s4+$0x0], $0xffff;
	_ =	sdelay $0x1  }
0x105: {  	v10 =	vld.idx.msk [tilespmem:v25+s16+$0x0], $0xffff;
	v26 =	vmul.f32 v5, v1;
	_ =	sdelay $0x1  }
0x106: {  	v11 =	vadd.f32 v9, v26  }
0x107: {  	v9 =	vadd.f32 v9, v3;
	v27 =	vmul.f32 v7, v2  }
0x108: {  	v28 =	vmul.f32 $2.000000030e-01, v11  }
0x109: {  	v29 =	vmul.f32 $2.000000030e-01, v9;
	v12 =	vadd.f32 v10, v27;
	v10 =	vadd.f32 v10, v4  }
0x10a: {  	v11 =	vmax.f32 v11, v28  }
0x10b: {  	v9 =	vmax.f32 v9, v29;
	v30 =	vmul.f32 $2.000000030e-01, v12;
	v31 =	vmul.f32 $2.000000030e-01, v10  }
0x10c: {  	v9 =	vsub.f32 v11, v9  }
0x10d: {  	v32 =	vmax.f32 v12, v30;
	v10 =	vmax.f32 v10, v31  }
0x10e: {  	v9 =	vmul.f32 $1.442695020e+00, v9;
	v10 =	vsub.f32 v32, v10;
	_ =	sdelay $0x1  }
0x10f: {  	(erf) = vpow2.f32 v9;
	v33 =	vmul.f32 $1.442695020e+00, v10;
	_ =	sdelay $0x1  }
0x110: {  	(erf) = vpow2.f32 v33;
	_ =	sdelay $0x3  }
0x111: {  	v34 =	vadd.s32 $0x4E20, v6;
	_ =	sdelay $0x1  }
0x112: {  	v35 =	vadd.s32 $0x7530, v6  }
0x113: {  	v36 =	vpop (erf)  }
0x114: {  	v5 =	vmul.f32 v36, v5  }
0x115: {  	[tilespmem:v34+s24+$0x0] =	vst.idx.add.f32.msk $0xffff, v36;
	v37 =	vpop (erf)  }
0x116: {  	[tilespmem:v6+s24+$0x0] =	vst.idx.add.f32.msk $0xffff, v5;
	v5 =	vmul.f32 v37, v7  }
0x117: {  	[tilespmem:v35+s24+$0x0] =	vst.idx.add.f32.msk $0xffff, v37  }
0x118: {  	s3 =	sand.u32 $0xFF0, s0;
	[tilespmem:v25+s24+$0x0] =	vst.idx.add.f32.msk $0xffff, v5  }
0x119: {  	v5 =	vld [tilespmem:s3+$0x14280];
	_ =	sdelay $0x1  }
0x11a: {  	v6 =	vld [tilespmem:s3+$0x15280];
	_ =	sdelay $0x3  }
0x11b: {  	v7 =	vadd.s32 $0x2710, v5;
	_ =	sdelay $0x1  }
0x11c: {  	v38 =	vadd.s32 $0x2710, v6;
	v5 =	vld.idx.msk [tilespmem:v5+s4+$0x0], $0xffff;
	_ =	sdelay $0x1  }
0x11d: {  	v9 =	vld.idx.msk [tilespmem:v6+s16+$0x0], $0xffff  }
0x11e: {  	v7 =	vld.idx.msk [tilespmem:v7+s4+$0x0], $0xffff;
	_ =	sdelay $0x1  }
0x11f: {  	v10 =	vld.idx.msk [tilespmem:v38+s16+$0x0], $0xffff;
	v39 =	vmul.f32 v5, v1;
	_ =	sdelay $0x1  }
0x120: {  	v11 =	vadd.f32 v9, v39  }
0x121: {  	v9 =	vadd.f32 v9, v3;
	v40 =	vmul.f32 v7, v2  }
0x122: {  	v41 =	vmul.f32 $2.000000030e-01, v11  }
0x123: {  	v42 =	vmul.f32 $2.000000030e-01, v9;
	v12 =	vadd.f32 v10, v40;
	v10 =	vadd.f32 v10, v4  }
0x124: {  	v11 =	vmax.f32 v11, v41  }
0x125: {  	v9 =	vmax.f32 v9, v42;
	v43 =	vmul.f32 $2.000000030e-01, v12;
	v44 =	vmul.f32 $2.000000030e-01, v10  }
0x126: {  	v9 =	vsub.f32 v11, v9  }
0x127: {  	v45 =	vmax.f32 v12, v43;
	v10 =	vmax.f32 v10, v44  }
0x128: {  	v9 =	vmul.f32 $1.442695020e+00, v9;
	v10 =	vsub.f32 v45, v10;
	_ =	sdelay $0x1  }
0x129: {  	(erf) = vpow2.f32 v9;
	v46 =	vmul.f32 $1.442695020e+00, v10;
	_ =	sdelay $0x1  }
0x12a: {  	(erf) = vpow2.f32 v46;
	_ =	sdelay $0x3  }
0x12b: {  	v47 =	vadd.s32 $0x4E20, v6;
	_ =	sdelay $0x1  }
0x12c: {  	v48 =	vadd.s32 $0x7530, v6  }
0x12d: {  	v49 =	vpop (erf)  }
0x12e: {  	v5 =	vmul.f32 v49, v5  }
0x12f: {  	[tilespmem:v47+s24+$0x0] =	vst.idx.add.f32.msk $0xffff, v49;
	v50 =	vpop (erf)  }
0x130: {  	[tilespmem:v6+s24+$0x0] =	vst.idx.add.f32.msk $0xffff, v5;
	v5 =	vmul.f32 v50, v7  }
0x131: {  	[tilespmem:v48+s24+$0x0] =	vst.idx.add.f32.msk $0xffff, v50  }
0x132: {  	[tilespmem:v38+s24+$0x0] =	vst.idx.add.f32.msk $0xffff, v5  }
0x133: {  	v5 =	vld [tilespmem:s1+$0x0];
	_ =	sdelay $0x1  }
0x134: {  	v6 =	vld [tilespmem:s2+$0x0];
	_ =	sdelay $0x3  }
0x135: {  	v7 =	vadd.s32 $0x2710, v5;
	_ =	sdelay $0x1  }
0x136: {  	v51 =	vadd.s32 $0x2710, v6;
	v5 =	vld.idx.msk [tilespmem:v5+s4+$0x0], $0xffff;
	_ =	sdelay $0x1  }
0x137: {  	v9 =	vld.idx.msk [tilespmem:v6+s16+$0x0], $0xffff  }
0x138: {  	v7 =	vld.idx.msk [tilespmem:v7+s4+$0x0], $0xffff;
	_ =	sdelay $0x1  }
0x139: {  	v10 =	vld.idx.msk [tilespmem:v51+s16+$0x0], $0xffff;
	v52 =	vmul.f32 v5, v1;
	_ =	sdelay $0x1  }
0x13a: {  	v11 =	vadd.f32 v9, v52  }
0x13b: {  	v9 =	vadd.f32 v9, v3;
	v53 =	vmul.f32 v7, v2  }
0x13c: {  	v54 =	vmul.f32 $2.000000030e-01, v11  }
0x13d: {  	v55 =	vmul.f32 $2.000000030e-01, v9;
	v12 =	vadd.f32 v10, v53;
	v10 =	vadd.f32 v10, v4  }
0x13e: {  	v11 =	vmax.f32 v11, v54  }
0x13f: {  	v9 =	vmax.f32 v9, v55;
	v56 =	vmul.f32 $2.000000030e-01, v12;
	v57 =	vmul.f32 $2.000000030e-01, v10  }
0x140: {  	v9 =	vsub.f32 v11, v9  }
0x141: {  	v58 =	vmax.f32 v12, v56;
	v10 =	vmax.f32 v10, v57  }
0x142: {  	v9 =	vmul.f32 $1.442695020e+00, v9;
	v10 =	vsub.f32 v58, v10;
	_ =	sdelay $0x1  }
0x143: {  	(erf) = vpow2.f32 v9;
	v59 =	vmul.f32 $1.442695020e+00, v10;
	_ =	sdelay $0x1  }
0x144: {  	(erf) = vpow2.f32 v59;
	_ =	sdelay $0x3  }
0x145: {  	v60 =	vadd.s32 $0x4E20, v6;
	_ =	sdelay $0x1  }
0x146: {  	v61 =	vadd.s32 $0x7530, v6  }
0x147: {  	p0 =	sne.s32 s0, $0x780;
	v62 =	vpop (erf)  }
.Ltmp2:
0x148: {  	v5 =	vmul.f32 v62, v5;
	(pc) =	sbr.rel @p0 .LBB2_7-.Ltmp2, $4  }
0x149: {  	[tilespmem:v60+s24+$0x0] =	vst.idx.add.f32.msk $0xffff, v62;
	v63 =	vpop (erf)  }
0x14a: {  	[tilespmem:v6+s24+$0x0] =	vst.idx.add.f32.msk $0xffff, v5;
	v5 =	vmul.f32 v63, v7  }
0x14b: {  	[tilespmem:v61+s24+$0x0] =	vst.idx.add.f32.msk $0xffff, v63  }
0x14c: {  	s0 =	sadd.s32 $0x50, s0;
	s1 =	sadd.s32 $0x50, s1;
	s2 =	sadd.s32 $0x50, s2;
	[tilespmem:v51+s24+$0x0] =	vst.idx.add.f32.msk $0xffff, v5  }
0x14d: {  	s31 =	sadd.s32 $0x1, s31  }
0x14e: {  	p0 =	sne.s32 s31, $0x5  }
.Ltmp3:
0x14f: {  	_ = 	snop;
	(pc) =	sbr.rel @p0 .LBB2_4-.Ltmp3, $1  }
0x150: {  	_ =	sdelay $0x3  }
0x151: {  	s29 =	sadd.s32 $0x1, s29  }
0x152: {  	p0 =	sne.s32 s29, s14  }
.Ltmp4:
0x153: {  	_ = 	snop;
	(pc) =	sbr.rel @p0 .LBB2_1-.Ltmp4, $4  }
0x154: {  	[hbm4b:s13+s26] =	stream.strided.scatter [tilespmem:s24], [sflag:$0x3], $0x9C80, s28, s26, $0x38;
	[tilespmem:$0x15A80] =	vst v63  }
0x155: {  	_ =	swait.ge [sflag:s15], $0x9C80  }
0x156: {  	[sflag:s15] =	ssyncset.done $0x0  }
0x157: {  	[sflag:s15] =	ssyncadd.s32 $0xFFFF6380  }
0x158: {  	_ =	sfence.sel $0x180000  }
0x159: {  	[bflag:$0x0] =	sbarrier.arrive $0xFFFF  }
0x15a: {  	_ =	strace $0x9000004A  }
0x15b: {  	s0 =	stileid.u32;
	[bflag:$0x2] =	sbarrier.arrive $0xFFFF  }
0x15c: {  	p0 =	sne.s32 s0, $0x0;
	s0 =	rddreg [dreg:$0x3]  }
0x15d: {  	s0 =	sadd.s32 @!p0 $0x100000, s0  }
0x15e: {  	[sflag:s0] =	ssyncadd.tile.s32 @!p0 $0x1;
	_ =	shalt  }
.Lfunc_end2:
_tile_overlayer_lowered:
.L_overlay_start_2:
0x15f: {  	(tag) =	ssettag $0x2  }
0x160: {  	s0 =	rddreg [dreg:$0x0];
	s2 =	stileid.u32  }
0x161: {  	s1 =	rddreg [dreg:$0x1];
	p0 =	sne.s32 s2, $0x0  }
0x162: {  	s3 =	rddreg [dreg:$0x2];
	[bflag:$0x3] =	sbarrier.arrive $0xFFFF;
	s2 =	simm.s32 @!p0 $0x1C03  }
0x163: {  	[timem:s3], [sflag:s2] =	dma.local @!p0 [hbm:s0], s1  }
0x164: {  	s0 =	simm.s32 @!p0 $0x3  }
0x165: {  	_ =	swait.ge @!p0 [sflag:s0], s1  }
0x166: {  	s1 =	ssub.s32 @!p0 $0x0, s1;
	[sflag:s0] =	ssyncset.done @!p0 $0x0  }
0x167: {  	[sflag:s0] =	ssyncadd.s32 @!p0 s1  }
0x168: {  	[bflag:$0x3] =	sbarrier.arrive $0xFFFF  }
0x169: {  	_ =	shalt  }

// kernel: kernel.19.cloned.1.call-start
scs
__scs_entry_jumppad:
0x0: {  	(pc) =	sbr.rel $0x88, $3  }
0x1: {  	(tag) =	ssettag $0x0;
	lr =	simm.s32 $0x1  }
0x2: {  	[smem:$0x3F8A] =	sst lr;
	_ =	strace $0xD0000000  }
0x3: {  	_ = 	snop  }
0x4: {  	_ = 	snop  }
0x5: {  	_ = 	snop  }
0x6: {  	_ = 	snop  }
0x7: {  	_ = 	snop  }
__scs_overlays_trampoline_lowered:
0x8: {  	[smem:$0x3F99] =	sst s0  }
0x9: {  	[smem:$0x3F9A] =	sst s1  }
0xa: {  	[smem:$0x3F9B] =	sst s2  }
0xb: {  	[smem:$0x3F9C] =	sst s3  }
0xc: {  	[smem:$0x3F9D] =	sst s4  }
0xd: {  	[smem:$0x3F9E] =	sst s5  }
0xe: {  	[smem:$0x3F9F] =	sst s6  }
0xf: {  	[smem:$0x3FA0] =	sst s7  }
0x10: {  	[smem:$0x3FA1] =	sst s8  }
0x11: {  	[smem:$0x3FA2] =	sst s9;
	s0 =	simm.s32 @!p0 $0x0  }
0x12: {  	s1 =	sld [smem:$0x3F88];
	s0 =	simm.s32 @p0 $0x1  }
0x13: {  	[smem:$0x3FA3] =	sst s0;
	s0 =	simm.s32 @!p1 $0x0  }
0x14: {  	s2 =	sld [smem:$0x3F87];
	s0 =	simm.s32 @p1 $0x1  }
0x15: {  	[smem:$0x3FA4] =	sst s0;
	s0 =	simm.s32 @!p2 $0x0  }
0x16: {  	s3 =	sld [smem:$0x3FDB];
	s0 =	simm.s32 @p2 $0x1  }
0x17: {  	s4 =	simm.s32 $0x1BF5;
	[smem:$0x3FA6] =	sst s0  }
0x18: {  	s0 =	sld [smem:$0x3F89];
	_ =	swait.ge [sflag:s4], $0x0  }
0x19: {  	s7 =	sld [smem:$0x3F8A]  }
0x1a: {  	s8 =	sadd.s32 $0xFFFFE003, lr  }
0x1b: {  	s9 =	sadd.s32 $0xFFFFFEF7, lr;
	s5 =	simm.s32 $0xFFFFFFFF;
	p2 =	slt.u32 s8, $0xFFFFF086  }
0x1c: {  	p1 =	slt.u32 s9, $0xF7A;
	s5 =	simm.s32 @!p2 $0x0  }
0x1d: {  	s5 =	simm.s32 @p1 $0x1;
	p0 =	seq.s32 s7, s2  }
0x1e: {  	s7 =	smul.u32 @!p0 $0xF7A, s2;
	p2 =	seq.s32 @!p0 s5, $0x0  }
0x1f: {  	s9 =	smul.u32 $0xF7A, s1;
	s8 =	simm.s32 @!p0 $0x1BF5;
	p2 =	por !p2, p0  }
0x20: {  	[sflag:s8] =	ssyncset.s32 @!p0 $0xFFFFF086;
	s6 =	sadd.s32 @!p0 s3, s7;
	s7 =	simm.s32 @!p0 $0x108  }
0x21: {  	s3 =	sadd.s32 s3, s9;
	s6 =	sadd.s32 @!p0 $0x88, s6;
	s7 =	simm.s32 @p2 $0x1082  }
0x22: {  	[simem:s7], [sflag:s8] =	dma.local @!p0 [hbm:s6], $0xF7A  }
0x23: {  	s9 =	sor.u32 $0xD0000000, s2;
	s6 =	simm.s32 $0x108;
	_ =	swait.ge @!p0 [sflag:s8], $0x0  }
0x24: {  	s3 =	sadd.s32 $0x88, s3;
	s6 =	simm.s32 @!p1 $0x1082;
	[sflag:s4] =	ssyncset.s32 $0xFFFFF086  }
0x25: {  	[simem:s6], [sflag:s4] =	dma.local [hbm:s3], $0xF7A  }
0x26: {  	[smem:$0x3F8A] =	sst s1;
	(tag) =	ssettag s2;
	_ =	strace s9  }
0x27: {  	s1 =	sld [smem:$0x3F9A]  }
0x28: {  	s2 =	sld [smem:$0x3F9B]  }
0x29: {  	s4 =	sld [smem:$0x3F9D]  }
0x2a: {  	p0 =	seq.s32 s5, $0x0;
	s5 =	sld [smem:$0x3F9E]  }
0x2b: {  	s6 =	sld [smem:$0x3F9F]  }
0x2c: {  	s7 =	sld [smem:$0x3FA0]  }
0x2d: {  	s3 =	simm.s32 $0x108;
	s8 =	sld [smem:$0x3FA1]  }
0x2e: {  	s3 =	simm.s32 @!p0 $0x1082;
	s9 =	sld [smem:$0x3FA2]  }
0x2f: {  	lr =	sadd.s32 s0, s3;
	s0 =	sld [smem:$0x3F99]  }
0x30: {  	s3 =	sld [smem:$0x3F9C]  }
0x31: {  	[smem:$0x3FA5] =	sst s10  }
0x32: {  	s10 =	sld [smem:$0x3FA3];
	_ =	sdelay $0x3  }
0x33: {  	p0 =	seq.s32 s10, $0x1;
	s10 =	sld [smem:$0x3FA5];
	_ =	sdelay $0x3  }
0x34: {  	[smem:$0x3FA5] =	sst s10  }
0x35: {  	s10 =	sld [smem:$0x3FA4];
	_ =	sdelay $0x3  }
0x36: {  	p1 =	seq.s32 s10, $0x1;
	s10 =	sld [smem:$0x3FA5];
	_ =	sdelay $0x3  }
0x37: {  	[smem:$0x3FA5] =	sst s10  }
0x38: {  	s10 =	sld [smem:$0x3FA6]  }
0x39: {  	_ = 	snop;
	(pc) =	sbr.ind lr, $3  }
0x3a: {  	_ = 	snop  }
0x3b: {  	_ = 	snop  }
0x3c: {  	p2 =	seq.s32 s10, $0x1;
	s10 =	sld [smem:$0x3FA5]  }
0x3d: {  	_ =	shalt  }
0x3e: {  	_ =	shalt  }
0x3f: {  	_ =	shalt  }
0x40: {  	_ =	shalt  }
0x41: {  	_ =	shalt  }
0x42: {  	_ =	shalt  }
0x43: {  	_ =	shalt  }
0x44: {  	_ =	shalt  }
0x45: {  	_ =	shalt  }
0x46: {  	_ =	shalt  }
0x47: {  	_ =	shalt  }
0x48: {  	_ =	shalt  }
0x49: {  	_ =	shalt  }
0x4a: {  	_ =	shalt  }
0x4b: {  	_ =	shalt  }
0x4c: {  	_ =	shalt  }
0x4d: {  	_ =	shalt  }
0x4e: {  	_ =	shalt  }
0x4f: {  	_ =	shalt  }
0x50: {  	_ =	shalt  }
0x51: {  	_ =	shalt  }
0x52: {  	_ =	shalt  }
0x53: {  	_ =	shalt  }
0x54: {  	_ =	shalt  }
0x55: {  	_ =	shalt  }
0x56: {  	_ =	shalt  }
0x57: {  	_ =	shalt  }
0x58: {  	_ =	shalt  }
0x59: {  	_ =	shalt  }
0x5a: {  	_ =	shalt  }
0x5b: {  	_ =	shalt  }
0x5c: {  	_ =	shalt  }
0x5d: {  	_ =	shalt  }
0x5e: {  	_ =	shalt  }
0x5f: {  	_ =	shalt  }
0x60: {  	_ =	shalt  }
0x61: {  	_ =	shalt  }
0x62: {  	_ =	shalt  }
0x63: {  	_ =	shalt  }
0x64: {  	_ =	shalt  }
0x65: {  	_ =	shalt  }
0x66: {  	_ =	shalt  }
0x67: {  	_ =	shalt  }
0x68: {  	_ =	shalt  }
0x69: {  	_ =	shalt  }
0x6a: {  	_ =	shalt  }
0x6b: {  	_ =	shalt  }
0x6c: {  	_ =	shalt  }
0x6d: {  	_ =	shalt  }
0x6e: {  	_ =	shalt  }
0x6f: {  	_ =	shalt  }
0x70: {  	_ =	shalt  }
0x71: {  	_ =	shalt  }
0x72: {  	_ =	shalt  }
0x73: {  	_ =	shalt  }
0x74: {  	_ =	shalt  }
0x75: {  	_ =	shalt  }
0x76: {  	_ =	shalt  }
0x77: {  	_ =	shalt  }
0x78: {  	_ =	shalt  }
0x79: {  	_ =	shalt  }
0x7a: {  	_ =	shalt  }
0x7b: {  	_ =	shalt  }
0x7c: {  	_ =	shalt  }
0x7d: {  	_ =	shalt  }
0x7e: {  	_ =	shalt  }
0x7f: {  	_ =	shalt  }
0x80: {  	_ =	shalt  }
0x81: {  	_ =	shalt  }
0x82: {  	_ =	shalt  }
0x83: {  	_ =	shalt  }
0x84: {  	_ =	shalt  }
0x85: {  	_ =	shalt  }
0x86: {  	_ =	shalt  }
0x87: {  	_ =	shalt  }
.Lfunc_end0:
.L_simem_size_0:
called_computation.2_lowered:
.L_overlay_start_0:
0x88: {  	s2 =	sld [smem:$0x3FD9]  }
0x89: {  	s3 =	sld [smem:$0x3FFE];
	_ =	sdelay $0x1  }
0x8a: {  	s1 =	srdreg.scid  }
0x8b: {  	s0 =	sand.u32 $0x1, s1  }
0x8c: {  	s14 =	sshll.u32 s0, $0xA;
	s2 =	sadd.s32 s3, s2  }
0x8d: {  	s2 =	sadd.s32 s2, s14  }
0x8e: {  	[smem:$0x3FB1] =	sst s2  }
0x8f: {  	_ = 	snop  }
0x90: {  	s2 =	sld [smem:$0x3FD0];
	_ =	sdelay $0x2  }
0x91: {  	s15 =	simm.s32 $0xA;
	s4 =	simm.s32 $0x10  }
0x92: {  	[smem:s4], [sflag:s15] =	dma.local [hbm:s2], $0x1  }
0x93: {  	_ =	swait.eq [sflag:s15], $0x1  }
0x94: {  	[sflag:s15] =	ssyncset.done $0x0  }
0x95: {  	[sflag:s15] =	ssyncadd.s32 $0xFFFFFFFF  }
0x96: {  	s16 =	sld [smem:$0x12];
	(tm) =	ssettm $0x1  }
0x97: {  	s17 =	sld [smem:$0x3FFB];
	_ =	sdelay $0x3  }
0x98: {  	_ =	strace s17  }
0x99: {  	s3 =	sld [smem:$0x3FFC];
	_ =	sdelay $0x3  }
0x9a: {  	_ =	strace s3  }
0x9b: {  	s3 =	sld [smem:$0x3FFD];
	_ =	sdelay $0x3  }
0x9c: {  	_ =	strace s3  }
0x9d: {  	_ =	strace $0x8FFFFFFF  }
0x9e: {  	s18 =	sld [smem:$0x3FDB];
	_ =	sdelay $0x1  }
0x9f: {  	s19 =	simm.s32 $_scs_section_size  }
0xa0: {  	s5 =	simm.s32 $_size__tile_overlayer_lowered;
	s6 =	simm.s32 $_tile_overlayer_lowered  }
0xa1: {  	s22 =	simm.s32 $0x1BFF;
	s21 =	sshll.u32 s6, $0x1;
	s3 =	sadd.s32 s19, s18  }
0xa2: {  	s7 =	simm.s32 $0x0;
	s20 =	sshll.u32 s5, $0x1;
	s5 =	sadd.s32 s21, s3  }
0xa3: {  	[timem:s7], [sflag:s22] =	dma.local [hbm:s5], s20  }
0xa4: {  	_ =	swait.ge [sflag:s22], s20  }
0xa5: {  	s4 =	ssub.s32 $0x0, s20;
	[sflag:s22] =	ssyncset.done $0x0  }
0xa6: {  	[sflag:s22] =	ssyncadd.s32 s4;
	_ =	sdelay $0x1  }
0xa7: {  	s23 =	simm.s32 $0x1B8B  }
0xa8: {  	_ =	swait.ge [sflag:s23], $0x1  }
0xa9: {  	[sflag:s23] =	ssyncset.done $0x0  }
0xaa: {  	s25 =	simm.s32 $0x1B8E;
	s24 =	sld [smem:$0x3FFE];
	[sflag:s23] =	ssyncadd.s32 $0xFFFFFFFF  }
0xab: {  	s26 =	simm.s32 $execute0_lowered;
	[smem:$0x3FD2] =	sst s25  }
0xac: {  	s5 =	sshll.u32 s26, $0x1;
	_ =	strace $0x8000004C;
	[dreg:$0x1] =	wrdreg $0xFFFFFFFF  }
0xad: {  	s28 =	simm.s32 $_size_execute0_lowered;
	s3 =	sadd.s32 s3, s5;
	[dreg:$0x0] =	wrdreg $0x0  }
0xae: {  	s5 =	sshll.u32 s28, $0x1;
	[dreg:$0x2] =	wrdreg s3  }
0xaf: {  	[dreg:$0x3] =	wrdreg s5  }
0xb0: {  	[dreg:$0x4] =	wrdreg $0xC0  }
0xb1: {  	_ =	task [dreg:s7], $0x5FFFF  }
0xb2: {  	[dreg:$0x1] =	wrdreg $0xFFFFFFFF  }
0xb3: {  	[dreg:$0x0] =	wrdreg $0x60  }
0xb4: {  	[dreg:$0x2] =	wrdreg s24  }
0xb5: {  	[dreg:$0x3] =	wrdreg s16  }
0xb6: {  	[dreg:$0x4] =	wrdreg $0x9  }
0xb7: {  	_ =	task.clear_ibuf [dreg:s7], $0x5FFFF;
	_ =	strace $0x9000004C  }
0xb8: {  	s29 =	simm.s32 $0x9;
	_ =	strace $0x8000004E  }
0xb9: {  	_ =	swait.ge [sflag:s29], $0x1  }
0xba: {  	[sflag:s29] =	ssyncadd.s32 $0xFFFFFFFF  }
0xbb: {  	_ =	strace $0x9000004E  }
0xbc: {  	_ =	sfence  }
0xbd: {  	s30 =	sld [smem:$0x0];
	_ =	sdelay $0x2  }
0xbe: {  	s31 =	sshll.u32 s1, $0xD;
	s1 =	sshrl.u32 s1, $0x2  }
0xbf: {  	s3 =	sand.u32 $0x4000, s31;
	s1 =	sadd.s32 s1, s30  }
0xc0: {  	s0 =	sor.u32 s3, s0;
	s1 =	sshll.u32 s1, $0x11  }
0xc1: {  	s0 =	sor.u32 s1, s0  }
0xc2: {  	s0 =	sadd.s32 $0x8F2B, s0  }
0xc3: {  	[sflag:s0] =	ssyncadd.remote.s32 $0x1  }
0xc4: {  	_ =	sfence.sel $0xFFFF  }
0xc5: {  	[dreg:$0x0] =	wrdreg $0xFFFFFFFF;
	(pc) =	sbr.abs _section_cstart, $3  }
0xc6: {  	[dreg:$0x1] =	wrdreg $0xFFFFFFFF  }
0xc7: {  	_ =	task.clear_ibuf [dreg:s7], $0x2FFFF;
	_ =	strace $0x9FFFFFFF  }
0xc8: {  	(tm) =	ssettm $0x7FFFFFFF  }
0xc9: {  	_ =	shalt  }
tec
execute0_lowered:
.L_overlay_start_1:
0x0: {  	(tag) =	ssettag $0x1  }
0x1: {  	s0 =	rddreg [dreg:$0x0]  }
0x2: {  	s3 =	simm.s32 $0x0;
	s1 =	srdreg.scid;
	s4 =	stileid.u32  }
0x3: {  	s15 =	simm.s32 $0x3;
	s16 =	simm.s32 $0x2780;
	s18 =	simm.s32 $0x4F80  }
0x4: {  	s19 =	simm.s32 $0x9E80;
	s20 =	simm.s32 $0xAE80;
	s21 =	simm.s32 $0x1  }
0x5: {  	s22 =	simm.s32 $0xA650;
	s23 =	simm.s32 $0xB650;
	s24 =	simm.s32 $0x5000  }
0x6: {  	s25 =	simm.s32 $0x2;
	s26 =	simm.s32 $0x80;
	s28 =	simm.s32 $0x400  }
0x7: {  	s29 =	simm.s32 $0x0;
	s30 =	simm.s32 $0x0;
	[smem:$0x7FF] =	sst s3  }
0x8: {  	s1 =	sand.u32 $0x1, s1;
	s2 =	sshll.u32 s4, $0x1;
	s5 =	sshrl.u32 s4, $0x2  }
0x9: {  	s4 =	sadd.s32 $0x2A00, s0;
	s6 =	sadd.s32 $0x2800, s0;
	_ =	strace $0x8000004D  }
0xa: {  	s2 =	sor.u32 s1, s2;
	s8 =	smul.u32 $0x27400, s5;
	s5 =	sadd.s32 $0x3000, s0  }
0xb: {  	s1 =	ssub.s32 $0x2, s1;
	s7 =	sshll.u32 s2, $0x7;
	s2 =	smul.u32 $0x4E20, s2  }
0xc: {  	s31 =	sshrl.u32 s1, $0x1;
	s9 =	sand.u32 $0x380, s7;
	s7 =	sadd.s32 $0x18000, s0  }
0xd: {  	s1 =	ssub.s32 s1, s31;
	s9 =	sor.u32 s8, s9;
	s8 =	sadd.s32 $0x4600, s0  }
0xe: {  	s10 =	sshrl.u32 s2, $0x3;
	s11 =	sadd.s32 $0x7D0, s2;
	s9 =	sshrl.u32 s9, $0x3  }
0xf: {  	s12 =	sadd.s32 $0xFA0, s2;
	s14 =	smax.u32 s1, $0x1;
	s0 =	sadd.s32 s9, s0  }
0x10: {  	v0 =	vimm.f32 $0.0e+00;
	s9 =	sadd.s32 s7, s10;
	s10 =	sadd.s32 s8, s10;
	s13 =	sadd.s32 $0x2BA00, s0  }
.LBB2_1:
0x11: {  	[tilespmem:s3], [sflag:$0x3] =	stream.linear.gather [hbm4b:s4+s3], $0x2780, $0x38;
	[tilespmem:$0xBE80] =	vst v63  }
0x12: {  	_ =	swait.ge [sflag:s15], $0x2780  }
0x13: {  	[sflag:s15] =	ssyncset.done $0x0  }
0x14: {  	[sflag:s15] =	ssyncadd.s32 $0xFFFFD880  }
0x15: {  	[tilespmem:s16], [sflag:$0x3] =	stream.linear.gather [hbm4b:s5+s3], $0x2780, $0x38;
	[tilespmem:$0xBE80] =	vst v63  }
0x16: {  	_ =	swait.ge [sflag:s15], $0x2780  }
0x17: {  	[sflag:s15] =	ssyncset.done $0x0  }
0x18: {  	[sflag:s15] =	ssyncadd.s32 $0xFFFFD880  }
0x19: {  	s1 =	simm.s32 $0x4F00;
	s0 =	rddreg [dreg:$0x1]  }
0x1a: {  	[tilespmem:s1], [sflag:$0x3] =	stream.linear.gather [hbm4b:s0+s3], $0x80, $0x38;
	[tilespmem:$0xBE80] =	vst v63  }
0x1b: {  	_ =	swait.ge [sflag:s15], $0x80  }
0x1c: {  	[sflag:s15] =	ssyncset.done $0x0  }
0x1d: {  	[sflag:s15] =	ssyncadd.s32 $0xFFFFFF80  }
0x1e: {  	[tilespmem:s18], [sflag:$0x3] =	stream.linear.gather [hbm4b:s6+s3], $0x80, $0x38;
	[tilespmem:$0xBE80] =	vst v63  }
0x1f: {  	_ =	swait.ge [sflag:s15], $0x80  }
0x20: {  	[sflag:s15] =	ssyncset.done $0x0  }
0x21: {  	s1 =	simm.s32 $0x140;
	s0 =	simm.s32 $0x0;
	[sflag:s15] =	ssyncadd.s32 $0xFFFFFF80  }
.LBB2_2:
0x22: {  	p0 =	sne.s32 s1, $0x13740;
	[tilespmem:s0+$0x5040] =	vst v0;
	s2 =	smov.u32 s1;
	s1 =	sadd.s32 $0x140, s1  }
.Ltmp0:
0x23: {  	[tilespmem:s0+$0x5030] =	vst v0;
	(pc) =	sbr.rel @p0 .LBB2_2-.Ltmp0, $4  }
0x24: {  	[tilespmem:s0+$0x5020] =	vst v0  }
0x25: {  	[tilespmem:s0+$0x5000] =	vst v0  }
0x26: {  	[tilespmem:s0+$0x5010] =	vst v0  }
0x27: {  	s0 =	sshra.s32 s2, $0x2  }
0x28: {  	[tilespmem:s0+$0x5040] =	vst v0  }
0x29: {  	[tilespmem:s0+$0x5030] =	vst v0  }
0x2a: {  	[tilespmem:s0+$0x5020] =	vst v0  }
0x2b: {  	[tilespmem:s0+$0x5000] =	vst v0  }
0x2c: {  	[tilespmem:s0+$0x5010] =	vst v0  }
0x2d: {  	v1 =	vld [tilespmem:$0x4F00]  }
0x2e: {  	v2 =	vld [tilespmem:$0x4F80];
	[tilespmem:s19], [sflag:$0x1] =	stream.linear.gather [hbm4b:s9+s30], $0x7D0, $0x38  }
0x2f: {  	s31 =	simm.s32 $0x0  }
0x30: {  	[tilespmem:s20], [sflag:$0x1] =	stream.linear.gather [hbm4b:s10+s30], $0x7D0, $0x38;
	[tilespmem:$0xBE80] =	vst v63  }
.LBB2_4:
0x31: {  	_ =	swait.ge [sflag:s21], $0x7D0  }
0x32: {  	s0 =	smul.u32 $0xFA0, s31;
	[sflag:s21] =	ssyncset.done $0x0  }
0x33: {  	[sflag:s21] =	ssyncadd.s32 $0xFFFFF830  }
0x34: {  	s1 =	sadd.s32 s0, s11;
	_ =	swait.ge [sflag:s21], $0x7D0  }
0x35: {  	s1 =	sshrl.u32 s1, $0x3;
	[sflag:s21] =	ssyncset.done $0x0  }
0x36: {  	s2 =	sadd.s32 s7, s1;
	[sflag:s21] =	ssyncadd.s32 $0xFFFFF830  }
0x37: {  	[tilespmem:s22], [sflag:$0x2] =	stream.linear.gather [hbm4b:s2+s30], $0x7D0, $0x38;
	[tilespmem:$0xBE80] =	vst v63  }
0x38: {  	s1 =	sadd.s32 s8, s1  }
0x39: {  	[tilespmem:s23], [sflag:$0x2] =	stream.linear.gather [hbm4b:s1+s30], $0x7D0, $0x38;
	[tilespmem:$0xBE80] =	vst v63  }
0x3a: {  	s1 =	simm.s32 $0x0  }
.LBB2_5:
0x3b: {  	s2 =	sshra.s32 s1, $0x2  }
0x3c: {  	v3 =	vld [tilespmem:s2+$0x9E80];
	_ =	sdelay $0x1  }
0x3d: {  	v4 =	vld [tilespmem:s2+$0xAE80];
	_ =	sdelay $0x5  }
0x3e: {  	v3 =	vld.idx.msk [tilespmem:v3+s3+$0x0], $0xffff;
	_ =	sdelay $0x1  }
0x3f: {  	v5 =	vld.idx.msk [tilespmem:v4+s16+$0x0], $0xffff;
	_ =	sdelay $0x2  }
0x40: {  	v6 =	vmul.f32 v3, v1;
	_ =	sdelay $0x1  }
0x41: {  	v6 =	vadd.f32 v5, v6;
	v5 =	vadd.f32 v5, v2;
	_ =	sdelay $0x1  }
0x42: {  	v7 =	vmul.f32 $2.000000030e-01, v6;
	v8 =	vmul.f32 $2.000000030e-01, v5;
	_ =	sdelay $0x1  }
0x43: {  	v6 =	vmax.f32 v6, v7;
	v5 =	vmax.f32 v5, v8  }
0x44: {  	v5 =	vsub.f32 v6, v5;
	_ =	sdelay $0x1  }
0x45: {  	v5 =	vmul.f32 $1.442695020e+00, v5;
	_ =	sdelay $0x1  }
0x46: {  	(erf) = vpow2.f32 v5;
	_ =	sdelay $0x5  }
0x47: {  	v42 =	vadd.s32 $0x2710, v4;
	_ =	sdelay $0x2  }
0x48: {  	v43 =	vpop (erf)  }
0x49: {  	v3 =	vmul.f32 v43, v3  }
0x4a: {  	[tilespmem:v42+s24+$0x0] =	vst.idx.add.f32.msk $0xffff, v43  }
0x4b: {  	[tilespmem:v4+s24+$0x0] =	vst.idx.add.f32.msk $0xffff, v3  }
0x4c: {  	v3 =	vld [tilespmem:s2+$0x9E90];
	_ =	sdelay $0x1  }
0x4d: {  	v4 =	vld [tilespmem:s2+$0xAE90];
	_ =	sdelay $0x5  }
0x4e: {  	v3 =	vld.idx.msk [tilespmem:v3+s3+$0x0], $0xffff;
	_ =	sdelay $0x1  }
0x4f: {  	v5 =	vld.idx.msk [tilespmem:v4+s16+$0x0], $0xffff;
	_ =	sdelay $0x2  }
0x50: {  	v44 =	vmul.f32 v3, v1;
	_ =	sdelay $0x1  }
0x51: {  	v6 =	vadd.f32 v5, v44;
	v5 =	vadd.f32 v5, v2;
	_ =	sdelay $0x1  }
0x52: {  	v45 =	vmul.f32 $2.000000030e-01, v6;
	v46 =	vmul.f32 $2.000000030e-01, v5;
	_ =	sdelay $0x1  }
0x53: {  	v6 =	vmax.f32 v6, v45;
	v5 =	vmax.f32 v5, v46  }
0x54: {  	v5 =	vsub.f32 v6, v5;
	_ =	sdelay $0x1  }
0x55: {  	v5 =	vmul.f32 $1.442695020e+00, v5;
	_ =	sdelay $0x1  }
0x56: {  	(erf) = vpow2.f32 v5;
	_ =	sdelay $0x5  }
0x57: {  	v47 =	vadd.s32 $0x2710, v4;
	_ =	sdelay $0x2  }
0x58: {  	v48 =	vpop (erf)  }
0x59: {  	v3 =	vmul.f32 v48, v3  }
0x5a: {  	[tilespmem:v47+s24+$0x0] =	vst.idx.add.f32.msk $0xffff, v48  }
0x5b: {  	[tilespmem:v4+s24+$0x0] =	vst.idx.add.f32.msk $0xffff, v3  }
0x5c: {  	v3 =	vld [tilespmem:s2+$0x9EA0];
	_ =	sdelay $0x1  }
0x5d: {  	v4 =	vld [tilespmem:s2+$0xAEA0];
	_ =	sdelay $0x5  }
0x5e: {  	v3 =	vld.idx.msk [tilespmem:v3+s3+$0x0], $0xffff;
	_ =	sdelay $0x1  }
0x5f: {  	v5 =	vld.idx.msk [tilespmem:v4+s16+$0x0], $0xffff;
	_ =	sdelay $0x2  }
0x60: {  	v49 =	vmul.f32 v3, v1;
	_ =	sdelay $0x1  }
0x61: {  	v6 =	vadd.f32 v5, v49;
	v5 =	vadd.f32 v5, v2;
	_ =	sdelay $0x1  }
0x62: {  	v50 =	vmul.f32 $2.000000030e-01, v6;
	v51 =	vmul.f32 $2.000000030e-01, v5;
	_ =	sdelay $0x1  }
0x63: {  	v6 =	vmax.f32 v6, v50;
	v5 =	vmax.f32 v5, v51  }
0x64: {  	v5 =	vsub.f32 v6, v5;
	_ =	sdelay $0x1  }
0x65: {  	v5 =	vmul.f32 $1.442695020e+00, v5;
	_ =	sdelay $0x1  }
0x66: {  	(erf) = vpow2.f32 v5;
	_ =	sdelay $0x5  }
0x67: {  	v52 =	vadd.s32 $0x2710, v4;
	_ =	sdelay $0x2  }
0x68: {  	v53 =	vpop (erf)  }
0x69: {  	v3 =	vmul.f32 v53, v3  }
0x6a: {  	[tilespmem:v52+s24+$0x0] =	vst.idx.add.f32.msk $0xffff, v53  }
0x6b: {  	[tilespmem:v4+s24+$0x0] =	vst.idx.add.f32.msk $0xffff, v3  }
0x6c: {  	v3 =	vld [tilespmem:s2+$0x9EB0];
	_ =	sdelay $0x1  }
0x6d: {  	v4 =	vld [tilespmem:s2+$0xAEB0];
	_ =	sdelay $0x5  }
0x6e: {  	v3 =	vld.idx.msk [tilespmem:v3+s3+$0x0], $0xffff;
	_ =	sdelay $0x1  }
0x6f: {  	v5 =	vld.idx.msk [tilespmem:v4+s16+$0x0], $0xffff;
	_ =	sdelay $0x2  }
0x70: {  	v54 =	vmul.f32 v3, v1;
	_ =	sdelay $0x1  }
0x71: {  	v6 =	vadd.f32 v5, v54;
	v5 =	vadd.f32 v5, v2;
	_ =	sdelay $0x1  }
0x72: {  	v55 =	vmul.f32 $2.000000030e-01, v6;
	v56 =	vmul.f32 $2.000000030e-01, v5;
	_ =	sdelay $0x1  }
0x73: {  	v6 =	vmax.f32 v6, v55;
	v5 =	vmax.f32 v5, v56  }
0x74: {  	v5 =	vsub.f32 v6, v5;
	_ =	sdelay $0x1  }
0x75: {  	v5 =	vmul.f32 $1.442695020e+00, v5;
	_ =	sdelay $0x1  }
0x76: {  	(erf) = vpow2.f32 v5;
	_ =	sdelay $0x5  }
0x77: {  	v57 =	vadd.s32 $0x2710, v4;
	_ =	sdelay $0x2  }
0x78: {  	v58 =	vpop (erf)  }
0x79: {  	v3 =	vmul.f32 v58, v3  }
0x7a: {  	[tilespmem:v57+s24+$0x0] =	vst.idx.add.f32.msk $0xffff, v58  }
0x7b: {  	[tilespmem:v4+s24+$0x0] =	vst.idx.add.f32.msk $0xffff, v3  }
0x7c: {  	v3 =	vld [tilespmem:s2+$0x9EC0];
	_ =	sdelay $0x1  }
0x7d: {  	v4 =	vld [tilespmem:s2+$0xAEC0];
	_ =	sdelay $0x5  }
0x7e: {  	v3 =	vld.idx.msk [tilespmem:v3+s3+$0x0], $0xffff;
	_ =	sdelay $0x1  }
0x7f: {  	v5 =	vld.idx.msk [tilespmem:v4+s16+$0x0], $0xffff;
	_ =	sdelay $0x2  }
0x80: {  	v59 =	vmul.f32 v3, v1;
	_ =	sdelay $0x1  }
0x81: {  	v6 =	vadd.f32 v5, v59;
	v5 =	vadd.f32 v5, v2;
	_ =	sdelay $0x1  }
0x82: {  	v60 =	vmul.f32 $2.000000030e-01, v6;
	v61 =	vmul.f32 $2.000000030e-01, v5;
	_ =	sdelay $0x1  }
0x83: {  	v6 =	vmax.f32 v6, v60;
	v5 =	vmax.f32 v5, v61  }
0x84: {  	v5 =	vsub.f32 v6, v5;
	_ =	sdelay $0x1  }
0x85: {  	v5 =	vmul.f32 $1.442695020e+00, v5;
	_ =	sdelay $0x1  }
0x86: {  	(erf) = vpow2.f32 v5;
	_ =	sdelay $0x5  }
0x87: {  	v62 =	vadd.s32 $0x2710, v4  }
0x88: {  	p0 =	sne.s32 s1, $0x1E00  }
.Ltmp1:
0x89: {  	_ = 	snop;
	(pc) =	sbr.rel @p0 .LBB2_5-.Ltmp1, $4  }
0x8a: {  	v63 =	vpop (erf)  }
0x8b: {  	v3 =	vmul.f32 v63, v3  }
0x8c: {  	[tilespmem:v62+s24+$0x0] =	vst.idx.add.f32.msk $0xffff, v63  }
0x8d: {  	s1 =	sadd.s32 $0x140, s1;
	[tilespmem:v4+s24+$0x0] =	vst.idx.add.f32.msk $0xffff, v3  }
0x8e: {  	_ =	swait.ge [sflag:s25], $0x7D0  }
0x8f: {  	[sflag:s25] =	ssyncset.done $0x0  }
0x90: {  	p0 =	seq.s32 s31, $0x4;
	[sflag:s25] =	ssyncadd.s32 $0xFFFFF830  }
0x91: {  	s0 =	sadd.s32 @!p0 s0, s12;
	_ =	swait.ge [sflag:s25], $0x7D0  }
0x92: {  	s2 =	simm.s32 @!p0 $0x0;
	s0 =	sshrl.u32 @!p0 s0, $0x3;
	[sflag:s25] =	ssyncset.done $0x0  }
0x93: {  	s17 =	simm.s32 @!p0 $0x9E80;
	s1 =	sadd.s32 @!p0 s7, s0;
	[sflag:s25] =	ssyncadd.s32 $0xFFFFF830  }
0x94: {  	[tilespmem:s17], [sflag:$0x1] =	stream.linear.gather @!p0 [hbm4b:s1+s2], $0x7D0, $0x38;
	[tilespmem:$0xBE80] =	vst v63  }
0x95: {  	s0 =	sadd.s32 @!p0 s8, s0;
	s1 =	simm.s32 @!p0 $0xAE80  }
0x96: {  	[tilespmem:s1], [sflag:$0x1] =	stream.linear.gather @!p0 [hbm4b:s0+s2], $0x7D0, $0x38;
	[tilespmem:$0xBE80] =	vst v63  }
0x97: {  	s0 =	simm.s32 $0x0;
	s1 =	simm.s32 $0xA690;
	s2 =	simm.s32 $0xB690  }
.LBB2_7:
0x98: {  	v3 =	vld [tilespmem:s1+$0xFFFFFFC0];
	_ =	sdelay $0x1  }
0x99: {  	v4 =	vld [tilespmem:s2+$0xFFFFFFC0];
	_ =	sdelay $0x5  }
0x9a: {  	v3 =	vld.idx.msk [tilespmem:v3+s3+$0x0], $0xffff;
	_ =	sdelay $0x1  }
0x9b: {  	v5 =	vld.idx.msk [tilespmem:v4+s16+$0x0], $0xffff;
	_ =	sdelay $0x2  }
0x9c: {  	v6 =	vmul.f32 v3, v1;
	_ =	sdelay $0x1  }
0x9d: {  	v6 =	vadd.f32 v5, v6;
	v5 =	vadd.f32 v5, v2;
	_ =	sdelay $0x1  }
0x9e: {  	v7 =	vmul.f32 $2.000000030e-01, v6;
	v8 =	vmul.f32 $2.000000030e-01, v5;
	_ =	sdelay $0x1  }
0x9f: {  	v6 =	vmax.f32 v6, v7;
	v5 =	vmax.f32 v5, v8  }
0xa0: {  	v5 =	vsub.f32 v6, v5;
	_ =	sdelay $0x1  }
0xa1: {  	v5 =	vmul.f32 $1.442695020e+00, v5;
	_ =	sdelay $0x1  }
0xa2: {  	(erf) = vpow2.f32 v5;
	_ =	sdelay $0x5  }
0xa3: {  	v42 =	vadd.s32 $0x2710, v4;
	_ =	sdelay $0x2  }
0xa4: {  	v43 =	vpop (erf)  }
0xa5: {  	v3 =	vmul.f32 v43, v3  }
0xa6: {  	[tilespmem:v42+s24+$0x0] =	vst.idx.add.f32.msk $0xffff, v43  }
0xa7: {  	[tilespmem:v4+s24+$0x0] =	vst.idx.add.f32.msk $0xffff, v3  }
0xa8: {  	v3 =	vld [tilespmem:s1+$0xFFFFFFD0];
	_ =	sdelay $0x1  }
0xa9: {  	v4 =	vld [tilespmem:s2+$0xFFFFFFD0];
	_ =	sdelay $0x5  }
0xaa: {  	v3 =	vld.idx.msk [tilespmem:v3+s3+$0x0], $0xffff;
	_ =	sdelay $0x1  }
0xab: {  	v5 =	vld.idx.msk [tilespmem:v4+s16+$0x0], $0xffff;
	_ =	sdelay $0x2  }
0xac: {  	v44 =	vmul.f32 v3, v1;
	_ =	sdelay $0x1  }
0xad: {  	v6 =	vadd.f32 v5, v44;
	v5 =	vadd.f32 v5, v2;
	_ =	sdelay $0x1  }
0xae: {  	v45 =	vmul.f32 $2.000000030e-01, v6;
	v46 =	vmul.f32 $2.000000030e-01, v5;
	_ =	sdelay $0x1  }
0xaf: {  	v6 =	vmax.f32 v6, v45;
	v5 =	vmax.f32 v5, v46  }
0xb0: {  	v5 =	vsub.f32 v6, v5;
	_ =	sdelay $0x1  }
0xb1: {  	v5 =	vmul.f32 $1.442695020e+00, v5;
	_ =	sdelay $0x1  }
0xb2: {  	(erf) = vpow2.f32 v5;
	_ =	sdelay $0x5  }
0xb3: {  	v47 =	vadd.s32 $0x2710, v4;
	_ =	sdelay $0x2  }
0xb4: {  	v48 =	vpop (erf)  }
0xb5: {  	v3 =	vmul.f32 v48, v3  }
0xb6: {  	[tilespmem:v47+s24+$0x0] =	vst.idx.add.f32.msk $0xffff, v48  }
0xb7: {  	[tilespmem:v4+s24+$0x0] =	vst.idx.add.f32.msk $0xffff, v3  }
0xb8: {  	v3 =	vld [tilespmem:s1+$0xFFFFFFE0];
	_ =	sdelay $0x1  }
0xb9: {  	v4 =	vld [tilespmem:s2+$0xFFFFFFE0];
	_ =	sdelay $0x5  }
0xba: {  	v3 =	vld.idx.msk [tilespmem:v3+s3+$0x0], $0xffff;
	_ =	sdelay $0x1  }
0xbb: {  	v5 =	vld.idx.msk [tilespmem:v4+s16+$0x0], $0xffff;
	_ =	sdelay $0x2  }
0xbc: {  	v49 =	vmul.f32 v3, v1;
	_ =	sdelay $0x1  }
0xbd: {  	v6 =	vadd.f32 v5, v49;
	v5 =	vadd.f32 v5, v2;
	_ =	sdelay $0x1  }
0xbe: {  	v50 =	vmul.f32 $2.000000030e-01, v6;
	v51 =	vmul.f32 $2.000000030e-01, v5;
	_ =	sdelay $0x1  }
0xbf: {  	v6 =	vmax.f32 v6, v50;
	v5 =	vmax.f32 v5, v51  }
0xc0: {  	v5 =	vsub.f32 v6, v5;
	_ =	sdelay $0x1  }
0xc1: {  	v5 =	vmul.f32 $1.442695020e+00, v5;
	_ =	sdelay $0x1  }
0xc2: {  	(erf) = vpow2.f32 v5;
	_ =	sdelay $0x5  }
0xc3: {  	v52 =	vadd.s32 $0x2710, v4;
	_ =	sdelay $0x2  }
0xc4: {  	v53 =	vpop (erf)  }
0xc5: {  	v3 =	vmul.f32 v53, v3  }
0xc6: {  	[tilespmem:v52+s24+$0x0] =	vst.idx.add.f32.msk $0xffff, v53  }
0xc7: {  	s17 =	sand.u32 $0xFF0, s0;
	[tilespmem:v4+s24+$0x0] =	vst.idx.add.f32.msk $0xffff, v3  }
0xc8: {  	v3 =	vld [tilespmem:s17+$0xA680];
	_ =	sdelay $0x1  }
0xc9: {  	v4 =	vld [tilespmem:s17+$0xB680];
	_ =	sdelay $0x5  }
0xca: {  	v3 =	vld.idx.msk [tilespmem:v3+s3+$0x0], $0xffff;
	_ =	sdelay $0x1  }
0xcb: {  	v5 =	vld.idx.msk [tilespmem:v4+s16+$0x0], $0xffff;
	_ =	sdelay $0x2  }
0xcc: {  	v54 =	vmul.f32 v3, v1;
	_ =	sdelay $0x1  }
0xcd: {  	v6 =	vadd.f32 v5, v54;
	v5 =	vadd.f32 v5, v2;
	_ =	sdelay $0x1  }
0xce: {  	v55 =	vmul.f32 $2.000000030e-01, v6;
	v56 =	vmul.f32 $2.000000030e-01, v5;
	_ =	sdelay $0x1  }
0xcf: {  	v6 =	vmax.f32 v6, v55;
	v5 =	vmax.f32 v5, v56  }
0xd0: {  	v5 =	vsub.f32 v6, v5;
	_ =	sdelay $0x1  }
0xd1: {  	v5 =	vmul.f32 $1.442695020e+00, v5;
	_ =	sdelay $0x1  }
0xd2: {  	(erf) = vpow2.f32 v5;
	_ =	sdelay $0x5  }
0xd3: {  	v57 =	vadd.s32 $0x2710, v4;
	_ =	sdelay $0x2  }
0xd4: {  	v58 =	vpop (erf)  }
0xd5: {  	v3 =	vmul.f32 v58, v3  }
0xd6: {  	[tilespmem:v57+s24+$0x0] =	vst.idx.add.f32.msk $0xffff, v58  }
0xd7: {  	[tilespmem:v4+s24+$0x0] =	vst.idx.add.f32.msk $0xffff, v3  }
0xd8: {  	v3 =	vld [tilespmem:s1+$0x0];
	_ =	sdelay $0x1  }
0xd9: {  	v4 =	vld [tilespmem:s2+$0x0];
	_ =	sdelay $0x5  }
0xda: {  	v3 =	vld.idx.msk [tilespmem:v3+s3+$0x0], $0xffff;
	_ =	sdelay $0x1  }
0xdb: {  	v5 =	vld.idx.msk [tilespmem:v4+s16+$0x0], $0xffff;
	_ =	sdelay $0x2  }
0xdc: {  	v59 =	vmul.f32 v3, v1;
	_ =	sdelay $0x1  }
0xdd: {  	v6 =	vadd.f32 v5, v59;
	v5 =	vadd.f32 v5, v2;
	_ =	sdelay $0x1  }
0xde: {  	v60 =	vmul.f32 $2.000000030e-01, v6;
	v61 =	vmul.f32 $2.000000030e-01, v5;
	_ =	sdelay $0x1  }
0xdf: {  	v6 =	vmax.f32 v6, v60;
	v5 =	vmax.f32 v5, v61  }
0xe0: {  	v5 =	vsub.f32 v6, v5;
	_ =	sdelay $0x1  }
0xe1: {  	v5 =	vmul.f32 $1.442695020e+00, v5;
	_ =	sdelay $0x1  }
0xe2: {  	(erf) = vpow2.f32 v5;
	_ =	sdelay $0x5  }
0xe3: {  	v62 =	vadd.s32 $0x2710, v4  }
0xe4: {  	p0 =	sne.s32 s0, $0x780  }
.Ltmp2:
0xe5: {  	_ = 	snop;
	(pc) =	sbr.rel @p0 .LBB2_7-.Ltmp2, $4  }
0xe6: {  	v63 =	vpop (erf)  }
0xe7: {  	v3 =	vmul.f32 v63, v3  }
0xe8: {  	[tilespmem:v62+s24+$0x0] =	vst.idx.add.f32.msk $0xffff, v63  }
0xe9: {  	s0 =	sadd.s32 $0x50, s0;
	s1 =	sadd.s32 $0x50, s1;
	s2 =	sadd.s32 $0x50, s2;
	[tilespmem:v4+s24+$0x0] =	vst.idx.add.f32.msk $0xffff, v3  }
0xea: {  	s31 =	sadd.s32 $0x1, s31  }
0xeb: {  	p0 =	sne.s32 s31, $0x5  }
.Ltmp3:
0xec: {  	_ = 	snop;
	(pc) =	sbr.rel @p0 .LBB2_4-.Ltmp3, $1  }
0xed: {  	_ =	sdelay $0x3  }
0xee: {  	s29 =	sadd.s32 $0x1, s29  }
0xef: {  	p0 =	sne.s32 s29, s14  }
.Ltmp4:
0xf0: {  	_ = 	snop;
	(pc) =	sbr.rel @p0 .LBB2_1-.Ltmp4, $4  }
0xf1: {  	[hbm4b:s13+s26] =	stream.strided.scatter [tilespmem:s24], [sflag:$0x3], $0x4E80, s28, s26, $0x38;
	[tilespmem:$0xBE80] =	vst v63  }
0xf2: {  	_ =	swait.ge [sflag:s15], $0x4E80  }
0xf3: {  	[sflag:s15] =	ssyncset.done $0x0  }
0xf4: {  	[sflag:s15] =	ssyncadd.s32 $0xFFFFB180  }
0xf5: {  	_ =	sfence.sel $0x180000  }
0xf6: {  	[bflag:$0x0] =	sbarrier.arrive $0xFFFF  }
0xf7: {  	_ =	strace $0x9000004D  }
0xf8: {  	s0 =	stileid.u32;
	[bflag:$0x2] =	sbarrier.arrive $0xFFFF  }
0xf9: {  	p0 =	sne.s32 s0, $0x0;
	s0 =	rddreg [dreg:$0x2]  }
0xfa: {  	s0 =	sadd.s32 @!p0 $0x100000, s0  }
0xfb: {  	[sflag:s0] =	ssyncadd.tile.s32 @!p0 $0x1;
	_ =	shalt  }
.Lfunc_end2:
_tile_overlayer_lowered:
.L_overlay_start_2:
0xfc: {  	(tag) =	ssettag $0x2  }
0xfd: {  	s0 =	rddreg [dreg:$0x0];
	s2 =	stileid.u32  }
0xfe: {  	s1 =	rddreg [dreg:$0x1];
	p0 =	sne.s32 s2, $0x0  }
0xff: {  	s3 =	rddreg [dreg:$0x2];
	[bflag:$0x3] =	sbarrier.arrive $0xFFFF;
	s2 =	simm.s32 @!p0 $0x1C03  }
0x100: {  	[timem:s3], [sflag:s2] =	dma.local @!p0 [hbm:s0], s1  }
0x101: {  	s0 =	simm.s32 @!p0 $0x3  }
0x102: {  	_ =	swait.ge @!p0 [sflag:s0], s1  }
0x103: {  	s1 =	ssub.s32 @!p0 $0x0, s1;
	[sflag:s0] =	ssyncset.done @!p0 $0x0  }
0x104: {  	[sflag:s0] =	ssyncadd.s32 @!p0 s1  }
0x105: {  	[bflag:$0x3] =	sbarrier.arrive $0xFFFF  }
0x106: {  	_ =	shalt  }

</sc_bundles>
